<compile_context>
chip_gen: v7x
topology: tpu7x:2x2x1
jax: 0.10.2.dev20260603
libtpu: 0.0.44.dev20260713+nightly
codegen_flags: <defaults>
</compile_context>

<pallas_src>
import functools

import jax
import jax.numpy as jnp
from jax import lax
from jax.experimental import pallas as pl
from jax.experimental.pallas import tpu as pltpu
from jax.experimental.pallas import tpu_sc as plsc

N = 10000
H = 128
E = 320000
NC = 2
NS = 16
NW = NC * NS
EPW = E // NW
CHUNK = 80
NCHUNK = EPW // CHUNK

RPT = (N // NS) // 8 * 8
RTAIL = N - RPT * NS

assert EPW * NW == E and NCHUNK * CHUNK == EPW and RTAIL % 8 == 0


def _make_sc_agg():
    mesh = plsc.VectorSubcoreMesh(core_axis_name="c", subcore_axis_name="s",
                                  num_cores=NC, num_subcores=NS)

    @functools.partial(
        pl.kernel,
        out_type=jax.ShapeDtypeStruct((NC, N, H), jnp.float32),
        mesh=mesh,
        scratch_types=(
            [
                pltpu.VMEM_SHARED((N, H), jnp.float32),
                pltpu.VMEM((4, CHUNK, H), jnp.float32),
                pltpu.VMEM((8, CHUNK), jnp.int32),
                pltpu.VMEM((8, CHUNK), jnp.int32),
            ]
            + [pltpu.SemaphoreType.DMA for _ in range(25)]
        ),
    )
    def sc_agg(x_hbm, ei_hbm, out_hbm,
               acc_sh, rows_v, srcix, dstix, *rest):
        isem_s = rest[0:8]
        isem_d = rest[8:16]
        gsem = rest[16:20]
        ssem = rest[20:24]
        zsem = rest[24]
        c = lax.axis_index("c")
        s = lax.axis_index("s")
        wid = s * NC + c
        base = wid * EPW

        def start_idx(j, p):
            off = base + j * CHUNK
            pltpu.async_copy(ei_hbm.at[pl.ds(off, CHUNK)], srcix.at[p],
                             isem_s[p])
            pltpu.async_copy(ei_hbm.at[pl.ds(E + off, CHUNK)], dstix.at[p],
                             isem_d[p])

        def wait_idx(p):
            pltpu.make_async_copy(ei_hbm.at[pl.ds(0, CHUNK)], srcix.at[p],
                                  isem_s[p]).wait()
            pltpu.make_async_copy(ei_hbm.at[pl.ds(0, CHUNK)], dstix.at[p],
                                  isem_d[p]).wait()

        def start_gather(ip, rp):
            pltpu.async_copy(x_hbm.at[srcix.at[ip]], rows_v.at[rp], gsem[rp])

        def wait_gather(rp):
            pltpu.make_async_copy(x_hbm.at[srcix.at[0]], rows_v.at[rp],
                                  gsem[rp]).wait()

        def start_scatter(ip, rp):
            pltpu.async_copy(rows_v.at[rp], acc_sh.at[dstix.at[ip]], ssem[rp],
                             add=True)

        def wait_scatter(rp):
            pltpu.make_async_copy(rows_v.at[rp], acc_sh.at[dstix.at[0]],
                                  ssem[rp]).wait()

        zvec = jnp.zeros((16,), jnp.float32)

        def zero_body(i, carry):
            rows_v[0, i // 8, pl.ds((i % 8) * 16, 16)] = zvec
            return carry

        lax.fori_loop(0, CHUNK * 8, zero_body, 0, unroll=False)
        for k in range(7):
            pltpu.async_copy(rows_v.at[0],
                             acc_sh.at[pl.ds(s * RPT + k * CHUNK, CHUNK)],
                             zsem)
        pltpu.async_copy(rows_v.at[0].at[pl.ds(0, 64)],
                         acc_sh.at[pl.ds(s * RPT + 560, 64)], zsem)

        @pl.when(s == NS - 1)
        def _():
            pltpu.async_copy(rows_v.at[0].at[pl.ds(0, RTAIL)],
                             acc_sh.at[pl.ds(NS * RPT, RTAIL)], zsem)

        for p in range(7):
            start_idx(p, p)

        for k in range(7):
            pltpu.make_async_copy(
                rows_v.at[0], acc_sh.at[pl.ds(s * RPT, CHUNK)], zsem).wait()
        pltpu.make_async_copy(rows_v.at[0].at[pl.ds(0, 64)],
                              acc_sh.at[pl.ds(0, 64)], zsem).wait()

        @pl.when(s == NS - 1)
        def _():
            pltpu.make_async_copy(rows_v.at[0].at[pl.ds(0, RTAIL)],
                                  acc_sh.at[pl.ds(0, RTAIL)], zsem).wait()

        plsc.subcore_barrier()
        for p in range(3):
            wait_idx(p)
            start_gather(p, p)

        def body(j, ip, rp):
            @pl.when(j + 3 < NCHUNK)
            def _():
                wait_idx((ip + 3) % 8)

                @pl.when(j - 1 >= 0)
                def _():
                    wait_scatter((rp + 3) % 4)

                start_gather((ip + 3) % 8, (rp + 3) % 4)

            wait_gather(rp)
            start_scatter(ip, rp)

            @pl.when(j + 7 < NCHUNK)
            def _():
                start_idx(j + 7, (ip + 7) % 8)

        def outer(o, carry):
            for b in range(8):
                body(o * 8 + b, b, b % 4)
            return carry

        nmain = (NCHUNK // 8) * 8
        lax.fori_loop(0, NCHUNK // 8, outer, 0, unroll=False)
        for jj in range(nmain, NCHUNK):
            body(jnp.int32(jj), jj % 8, jj % 4)

        wait_scatter(0)
        wait_scatter(1)
        wait_scatter(2)
        wait_scatter(3)

        plsc.subcore_barrier()
        pltpu.sync_copy(acc_sh.at[pl.ds(s * RPT, RPT)],
                        out_hbm.at[c, pl.ds(s * RPT, RPT)])

        @pl.when(s == NS - 1)
        def _():
            pltpu.sync_copy(acc_sh.at[pl.ds(NS * RPT, RTAIL)],
                            out_hbm.at[c, pl.ds(NS * RPT, RTAIL)])

    return sc_agg


_SC_AGG_CACHE = []


def _sc_agg(*args):
    if not _SC_AGG_CACHE:
        _SC_AGG_CACHE.append(_make_sc_agg())
    return _SC_AGG_CACHE[0](*args)


def _tc_head_body(eps_ref, x_ref, agg_ref, w1_ref, b1_ref, g1_ref, be1_ref,
                  w2_ref, b2_ref, g4_ref, be4_ref, wl1_ref, bl1_ref,
                  wl3_ref, bl3_ref, out_ref):
    eps = eps_ref[0, 0]
    x = x_ref[...]
    agg = agg_ref[0] + agg_ref[1]

    h = (1.0 + eps) * x + agg
    h = jnp.dot(h, w1_ref[...], preferred_element_type=jnp.float32) + b1_ref[...]
    m = jnp.mean(h, axis=0, keepdims=True)
    v = jnp.mean(h * h, axis=0, keepdims=True) - m * m
    h = g1_ref[...] * (h - m) * lax.rsqrt(v + 1e-5) + be1_ref[...]
    h = jnp.maximum(h, 0.0)
    h = jnp.dot(h, w2_ref[...], preferred_element_type=jnp.float32) + b2_ref[...]
    h = jnp.where(h > 0, h, 0.01 * h)
    m4 = jnp.mean(h, axis=0, keepdims=True)
    v4 = jnp.mean(h * h, axis=0, keepdims=True) - m4 * m4
    h = g4_ref[...] * (h - m4) * lax.rsqrt(v4 + 1e-5) + be4_ref[...]
    h = jnp.where(h > 0, h, 0.1 * h)
    h = x + 0.01 * h
    h = jnp.dot(h, wl1_ref[...], preferred_element_type=jnp.float32) + bl1_ref[...]
    h = jnp.where(h > 0, h, 0.1 * h)
    out_ref[...] = (jnp.dot(h, wl3_ref[...], preferred_element_type=jnp.float32)
                    + bl3_ref[...])


def _tc_head(gin_eps, x, agg2, W1, b1, gamma1, beta1, W2, b2, gamma4, beta4,
             Wl1, bl1, Wl3, bl3):
    C = Wl3.shape[1]
    eps_arr = jnp.reshape(gin_eps, (1, 1))
    smem_spec = pl.BlockSpec(memory_space=pltpu.SMEM)
    return pl.pallas_call(
        _tc_head_body,
        out_shape=jax.ShapeDtypeStruct((N, C), jnp.float32),
        in_specs=[smem_spec] + [pl.BlockSpec(memory_space=pltpu.VMEM)] * 14,
        out_specs=pl.BlockSpec(memory_space=pltpu.VMEM),
    )(eps_arr, x, agg2,
      W1, jnp.reshape(b1, (1, H)), jnp.reshape(gamma1, (1, H)),
      jnp.reshape(beta1, (1, H)),
      W2, jnp.reshape(b2, (1, H)), jnp.reshape(gamma4, (1, H)),
      jnp.reshape(beta4, (1, H)),
      Wl1, jnp.reshape(bl1, (1, Wl1.shape[1])),
      Wl3, jnp.reshape(bl3, (1, C)))


def kernel(x, edge_index, gin_eps, W1, b1, gamma1, beta1, W2, b2,
           gamma4, beta4, Wl1, bl1, Wl3, bl3):
    ei = jnp.reshape(edge_index.astype(jnp.int32), (2 * E,))
    agg2 = _sc_agg(x, ei)
    return _tc_head(gin_eps, x, agg2, W1, b1, gamma1, beta1, W2, b2,
                    gamma4, beta4, Wl1, bl1, Wl3, bl3)

# --- scband reference (transcript-rebuilt; emitter-appended) ---
"""Pipeline reference for scband-mnn-gnn-16269336118023 (READ-ONLY COPY).

The authoritative reference and input builder live on the scoring server;
editing this copy changes nothing except your own understanding.
"""

import jax, jax.numpy as jnp
import numpy as np

H = 128
N = 10000
E = 320000
C = 2


def _bn(h, gamma, beta, eps=1e-5):
    # BatchNorm1d in training mode: biased batch statistics
    m = jnp.mean(h, axis=0)
    v = jnp.var(h, axis=0)
    return gamma * (h - m) / jnp.sqrt(v + eps) + beta


def setup_inputs(seed: int = 0) -> dict:
    key = jax.random.key(seed)
    ks = jax.random.split(key, 16)
    x = jax.random.normal(ks[0], (N, H), dtype=jnp.float32)
    edge_index = jax.random.randint(ks[1], (2, E), 0, N, dtype=jnp.int64)
    s1 = 1.0 / np.sqrt(H)
    s2 = 1.0 / np.sqrt(H // 2)
    inp = {
        "x": x,
        "edge_index": edge_index,
        "gin_eps": jnp.zeros((), dtype=jnp.float32),
        "W1": jax.random.uniform(ks[2], (H, H), jnp.float32, -s1, s1),
        "b1": jax.random.uniform(ks[3], (H,), jnp.float32, -s1, s1),
        "gamma1": jnp.ones((H,), jnp.float32),
        "beta1": jnp.zeros((H,), jnp.float32),
        "W2": jax.random.uniform(ks[4], (H, H), jnp.float32, -s1, s1),
        "b2": jax.random.uniform(ks[5], (H,), jnp.float32, -s1, s1),
        "gamma4": jnp.ones((H,), jnp.float32),
        "beta4": jnp.zeros((H,), jnp.float32),
        "Wl1": jax.random.uniform(ks[6], (H, H // 2), jnp.float32, -s1, s1),
        "bl1": jax.random.uniform(ks[7], (H // 2,), jnp.float32, -s1, s1),
        "Wl3": jax.random.uniform(ks[8], (H // 2, C), jnp.float32, -s2, s2),
        "bl3": jax.random.uniform(ks[9], (C,), jnp.float32, -s2, s2),
    }
    return inp


def reference(x, edge_index, gin_eps, W1, b1, gamma1, beta1, W2, b2,
              gamma4, beta4, Wl1, bl1, Wl3, bl3):
    feature = x
    src = edge_index[0]
    dst = edge_index[1]
    # GINConv: sum-aggregate messages from source nodes onto destination nodes
    agg = jnp.zeros_like(x).at[dst].add(x[src])
    h = (1.0 + gin_eps) * x + agg
    # PyG MLP([H, H, H]): Linear -> BatchNorm -> ReLU -> Linear (plain final)
    h = h @ W1 + b1
    h = _bn(h, gamma1, beta1)
    h = jax.nn.relu(h)
    h = h @ W2 + b2
    # dropout is identity in eval/reference mode
    x1 = jax.nn.leaky_relu(h, negative_slope=0.1)
    x = jax.nn.leaky_relu(x1, negative_slope=0.1)
    x = jax.nn.leaky_relu(_bn(x, gamma4, beta4), negative_slope=0.1)
    x = feature + 0.01 * x
    x = jax.nn.leaky_relu(x @ Wl1 + bl1, negative_slope=0.1)
    out = x @ Wl3 + bl3
    return out

if __name__ == "__main__":
    import jax
    _d = setup_inputs()
    print(jax.jit(kernel)(*tuple(_d.values())))

</pallas_src>

<mosaic_0001>
#map = affine_map<(d0, d1) -> (0, 0)>
#map1 = affine_map<(d0, d1) -> (0)>
#map2 = affine_map<(d0, d1) -> (0, 0, 0)>
module attributes {stable_mosaic.version = 14 : i64} {
  func.func @sc_agg(%arg0: i32, %arg1: i32, %arg2: memref<10000x128xf32, #tpu.memory_space<hbm>>, %arg3: memref<640000xi32, #tpu.memory_space<hbm>>, %arg4: memref<2x10000x128xf32, #tpu.memory_space<hbm>>, %arg5: memref<10000x128xf32, #tpu.memory_space<vmem_shared>>, %arg6: memref<4x80x128xf32, #tpu.memory_space<vmem>>, %arg7: memref<8x80xi32, #tpu.memory_space<vmem>>, %arg8: memref<8x80xi32, #tpu.memory_space<vmem>>, %arg9: memref<!tpu.dma_semaphore, #tpu.memory_space<semaphore_mem>>, %arg10: memref<!tpu.dma_semaphore, #tpu.memory_space<semaphore_mem>>, %arg11: memref<!tpu.dma_semaphore, #tpu.memory_space<semaphore_mem>>, %arg12: memref<!tpu.dma_semaphore, #tpu.memory_space<semaphore_mem>>, %arg13: memref<!tpu.dma_semaphore, #tpu.memory_space<semaphore_mem>>, %arg14: memref<!tpu.dma_semaphore, #tpu.memory_space<semaphore_mem>>, %arg15: memref<!tpu.dma_semaphore, #tpu.memory_space<semaphore_mem>>, %arg16: memref<!tpu.dma_semaphore, #tpu.memory_space<semaphore_mem>>, %arg17: memref<!tpu.dma_semaphore, #tpu.memory_space<semaphore_mem>>, %arg18: memref<!tpu.dma_semaphore, #tpu.memory_space<semaphore_mem>>, %arg19: memref<!tpu.dma_semaphore, #tpu.memory_space<semaphore_mem>>, %arg20: memref<!tpu.dma_semaphore, #tpu.memory_space<semaphore_mem>>, %arg21: memref<!tpu.dma_semaphore, #tpu.memory_space<semaphore_mem>>, %arg22: memref<!tpu.dma_semaphore, #tpu.memory_space<semaphore_mem>>, %arg23: memref<!tpu.dma_semaphore, #tpu.memory_space<semaphore_mem>>, %arg24: memref<!tpu.dma_semaphore, #tpu.memory_space<semaphore_mem>>, %arg25: memref<!tpu.dma_semaphore, #tpu.memory_space<semaphore_mem>>, %arg26: memref<!tpu.dma_semaphore, #tpu.memory_space<semaphore_mem>>, %arg27: memref<!tpu.dma_semaphore, #tpu.memory_space<semaphore_mem>>, %arg28: memref<!tpu.dma_semaphore, #tpu.memory_space<semaphore_mem>>, %arg29: memref<!tpu.dma_semaphore, #tpu.memory_space<semaphore_mem>>, %arg30: memref<!tpu.dma_semaphore, #tpu.memory_space<semaphore_mem>>, %arg31: memref<!tpu.dma_semaphore, #tpu.memory_space<semaphore_mem>>, %arg32: memref<!tpu.dma_semaphore, #tpu.memory_space<semaphore_mem>>, %arg33: memref<!tpu.dma_semaphore, #tpu.memory_space<semaphore_mem>>) attributes {dimension_semantics = [#tpu.dimension_semantics<core_parallel>, #tpu.dimension_semantics<subcore_parallel>], iteration_bounds = array<i64: 2, 16>, scalar_prefetch = 0 : i64, scratch_operands = 29 : i64, tpu.core_type = #tpu.core_type<sc_vector_subcore>, window_params = [{transform_indices = #map}, {transform_indices = #map1}, {transform_indices = #map2}]} {
    %mul3A = arith.constant 2 : i32
    %mul3A_0 = arith.muli %arg1, %mul3A : i32
    %add3A = arith.addi %mul3A_0, %arg0 : i32
    %mul3A_1 = arith.constant 10000 : i32
    %mul3A_2 = arith.muli %add3A, %mul3A_1 : i32
    %broadcast_in_dim3A = arith.constant 0.000000e+00 : f32
    %broadcast_in_dim3A_3 = vector.broadcast %broadcast_in_dim3A : f32 to vector<16xf32>
    %scan3A = arith.constant 0 : i32
    %scan3A_4 = arith.constant 0 : i32
    %scan3A_5 = arith.constant 640 : i32
    %scan3A_6 = arith.addi %scan3A_4, %scan3A_5 : i32
    %scan3A_7 = arith.constant 1 : i32
    scf.for %scan3A_811 = %scan3A_4 to %scan3A_6 step %scan3A_7  : i32 {
      %jit3A = arith.constant 8 : i32
      %div3A = arith.divsi %scan3A_811, %jit3A : i32
      %sign3A = arith.constant 0 : i32
      %sign3A_812 = arith.cmpi sgt, %scan3A_811, %sign3A : i32
      %sign3A_813 = arith.extui %sign3A_812 : i1 to i32
      %sign3A_814 = arith.constant 0 : i32
      %sign3A_815 = arith.cmpi slt, %scan3A_811, %sign3A_814 : i32
      %sign3A_816 = arith.extui %sign3A_815 : i1 to i32
      %sign3A_817 = arith.subi %sign3A_813, %sign3A_816 : i32
      %sign3A_818 = arith.constant 0 : i32
      %sign3A_819 = arith.cmpi sgt, %jit3A, %sign3A_818 : i32
      %sign3A_820 = arith.extui %sign3A_819 : i1 to i32
      %sign3A_821 = arith.constant 0 : i32
      %sign3A_822 = arith.cmpi slt, %jit3A, %sign3A_821 : i32
      %sign3A_823 = arith.extui %sign3A_822 : i1 to i32
      %sign3A_824 = arith.subi %sign3A_820, %sign3A_823 : i32
      %ne3A = arith.cmpi ne, %sign3A_817, %sign3A_824 : i32
      %rem3A = arith.remsi %scan3A_811, %jit3A : i32
      %ne3A_825 = arith.constant 0 : i32
      %ne3A_826 = arith.cmpi ne, %rem3A, %ne3A_825 : i32
      %and3A = arith.andi %ne3A, %ne3A_826 : i1
      %sub3A = arith.constant 1 : i32
      %sub3A_827 = arith.subi %div3A, %sub3A : i32
      %select_n3A = arith.select %and3A, %sub3A_827, %div3A : i32
      %jit3A_828 = arith.constant 8 : i32
      %eq3A_829 = arith.constant 0 : i32
      %eq3A_830 = arith.cmpi eq, %jit3A_828, %eq3A_829 : i32
      %jit3A_831 = arith.constant 1 : i32
      %select_n3A_832 = arith.select %eq3A_830, %jit3A_831, %jit3A_828 : i32
      %rem3A_833 = arith.remsi %scan3A_811, %select_n3A_832 : i32
      %ne3A_834 = arith.constant 0 : i32
      %ne3A_835 = arith.cmpi ne, %rem3A_833, %ne3A_834 : i32
      %lt3A_836 = arith.constant 0 : i32
      %lt3A_837 = arith.cmpi slt, %rem3A_833, %lt3A_836 : i32
      %lt3A_838 = arith.constant 0 : i32
      %lt3A_839 = arith.cmpi slt, %select_n3A_832, %lt3A_838 : i32
      %ne3A_840 = arith.xori %lt3A_837, %lt3A_839 : i1
      %and3A_841 = arith.andi %ne3A_840, %ne3A_835 : i1
      %add3A_842 = arith.addi %rem3A_833, %select_n3A_832 : i32
      %select_n3A_843 = arith.select %and3A_841, %add3A_842, %rem3A_833 : i32
      %mul3A_844 = arith.constant 16 : i32
      %mul3A_845 = arith.muli %select_n3A_843, %mul3A_844 : i32
      %swap3A = arith.constant 0 : i32
      %swap3A_846 = arith.index_cast %swap3A : i32 to index
      %swap3A_847 = arith.index_cast %select_n3A : i32 to index
      %swap3A_848 = arith.index_cast %mul3A_845 : i32 to index
      %swap3A_849 = tpu.vector_load %arg6[%swap3A_846, %swap3A_847, %swap3A_848] {strides = array<i32>} : memref<4x80x128xf32, #tpu.memory_space<vmem>>, vector<1x1x16xf32>,
      %swap3A_850 = vector.shape_cast %swap3A_849 : vector<1x1x16xf32> to vector<16xf32>
      %swap3A_851 = vector.shape_cast %broadcast_in_dim3A_3 : vector<16xf32> to vector<1x1x16xf32>
      tpu.vector_store %arg6[%swap3A_846, %swap3A_847, %swap3A_848], %swap3A_851 {strides = array<i32>} : memref<4x80x128xf32, #tpu.memory_space<vmem>>, vector<1x1x16xf32>,
    }
    %scan3A_8 = arith.constant 640 : i32
    %mul3A_9 = arith.constant 624 : i32
    %mul3A_10 = arith.muli %arg1, %mul3A_9 : i32
    %add3A_11 = arith.constant 0 : i32
    %add3A_12 = arith.addi %mul3A_10, %add3A_11 : i32
    %dma_start3A = arith.constant 0 : i32
    %dma_start3A_13 = arith.constant 0 : i32
    %dma_start3A_14 = arith.constant 0 : i32
    %dma_start3A_15 = tpu.memref_slice %arg6[%dma_start3A, %dma_start3A_13, %dma_start3A_14] : memref<4x80x128xf32, #tpu.memory_space<vmem>> -> memref<1x80x128xf32, #tpu.memory_space<vmem>>
    %dma_start3A_16 = tpu.memref_squeeze %dma_start3A_15 : memref<1x80x128xf32, #tpu.memory_space<vmem>> -> memref<80x128xf32, #tpu.memory_space<vmem>>
    %dma_start3A_17 = arith.constant 0 : i32
    %dma_start3A_18 = tpu.memref_slice %arg5[%add3A_12, %dma_start3A_17] : memref<10000x128xf32, #tpu.memory_space<vmem_shared>> -> memref<80x128xf32, #tpu.memory_space<vmem_shared>>
    %dma_start3A_19 = arith.constant 0 : i32
    %dma_start3A_20 = tpu.memref_slice %arg5[%add3A_12, %dma_start3A_19] : memref<10000x128xf32, #tpu.memory_space<vmem_shared>> -> memref<80x128xf32, #tpu.memory_space<vmem_shared>>
    %dma_start3A_21 = arith.constant 0 : i32
    %dma_start3A_22 = arith.constant 0 : i32
    %dma_start3A_23 = tpu.memref_slice %arg6[%dma_start3A, %dma_start3A_21, %dma_start3A_22] : memref<4x80x128xf32, #tpu.memory_space<vmem>> -> memref<1x80x128xf32, #tpu.memory_space<vmem>>
    %dma_start3A_24 = tpu.memref_squeeze %dma_start3A_23 : memref<1x80x128xf32, #tpu.memory_space<vmem>> -> memref<80x128xf32, #tpu.memory_space<vmem>>
    tpu.enqueue_dma source(%dma_start3A_24 : memref<80x128xf32, #tpu.memory_space<vmem>>) target(%dma_start3A_20 : memref<80x128xf32, #tpu.memory_space<vmem_shared>>) target_semaphore(%arg33 : memref<!tpu.dma_semaphore, #tpu.memory_space<semaphore_mem>>)
    %mul3A_25 = arith.constant 624 : i32
    %mul3A_26 = arith.muli %arg1, %mul3A_25 : i32
    %add3A_27 = arith.constant 80 : i32
    %add3A_28 = arith.addi %mul3A_26, %add3A_27 : i32
    %dma_start3A_29 = arith.constant 0 : i32
    %dma_start3A_30 = arith.constant 0 : i32
    %dma_start3A_31 = arith.constant 0 : i32
    %dma_start3A_32 = tpu.memref_slice %arg6[%dma_start3A_29, %dma_start3A_30, %dma_start3A_31] : memref<4x80x128xf32, #tpu.memory_space<vmem>> -> memref<1x80x128xf32, #tpu.memory_space<vmem>>
    %dma_start3A_33 = tpu.memref_squeeze %dma_start3A_32 : memref<1x80x128xf32, #tpu.memory_space<vmem>> -> memref<80x128xf32, #tpu.memory_space<vmem>>
    %dma_start3A_34 = arith.constant 0 : i32
    %dma_start3A_35 = tpu.memref_slice %arg5[%add3A_28, %dma_start3A_34] : memref<10000x128xf32, #tpu.memory_space<vmem_shared>> -> memref<80x128xf32, #tpu.memory_space<vmem_shared>>
    %dma_start3A_36 = arith.constant 0 : i32
    %dma_start3A_37 = tpu.memref_slice %arg5[%add3A_28, %dma_start3A_36] : memref<10000x128xf32, #tpu.memory_space<vmem_shared>> -> memref<80x128xf32, #tpu.memory_space<vmem_shared>>
    %dma_start3A_38 = arith.constant 0 : i32
    %dma_start3A_39 = arith.constant 0 : i32
    %dma_start3A_40 = tpu.memref_slice %arg6[%dma_start3A_29, %dma_start3A_38, %dma_start3A_39] : memref<4x80x128xf32, #tpu.memory_space<vmem>> -> memref<1x80x128xf32, #tpu.memory_space<vmem>>
    %dma_start3A_41 = tpu.memref_squeeze %dma_start3A_40 : memref<1x80x128xf32, #tpu.memory_space<vmem>> -> memref<80x128xf32, #tpu.memory_space<vmem>>
    tpu.enqueue_dma source(%dma_start3A_41 : memref<80x128xf32, #tpu.memory_space<vmem>>) target(%dma_start3A_37 : memref<80x128xf32, #tpu.memory_space<vmem_shared>>) target_semaphore(%arg33 : memref<!tpu.dma_semaphore, #tpu.memory_space<semaphore_mem>>)
    %mul3A_42 = arith.constant 624 : i32
    %mul3A_43 = arith.muli %arg1, %mul3A_42 : i32
    %add3A_44 = arith.constant 160 : i32
    %add3A_45 = arith.addi %mul3A_43, %add3A_44 : i32
    %dma_start3A_46 = arith.constant 0 : i32
    %dma_start3A_47 = arith.constant 0 : i32
    %dma_start3A_48 = arith.constant 0 : i32
    %dma_start3A_49 = tpu.memref_slice %arg6[%dma_start3A_46, %dma_start3A_47, %dma_start3A_48] : memref<4x80x128xf32, #tpu.memory_space<vmem>> -> memref<1x80x128xf32, #tpu.memory_space<vmem>>
    %dma_start3A_50 = tpu.memref_squeeze %dma_start3A_49 : memref<1x80x128xf32, #tpu.memory_space<vmem>> -> memref<80x128xf32, #tpu.memory_space<vmem>>
    %dma_start3A_51 = arith.constant 0 : i32
    %dma_start3A_52 = tpu.memref_slice %arg5[%add3A_45, %dma_start3A_51] : memref<10000x128xf32, #tpu.memory_space<vmem_shared>> -> memref<80x128xf32, #tpu.memory_space<vmem_shared>>
    %dma_start3A_53 = arith.constant 0 : i32
    %dma_start3A_54 = tpu.memref_slice %arg5[%add3A_45, %dma_start3A_53] : memref<10000x128xf32, #tpu.memory_space<vmem_shared>> -> memref<80x128xf32, #tpu.memory_space<vmem_shared>>
    %dma_start3A_55 = arith.constant 0 : i32
    %dma_start3A_56 = arith.constant 0 : i32
    %dma_start3A_57 = tpu.memref_slice %arg6[%dma_start3A_46, %dma_start3A_55, %dma_start3A_56] : memref<4x80x128xf32, #tpu.memory_space<vmem>> -> memref<1x80x128xf32, #tpu.memory_space<vmem>>
    %dma_start3A_58 = tpu.memref_squeeze %dma_start3A_57 : memref<1x80x128xf32, #tpu.memory_space<vmem>> -> memref<80x128xf32, #tpu.memory_space<vmem>>
    tpu.enqueue_dma source(%dma_start3A_58 : memref<80x128xf32, #tpu.memory_space<vmem>>) target(%dma_start3A_54 : memref<80x128xf32, #tpu.memory_space<vmem_shared>>) target_semaphore(%arg33 : memref<!tpu.dma_semaphore, #tpu.memory_space<semaphore_mem>>)
    %mul3A_59 = arith.constant 624 : i32
    %mul3A_60 = arith.muli %arg1, %mul3A_59 : i32
    %add3A_61 = arith.constant 240 : i32
    %add3A_62 = arith.addi %mul3A_60, %add3A_61 : i32
    %dma_start3A_63 = arith.constant 0 : i32
    %dma_start3A_64 = arith.constant 0 : i32
    %dma_start3A_65 = arith.constant 0 : i32
    %dma_start3A_66 = tpu.memref_slice %arg6[%dma_start3A_63, %dma_start3A_64, %dma_start3A_65] : memref<4x80x128xf32, #tpu.memory_space<vmem>> -> memref<1x80x128xf32, #tpu.memory_space<vmem>>
    %dma_start3A_67 = tpu.memref_squeeze %dma_start3A_66 : memref<1x80x128xf32, #tpu.memory_space<vmem>> -> memref<80x128xf32, #tpu.memory_space<vmem>>
    %dma_start3A_68 = arith.constant 0 : i32
    %dma_start3A_69 = tpu.memref_slice %arg5[%add3A_62, %dma_start3A_68] : memref<10000x128xf32, #tpu.memory_space<vmem_shared>> -> memref<80x128xf32, #tpu.memory_space<vmem_shared>>
    %dma_start3A_70 = arith.constant 0 : i32
    %dma_start3A_71 = tpu.memref_slice %arg5[%add3A_62, %dma_start3A_70] : memref<10000x128xf32, #tpu.memory_space<vmem_shared>> -> memref<80x128xf32, #tpu.memory_space<vmem_shared>>
    %dma_start3A_72 = arith.constant 0 : i32
    %dma_start3A_73 = arith.constant 0 : i32
    %dma_start3A_74 = tpu.memref_slice %arg6[%dma_start3A_63, %dma_start3A_72, %dma_start3A_73] : memref<4x80x128xf32, #tpu.memory_space<vmem>> -> memref<1x80x128xf32, #tpu.memory_space<vmem>>
    %dma_start3A_75 = tpu.memref_squeeze %dma_start3A_74 : memref<1x80x128xf32, #tpu.memory_space<vmem>> -> memref<80x128xf32, #tpu.memory_space<vmem>>
    tpu.enqueue_dma source(%dma_start3A_75 : memref<80x128xf32, #tpu.memory_space<vmem>>) target(%dma_start3A_71 : memref<80x128xf32, #tpu.memory_space<vmem_shared>>) target_semaphore(%arg33 : memref<!tpu.dma_semaphore, #tpu.memory_space<semaphore_mem>>)
    %mul3A_76 = arith.constant 624 : i32
    %mul3A_77 = arith.muli %arg1, %mul3A_76 : i32
    %add3A_78 = arith.constant 320 : i32
    %add3A_79 = arith.addi %mul3A_77, %add3A_78 : i32
    %dma_start3A_80 = arith.constant 0 : i32
    %dma_start3A_81 = arith.constant 0 : i32
    %dma_start3A_82 = arith.constant 0 : i32
    %dma_start3A_83 = tpu.memref_slice %arg6[%dma_start3A_80, %dma_start3A_81, %dma_start3A_82] : memref<4x80x128xf32, #tpu.memory_space<vmem>> -> memref<1x80x128xf32, #tpu.memory_space<vmem>>
    %dma_start3A_84 = tpu.memref_squeeze %dma_start3A_83 : memref<1x80x128xf32, #tpu.memory_space<vmem>> -> memref<80x128xf32, #tpu.memory_space<vmem>>
    %dma_start3A_85 = arith.constant 0 : i32
    %dma_start3A_86 = tpu.memref_slice %arg5[%add3A_79, %dma_start3A_85] : memref<10000x128xf32, #tpu.memory_space<vmem_shared>> -> memref<80x128xf32, #tpu.memory_space<vmem_shared>>
    %dma_start3A_87 = arith.constant 0 : i32
    %dma_start3A_88 = tpu.memref_slice %arg5[%add3A_79, %dma_start3A_87] : memref<10000x128xf32, #tpu.memory_space<vmem_shared>> -> memref<80x128xf32, #tpu.memory_space<vmem_shared>>
    %dma_start3A_89 = arith.constant 0 : i32
    %dma_start3A_90 = arith.constant 0 : i32
    %dma_start3A_91 = tpu.memref_slice %arg6[%dma_start3A_80, %dma_start3A_89, %dma_start3A_90] : memref<4x80x128xf32, #tpu.memory_space<vmem>> -> memref<1x80x128xf32, #tpu.memory_space<vmem>>
    %dma_start3A_92 = tpu.memref_squeeze %dma_start3A_91 : memref<1x80x128xf32, #tpu.memory_space<vmem>> -> memref<80x128xf32, #tpu.memory_space<vmem>>
    tpu.enqueue_dma source(%dma_start3A_92 : memref<80x128xf32, #tpu.memory_space<vmem>>) target(%dma_start3A_88 : memref<80x128xf32, #tpu.memory_space<vmem_shared>>) target_semaphore(%arg33 : memref<!tpu.dma_semaphore, #tpu.memory_space<semaphore_mem>>)
    %mul3A_93 = arith.constant 624 : i32
    %mul3A_94 = arith.muli %arg1, %mul3A_93 : i32
    %add3A_95 = arith.constant 400 : i32
    %add3A_96 = arith.addi %mul3A_94, %add3A_95 : i32
    %dma_start3A_97 = arith.constant 0 : i32
    %dma_start3A_98 = arith.constant 0 : i32
    %dma_start3A_99 = arith.constant 0 : i32
    %dma_start3A_100 = tpu.memref_slice %arg6[%dma_start3A_97, %dma_start3A_98, %dma_start3A_99] : memref<4x80x128xf32, #tpu.memory_space<vmem>> -> memref<1x80x128xf32, #tpu.memory_space<vmem>>
    %dma_start3A_101 = tpu.memref_squeeze %dma_start3A_100 : memref<1x80x128xf32, #tpu.memory_space<vmem>> -> memref<80x128xf32, #tpu.memory_space<vmem>>
    %dma_start3A_102 = arith.constant 0 : i32
    %dma_start3A_103 = tpu.memref_slice %arg5[%add3A_96, %dma_start3A_102] : memref<10000x128xf32, #tpu.memory_space<vmem_shared>> -> memref<80x128xf32, #tpu.memory_space<vmem_shared>>
    %dma_start3A_104 = arith.constant 0 : i32
    %dma_start3A_105 = tpu.memref_slice %arg5[%add3A_96, %dma_start3A_104] : memref<10000x128xf32, #tpu.memory_space<vmem_shared>> -> memref<80x128xf32, #tpu.memory_space<vmem_shared>>
    %dma_start3A_106 = arith.constant 0 : i32
    %dma_start3A_107 = arith.constant 0 : i32
    %dma_start3A_108 = tpu.memref_slice %arg6[%dma_start3A_97, %dma_start3A_106, %dma_start3A_107] : memref<4x80x128xf32, #tpu.memory_space<vmem>> -> memref<1x80x128xf32, #tpu.memory_space<vmem>>
    %dma_start3A_109 = tpu.memref_squeeze %dma_start3A_108 : memref<1x80x128xf32, #tpu.memory_space<vmem>> -> memref<80x128xf32, #tpu.memory_space<vmem>>
    tpu.enqueue_dma source(%dma_start3A_109 : memref<80x128xf32, #tpu.memory_space<vmem>>) target(%dma_start3A_105 : memref<80x128xf32, #tpu.memory_space<vmem_shared>>) target_semaphore(%arg33 : memref<!tpu.dma_semaphore, #tpu.memory_space<semaphore_mem>>)
    %mul3A_110 = arith.constant 624 : i32
    %mul3A_111 = arith.muli %arg1, %mul3A_110 : i32
    %add3A_112 = arith.constant 480 : i32
    %add3A_113 = arith.addi %mul3A_111, %add3A_112 : i32
    %dma_start3A_114 = arith.constant 0 : i32
    %dma_start3A_115 = arith.constant 0 : i32
    %dma_start3A_116 = arith.constant 0 : i32
    %dma_start3A_117 = tpu.memref_slice %arg6[%dma_start3A_114, %dma_start3A_115, %dma_start3A_116] : memref<4x80x128xf32, #tpu.memory_space<vmem>> -> memref<1x80x128xf32, #tpu.memory_space<vmem>>
    %dma_start3A_118 = tpu.memref_squeeze %dma_start3A_117 : memref<1x80x128xf32, #tpu.memory_space<vmem>> -> memref<80x128xf32, #tpu.memory_space<vmem>>
    %dma_start3A_119 = arith.constant 0 : i32
    %dma_start3A_120 = tpu.memref_slice %arg5[%add3A_113, %dma_start3A_119] : memref<10000x128xf32, #tpu.memory_space<vmem_shared>> -> memref<80x128xf32, #tpu.memory_space<vmem_shared>>
    %dma_start3A_121 = arith.constant 0 : i32
    %dma_start3A_122 = tpu.memref_slice %arg5[%add3A_113, %dma_start3A_121] : memref<10000x128xf32, #tpu.memory_space<vmem_shared>> -> memref<80x128xf32, #tpu.memory_space<vmem_shared>>
    %dma_start3A_123 = arith.constant 0 : i32
    %dma_start3A_124 = arith.constant 0 : i32
    %dma_start3A_125 = tpu.memref_slice %arg6[%dma_start3A_114, %dma_start3A_123, %dma_start3A_124] : memref<4x80x128xf32, #tpu.memory_space<vmem>> -> memref<1x80x128xf32, #tpu.memory_space<vmem>>
    %dma_start3A_126 = tpu.memref_squeeze %dma_start3A_125 : memref<1x80x128xf32, #tpu.memory_space<vmem>> -> memref<80x128xf32, #tpu.memory_space<vmem>>
    tpu.enqueue_dma source(%dma_start3A_126 : memref<80x128xf32, #tpu.memory_space<vmem>>) target(%dma_start3A_122 : memref<80x128xf32, #tpu.memory_space<vmem_shared>>) target_semaphore(%arg33 : memref<!tpu.dma_semaphore, #tpu.memory_space<semaphore_mem>>)
    %mul3A_127 = arith.constant 624 : i32
    %mul3A_128 = arith.muli %arg1, %mul3A_127 : i32
    %add3A_129 = arith.constant 560 : i32
    %add3A_130 = arith.addi %mul3A_128, %add3A_129 : i32
    %dma_start3A_131 = arith.constant 0 : i32
    %dma_start3A_132 = arith.constant 0 : i32
    %dma_start3A_133 = arith.constant 0 : i32
    %dma_start3A_134 = tpu.memref_slice %arg6[%dma_start3A_131, %dma_start3A_132, %dma_start3A_133] : memref<4x80x128xf32, #tpu.memory_space<vmem>> -> memref<1x80x128xf32, #tpu.memory_space<vmem>>
    %dma_start3A_135 = tpu.memref_squeeze %dma_start3A_134 : memref<1x80x128xf32, #tpu.memory_space<vmem>> -> memref<80x128xf32, #tpu.memory_space<vmem>>
    %dma_start3A_136 = arith.constant 0 : i32
    %dma_start3A_137 = arith.constant 0 : i32
    %dma_start3A_138 = tpu.memref_slice %dma_start3A_135[%dma_start3A_136, %dma_start3A_137] : memref<80x128xf32, #tpu.memory_space<vmem>> -> memref<64x128xf32, #tpu.memory_space<vmem>>
    %dma_start3A_139 = arith.constant 0 : i32
    %dma_start3A_140 = tpu.memref_slice %arg5[%add3A_130, %dma_start3A_139] : memref<10000x128xf32, #tpu.memory_space<vmem_shared>> -> memref<64x128xf32, #tpu.memory_space<vmem_shared>>
    %dma_start3A_141 = arith.constant 0 : i32
    %dma_start3A_142 = tpu.memref_slice %arg5[%add3A_130, %dma_start3A_141] : memref<10000x128xf32, #tpu.memory_space<vmem_shared>> -> memref<64x128xf32, #tpu.memory_space<vmem_shared>>
    %dma_start3A_143 = arith.constant 0 : i32
    %dma_start3A_144 = arith.constant 0 : i32
    %dma_start3A_145 = tpu.memref_slice %arg6[%dma_start3A_131, %dma_start3A_143, %dma_start3A_144] : memref<4x80x128xf32, #tpu.memory_space<vmem>> -> memref<1x80x128xf32, #tpu.memory_space<vmem>>
    %dma_start3A_146 = tpu.memref_squeeze %dma_start3A_145 : memref<1x80x128xf32, #tpu.memory_space<vmem>> -> memref<80x128xf32, #tpu.memory_space<vmem>>
    %dma_start3A_147 = arith.constant 0 : i32
    %dma_start3A_148 = arith.constant 0 : i32
    %dma_start3A_149 = tpu.memref_slice %dma_start3A_146[%dma_start3A_147, %dma_start3A_148] : memref<80x128xf32, #tpu.memory_space<vmem>> -> memref<64x128xf32, #tpu.memory_space<vmem>>
    tpu.enqueue_dma source(%dma_start3A_149 : memref<64x128xf32, #tpu.memory_space<vmem>>) target(%dma_start3A_142 : memref<64x128xf32, #tpu.memory_space<vmem_shared>>) target_semaphore(%arg33 : memref<!tpu.dma_semaphore, #tpu.memory_space<semaphore_mem>>)
    %eq3A = arith.constant 15 : i32
    %eq3A_150 = arith.cmpi eq, %arg1, %eq3A : i32
    %convert_element_type3A = arith.extui %eq3A_150 : i1 to i32
    %cond3A = arith.constant 0 : i32
    %cond3A_151 = arith.cmpi ne, %convert_element_type3A, %cond3A : i32
    scf.if %cond3A_151 {
      %dma_start3A_811 = arith.constant 0 : i32
      %dma_start3A_812 = arith.constant 0 : i32
      %dma_start3A_813 = arith.constant 0 : i32
      %dma_start3A_814 = tpu.memref_slice %arg6[%dma_start3A_811, %dma_start3A_812, %dma_start3A_813] : memref<4x80x128xf32, #tpu.memory_space<vmem>> -> memref<1x80x128xf32, #tpu.memory_space<vmem>>
      %dma_start3A_815 = tpu.memref_squeeze %dma_start3A_814 : memref<1x80x128xf32, #tpu.memory_space<vmem>> -> memref<80x128xf32, #tpu.memory_space<vmem>>
      %dma_start3A_816 = arith.constant 0 : i32
      %dma_start3A_817 = arith.constant 0 : i32
      %dma_start3A_818 = tpu.memref_slice %dma_start3A_815[%dma_start3A_816, %dma_start3A_817] : memref<80x128xf32, #tpu.memory_space<vmem>> -> memref<16x128xf32, #tpu.memory_space<vmem>>
      %dma_start3A_819 = arith.constant 9984 : i32
      %dma_start3A_820 = arith.constant 0 : i32
      %dma_start3A_821 = tpu.memref_slice %arg5[%dma_start3A_819, %dma_start3A_820] : memref<10000x128xf32, #tpu.memory_space<vmem_shared>> -> memref<16x128xf32, #tpu.memory_space<vmem_shared>>
      %dma_start3A_822 = arith.constant 9984 : i32
      %dma_start3A_823 = arith.constant 0 : i32
      %dma_start3A_824 = tpu.memref_slice %arg5[%dma_start3A_822, %dma_start3A_823] : memref<10000x128xf32, #tpu.memory_space<vmem_shared>> -> memref<16x128xf32, #tpu.memory_space<vmem_shared>>
      %dma_start3A_825 = arith.constant 0 : i32
      %dma_start3A_826 = arith.constant 0 : i32
      %dma_start3A_827 = tpu.memref_slice %arg6[%dma_start3A_811, %dma_start3A_825, %dma_start3A_826] : memref<4x80x128xf32, #tpu.memory_space<vmem>> -> memref<1x80x128xf32, #tpu.memory_space<vmem>>
      %dma_start3A_828 = tpu.memref_squeeze %dma_start3A_827 : memref<1x80x128xf32, #tpu.memory_space<vmem>> -> memref<80x128xf32, #tpu.memory_space<vmem>>
      %dma_start3A_829 = arith.constant 0 : i32
      %dma_start3A_830 = arith.constant 0 : i32
      %dma_start3A_831 = tpu.memref_slice %dma_start3A_828[%dma_start3A_829, %dma_start3A_830] : memref<80x128xf32, #tpu.memory_space<vmem>> -> memref<16x128xf32, #tpu.memory_space<vmem>>
      tpu.enqueue_dma source(%dma_start3A_831 : memref<16x128xf32, #tpu.memory_space<vmem>>) target(%dma_start3A_824 : memref<16x128xf32, #tpu.memory_space<vmem_shared>>) target_semaphore(%arg33 : memref<!tpu.dma_semaphore, #tpu.memory_space<semaphore_mem>>)
    } else {
    }
    %add3A_152 = arith.constant 0 : i32
    %add3A_153 = arith.addi %mul3A_2, %add3A_152 : i32
    %dma_start3A_154 = arith.constant 0 : i32
    %dma_start3A_155 = arith.constant 0 : i32
    %dma_start3A_156 = tpu.memref_slice %arg7[%dma_start3A_154, %dma_start3A_155] : memref<8x80xi32, #tpu.memory_space<vmem>> -> memref<1x80xi32, #tpu.memory_space<vmem>>
    %dma_start3A_157 = tpu.memref_squeeze %dma_start3A_156 : memref<1x80xi32, #tpu.memory_space<vmem>> -> memref<80xi32, #tpu.memory_space<vmem>>
    %dma_start3A_158 = tpu.memref_slice %arg3[%add3A_153] : memref<640000xi32, #tpu.memory_space<hbm>> -> memref<80xi32, #tpu.memory_space<hbm>>
    %dma_start3A_159 = arith.constant 0 : i32
    %dma_start3A_160 = tpu.memref_slice %arg7[%dma_start3A_154, %dma_start3A_159] : memref<8x80xi32, #tpu.memory_space<vmem>> -> memref<1x80xi32, #tpu.memory_space<vmem>>
    %dma_start3A_161 = tpu.memref_squeeze %dma_start3A_160 : memref<1x80xi32, #tpu.memory_space<vmem>> -> memref<80xi32, #tpu.memory_space<vmem>>
    %dma_start3A_162 = tpu.memref_slice %arg3[%add3A_153] : memref<640000xi32, #tpu.memory_space<hbm>> -> memref<80xi32, #tpu.memory_space<hbm>>
    tpu.enqueue_dma source(%dma_start3A_162 : memref<80xi32, #tpu.memory_space<hbm>>) target(%dma_start3A_161 : memref<80xi32, #tpu.memory_space<vmem>>) target_semaphore(%arg9 : memref<!tpu.dma_semaphore, #tpu.memory_space<semaphore_mem>>)
    %add3A_163 = arith.constant 320000 : i32
    %add3A_164 = arith.addi %add3A_163, %add3A_153 : i32
    %dma_start3A_165 = arith.constant 0 : i32
    %dma_start3A_166 = arith.constant 0 : i32
    %dma_start3A_167 = tpu.memref_slice %arg8[%dma_start3A_165, %dma_start3A_166] : memref<8x80xi32, #tpu.memory_space<vmem>> -> memref<1x80xi32, #tpu.memory_space<vmem>>
    %dma_start3A_168 = tpu.memref_squeeze %dma_start3A_167 : memref<1x80xi32, #tpu.memory_space<vmem>> -> memref<80xi32, #tpu.memory_space<vmem>>
    %dma_start3A_169 = tpu.memref_slice %arg3[%add3A_164] : memref<640000xi32, #tpu.memory_space<hbm>> -> memref<80xi32, #tpu.memory_space<hbm>>
    %dma_start3A_170 = arith.constant 0 : i32
    %dma_start3A_171 = tpu.memref_slice %arg8[%dma_start3A_165, %dma_start3A_170] : memref<8x80xi32, #tpu.memory_space<vmem>> -> memref<1x80xi32, #tpu.memory_space<vmem>>
    %dma_start3A_172 = tpu.memref_squeeze %dma_start3A_171 : memref<1x80xi32, #tpu.memory_space<vmem>> -> memref<80xi32, #tpu.memory_space<vmem>>
    %dma_start3A_173 = tpu.memref_slice %arg3[%add3A_164] : memref<640000xi32, #tpu.memory_space<hbm>> -> memref<80xi32, #tpu.memory_space<hbm>>
    tpu.enqueue_dma source(%dma_start3A_173 : memref<80xi32, #tpu.memory_space<hbm>>) target(%dma_start3A_172 : memref<80xi32, #tpu.memory_space<vmem>>) target_semaphore(%arg17 : memref<!tpu.dma_semaphore, #tpu.memory_space<semaphore_mem>>)
    %add3A_174 = arith.constant 80 : i32
    %add3A_175 = arith.addi %mul3A_2, %add3A_174 : i32
    %dma_start3A_176 = arith.constant 1 : i32
    %dma_start3A_177 = arith.constant 0 : i32
    %dma_start3A_178 = tpu.memref_slice %arg7[%dma_start3A_176, %dma_start3A_177] : memref<8x80xi32, #tpu.memory_space<vmem>> -> memref<1x80xi32, #tpu.memory_space<vmem>>
    %dma_start3A_179 = tpu.memref_squeeze %dma_start3A_178 : memref<1x80xi32, #tpu.memory_space<vmem>> -> memref<80xi32, #tpu.memory_space<vmem>>
    %dma_start3A_180 = tpu.memref_slice %arg3[%add3A_175] : memref<640000xi32, #tpu.memory_space<hbm>> -> memref<80xi32, #tpu.memory_space<hbm>>
    %dma_start3A_181 = arith.constant 0 : i32
    %dma_start3A_182 = tpu.memref_slice %arg7[%dma_start3A_176, %dma_start3A_181] : memref<8x80xi32, #tpu.memory_space<vmem>> -> memref<1x80xi32, #tpu.memory_space<vmem>>
    %dma_start3A_183 = tpu.memref_squeeze %dma_start3A_182 : memref<1x80xi32, #tpu.memory_space<vmem>> -> memref<80xi32, #tpu.memory_space<vmem>>
    %dma_start3A_184 = tpu.memref_slice %arg3[%add3A_175] : memref<640000xi32, #tpu.memory_space<hbm>> -> memref<80xi32, #tpu.memory_space<hbm>>
    tpu.enqueue_dma source(%dma_start3A_184 : memref<80xi32, #tpu.memory_space<hbm>>) target(%dma_start3A_183 : memref<80xi32, #tpu.memory_space<vmem>>) target_semaphore(%arg10 : memref<!tpu.dma_semaphore, #tpu.memory_space<semaphore_mem>>)
    %add3A_185 = arith.constant 320000 : i32
    %add3A_186 = arith.addi %add3A_185, %add3A_175 : i32
    %dma_start3A_187 = arith.constant 1 : i32
    %dma_start3A_188 = arith.constant 0 : i32
    %dma_start3A_189 = tpu.memref_slice %arg8[%dma_start3A_187, %dma_start3A_188] : memref<8x80xi32, #tpu.memory_space<vmem>> -> memref<1x80xi32, #tpu.memory_space<vmem>>
    %dma_start3A_190 = tpu.memref_squeeze %dma_start3A_189 : memref<1x80xi32, #tpu.memory_space<vmem>> -> memref<80xi32, #tpu.memory_space<vmem>>
    %dma_start3A_191 = tpu.memref_slice %arg3[%add3A_186] : memref<640000xi32, #tpu.memory_space<hbm>> -> memref<80xi32, #tpu.memory_space<hbm>>
    %dma_start3A_192 = arith.constant 0 : i32
    %dma_start3A_193 = tpu.memref_slice %arg8[%dma_start3A_187, %dma_start3A_192] : memref<8x80xi32, #tpu.memory_space<vmem>> -> memref<1x80xi32, #tpu.memory_space<vmem>>
    %dma_start3A_194 = tpu.memref_squeeze %dma_start3A_193 : memref<1x80xi32, #tpu.memory_space<vmem>> -> memref<80xi32, #tpu.memory_space<vmem>>
    %dma_start3A_195 = tpu.memref_slice %arg3[%add3A_186] : memref<640000xi32, #tpu.memory_space<hbm>> -> memref<80xi32, #tpu.memory_space<hbm>>
    tpu.enqueue_dma source(%dma_start3A_195 : memref<80xi32, #tpu.memory_space<hbm>>) target(%dma_start3A_194 : memref<80xi32, #tpu.memory_space<vmem>>) target_semaphore(%arg18 : memref<!tpu.dma_semaphore, #tpu.memory_space<semaphore_mem>>)
    %add3A_196 = arith.constant 160 : i32
    %add3A_197 = arith.addi %mul3A_2, %add3A_196 : i32
    %dma_start3A_198 = arith.constant 2 : i32
    %dma_start3A_199 = arith.constant 0 : i32
    %dma_start3A_200 = tpu.memref_slice %arg7[%dma_start3A_198, %dma_start3A_199] : memref<8x80xi32, #tpu.memory_space<vmem>> -> memref<1x80xi32, #tpu.memory_space<vmem>>
    %dma_start3A_201 = tpu.memref_squeeze %dma_start3A_200 : memref<1x80xi32, #tpu.memory_space<vmem>> -> memref<80xi32, #tpu.memory_space<vmem>>
    %dma_start3A_202 = tpu.memref_slice %arg3[%add3A_197] : memref<640000xi32, #tpu.memory_space<hbm>> -> memref<80xi32, #tpu.memory_space<hbm>>
    %dma_start3A_203 = arith.constant 0 : i32
    %dma_start3A_204 = tpu.memref_slice %arg7[%dma_start3A_198, %dma_start3A_203] : memref<8x80xi32, #tpu.memory_space<vmem>> -> memref<1x80xi32, #tpu.memory_space<vmem>>
    %dma_start3A_205 = tpu.memref_squeeze %dma_start3A_204 : memref<1x80xi32, #tpu.memory_space<vmem>> -> memref<80xi32, #tpu.memory_space<vmem>>
    %dma_start3A_206 = tpu.memref_slice %arg3[%add3A_197] : memref<640000xi32, #tpu.memory_space<hbm>> -> memref<80xi32, #tpu.memory_space<hbm>>
    tpu.enqueue_dma source(%dma_start3A_206 : memref<80xi32, #tpu.memory_space<hbm>>) target(%dma_start3A_205 : memref<80xi32, #tpu.memory_space<vmem>>) target_semaphore(%arg11 : memref<!tpu.dma_semaphore, #tpu.memory_space<semaphore_mem>>)
    %add3A_207 = arith.constant 320000 : i32
    %add3A_208 = arith.addi %add3A_207, %add3A_197 : i32
    %dma_start3A_209 = arith.constant 2 : i32
    %dma_start3A_210 = arith.constant 0 : i32
    %dma_start3A_211 = tpu.memref_slice %arg8[%dma_start3A_209, %dma_start3A_210] : memref<8x80xi32, #tpu.memory_space<vmem>> -> memref<1x80xi32, #tpu.memory_space<vmem>>
    %dma_start3A_212 = tpu.memref_squeeze %dma_start3A_211 : memref<1x80xi32, #tpu.memory_space<vmem>> -> memref<80xi32, #tpu.memory_space<vmem>>
    %dma_start3A_213 = tpu.memref_slice %arg3[%add3A_208] : memref<640000xi32, #tpu.memory_space<hbm>> -> memref<80xi32, #tpu.memory_space<hbm>>
    %dma_start3A_214 = arith.constant 0 : i32
    %dma_start3A_215 = tpu.memref_slice %arg8[%dma_start3A_209, %dma_start3A_214] : memref<8x80xi32, #tpu.memory_space<vmem>> -> memref<1x80xi32, #tpu.memory_space<vmem>>
    %dma_start3A_216 = tpu.memref_squeeze %dma_start3A_215 : memref<1x80xi32, #tpu.memory_space<vmem>> -> memref<80xi32, #tpu.memory_space<vmem>>
    %dma_start3A_217 = tpu.memref_slice %arg3[%add3A_208] : memref<640000xi32, #tpu.memory_space<hbm>> -> memref<80xi32, #tpu.memory_space<hbm>>
    tpu.enqueue_dma source(%dma_start3A_217 : memref<80xi32, #tpu.memory_space<hbm>>) target(%dma_start3A_216 : memref<80xi32, #tpu.memory_space<vmem>>) target_semaphore(%arg19 : memref<!tpu.dma_semaphore, #tpu.memory_space<semaphore_mem>>)
    %add3A_218 = arith.constant 240 : i32
    %add3A_219 = arith.addi %mul3A_2, %add3A_218 : i32
    %dma_start3A_220 = arith.constant 3 : i32
    %dma_start3A_221 = arith.constant 0 : i32
    %dma_start3A_222 = tpu.memref_slice %arg7[%dma_start3A_220, %dma_start3A_221] : memref<8x80xi32, #tpu.memory_space<vmem>> -> memref<1x80xi32, #tpu.memory_space<vmem>>
    %dma_start3A_223 = tpu.memref_squeeze %dma_start3A_222 : memref<1x80xi32, #tpu.memory_space<vmem>> -> memref<80xi32, #tpu.memory_space<vmem>>
    %dma_start3A_224 = tpu.memref_slice %arg3[%add3A_219] : memref<640000xi32, #tpu.memory_space<hbm>> -> memref<80xi32, #tpu.memory_space<hbm>>
    %dma_start3A_225 = arith.constant 0 : i32
    %dma_start3A_226 = tpu.memref_slice %arg7[%dma_start3A_220, %dma_start3A_225] : memref<8x80xi32, #tpu.memory_space<vmem>> -> memref<1x80xi32, #tpu.memory_space<vmem>>
    %dma_start3A_227 = tpu.memref_squeeze %dma_start3A_226 : memref<1x80xi32, #tpu.memory_space<vmem>> -> memref<80xi32, #tpu.memory_space<vmem>>
    %dma_start3A_228 = tpu.memref_slice %arg3[%add3A_219] : memref<640000xi32, #tpu.memory_space<hbm>> -> memref<80xi32, #tpu.memory_space<hbm>>
    tpu.enqueue_dma source(%dma_start3A_228 : memref<80xi32, #tpu.memory_space<hbm>>) target(%dma_start3A_227 : memref<80xi32, #tpu.memory_space<vmem>>) target_semaphore(%arg12 : memref<!tpu.dma_semaphore, #tpu.memory_space<semaphore_mem>>)
    %add3A_229 = arith.constant 320000 : i32
    %add3A_230 = arith.addi %add3A_229, %add3A_219 : i32
    %dma_start3A_231 = arith.constant 3 : i32
    %dma_start3A_232 = arith.constant 0 : i32
    %dma_start3A_233 = tpu.memref_slice %arg8[%dma_start3A_231, %dma_start3A_232] : memref<8x80xi32, #tpu.memory_space<vmem>> -> memref<1x80xi32, #tpu.memory_space<vmem>>
    %dma_start3A_234 = tpu.memref_squeeze %dma_start3A_233 : memref<1x80xi32, #tpu.memory_space<vmem>> -> memref<80xi32, #tpu.memory_space<vmem>>
    %dma_start3A_235 = tpu.memref_slice %arg3[%add3A_230] : memref<640000xi32, #tpu.memory_space<hbm>> -> memref<80xi32, #tpu.memory_space<hbm>>
    %dma_start3A_236 = arith.constant 0 : i32
    %dma_start3A_237 = tpu.memref_slice %arg8[%dma_start3A_231, %dma_start3A_236] : memref<8x80xi32, #tpu.memory_space<vmem>> -> memref<1x80xi32, #tpu.memory_space<vmem>>
    %dma_start3A_238 = tpu.memref_squeeze %dma_start3A_237 : memref<1x80xi32, #tpu.memory_space<vmem>> -> memref<80xi32, #tpu.memory_space<vmem>>
    %dma_start3A_239 = tpu.memref_slice %arg3[%add3A_230] : memref<640000xi32, #tpu.memory_space<hbm>> -> memref<80xi32, #tpu.memory_space<hbm>>
    tpu.enqueue_dma source(%dma_start3A_239 : memref<80xi32, #tpu.memory_space<hbm>>) target(%dma_start3A_238 : memref<80xi32, #tpu.memory_space<vmem>>) target_semaphore(%arg20 : memref<!tpu.dma_semaphore, #tpu.memory_space<semaphore_mem>>)
    %add3A_240 = arith.constant 320 : i32
    %add3A_241 = arith.addi %mul3A_2, %add3A_240 : i32
    %dma_start3A_242 = arith.constant 4 : i32
    %dma_start3A_243 = arith.constant 0 : i32
    %dma_start3A_244 = tpu.memref_slice %arg7[%dma_start3A_242, %dma_start3A_243] : memref<8x80xi32, #tpu.memory_space<vmem>> -> memref<1x80xi32, #tpu.memory_space<vmem>>
    %dma_start3A_245 = tpu.memref_squeeze %dma_start3A_244 : memref<1x80xi32, #tpu.memory_space<vmem>> -> memref<80xi32, #tpu.memory_space<vmem>>
    %dma_start3A_246 = tpu.memref_slice %arg3[%add3A_241] : memref<640000xi32, #tpu.memory_space<hbm>> -> memref<80xi32, #tpu.memory_space<hbm>>
    %dma_start3A_247 = arith.constant 0 : i32
    %dma_start3A_248 = tpu.memref_slice %arg7[%dma_start3A_242, %dma_start3A_247] : memref<8x80xi32, #tpu.memory_space<vmem>> -> memref<1x80xi32, #tpu.memory_space<vmem>>
    %dma_start3A_249 = tpu.memref_squeeze %dma_start3A_248 : memref<1x80xi32, #tpu.memory_space<vmem>> -> memref<80xi32, #tpu.memory_space<vmem>>
    %dma_start3A_250 = tpu.memref_slice %arg3[%add3A_241] : memref<640000xi32, #tpu.memory_space<hbm>> -> memref<80xi32, #tpu.memory_space<hbm>>
    tpu.enqueue_dma source(%dma_start3A_250 : memref<80xi32, #tpu.memory_space<hbm>>) target(%dma_start3A_249 : memref<80xi32, #tpu.memory_space<vmem>>) target_semaphore(%arg13 : memref<!tpu.dma_semaphore, #tpu.memory_space<semaphore_mem>>)
    %add3A_251 = arith.constant 320000 : i32
    %add3A_252 = arith.addi %add3A_251, %add3A_241 : i32
    %dma_start3A_253 = arith.constant 4 : i32
    %dma_start3A_254 = arith.constant 0 : i32
    %dma_start3A_255 = tpu.memref_slice %arg8[%dma_start3A_253, %dma_start3A_254] : memref<8x80xi32, #tpu.memory_space<vmem>> -> memref<1x80xi32, #tpu.memory_space<vmem>>
    %dma_start3A_256 = tpu.memref_squeeze %dma_start3A_255 : memref<1x80xi32, #tpu.memory_space<vmem>> -> memref<80xi32, #tpu.memory_space<vmem>>
    %dma_start3A_257 = tpu.memref_slice %arg3[%add3A_252] : memref<640000xi32, #tpu.memory_space<hbm>> -> memref<80xi32, #tpu.memory_space<hbm>>
    %dma_start3A_258 = arith.constant 0 : i32
    %dma_start3A_259 = tpu.memref_slice %arg8[%dma_start3A_253, %dma_start3A_258] : memref<8x80xi32, #tpu.memory_space<vmem>> -> memref<1x80xi32, #tpu.memory_space<vmem>>
    %dma_start3A_260 = tpu.memref_squeeze %dma_start3A_259 : memref<1x80xi32, #tpu.memory_space<vmem>> -> memref<80xi32, #tpu.memory_space<vmem>>
    %dma_start3A_261 = tpu.memref_slice %arg3[%add3A_252] : memref<640000xi32, #tpu.memory_space<hbm>> -> memref<80xi32, #tpu.memory_space<hbm>>
    tpu.enqueue_dma source(%dma_start3A_261 : memref<80xi32, #tpu.memory_space<hbm>>) target(%dma_start3A_260 : memref<80xi32, #tpu.memory_space<vmem>>) target_semaphore(%arg21 : memref<!tpu.dma_semaphore, #tpu.memory_space<semaphore_mem>>)
    %add3A_262 = arith.constant 400 : i32
    %add3A_263 = arith.addi %mul3A_2, %add3A_262 : i32
    %dma_start3A_264 = arith.constant 5 : i32
    %dma_start3A_265 = arith.constant 0 : i32
    %dma_start3A_266 = tpu.memref_slice %arg7[%dma_start3A_264, %dma_start3A_265] : memref<8x80xi32, #tpu.memory_space<vmem>> -> memref<1x80xi32, #tpu.memory_space<vmem>>
    %dma_start3A_267 = tpu.memref_squeeze %dma_start3A_266 : memref<1x80xi32, #tpu.memory_space<vmem>> -> memref<80xi32, #tpu.memory_space<vmem>>
    %dma_start3A_268 = tpu.memref_slice %arg3[%add3A_263] : memref<640000xi32, #tpu.memory_space<hbm>> -> memref<80xi32, #tpu.memory_space<hbm>>
    %dma_start3A_269 = arith.constant 0 : i32
    %dma_start3A_270 = tpu.memref_slice %arg7[%dma_start3A_264, %dma_start3A_269] : memref<8x80xi32, #tpu.memory_space<vmem>> -> memref<1x80xi32, #tpu.memory_space<vmem>>
    %dma_start3A_271 = tpu.memref_squeeze %dma_start3A_270 : memref<1x80xi32, #tpu.memory_space<vmem>> -> memref<80xi32, #tpu.memory_space<vmem>>
    %dma_start3A_272 = tpu.memref_slice %arg3[%add3A_263] : memref<640000xi32, #tpu.memory_space<hbm>> -> memref<80xi32, #tpu.memory_space<hbm>>
    tpu.enqueue_dma source(%dma_start3A_272 : memref<80xi32, #tpu.memory_space<hbm>>) target(%dma_start3A_271 : memref<80xi32, #tpu.memory_space<vmem>>) target_semaphore(%arg14 : memref<!tpu.dma_semaphore, #tpu.memory_space<semaphore_mem>>)
    %add3A_273 = arith.constant 320000 : i32
    %add3A_274 = arith.addi %add3A_273, %add3A_263 : i32
    %dma_start3A_275 = arith.constant 5 : i32
    %dma_start3A_276 = arith.constant 0 : i32
    %dma_start3A_277 = tpu.memref_slice %arg8[%dma_start3A_275, %dma_start3A_276] : memref<8x80xi32, #tpu.memory_space<vmem>> -> memref<1x80xi32, #tpu.memory_space<vmem>>
    %dma_start3A_278 = tpu.memref_squeeze %dma_start3A_277 : memref<1x80xi32, #tpu.memory_space<vmem>> -> memref<80xi32, #tpu.memory_space<vmem>>
    %dma_start3A_279 = tpu.memref_slice %arg3[%add3A_274] : memref<640000xi32, #tpu.memory_space<hbm>> -> memref<80xi32, #tpu.memory_space<hbm>>
    %dma_start3A_280 = arith.constant 0 : i32
    %dma_start3A_281 = tpu.memref_slice %arg8[%dma_start3A_275, %dma_start3A_280] : memref<8x80xi32, #tpu.memory_space<vmem>> -> memref<1x80xi32, #tpu.memory_space<vmem>>
    %dma_start3A_282 = tpu.memref_squeeze %dma_start3A_281 : memref<1x80xi32, #tpu.memory_space<vmem>> -> memref<80xi32, #tpu.memory_space<vmem>>
    %dma_start3A_283 = tpu.memref_slice %arg3[%add3A_274] : memref<640000xi32, #tpu.memory_space<hbm>> -> memref<80xi32, #tpu.memory_space<hbm>>
    tpu.enqueue_dma source(%dma_start3A_283 : memref<80xi32, #tpu.memory_space<hbm>>) target(%dma_start3A_282 : memref<80xi32, #tpu.memory_space<vmem>>) target_semaphore(%arg22 : memref<!tpu.dma_semaphore, #tpu.memory_space<semaphore_mem>>)
    %add3A_284 = arith.constant 480 : i32
    %add3A_285 = arith.addi %mul3A_2, %add3A_284 : i32
    %dma_start3A_286 = arith.constant 6 : i32
    %dma_start3A_287 = arith.constant 0 : i32
    %dma_start3A_288 = tpu.memref_slice %arg7[%dma_start3A_286, %dma_start3A_287] : memref<8x80xi32, #tpu.memory_space<vmem>> -> memref<1x80xi32, #tpu.memory_space<vmem>>
    %dma_start3A_289 = tpu.memref_squeeze %dma_start3A_288 : memref<1x80xi32, #tpu.memory_space<vmem>> -> memref<80xi32, #tpu.memory_space<vmem>>
    %dma_start3A_290 = tpu.memref_slice %arg3[%add3A_285] : memref<640000xi32, #tpu.memory_space<hbm>> -> memref<80xi32, #tpu.memory_space<hbm>>
    %dma_start3A_291 = arith.constant 0 : i32
    %dma_start3A_292 = tpu.memref_slice %arg7[%dma_start3A_286, %dma_start3A_291] : memref<8x80xi32, #tpu.memory_space<vmem>> -> memref<1x80xi32, #tpu.memory_space<vmem>>
    %dma_start3A_293 = tpu.memref_squeeze %dma_start3A_292 : memref<1x80xi32, #tpu.memory_space<vmem>> -> memref<80xi32, #tpu.memory_space<vmem>>
    %dma_start3A_294 = tpu.memref_slice %arg3[%add3A_285] : memref<640000xi32, #tpu.memory_space<hbm>> -> memref<80xi32, #tpu.memory_space<hbm>>
    tpu.enqueue_dma source(%dma_start3A_294 : memref<80xi32, #tpu.memory_space<hbm>>) target(%dma_start3A_293 : memref<80xi32, #tpu.memory_space<vmem>>) target_semaphore(%arg15 : memref<!tpu.dma_semaphore, #tpu.memory_space<semaphore_mem>>)
    %add3A_295 = arith.constant 320000 : i32
    %add3A_296 = arith.addi %add3A_295, %add3A_285 : i32
    %dma_start3A_297 = arith.constant 6 : i32
    %dma_start3A_298 = arith.constant 0 : i32
    %dma_start3A_299 = tpu.memref_slice %arg8[%dma_start3A_297, %dma_start3A_298] : memref<8x80xi32, #tpu.memory_space<vmem>> -> memref<1x80xi32, #tpu.memory_space<vmem>>
    %dma_start3A_300 = tpu.memref_squeeze %dma_start3A_299 : memref<1x80xi32, #tpu.memory_space<vmem>> -> memref<80xi32, #tpu.memory_space<vmem>>
    %dma_start3A_301 = tpu.memref_slice %arg3[%add3A_296] : memref<640000xi32, #tpu.memory_space<hbm>> -> memref<80xi32, #tpu.memory_space<hbm>>
    %dma_start3A_302 = arith.constant 0 : i32
    %dma_start3A_303 = tpu.memref_slice %arg8[%dma_start3A_297, %dma_start3A_302] : memref<8x80xi32, #tpu.memory_space<vmem>> -> memref<1x80xi32, #tpu.memory_space<vmem>>
    %dma_start3A_304 = tpu.memref_squeeze %dma_start3A_303 : memref<1x80xi32, #tpu.memory_space<vmem>> -> memref<80xi32, #tpu.memory_space<vmem>>
    %dma_start3A_305 = tpu.memref_slice %arg3[%add3A_296] : memref<640000xi32, #tpu.memory_space<hbm>> -> memref<80xi32, #tpu.memory_space<hbm>>
    tpu.enqueue_dma source(%dma_start3A_305 : memref<80xi32, #tpu.memory_space<hbm>>) target(%dma_start3A_304 : memref<80xi32, #tpu.memory_space<vmem>>) target_semaphore(%arg23 : memref<!tpu.dma_semaphore, #tpu.memory_space<semaphore_mem>>)
    %mul3A_306 = arith.constant 624 : i32
    %mul3A_307 = arith.muli %arg1, %mul3A_306 : i32
    %dma_wait3A = arith.constant 0 : i32
    %dma_wait3A_308 = arith.constant 0 : i32
    %dma_wait3A_309 = arith.constant 0 : i32
    %dma_wait3A_310 = tpu.memref_slice %arg6[%dma_wait3A, %dma_wait3A_308, %dma_wait3A_309] : memref<4x80x128xf32, #tpu.memory_space<vmem>> -> memref<1x80x128xf32, #tpu.memory_space<vmem>>
    %dma_wait3A_311 = tpu.memref_squeeze %dma_wait3A_310 : memref<1x80x128xf32, #tpu.memory_space<vmem>> -> memref<80x128xf32, #tpu.memory_space<vmem>>
    %dma_wait3A_312 = arith.constant 0 : i32
    %dma_wait3A_313 = tpu.memref_slice %arg5[%mul3A_307, %dma_wait3A_312] : memref<10000x128xf32, #tpu.memory_space<vmem_shared>> -> memref<80x128xf32, #tpu.memory_space<vmem_shared>>
    %dma_wait3A_314 = arith.constant 0 : i32
    %dma_wait3A_315 = tpu.memref_slice %arg5[%mul3A_307, %dma_wait3A_314] : memref<10000x128xf32, #tpu.memory_space<vmem_shared>> -> memref<80x128xf32, #tpu.memory_space<vmem_shared>>
    %dma_wait3A_316 = arith.constant 0 : i32
    %dma_wait3A_317 = arith.constant 0 : i32
    %dma_wait3A_318 = tpu.memref_slice %arg6[%dma_wait3A, %dma_wait3A_316, %dma_wait3A_317] : memref<4x80x128xf32, #tpu.memory_space<vmem>> -> memref<1x80x128xf32, #tpu.memory_space<vmem>>
    %dma_wait3A_319 = tpu.memref_squeeze %dma_wait3A_318 : memref<1x80x128xf32, #tpu.memory_space<vmem>> -> memref<80x128xf32, #tpu.memory_space<vmem>>
    tpu.wait_dma2 semaphore(%arg33 : memref<!tpu.dma_semaphore, #tpu.memory_space<semaphore_mem>>) src(%dma_wait3A_319 : memref<80x128xf32, #tpu.memory_space<vmem>>) dst(%dma_wait3A_315 : memref<80x128xf32, #tpu.memory_space<vmem_shared>>)
    %mul3A_320 = arith.constant 624 : i32
    %mul3A_321 = arith.muli %arg1, %mul3A_320 : i32
    %dma_wait3A_322 = arith.constant 0 : i32
    %dma_wait3A_323 = arith.constant 0 : i32
    %dma_wait3A_324 = arith.constant 0 : i32
    %dma_wait3A_325 = tpu.memref_slice %arg6[%dma_wait3A_322, %dma_wait3A_323, %dma_wait3A_324] : memref<4x80x128xf32, #tpu.memory_space<vmem>> -> memref<1x80x128xf32, #tpu.memory_space<vmem>>
    %dma_wait3A_326 = tpu.memref_squeeze %dma_wait3A_325 : memref<1x80x128xf32, #tpu.memory_space<vmem>> -> memref<80x128xf32, #tpu.memory_space<vmem>>
    %dma_wait3A_327 = arith.constant 0 : i32
    %dma_wait3A_328 = tpu.memref_slice %arg5[%mul3A_321, %dma_wait3A_327] : memref<10000x128xf32, #tpu.memory_space<vmem_shared>> -> memref<80x128xf32, #tpu.memory_space<vmem_shared>>
    %dma_wait3A_329 = arith.constant 0 : i32
    %dma_wait3A_330 = tpu.memref_slice %arg5[%mul3A_321, %dma_wait3A_329] : memref<10000x128xf32, #tpu.memory_space<vmem_shared>> -> memref<80x128xf32, #tpu.memory_space<vmem_shared>>
    %dma_wait3A_331 = arith.constant 0 : i32
    %dma_wait3A_332 = arith.constant 0 : i32
    %dma_wait3A_333 = tpu.memref_slice %arg6[%dma_wait3A_322, %dma_wait3A_331, %dma_wait3A_332] : memref<4x80x128xf32, #tpu.memory_space<vmem>> -> memref<1x80x128xf32, #tpu.memory_space<vmem>>
    %dma_wait3A_334 = tpu.memref_squeeze %dma_wait3A_333 : memref<1x80x128xf32, #tpu.memory_space<vmem>> -> memref<80x128xf32, #tpu.memory_space<vmem>>
    tpu.wait_dma2 semaphore(%arg33 : memref<!tpu.dma_semaphore, #tpu.memory_space<semaphore_mem>>) src(%dma_wait3A_334 : memref<80x128xf32, #tpu.memory_space<vmem>>) dst(%dma_wait3A_330 : memref<80x128xf32, #tpu.memory_space<vmem_shared>>)
    %mul3A_335 = arith.constant 624 : i32
    %mul3A_336 = arith.muli %arg1, %mul3A_335 : i32
    %dma_wait3A_337 = arith.constant 0 : i32
    %dma_wait3A_338 = arith.constant 0 : i32
    %dma_wait3A_339 = arith.constant 0 : i32
    %dma_wait3A_340 = tpu.memref_slice %arg6[%dma_wait3A_337, %dma_wait3A_338, %dma_wait3A_339] : memref<4x80x128xf32, #tpu.memory_space<vmem>> -> memref<1x80x128xf32, #tpu.memory_space<vmem>>
    %dma_wait3A_341 = tpu.memref_squeeze %dma_wait3A_340 : memref<1x80x128xf32, #tpu.memory_space<vmem>> -> memref<80x128xf32, #tpu.memory_space<vmem>>
    %dma_wait3A_342 = arith.constant 0 : i32
    %dma_wait3A_343 = tpu.memref_slice %arg5[%mul3A_336, %dma_wait3A_342] : memref<10000x128xf32, #tpu.memory_space<vmem_shared>> -> memref<80x128xf32, #tpu.memory_space<vmem_shared>>
    %dma_wait3A_344 = arith.constant 0 : i32
    %dma_wait3A_345 = tpu.memref_slice %arg5[%mul3A_336, %dma_wait3A_344] : memref<10000x128xf32, #tpu.memory_space<vmem_shared>> -> memref<80x128xf32, #tpu.memory_space<vmem_shared>>
    %dma_wait3A_346 = arith.constant 0 : i32
    %dma_wait3A_347 = arith.constant 0 : i32
    %dma_wait3A_348 = tpu.memref_slice %arg6[%dma_wait3A_337, %dma_wait3A_346, %dma_wait3A_347] : memref<4x80x128xf32, #tpu.memory_space<vmem>> -> memref<1x80x128xf32, #tpu.memory_space<vmem>>
    %dma_wait3A_349 = tpu.memref_squeeze %dma_wait3A_348 : memref<1x80x128xf32, #tpu.memory_space<vmem>> -> memref<80x128xf32, #tpu.memory_space<vmem>>
    tpu.wait_dma2 semaphore(%arg33 : memref<!tpu.dma_semaphore, #tpu.memory_space<semaphore_mem>>) src(%dma_wait3A_349 : memref<80x128xf32, #tpu.memory_space<vmem>>) dst(%dma_wait3A_345 : memref<80x128xf32, #tpu.memory_space<vmem_shared>>)
    %mul3A_350 = arith.constant 624 : i32
    %mul3A_351 = arith.muli %arg1, %mul3A_350 : i32
    %dma_wait3A_352 = arith.constant 0 : i32
    %dma_wait3A_353 = arith.constant 0 : i32
    %dma_wait3A_354 = arith.constant 0 : i32
    %dma_wait3A_355 = tpu.memref_slice %arg6[%dma_wait3A_352, %dma_wait3A_353, %dma_wait3A_354] : memref<4x80x128xf32, #tpu.memory_space<vmem>> -> memref<1x80x128xf32, #tpu.memory_space<vmem>>
    %dma_wait3A_356 = tpu.memref_squeeze %dma_wait3A_355 : memref<1x80x128xf32, #tpu.memory_space<vmem>> -> memref<80x128xf32, #tpu.memory_space<vmem>>
    %dma_wait3A_357 = arith.constant 0 : i32
    %dma_wait3A_358 = tpu.memref_slice %arg5[%mul3A_351, %dma_wait3A_357] : memref<10000x128xf32, #tpu.memory_space<vmem_shared>> -> memref<80x128xf32, #tpu.memory_space<vmem_shared>>
    %dma_wait3A_359 = arith.constant 0 : i32
    %dma_wait3A_360 = tpu.memref_slice %arg5[%mul3A_351, %dma_wait3A_359] : memref<10000x128xf32, #tpu.memory_space<vmem_shared>> -> memref<80x128xf32, #tpu.memory_space<vmem_shared>>
    %dma_wait3A_361 = arith.constant 0 : i32
    %dma_wait3A_362 = arith.constant 0 : i32
    %dma_wait3A_363 = tpu.memref_slice %arg6[%dma_wait3A_352, %dma_wait3A_361, %dma_wait3A_362] : memref<4x80x128xf32, #tpu.memory_space<vmem>> -> memref<1x80x128xf32, #tpu.memory_space<vmem>>
    %dma_wait3A_364 = tpu.memref_squeeze %dma_wait3A_363 : memref<1x80x128xf32, #tpu.memory_space<vmem>> -> memref<80x128xf32, #tpu.memory_space<vmem>>
    tpu.wait_dma2 semaphore(%arg33 : memref<!tpu.dma_semaphore, #tpu.memory_space<semaphore_mem>>) src(%dma_wait3A_364 : memref<80x128xf32, #tpu.memory_space<vmem>>) dst(%dma_wait3A_360 : memref<80x128xf32, #tpu.memory_space<vmem_shared>>)
    %mul3A_365 = arith.constant 624 : i32
    %mul3A_366 = arith.muli %arg1, %mul3A_365 : i32
    %dma_wait3A_367 = arith.constant 0 : i32
    %dma_wait3A_368 = arith.constant 0 : i32
    %dma_wait3A_369 = arith.constant 0 : i32
    %dma_wait3A_370 = tpu.memref_slice %arg6[%dma_wait3A_367, %dma_wait3A_368, %dma_wait3A_369] : memref<4x80x128xf32, #tpu.memory_space<vmem>> -> memref<1x80x128xf32, #tpu.memory_space<vmem>>
    %dma_wait3A_371 = tpu.memref_squeeze %dma_wait3A_370 : memref<1x80x128xf32, #tpu.memory_space<vmem>> -> memref<80x128xf32, #tpu.memory_space<vmem>>
    %dma_wait3A_372 = arith.constant 0 : i32
    %dma_wait3A_373 = tpu.memref_slice %arg5[%mul3A_366, %dma_wait3A_372] : memref<10000x128xf32, #tpu.memory_space<vmem_shared>> -> memref<80x128xf32, #tpu.memory_space<vmem_shared>>
    %dma_wait3A_374 = arith.constant 0 : i32
    %dma_wait3A_375 = tpu.memref_slice %arg5[%mul3A_366, %dma_wait3A_374] : memref<10000x128xf32, #tpu.memory_space<vmem_shared>> -> memref<80x128xf32, #tpu.memory_space<vmem_shared>>
    %dma_wait3A_376 = arith.constant 0 : i32
    %dma_wait3A_377 = arith.constant 0 : i32
    %dma_wait3A_378 = tpu.memref_slice %arg6[%dma_wait3A_367, %dma_wait3A_376, %dma_wait3A_377] : memref<4x80x128xf32, #tpu.memory_space<vmem>> -> memref<1x80x128xf32, #tpu.memory_space<vmem>>
    %dma_wait3A_379 = tpu.memref_squeeze %dma_wait3A_378 : memref<1x80x128xf32, #tpu.memory_space<vmem>> -> memref<80x128xf32, #tpu.memory_space<vmem>>
    tpu.wait_dma2 semaphore(%arg33 : memref<!tpu.dma_semaphore, #tpu.memory_space<semaphore_mem>>) src(%dma_wait3A_379 : memref<80x128xf32, #tpu.memory_space<vmem>>) dst(%dma_wait3A_375 : memref<80x128xf32, #tpu.memory_space<vmem_shared>>)
    %mul3A_380 = arith.constant 624 : i32
    %mul3A_381 = arith.muli %arg1, %mul3A_380 : i32
    %dma_wait3A_382 = arith.constant 0 : i32
    %dma_wait3A_383 = arith.constant 0 : i32
    %dma_wait3A_384 = arith.constant 0 : i32
    %dma_wait3A_385 = tpu.memref_slice %arg6[%dma_wait3A_382, %dma_wait3A_383, %dma_wait3A_384] : memref<4x80x128xf32, #tpu.memory_space<vmem>> -> memref<1x80x128xf32, #tpu.memory_space<vmem>>
    %dma_wait3A_386 = tpu.memref_squeeze %dma_wait3A_385 : memref<1x80x128xf32, #tpu.memory_space<vmem>> -> memref<80x128xf32, #tpu.memory_space<vmem>>
    %dma_wait3A_387 = arith.constant 0 : i32
    %dma_wait3A_388 = tpu.memref_slice %arg5[%mul3A_381, %dma_wait3A_387] : memref<10000x128xf32, #tpu.memory_space<vmem_shared>> -> memref<80x128xf32, #tpu.memory_space<vmem_shared>>
    %dma_wait3A_389 = arith.constant 0 : i32
    %dma_wait3A_390 = tpu.memref_slice %arg5[%mul3A_381, %dma_wait3A_389] : memref<10000x128xf32, #tpu.memory_space<vmem_shared>> -> memref<80x128xf32, #tpu.memory_space<vmem_shared>>
    %dma_wait3A_391 = arith.constant 0 : i32
    %dma_wait3A_392 = arith.constant 0 : i32
    %dma_wait3A_393 = tpu.memref_slice %arg6[%dma_wait3A_382, %dma_wait3A_391, %dma_wait3A_392] : memref<4x80x128xf32, #tpu.memory_space<vmem>> -> memref<1x80x128xf32, #tpu.memory_space<vmem>>
    %dma_wait3A_394 = tpu.memref_squeeze %dma_wait3A_393 : memref<1x80x128xf32, #tpu.memory_space<vmem>> -> memref<80x128xf32, #tpu.memory_space<vmem>>
    tpu.wait_dma2 semaphore(%arg33 : memref<!tpu.dma_semaphore, #tpu.memory_space<semaphore_mem>>) src(%dma_wait3A_394 : memref<80x128xf32, #tpu.memory_space<vmem>>) dst(%dma_wait3A_390 : memref<80x128xf32, #tpu.memory_space<vmem_shared>>)
    %mul3A_395 = arith.constant 624 : i32
    %mul3A_396 = arith.muli %arg1, %mul3A_395 : i32
    %dma_wait3A_397 = arith.constant 0 : i32
    %dma_wait3A_398 = arith.constant 0 : i32
    %dma_wait3A_399 = arith.constant 0 : i32
    %dma_wait3A_400 = tpu.memref_slice %arg6[%dma_wait3A_397, %dma_wait3A_398, %dma_wait3A_399] : memref<4x80x128xf32, #tpu.memory_space<vmem>> -> memref<1x80x128xf32, #tpu.memory_space<vmem>>
    %dma_wait3A_401 = tpu.memref_squeeze %dma_wait3A_400 : memref<1x80x128xf32, #tpu.memory_space<vmem>> -> memref<80x128xf32, #tpu.memory_space<vmem>>
    %dma_wait3A_402 = arith.constant 0 : i32
    %dma_wait3A_403 = tpu.memref_slice %arg5[%mul3A_396, %dma_wait3A_402] : memref<10000x128xf32, #tpu.memory_space<vmem_shared>> -> memref<80x128xf32, #tpu.memory_space<vmem_shared>>
    %dma_wait3A_404 = arith.constant 0 : i32
    %dma_wait3A_405 = tpu.memref_slice %arg5[%mul3A_396, %dma_wait3A_404] : memref<10000x128xf32, #tpu.memory_space<vmem_shared>> -> memref<80x128xf32, #tpu.memory_space<vmem_shared>>
    %dma_wait3A_406 = arith.constant 0 : i32
    %dma_wait3A_407 = arith.constant 0 : i32
    %dma_wait3A_408 = tpu.memref_slice %arg6[%dma_wait3A_397, %dma_wait3A_406, %dma_wait3A_407] : memref<4x80x128xf32, #tpu.memory_space<vmem>> -> memref<1x80x128xf32, #tpu.memory_space<vmem>>
    %dma_wait3A_409 = tpu.memref_squeeze %dma_wait3A_408 : memref<1x80x128xf32, #tpu.memory_space<vmem>> -> memref<80x128xf32, #tpu.memory_space<vmem>>
    tpu.wait_dma2 semaphore(%arg33 : memref<!tpu.dma_semaphore, #tpu.memory_space<semaphore_mem>>) src(%dma_wait3A_409 : memref<80x128xf32, #tpu.memory_space<vmem>>) dst(%dma_wait3A_405 : memref<80x128xf32, #tpu.memory_space<vmem_shared>>)
    %dma_wait3A_410 = arith.constant 0 : i32
    %dma_wait3A_411 = arith.constant 0 : i32
    %dma_wait3A_412 = arith.constant 0 : i32
    %dma_wait3A_413 = tpu.memref_slice %arg6[%dma_wait3A_410, %dma_wait3A_411, %dma_wait3A_412] : memref<4x80x128xf32, #tpu.memory_space<vmem>> -> memref<1x80x128xf32, #tpu.memory_space<vmem>>
    %dma_wait3A_414 = tpu.memref_squeeze %dma_wait3A_413 : memref<1x80x128xf32, #tpu.memory_space<vmem>> -> memref<80x128xf32, #tpu.memory_space<vmem>>
    %dma_wait3A_415 = arith.constant 0 : i32
    %dma_wait3A_416 = arith.constant 0 : i32
    %dma_wait3A_417 = tpu.memref_slice %dma_wait3A_414[%dma_wait3A_415, %dma_wait3A_416] : memref<80x128xf32, #tpu.memory_space<vmem>> -> memref<64x128xf32, #tpu.memory_space<vmem>>
    %dma_wait3A_418 = arith.constant 0 : i32
    %dma_wait3A_419 = arith.constant 0 : i32
    %dma_wait3A_420 = tpu.memref_slice %arg5[%dma_wait3A_418, %dma_wait3A_419] : memref<10000x128xf32, #tpu.memory_space<vmem_shared>> -> memref<64x128xf32, #tpu.memory_space<vmem_shared>>
    %dma_wait3A_421 = arith.constant 0 : i32
    %dma_wait3A_422 = arith.constant 0 : i32
    %dma_wait3A_423 = tpu.memref_slice %arg5[%dma_wait3A_421, %dma_wait3A_422] : memref<10000x128xf32, #tpu.memory_space<vmem_shared>> -> memref<64x128xf32, #tpu.memory_space<vmem_shared>>
    %dma_wait3A_424 = arith.constant 0 : i32
    %dma_wait3A_425 = arith.constant 0 : i32
    %dma_wait3A_426 = tpu.memref_slice %arg6[%dma_wait3A_410, %dma_wait3A_424, %dma_wait3A_425] : memref<4x80x128xf32, #tpu.memory_space<vmem>> -> memref<1x80x128xf32, #tpu.memory_space<vmem>>
    %dma_wait3A_427 = tpu.memref_squeeze %dma_wait3A_426 : memref<1x80x128xf32, #tpu.memory_space<vmem>> -> memref<80x128xf32, #tpu.memory_space<vmem>>
    %dma_wait3A_428 = arith.constant 0 : i32
    %dma_wait3A_429 = arith.constant 0 : i32
    %dma_wait3A_430 = tpu.memref_slice %dma_wait3A_427[%dma_wait3A_428, %dma_wait3A_429] : memref<80x128xf32, #tpu.memory_space<vmem>> -> memref<64x128xf32, #tpu.memory_space<vmem>>
    tpu.wait_dma2 semaphore(%arg33 : memref<!tpu.dma_semaphore, #tpu.memory_space<semaphore_mem>>) src(%dma_wait3A_430 : memref<64x128xf32, #tpu.memory_space<vmem>>) dst(%dma_wait3A_423 : memref<64x128xf32, #tpu.memory_space<vmem_shared>>)
    %eq3A_431 = arith.constant 15 : i32
    %eq3A_432 = arith.cmpi eq, %arg1, %eq3A_431 : i32
    %convert_element_type3A_433 = arith.extui %eq3A_432 : i1 to i32
    %cond3A_434 = arith.constant 0 : i32
    %cond3A_435 = arith.cmpi ne, %convert_element_type3A_433, %cond3A_434 : i32
    scf.if %cond3A_435 {
      %dma_wait3A_811 = arith.constant 0 : i32
      %dma_wait3A_812 = arith.constant 0 : i32
      %dma_wait3A_813 = arith.constant 0 : i32
      %dma_wait3A_814 = tpu.memref_slice %arg6[%dma_wait3A_811, %dma_wait3A_812, %dma_wait3A_813] : memref<4x80x128xf32, #tpu.memory_space<vmem>> -> memref<1x80x128xf32, #tpu.memory_space<vmem>>
      %dma_wait3A_815 = tpu.memref_squeeze %dma_wait3A_814 : memref<1x80x128xf32, #tpu.memory_space<vmem>> -> memref<80x128xf32, #tpu.memory_space<vmem>>
      %dma_wait3A_816 = arith.constant 0 : i32
      %dma_wait3A_817 = arith.constant 0 : i32
      %dma_wait3A_818 = tpu.memref_slice %dma_wait3A_815[%dma_wait3A_816, %dma_wait3A_817] : memref<80x128xf32, #tpu.memory_space<vmem>> -> memref<16x128xf32, #tpu.memory_space<vmem>>
      %dma_wait3A_819 = arith.constant 0 : i32
      %dma_wait3A_820 = arith.constant 0 : i32
      %dma_wait3A_821 = tpu.memref_slice %arg5[%dma_wait3A_819, %dma_wait3A_820] : memref<10000x128xf32, #tpu.memory_space<vmem_shared>> -> memref<16x128xf32, #tpu.memory_space<vmem_shared>>
      %dma_wait3A_822 = arith.constant 0 : i32
      %dma_wait3A_823 = arith.constant 0 : i32
      %dma_wait3A_824 = tpu.memref_slice %arg5[%dma_wait3A_822, %dma_wait3A_823] : memref<10000x128xf32, #tpu.memory_space<vmem_shared>> -> memref<16x128xf32, #tpu.memory_space<vmem_shared>>
      %dma_wait3A_825 = arith.constant 0 : i32
      %dma_wait3A_826 = arith.constant 0 : i32
      %dma_wait3A_827 = tpu.memref_slice %arg6[%dma_wait3A_811, %dma_wait3A_825, %dma_wait3A_826] : memref<4x80x128xf32, #tpu.memory_space<vmem>> -> memref<1x80x128xf32, #tpu.memory_space<vmem>>
      %dma_wait3A_828 = tpu.memref_squeeze %dma_wait3A_827 : memref<1x80x128xf32, #tpu.memory_space<vmem>> -> memref<80x128xf32, #tpu.memory_space<vmem>>
      %dma_wait3A_829 = arith.constant 0 : i32
      %dma_wait3A_830 = arith.constant 0 : i32
      %dma_wait3A_831 = tpu.memref_slice %dma_wait3A_828[%dma_wait3A_829, %dma_wait3A_830] : memref<80x128xf32, #tpu.memory_space<vmem>> -> memref<16x128xf32, #tpu.memory_space<vmem>>
      tpu.wait_dma2 semaphore(%arg33 : memref<!tpu.dma_semaphore, #tpu.memory_space<semaphore_mem>>) src(%dma_wait3A_831 : memref<16x128xf32, #tpu.memory_space<vmem>>) dst(%dma_wait3A_824 : memref<16x128xf32, #tpu.memory_space<vmem_shared>>)
    } else {
    }
    %barrier3A = arith.constant 0 : index
    tpu.barrier barrier_id(%barrier3A)
    %dma_wait3A_436 = arith.constant 0 : i32
    %dma_wait3A_437 = arith.constant 0 : i32
    %dma_wait3A_438 = tpu.memref_slice %arg7[%dma_wait3A_436, %dma_wait3A_437] : memref<8x80xi32, #tpu.memory_space<vmem>> -> memref<1x80xi32, #tpu.memory_space<vmem>>
    %dma_wait3A_439 = tpu.memref_squeeze %dma_wait3A_438 : memref<1x80xi32, #tpu.memory_space<vmem>> -> memref<80xi32, #tpu.memory_space<vmem>>
    %dma_wait3A_440 = arith.constant 0 : i32
    %dma_wait3A_441 = tpu.memref_slice %arg3[%dma_wait3A_440] : memref<640000xi32, #tpu.memory_space<hbm>> -> memref<80xi32, #tpu.memory_space<hbm>>
    %dma_wait3A_442 = arith.constant 0 : i32
    %dma_wait3A_443 = tpu.memref_slice %arg7[%dma_wait3A_436, %dma_wait3A_442] : memref<8x80xi32, #tpu.memory_space<vmem>> -> memref<1x80xi32, #tpu.memory_space<vmem>>
    %dma_wait3A_444 = tpu.memref_squeeze %dma_wait3A_443 : memref<1x80xi32, #tpu.memory_space<vmem>> -> memref<80xi32, #tpu.memory_space<vmem>>
    %dma_wait3A_445 = arith.constant 0 : i32
    %dma_wait3A_446 = tpu.memref_slice %arg3[%dma_wait3A_445] : memref<640000xi32, #tpu.memory_space<hbm>> -> memref<80xi32, #tpu.memory_space<hbm>>
    tpu.wait_dma2 semaphore(%arg9 : memref<!tpu.dma_semaphore, #tpu.memory_space<semaphore_mem>>) src(%dma_wait3A_446 : memref<80xi32, #tpu.memory_space<hbm>>) dst(%dma_wait3A_444 : memref<80xi32, #tpu.memory_space<vmem>>)
    %dma_wait3A_447 = arith.constant 0 : i32
    %dma_wait3A_448 = arith.constant 0 : i32
    %dma_wait3A_449 = tpu.memref_slice %arg8[%dma_wait3A_447, %dma_wait3A_448] : memref<8x80xi32, #tpu.memory_space<vmem>> -> memref<1x80xi32, #tpu.memory_space<vmem>>
    %dma_wait3A_450 = tpu.memref_squeeze %dma_wait3A_449 : memref<1x80xi32, #tpu.memory_space<vmem>> -> memref<80xi32, #tpu.memory_space<vmem>>
    %dma_wait3A_451 = arith.constant 0 : i32
    %dma_wait3A_452 = tpu.memref_slice %arg3[%dma_wait3A_451] : memref<640000xi32, #tpu.memory_space<hbm>> -> memref<80xi32, #tpu.memory_space<hbm>>
    %dma_wait3A_453 = arith.constant 0 : i32
    %dma_wait3A_454 = tpu.memref_slice %arg8[%dma_wait3A_447, %dma_wait3A_453] : memref<8x80xi32, #tpu.memory_space<vmem>> -> memref<1x80xi32, #tpu.memory_space<vmem>>
    %dma_wait3A_455 = tpu.memref_squeeze %dma_wait3A_454 : memref<1x80xi32, #tpu.memory_space<vmem>> -> memref<80xi32, #tpu.memory_space<vmem>>
    %dma_wait3A_456 = arith.constant 0 : i32
    %dma_wait3A_457 = tpu.memref_slice %arg3[%dma_wait3A_456] : memref<640000xi32, #tpu.memory_space<hbm>> -> memref<80xi32, #tpu.memory_space<hbm>>
    tpu.wait_dma2 semaphore(%arg17 : memref<!tpu.dma_semaphore, #tpu.memory_space<semaphore_mem>>) src(%dma_wait3A_457 : memref<80xi32, #tpu.memory_space<hbm>>) dst(%dma_wait3A_455 : memref<80xi32, #tpu.memory_space<vmem>>)
    %dma_start3A_458 = arith.constant 0 : i32
    %dma_start3A_459 = arith.constant 0 : i32
    %dma_start3A_460 = arith.constant 0 : i32
    %dma_start3A_461 = arith.constant 0 : i32
    %dma_start3A_462 = tpu.memref_slice %arg6[%dma_start3A_459, %dma_start3A_460, %dma_start3A_461] : memref<4x80x128xf32, #tpu.memory_space<vmem>> -> memref<1x80x128xf32, #tpu.memory_space<vmem>>
    %dma_start3A_463 = tpu.memref_squeeze %dma_start3A_462 : memref<1x80x128xf32, #tpu.memory_space<vmem>> -> memref<80x128xf32, #tpu.memory_space<vmem>>
    %dma_start3A_464 = arith.constant 0 : i32
    %dma_start3A_465 = tpu.memref_slice %arg7[%dma_start3A_458, %dma_start3A_464] : memref<8x80xi32, #tpu.memory_space<vmem>> -> memref<1x80xi32, #tpu.memory_space<vmem>>
    %dma_start3A_466 = tpu.memref_squeeze %dma_start3A_465 : memref<1x80xi32, #tpu.memory_space<vmem>> -> memref<80xi32, #tpu.memory_space<vmem>>
    %dma_start3A_467 = arith.constant 0 : i32
    %dma_start3A_468 = arith.constant 0 : i32
    %dma_start3A_469 = tpu.memref_slice %arg2[%dma_start3A_467, %dma_start3A_468] : memref<10000x128xf32, #tpu.memory_space<hbm>> -> memref<10000x128xf32, #tpu.memory_space<hbm>>
    tpu.enqueue_indirect_dma source(%dma_start3A_469 : memref<10000x128xf32, #tpu.memory_space<hbm>>) target(%dma_start3A_463 : memref<80x128xf32, #tpu.memory_space<vmem>>) offsets(%dma_start3A_466 : memref<80xi32, #tpu.memory_space<vmem>>) semaphore(%arg25 : memref<!tpu.dma_semaphore, #tpu.memory_space<semaphore_mem>>)
    %dma_wait3A_470 = arith.constant 1 : i32
    %dma_wait3A_471 = arith.constant 0 : i32
    %dma_wait3A_472 = tpu.memref_slice %arg7[%dma_wait3A_470, %dma_wait3A_471] : memref<8x80xi32, #tpu.memory_space<vmem>> -> memref<1x80xi32, #tpu.memory_space<vmem>>
    %dma_wait3A_473 = tpu.memref_squeeze %dma_wait3A_472 : memref<1x80xi32, #tpu.memory_space<vmem>> -> memref<80xi32, #tpu.memory_space<vmem>>
    %dma_wait3A_474 = arith.constant 0 : i32
    %dma_wait3A_475 = tpu.memref_slice %arg3[%dma_wait3A_474] : memref<640000xi32, #tpu.memory_space<hbm>> -> memref<80xi32, #tpu.memory_space<hbm>>
    %dma_wait3A_476 = arith.constant 0 : i32
    %dma_wait3A_477 = tpu.memref_slice %arg7[%dma_wait3A_470, %dma_wait3A_476] : memref<8x80xi32, #tpu.memory_space<vmem>> -> memref<1x80xi32, #tpu.memory_space<vmem>>
    %dma_wait3A_478 = tpu.memref_squeeze %dma_wait3A_477 : memref<1x80xi32, #tpu.memory_space<vmem>> -> memref<80xi32, #tpu.memory_space<vmem>>
    %dma_wait3A_479 = arith.constant 0 : i32
    %dma_wait3A_480 = tpu.memref_slice %arg3[%dma_wait3A_479] : memref<640000xi32, #tpu.memory_space<hbm>> -> memref<80xi32, #tpu.memory_space<hbm>>
    tpu.wait_dma2 semaphore(%arg10 : memref<!tpu.dma_semaphore, #tpu.memory_space<semaphore_mem>>) src(%dma_wait3A_480 : memref<80xi32, #tpu.memory_space<hbm>>) dst(%dma_wait3A_478 : memref<80xi32, #tpu.memory_space<vmem>>)
    %dma_wait3A_481 = arith.constant 1 : i32
    %dma_wait3A_482 = arith.constant 0 : i32
    %dma_wait3A_483 = tpu.memref_slice %arg8[%dma_wait3A_481, %dma_wait3A_482] : memref<8x80xi32, #tpu.memory_space<vmem>> -> memref<1x80xi32, #tpu.memory_space<vmem>>
    %dma_wait3A_484 = tpu.memref_squeeze %dma_wait3A_483 : memref<1x80xi32, #tpu.memory_space<vmem>> -> memref<80xi32, #tpu.memory_space<vmem>>
    %dma_wait3A_485 = arith.constant 0 : i32
    %dma_wait3A_486 = tpu.memref_slice %arg3[%dma_wait3A_485] : memref<640000xi32, #tpu.memory_space<hbm>> -> memref<80xi32, #tpu.memory_space<hbm>>
    %dma_wait3A_487 = arith.constant 0 : i32
    %dma_wait3A_488 = tpu.memref_slice %arg8[%dma_wait3A_481, %dma_wait3A_487] : memref<8x80xi32, #tpu.memory_space<vmem>> -> memref<1x80xi32, #tpu.memory_space<vmem>>
    %dma_wait3A_489 = tpu.memref_squeeze %dma_wait3A_488 : memref<1x80xi32, #tpu.memory_space<vmem>> -> memref<80xi32, #tpu.memory_space<vmem>>
    %dma_wait3A_490 = arith.constant 0 : i32
    %dma_wait3A_491 = tpu.memref_slice %arg3[%dma_wait3A_490] : memref<640000xi32, #tpu.memory_space<hbm>> -> memref<80xi32, #tpu.memory_space<hbm>>
    tpu.wait_dma2 semaphore(%arg18 : memref<!tpu.dma_semaphore, #tpu.memory_space<semaphore_mem>>) src(%dma_wait3A_491 : memref<80xi32, #tpu.memory_space<hbm>>) dst(%dma_wait3A_489 : memref<80xi32, #tpu.memory_space<vmem>>)
    %dma_start3A_492 = arith.constant 1 : i32
    %dma_start3A_493 = arith.constant 1 : i32
    %dma_start3A_494 = arith.constant 0 : i32
    %dma_start3A_495 = arith.constant 0 : i32
    %dma_start3A_496 = tpu.memref_slice %arg6[%dma_start3A_493, %dma_start3A_494, %dma_start3A_495] : memref<4x80x128xf32, #tpu.memory_space<vmem>> -> memref<1x80x128xf32, #tpu.memory_space<vmem>>
    %dma_start3A_497 = tpu.memref_squeeze %dma_start3A_496 : memref<1x80x128xf32, #tpu.memory_space<vmem>> -> memref<80x128xf32, #tpu.memory_space<vmem>>
    %dma_start3A_498 = arith.constant 0 : i32
    %dma_start3A_499 = tpu.memref_slice %arg7[%dma_start3A_492, %dma_start3A_498] : memref<8x80xi32, #tpu.memory_space<vmem>> -> memref<1x80xi32, #tpu.memory_space<vmem>>
    %dma_start3A_500 = tpu.memref_squeeze %dma_start3A_499 : memref<1x80xi32, #tpu.memory_space<vmem>> -> memref<80xi32, #tpu.memory_space<vmem>>
    %dma_start3A_501 = arith.constant 0 : i32
    %dma_start3A_502 = arith.constant 0 : i32
    %dma_start3A_503 = tpu.memref_slice %arg2[%dma_start3A_501, %dma_start3A_502] : memref<10000x128xf32, #tpu.memory_space<hbm>> -> memref<10000x128xf32, #tpu.memory_space<hbm>>
    tpu.enqueue_indirect_dma source(%dma_start3A_503 : memref<10000x128xf32, #tpu.memory_space<hbm>>) target(%dma_start3A_497 : memref<80x128xf32, #tpu.memory_space<vmem>>) offsets(%dma_start3A_500 : memref<80xi32, #tpu.memory_space<vmem>>) semaphore(%arg26 : memref<!tpu.dma_semaphore, #tpu.memory_space<semaphore_mem>>)
    %dma_wait3A_504 = arith.constant 2 : i32
    %dma_wait3A_505 = arith.constant 0 : i32
    %dma_wait3A_506 = tpu.memref_slice %arg7[%dma_wait3A_504, %dma_wait3A_505] : memref<8x80xi32, #tpu.memory_space<vmem>> -> memref<1x80xi32, #tpu.memory_space<vmem>>
    %dma_wait3A_507 = tpu.memref_squeeze %dma_wait3A_506 : memref<1x80xi32, #tpu.memory_space<vmem>> -> memref<80xi32, #tpu.memory_space<vmem>>
    %dma_wait3A_508 = arith.constant 0 : i32
    %dma_wait3A_509 = tpu.memref_slice %arg3[%dma_wait3A_508] : memref<640000xi32, #tpu.memory_space<hbm>> -> memref<80xi32, #tpu.memory_space<hbm>>
    %dma_wait3A_510 = arith.constant 0 : i32
    %dma_wait3A_511 = tpu.memref_slice %arg7[%dma_wait3A_504, %dma_wait3A_510] : memref<8x80xi32, #tpu.memory_space<vmem>> -> memref<1x80xi32, #tpu.memory_space<vmem>>
    %dma_wait3A_512 = tpu.memref_squeeze %dma_wait3A_511 : memref<1x80xi32, #tpu.memory_space<vmem>> -> memref<80xi32, #tpu.memory_space<vmem>>
    %dma_wait3A_513 = arith.constant 0 : i32
    %dma_wait3A_514 = tpu.memref_slice %arg3[%dma_wait3A_513] : memref<640000xi32, #tpu.memory_space<hbm>> -> memref<80xi32, #tpu.memory_space<hbm>>
    tpu.wait_dma2 semaphore(%arg11 : memref<!tpu.dma_semaphore, #tpu.memory_space<semaphore_mem>>) src(%dma_wait3A_514 : memref<80xi32, #tpu.memory_space<hbm>>) dst(%dma_wait3A_512 : memref<80xi32, #tpu.memory_space<vmem>>)
    %dma_wait3A_515 = arith.constant 2 : i32
    %dma_wait3A_516 = arith.constant 0 : i32
    %dma_wait3A_517 = tpu.memref_slice %arg8[%dma_wait3A_515, %dma_wait3A_516] : memref<8x80xi32, #tpu.memory_space<vmem>> -> memref<1x80xi32, #tpu.memory_space<vmem>>
    %dma_wait3A_518 = tpu.memref_squeeze %dma_wait3A_517 : memref<1x80xi32, #tpu.memory_space<vmem>> -> memref<80xi32, #tpu.memory_space<vmem>>
    %dma_wait3A_519 = arith.constant 0 : i32
    %dma_wait3A_520 = tpu.memref_slice %arg3[%dma_wait3A_519] : memref<640000xi32, #tpu.memory_space<hbm>> -> memref<80xi32, #tpu.memory_space<hbm>>
    %dma_wait3A_521 = arith.constant 0 : i32
    %dma_wait3A_522 = tpu.memref_slice %arg8[%dma_wait3A_515, %dma_wait3A_521] : memref<8x80xi32, #tpu.memory_space<vmem>> -> memref<1x80xi32, #tpu.memory_space<vmem>>
    %dma_wait3A_523 = tpu.memref_squeeze %dma_wait3A_522 : memref<1x80xi32, #tpu.memory_space<vmem>> -> memref<80xi32, #tpu.memory_space<vmem>>
    %dma_wait3A_524 = arith.constant 0 : i32
    %dma_wait3A_525 = tpu.memref_slice %arg3[%dma_wait3A_524] : memref<640000xi32, #tpu.memory_space<hbm>> -> memref<80xi32, #tpu.memory_space<hbm>>
    tpu.wait_dma2 semaphore(%arg19 : memref<!tpu.dma_semaphore, #tpu.memory_space<semaphore_mem>>) src(%dma_wait3A_525 : memref<80xi32, #tpu.memory_space<hbm>>) dst(%dma_wait3A_523 : memref<80xi32, #tpu.memory_space<vmem>>)
    %dma_start3A_526 = arith.constant 2 : i32
    %dma_start3A_527 = arith.constant 2 : i32
    %dma_start3A_528 = arith.constant 0 : i32
    %dma_start3A_529 = arith.constant 0 : i32
    %dma_start3A_530 = tpu.memref_slice %arg6[%dma_start3A_527, %dma_start3A_528, %dma_start3A_529] : memref<4x80x128xf32, #tpu.memory_space<vmem>> -> memref<1x80x128xf32, #tpu.memory_space<vmem>>
    %dma_start3A_531 = tpu.memref_squeeze %dma_start3A_530 : memref<1x80x128xf32, #tpu.memory_space<vmem>> -> memref<80x128xf32, #tpu.memory_space<vmem>>
    %dma_start3A_532 = arith.constant 0 : i32
    %dma_start3A_533 = tpu.memref_slice %arg7[%dma_start3A_526, %dma_start3A_532] : memref<8x80xi32, #tpu.memory_space<vmem>> -> memref<1x80xi32, #tpu.memory_space<vmem>>
    %dma_start3A_534 = tpu.memref_squeeze %dma_start3A_533 : memref<1x80xi32, #tpu.memory_space<vmem>> -> memref<80xi32, #tpu.memory_space<vmem>>
    %dma_start3A_535 = arith.constant 0 : i32
    %dma_start3A_536 = arith.constant 0 : i32
    %dma_start3A_537 = tpu.memref_slice %arg2[%dma_start3A_535, %dma_start3A_536] : memref<10000x128xf32, #tpu.memory_space<hbm>> -> memref<10000x128xf32, #tpu.memory_space<hbm>>
    tpu.enqueue_indirect_dma source(%dma_start3A_537 : memref<10000x128xf32, #tpu.memory_space<hbm>>) target(%dma_start3A_531 : memref<80x128xf32, #tpu.memory_space<vmem>>) offsets(%dma_start3A_534 : memref<80xi32, #tpu.memory_space<vmem>>) semaphore(%arg27 : memref<!tpu.dma_semaphore, #tpu.memory_space<semaphore_mem>>)
    %scan3A_538 = arith.constant 0 : i32
    %scan3A_539 = arith.constant 0 : i32
    %scan3A_540 = arith.constant 15 : i32
    %scan3A_541 = arith.addi %scan3A_539, %scan3A_540 : i32
    %scan3A_542 = arith.constant 1 : i32
    scf.for %scan3A_811 = %scan3A_539 to %scan3A_541 step %scan3A_542  : i32 {
      %mul3A_812 = arith.constant 8 : i32
      %mul3A_813 = arith.muli %scan3A_811, %mul3A_812 : i32
      %add3A_814 = arith.constant 0 : i32
      %add3A_815 = arith.addi %mul3A_813, %add3A_814 : i32
      %add3A_816 = arith.constant 3 : i32
      %add3A_817 = arith.addi %add3A_815, %add3A_816 : i32
      %lt3A_818 = arith.constant 125 : i32
      %lt3A_819 = arith.cmpi slt, %add3A_817, %lt3A_818 : i32
      %convert_element_type3A_820 = arith.extui %lt3A_819 : i1 to i32
      %cond3A_821 = arith.constant 0 : i32
      %cond3A_822 = arith.cmpi ne, %convert_element_type3A_820, %cond3A_821 : i32
      scf.if %cond3A_822 {
        %dma_wait3A_1148 = arith.constant 3 : i32
        %dma_wait3A_1149 = arith.constant 0 : i32
        %dma_wait3A_1150 = tpu.memref_slice %arg7[%dma_wait3A_1148, %dma_wait3A_1149] : memref<8x80xi32, #tpu.memory_space<vmem>> -> memref<1x80xi32, #tpu.memory_space<vmem>>
        %dma_wait3A_1151 = tpu.memref_squeeze %dma_wait3A_1150 : memref<1x80xi32, #tpu.memory_space<vmem>> -> memref<80xi32, #tpu.memory_space<vmem>>
        %dma_wait3A_1152 = arith.constant 0 : i32
        %dma_wait3A_1153 = tpu.memref_slice %arg3[%dma_wait3A_1152] : memref<640000xi32, #tpu.memory_space<hbm>> -> memref<80xi32, #tpu.memory_space<hbm>>
        %dma_wait3A_1154 = arith.constant 0 : i32
        %dma_wait3A_1155 = tpu.memref_slice %arg7[%dma_wait3A_1148, %dma_wait3A_1154] : memref<8x80xi32, #tpu.memory_space<vmem>> -> memref<1x80xi32, #tpu.memory_space<vmem>>
        %dma_wait3A_1156 = tpu.memref_squeeze %dma_wait3A_1155 : memref<1x80xi32, #tpu.memory_space<vmem>> -> memref<80xi32, #tpu.memory_space<vmem>>
        %dma_wait3A_1157 = arith.constant 0 : i32
        %dma_wait3A_1158 = tpu.memref_slice %arg3[%dma_wait3A_1157] : memref<640000xi32, #tpu.memory_space<hbm>> -> memref<80xi32, #tpu.memory_space<hbm>>
        tpu.wait_dma2 semaphore(%arg12 : memref<!tpu.dma_semaphore, #tpu.memory_space<semaphore_mem>>) src(%dma_wait3A_1158 : memref<80xi32, #tpu.memory_space<hbm>>) dst(%dma_wait3A_1156 : memref<80xi32, #tpu.memory_space<vmem>>)
        %dma_wait3A_1159 = arith.constant 3 : i32
        %dma_wait3A_1160 = arith.constant 0 : i32
        %dma_wait3A_1161 = tpu.memref_slice %arg8[%dma_wait3A_1159, %dma_wait3A_1160] : memref<8x80xi32, #tpu.memory_space<vmem>> -> memref<1x80xi32, #tpu.memory_space<vmem>>
        %dma_wait3A_1162 = tpu.memref_squeeze %dma_wait3A_1161 : memref<1x80xi32, #tpu.memory_space<vmem>> -> memref<80xi32, #tpu.memory_space<vmem>>
        %dma_wait3A_1163 = arith.constant 0 : i32
        %dma_wait3A_1164 = tpu.memref_slice %arg3[%dma_wait3A_1163] : memref<640000xi32, #tpu.memory_space<hbm>> -> memref<80xi32, #tpu.memory_space<hbm>>
        %dma_wait3A_1165 = arith.constant 0 : i32
        %dma_wait3A_1166 = tpu.memref_slice %arg8[%dma_wait3A_1159, %dma_wait3A_1165] : memref<8x80xi32, #tpu.memory_space<vmem>> -> memref<1x80xi32, #tpu.memory_space<vmem>>
        %dma_wait3A_1167 = tpu.memref_squeeze %dma_wait3A_1166 : memref<1x80xi32, #tpu.memory_space<vmem>> -> memref<80xi32, #tpu.memory_space<vmem>>
        %dma_wait3A_1168 = arith.constant 0 : i32
        %dma_wait3A_1169 = tpu.memref_slice %arg3[%dma_wait3A_1168] : memref<640000xi32, #tpu.memory_space<hbm>> -> memref<80xi32, #tpu.memory_space<hbm>>
        tpu.wait_dma2 semaphore(%arg20 : memref<!tpu.dma_semaphore, #tpu.memory_space<semaphore_mem>>) src(%dma_wait3A_1169 : memref<80xi32, #tpu.memory_space<hbm>>) dst(%dma_wait3A_1167 : memref<80xi32, #tpu.memory_space<vmem>>)
        %sub3A = arith.constant 1 : i32
        %sub3A_1170 = arith.subi %add3A_815, %sub3A : i32
        %ge3A = arith.constant 0 : i32
        %ge3A_1171 = arith.cmpi sge, %sub3A_1170, %ge3A : i32
        %convert_element_type3A_1172 = arith.extui %ge3A_1171 : i1 to i32
        %cond3A_1173 = arith.constant 0 : i32
        %cond3A_1174 = arith.cmpi ne, %convert_element_type3A_1172, %cond3A_1173 : i32
        scf.if %cond3A_1174 {
          %dma_wait3A_1187 = arith.constant 3 : i32
          %dma_wait3A_1188 = arith.constant 0 : i32
          %dma_wait3A_1189 = arith.constant 0 : i32
          %dma_wait3A_1190 = arith.constant 0 : i32
          %dma_wait3A_1191 = tpu.memref_slice %arg6[%dma_wait3A_1187, %dma_wait3A_1189, %dma_wait3A_1190] : memref<4x80x128xf32, #tpu.memory_space<vmem>> -> memref<1x80x128xf32, #tpu.memory_space<vmem>>
          %dma_wait3A_1192 = tpu.memref_squeeze %dma_wait3A_1191 : memref<1x80x128xf32, #tpu.memory_space<vmem>> -> memref<80x128xf32, #tpu.memory_space<vmem>>
          %dma_wait3A_1193 = arith.constant 0 : i32
          %dma_wait3A_1194 = tpu.memref_slice %arg8[%dma_wait3A_1188, %dma_wait3A_1193] : memref<8x80xi32, #tpu.memory_space<vmem>> -> memref<1x80xi32, #tpu.memory_space<vmem>>
          %dma_wait3A_1195 = tpu.memref_squeeze %dma_wait3A_1194 : memref<1x80xi32, #tpu.memory_space<vmem>> -> memref<80xi32, #tpu.memory_space<vmem>>
          %dma_wait3A_1196 = arith.constant 0 : i32
          %dma_wait3A_1197 = arith.constant 0 : i32
          %dma_wait3A_1198 = tpu.memref_slice %arg5[%dma_wait3A_1196, %dma_wait3A_1197] : memref<10000x128xf32, #tpu.memory_space<vmem_shared>> -> memref<10000x128xf32, #tpu.memory_space<vmem_shared>>
          tpu.wait_indirect_dma semaphore(%arg32 : memref<!tpu.dma_semaphore, #tpu.memory_space<semaphore_mem>>) src(%dma_wait3A_1192 : memref<80x128xf32, #tpu.memory_space<vmem>>) dst(%dma_wait3A_1198 : memref<10000x128xf32, #tpu.memory_space<vmem_shared>>)
        } else {
        }
        %dma_start3A_1175 = arith.constant 3 : i32
        %dma_start3A_1176 = arith.constant 3 : i32
        %dma_start3A_1177 = arith.constant 0 : i32
        %dma_start3A_1178 = arith.constant 0 : i32
        %dma_start3A_1179 = tpu.memref_slice %arg6[%dma_start3A_1176, %dma_start3A_1177, %dma_start3A_1178] : memref<4x80x128xf32, #tpu.memory_space<vmem>> -> memref<1x80x128xf32, #tpu.memory_space<vmem>>
        %dma_start3A_1180 = tpu.memref_squeeze %dma_start3A_1179 : memref<1x80x128xf32, #tpu.memory_space<vmem>> -> memref<80x128xf32, #tpu.memory_space<vmem>>
        %dma_start3A_1181 = arith.constant 0 : i32
        %dma_start3A_1182 = tpu.memref_slice %arg7[%dma_start3A_1175, %dma_start3A_1181] : memref<8x80xi32, #tpu.memory_space<vmem>> -> memref<1x80xi32, #tpu.memory_space<vmem>>
        %dma_start3A_1183 = tpu.memref_squeeze %dma_start3A_1182 : memref<1x80xi32, #tpu.memory_space<vmem>> -> memref<80xi32, #tpu.memory_space<vmem>>
        %dma_start3A_1184 = arith.constant 0 : i32
        %dma_start3A_1185 = arith.constant 0 : i32
        %dma_start3A_1186 = tpu.memref_slice %arg2[%dma_start3A_1184, %dma_start3A_1185] : memref<10000x128xf32, #tpu.memory_space<hbm>> -> memref<10000x128xf32, #tpu.memory_space<hbm>>
        tpu.enqueue_indirect_dma source(%dma_start3A_1186 : memref<10000x128xf32, #tpu.memory_space<hbm>>) target(%dma_start3A_1180 : memref<80x128xf32, #tpu.memory_space<vmem>>) offsets(%dma_start3A_1183 : memref<80xi32, #tpu.memory_space<vmem>>) semaphore(%arg28 : memref<!tpu.dma_semaphore, #tpu.memory_space<semaphore_mem>>)
      } else {
      }
      %dma_wait3A_823 = arith.constant 0 : i32
      %dma_wait3A_824 = arith.constant 0 : i32
      %dma_wait3A_825 = arith.constant 0 : i32
      %dma_wait3A_826 = arith.constant 0 : i32
      %dma_wait3A_827 = tpu.memref_slice %arg6[%dma_wait3A_824, %dma_wait3A_825, %dma_wait3A_826] : memref<4x80x128xf32, #tpu.memory_space<vmem>> -> memref<1x80x128xf32, #tpu.memory_space<vmem>>
      %dma_wait3A_828 = tpu.memref_squeeze %dma_wait3A_827 : memref<1x80x128xf32, #tpu.memory_space<vmem>> -> memref<80x128xf32, #tpu.memory_space<vmem>>
      %dma_wait3A_829 = arith.constant 0 : i32
      %dma_wait3A_830 = tpu.memref_slice %arg7[%dma_wait3A_823, %dma_wait3A_829] : memref<8x80xi32, #tpu.memory_space<vmem>> -> memref<1x80xi32, #tpu.memory_space<vmem>>
      %dma_wait3A_831 = tpu.memref_squeeze %dma_wait3A_830 : memref<1x80xi32, #tpu.memory_space<vmem>> -> memref<80xi32, #tpu.memory_space<vmem>>
      %dma_wait3A_832 = arith.constant 0 : i32
      %dma_wait3A_833 = arith.constant 0 : i32
      %dma_wait3A_834 = tpu.memref_slice %arg2[%dma_wait3A_832, %dma_wait3A_833] : memref<10000x128xf32, #tpu.memory_space<hbm>> -> memref<10000x128xf32, #tpu.memory_space<hbm>>
      tpu.wait_indirect_dma semaphore(%arg25 : memref<!tpu.dma_semaphore, #tpu.memory_space<semaphore_mem>>) src(%dma_wait3A_834 : memref<10000x128xf32, #tpu.memory_space<hbm>>) dst(%dma_wait3A_828 : memref<80x128xf32, #tpu.memory_space<vmem>>)
      %dma_start3A_835 = arith.constant 0 : i32
      %dma_start3A_836 = arith.constant 0 : i32
      %dma_start3A_837 = arith.constant 0 : i32
      %dma_start3A_838 = arith.constant 0 : i32
      %dma_start3A_839 = tpu.memref_slice %arg6[%dma_start3A_835, %dma_start3A_837, %dma_start3A_838] : memref<4x80x128xf32, #tpu.memory_space<vmem>> -> memref<1x80x128xf32, #tpu.memory_space<vmem>>
      %dma_start3A_840 = tpu.memref_squeeze %dma_start3A_839 : memref<1x80x128xf32, #tpu.memory_space<vmem>> -> memref<80x128xf32, #tpu.memory_space<vmem>>
      %dma_start3A_841 = arith.constant 0 : i32
      %dma_start3A_842 = tpu.memref_slice %arg8[%dma_start3A_836, %dma_start3A_841] : memref<8x80xi32, #tpu.memory_space<vmem>> -> memref<1x80xi32, #tpu.memory_space<vmem>>
      %dma_start3A_843 = tpu.memref_squeeze %dma_start3A_842 : memref<1x80xi32, #tpu.memory_space<vmem>> -> memref<80xi32, #tpu.memory_space<vmem>>
      %dma_start3A_844 = arith.constant 0 : i32
      %dma_start3A_845 = arith.constant 0 : i32
      %dma_start3A_846 = tpu.memref_slice %arg5[%dma_start3A_844, %dma_start3A_845] : memref<10000x128xf32, #tpu.memory_space<vmem_shared>> -> memref<10000x128xf32, #tpu.memory_space<vmem_shared>>
      tpu.enqueue_indirect_dma source(%dma_start3A_840 : memref<80x128xf32, #tpu.memory_space<vmem>>) target(%dma_start3A_846 : memref<10000x128xf32, #tpu.memory_space<vmem_shared>>) offsets(%dma_start3A_843 : memref<80xi32, #tpu.memory_space<vmem>>) semaphore(%arg29 : memref<!tpu.dma_semaphore, #tpu.memory_space<semaphore_mem>>) {add = true}
      %add3A_847 = arith.constant 7 : i32
      %add3A_848 = arith.addi %add3A_815, %add3A_847 : i32
      %lt3A_849 = arith.constant 125 : i32
      %lt3A_850 = arith.cmpi slt, %add3A_848, %lt3A_849 : i32
      %convert_element_type3A_851 = arith.extui %lt3A_850 : i1 to i32
      %cond3A_852 = arith.constant 0 : i32
      %cond3A_853 = arith.cmpi ne, %convert_element_type3A_851, %cond3A_852 : i32
      scf.if %cond3A_853 {
        %add3A_1148 = arith.constant 7 : i32
        %add3A_1149 = arith.addi %add3A_815, %add3A_1148 : i32
        %mul3A_1150 = arith.constant 80 : i32
        %mul3A_1151 = arith.muli %add3A_1149, %mul3A_1150 : i32
        %add3A_1152 = arith.addi %mul3A_2, %mul3A_1151 : i32
        %dma_start3A_1153 = arith.constant 7 : i32
        %dma_start3A_1154 = arith.constant 0 : i32
        %dma_start3A_1155 = tpu.memref_slice %arg7[%dma_start3A_1153, %dma_start3A_1154] : memref<8x80xi32, #tpu.memory_space<vmem>> -> memref<1x80xi32, #tpu.memory_space<vmem>>
        %dma_start3A_1156 = tpu.memref_squeeze %dma_start3A_1155 : memref<1x80xi32, #tpu.memory_space<vmem>> -> memref<80xi32, #tpu.memory_space<vmem>>
        %dma_start3A_1157 = tpu.memref_slice %arg3[%add3A_1152] : memref<640000xi32, #tpu.memory_space<hbm>> -> memref<80xi32, #tpu.memory_space<hbm>>
        %dma_start3A_1158 = arith.constant 0 : i32
        %dma_start3A_1159 = tpu.memref_slice %arg7[%dma_start3A_1153, %dma_start3A_1158] : memref<8x80xi32, #tpu.memory_space<vmem>> -> memref<1x80xi32, #tpu.memory_space<vmem>>
        %dma_start3A_1160 = tpu.memref_squeeze %dma_start3A_1159 : memref<1x80xi32, #tpu.memory_space<vmem>> -> memref<80xi32, #tpu.memory_space<vmem>>
        %dma_start3A_1161 = tpu.memref_slice %arg3[%add3A_1152] : memref<640000xi32, #tpu.memory_space<hbm>> -> memref<80xi32, #tpu.memory_space<hbm>>
        tpu.enqueue_dma source(%dma_start3A_1161 : memref<80xi32, #tpu.memory_space<hbm>>) target(%dma_start3A_1160 : memref<80xi32, #tpu.memory_space<vmem>>) target_semaphore(%arg16 : memref<!tpu.dma_semaphore, #tpu.memory_space<semaphore_mem>>)
        %add3A_1162 = arith.constant 320000 : i32
        %add3A_1163 = arith.addi %add3A_1162, %add3A_1152 : i32
        %dma_start3A_1164 = arith.constant 7 : i32
        %dma_start3A_1165 = arith.constant 0 : i32
        %dma_start3A_1166 = tpu.memref_slice %arg8[%dma_start3A_1164, %dma_start3A_1165] : memref<8x80xi32, #tpu.memory_space<vmem>> -> memref<1x80xi32, #tpu.memory_space<vmem>>
        %dma_start3A_1167 = tpu.memref_squeeze %dma_start3A_1166 : memref<1x80xi32, #tpu.memory_space<vmem>> -> memref<80xi32, #tpu.memory_space<vmem>>
        %dma_start3A_1168 = tpu.memref_slice %arg3[%add3A_1163] : memref<640000xi32, #tpu.memory_space<hbm>> -> memref<80xi32, #tpu.memory_space<hbm>>
        %dma_start3A_1169 = arith.constant 0 : i32
        %dma_start3A_1170 = tpu.memref_slice %arg8[%dma_start3A_1164, %dma_start3A_1169] : memref<8x80xi32, #tpu.memory_space<vmem>> -> memref<1x80xi32, #tpu.memory_space<vmem>>
        %dma_start3A_1171 = tpu.memref_squeeze %dma_start3A_1170 : memref<1x80xi32, #tpu.memory_space<vmem>> -> memref<80xi32, #tpu.memory_space<vmem>>
        %dma_start3A_1172 = tpu.memref_slice %arg3[%add3A_1163] : memref<640000xi32, #tpu.memory_space<hbm>> -> memref<80xi32, #tpu.memory_space<hbm>>
        tpu.enqueue_dma source(%dma_start3A_1172 : memref<80xi32, #tpu.memory_space<hbm>>) target(%dma_start3A_1171 : memref<80xi32, #tpu.memory_space<vmem>>) target_semaphore(%arg24 : memref<!tpu.dma_semaphore, #tpu.memory_space<semaphore_mem>>)
      } else {
      }
      %mul3A_854 = arith.constant 8 : i32
      %mul3A_855 = arith.muli %scan3A_811, %mul3A_854 : i32
      %add3A_856 = arith.constant 1 : i32
      %add3A_857 = arith.addi %mul3A_855, %add3A_856 : i32
      %add3A_858 = arith.constant 3 : i32
      %add3A_859 = arith.addi %add3A_857, %add3A_858 : i32
      %lt3A_860 = arith.constant 125 : i32
      %lt3A_861 = arith.cmpi slt, %add3A_859, %lt3A_860 : i32
      %convert_element_type3A_862 = arith.extui %lt3A_861 : i1 to i32
      %cond3A_863 = arith.constant 0 : i32
      %cond3A_864 = arith.cmpi ne, %convert_element_type3A_862, %cond3A_863 : i32
      scf.if %cond3A_864 {
        %dma_wait3A_1148 = arith.constant 4 : i32
        %dma_wait3A_1149 = arith.constant 0 : i32
        %dma_wait3A_1150 = tpu.memref_slice %arg7[%dma_wait3A_1148, %dma_wait3A_1149] : memref<8x80xi32, #tpu.memory_space<vmem>> -> memref<1x80xi32, #tpu.memory_space<vmem>>
        %dma_wait3A_1151 = tpu.memref_squeeze %dma_wait3A_1150 : memref<1x80xi32, #tpu.memory_space<vmem>> -> memref<80xi32, #tpu.memory_space<vmem>>
        %dma_wait3A_1152 = arith.constant 0 : i32
        %dma_wait3A_1153 = tpu.memref_slice %arg3[%dma_wait3A_1152] : memref<640000xi32, #tpu.memory_space<hbm>> -> memref<80xi32, #tpu.memory_space<hbm>>
        %dma_wait3A_1154 = arith.constant 0 : i32
        %dma_wait3A_1155 = tpu.memref_slice %arg7[%dma_wait3A_1148, %dma_wait3A_1154] : memref<8x80xi32, #tpu.memory_space<vmem>> -> memref<1x80xi32, #tpu.memory_space<vmem>>
        %dma_wait3A_1156 = tpu.memref_squeeze %dma_wait3A_1155 : memref<1x80xi32, #tpu.memory_space<vmem>> -> memref<80xi32, #tpu.memory_space<vmem>>
        %dma_wait3A_1157 = arith.constant 0 : i32
        %dma_wait3A_1158 = tpu.memref_slice %arg3[%dma_wait3A_1157] : memref<640000xi32, #tpu.memory_space<hbm>> -> memref<80xi32, #tpu.memory_space<hbm>>
        tpu.wait_dma2 semaphore(%arg13 : memref<!tpu.dma_semaphore, #tpu.memory_space<semaphore_mem>>) src(%dma_wait3A_1158 : memref<80xi32, #tpu.memory_space<hbm>>) dst(%dma_wait3A_1156 : memref<80xi32, #tpu.memory_space<vmem>>)
        %dma_wait3A_1159 = arith.constant 4 : i32
        %dma_wait3A_1160 = arith.constant 0 : i32
        %dma_wait3A_1161 = tpu.memref_slice %arg8[%dma_wait3A_1159, %dma_wait3A_1160] : memref<8x80xi32, #tpu.memory_space<vmem>> -> memref<1x80xi32, #tpu.memory_space<vmem>>
        %dma_wait3A_1162 = tpu.memref_squeeze %dma_wait3A_1161 : memref<1x80xi32, #tpu.memory_space<vmem>> -> memref<80xi32, #tpu.memory_space<vmem>>
        %dma_wait3A_1163 = arith.constant 0 : i32
        %dma_wait3A_1164 = tpu.memref_slice %arg3[%dma_wait3A_1163] : memref<640000xi32, #tpu.memory_space<hbm>> -> memref<80xi32, #tpu.memory_space<hbm>>
        %dma_wait3A_1165 = arith.constant 0 : i32
        %dma_wait3A_1166 = tpu.memref_slice %arg8[%dma_wait3A_1159, %dma_wait3A_1165] : memref<8x80xi32, #tpu.memory_space<vmem>> -> memref<1x80xi32, #tpu.memory_space<vmem>>
        %dma_wait3A_1167 = tpu.memref_squeeze %dma_wait3A_1166 : memref<1x80xi32, #tpu.memory_space<vmem>> -> memref<80xi32, #tpu.memory_space<vmem>>
        %dma_wait3A_1168 = arith.constant 0 : i32
        %dma_wait3A_1169 = tpu.memref_slice %arg3[%dma_wait3A_1168] : memref<640000xi32, #tpu.memory_space<hbm>> -> memref<80xi32, #tpu.memory_space<hbm>>
        tpu.wait_dma2 semaphore(%arg21 : memref<!tpu.dma_semaphore, #tpu.memory_space<semaphore_mem>>) src(%dma_wait3A_1169 : memref<80xi32, #tpu.memory_space<hbm>>) dst(%dma_wait3A_1167 : memref<80xi32, #tpu.memory_space<vmem>>)
        %sub3A = arith.constant 1 : i32
        %sub3A_1170 = arith.subi %add3A_857, %sub3A : i32
        %ge3A = arith.constant 0 : i32
        %ge3A_1171 = arith.cmpi sge, %sub3A_1170, %ge3A : i32
        %convert_element_type3A_1172 = arith.extui %ge3A_1171 : i1 to i32
        %cond3A_1173 = arith.constant 0 : i32
        %cond3A_1174 = arith.cmpi ne, %convert_element_type3A_1172, %cond3A_1173 : i32
        scf.if %cond3A_1174 {
          %dma_wait3A_1187 = arith.constant 0 : i32
          %dma_wait3A_1188 = arith.constant 0 : i32
          %dma_wait3A_1189 = arith.constant 0 : i32
          %dma_wait3A_1190 = arith.constant 0 : i32
          %dma_wait3A_1191 = tpu.memref_slice %arg6[%dma_wait3A_1187, %dma_wait3A_1189, %dma_wait3A_1190] : memref<4x80x128xf32, #tpu.memory_space<vmem>> -> memref<1x80x128xf32, #tpu.memory_space<vmem>>
          %dma_wait3A_1192 = tpu.memref_squeeze %dma_wait3A_1191 : memref<1x80x128xf32, #tpu.memory_space<vmem>> -> memref<80x128xf32, #tpu.memory_space<vmem>>
          %dma_wait3A_1193 = arith.constant 0 : i32
          %dma_wait3A_1194 = tpu.memref_slice %arg8[%dma_wait3A_1188, %dma_wait3A_1193] : memref<8x80xi32, #tpu.memory_space<vmem>> -> memref<1x80xi32, #tpu.memory_space<vmem>>
          %dma_wait3A_1195 = tpu.memref_squeeze %dma_wait3A_1194 : memref<1x80xi32, #tpu.memory_space<vmem>> -> memref<80xi32, #tpu.memory_space<vmem>>
          %dma_wait3A_1196 = arith.constant 0 : i32
          %dma_wait3A_1197 = arith.constant 0 : i32
          %dma_wait3A_1198 = tpu.memref_slice %arg5[%dma_wait3A_1196, %dma_wait3A_1197] : memref<10000x128xf32, #tpu.memory_space<vmem_shared>> -> memref<10000x128xf32, #tpu.memory_space<vmem_shared>>
          tpu.wait_indirect_dma semaphore(%arg29 : memref<!tpu.dma_semaphore, #tpu.memory_space<semaphore_mem>>) src(%dma_wait3A_1192 : memref<80x128xf32, #tpu.memory_space<vmem>>) dst(%dma_wait3A_1198 : memref<10000x128xf32, #tpu.memory_space<vmem_shared>>)
        } else {
        }
        %dma_start3A_1175 = arith.constant 4 : i32
        %dma_start3A_1176 = arith.constant 0 : i32
        %dma_start3A_1177 = arith.constant 0 : i32
        %dma_start3A_1178 = arith.constant 0 : i32
        %dma_start3A_1179 = tpu.memref_slice %arg6[%dma_start3A_1176, %dma_start3A_1177, %dma_start3A_1178] : memref<4x80x128xf32, #tpu.memory_space<vmem>> -> memref<1x80x128xf32, #tpu.memory_space<vmem>>
        %dma_start3A_1180 = tpu.memref_squeeze %dma_start3A_1179 : memref<1x80x128xf32, #tpu.memory_space<vmem>> -> memref<80x128xf32, #tpu.memory_space<vmem>>
        %dma_start3A_1181 = arith.constant 0 : i32
        %dma_start3A_1182 = tpu.memref_slice %arg7[%dma_start3A_1175, %dma_start3A_1181] : memref<8x80xi32, #tpu.memory_space<vmem>> -> memref<1x80xi32, #tpu.memory_space<vmem>>
        %dma_start3A_1183 = tpu.memref_squeeze %dma_start3A_1182 : memref<1x80xi32, #tpu.memory_space<vmem>> -> memref<80xi32, #tpu.memory_space<vmem>>
        %dma_start3A_1184 = arith.constant 0 : i32
        %dma_start3A_1185 = arith.constant 0 : i32
        %dma_start3A_1186 = tpu.memref_slice %arg2[%dma_start3A_1184, %dma_start3A_1185] : memref<10000x128xf32, #tpu.memory_space<hbm>> -> memref<10000x128xf32, #tpu.memory_space<hbm>>
        tpu.enqueue_indirect_dma source(%dma_start3A_1186 : memref<10000x128xf32, #tpu.memory_space<hbm>>) target(%dma_start3A_1180 : memref<80x128xf32, #tpu.memory_space<vmem>>) offsets(%dma_start3A_1183 : memref<80xi32, #tpu.memory_space<vmem>>) semaphore(%arg25 : memref<!tpu.dma_semaphore, #tpu.memory_space<semaphore_mem>>)
      } else {
      }
      %dma_wait3A_865 = arith.constant 0 : i32
      %dma_wait3A_866 = arith.constant 1 : i32
      %dma_wait3A_867 = arith.constant 0 : i32
      %dma_wait3A_868 = arith.constant 0 : i32
      %dma_wait3A_869 = tpu.memref_slice %arg6[%dma_wait3A_866, %dma_wait3A_867, %dma_wait3A_868] : memref<4x80x128xf32, #tpu.memory_space<vmem>> -> memref<1x80x128xf32, #tpu.memory_space<vmem>>
      %dma_wait3A_870 = tpu.memref_squeeze %dma_wait3A_869 : memref<1x80x128xf32, #tpu.memory_space<vmem>> -> memref<80x128xf32, #tpu.memory_space<vmem>>
      %dma_wait3A_871 = arith.constant 0 : i32
      %dma_wait3A_872 = tpu.memref_slice %arg7[%dma_wait3A_865, %dma_wait3A_871] : memref<8x80xi32, #tpu.memory_space<vmem>> -> memref<1x80xi32, #tpu.memory_space<vmem>>
      %dma_wait3A_873 = tpu.memref_squeeze %dma_wait3A_872 : memref<1x80xi32, #tpu.memory_space<vmem>> -> memref<80xi32, #tpu.memory_space<vmem>>
      %dma_wait3A_874 = arith.constant 0 : i32
      %dma_wait3A_875 = arith.constant 0 : i32
      %dma_wait3A_876 = tpu.memref_slice %arg2[%dma_wait3A_874, %dma_wait3A_875] : memref<10000x128xf32, #tpu.memory_space<hbm>> -> memref<10000x128xf32, #tpu.memory_space<hbm>>
      tpu.wait_indirect_dma semaphore(%arg26 : memref<!tpu.dma_semaphore, #tpu.memory_space<semaphore_mem>>) src(%dma_wait3A_876 : memref<10000x128xf32, #tpu.memory_space<hbm>>) dst(%dma_wait3A_870 : memref<80x128xf32, #tpu.memory_space<vmem>>)
      %dma_start3A_877 = arith.constant 1 : i32
      %dma_start3A_878 = arith.constant 1 : i32
      %dma_start3A_879 = arith.constant 0 : i32
      %dma_start3A_880 = arith.constant 0 : i32
      %dma_start3A_881 = tpu.memref_slice %arg6[%dma_start3A_877, %dma_start3A_879, %dma_start3A_880] : memref<4x80x128xf32, #tpu.memory_space<vmem>> -> memref<1x80x128xf32, #tpu.memory_space<vmem>>
      %dma_start3A_882 = tpu.memref_squeeze %dma_start3A_881 : memref<1x80x128xf32, #tpu.memory_space<vmem>> -> memref<80x128xf32, #tpu.memory_space<vmem>>
      %dma_start3A_883 = arith.constant 0 : i32
      %dma_start3A_884 = tpu.memref_slice %arg8[%dma_start3A_878, %dma_start3A_883] : memref<8x80xi32, #tpu.memory_space<vmem>> -> memref<1x80xi32, #tpu.memory_space<vmem>>
      %dma_start3A_885 = tpu.memref_squeeze %dma_start3A_884 : memref<1x80xi32, #tpu.memory_space<vmem>> -> memref<80xi32, #tpu.memory_space<vmem>>
      %dma_start3A_886 = arith.constant 0 : i32
      %dma_start3A_887 = arith.constant 0 : i32
      %dma_start3A_888 = tpu.memref_slice %arg5[%dma_start3A_886, %dma_start3A_887] : memref<10000x128xf32, #tpu.memory_space<vmem_shared>> -> memref<10000x128xf32, #tpu.memory_space<vmem_shared>>
      tpu.enqueue_indirect_dma source(%dma_start3A_882 : memref<80x128xf32, #tpu.memory_space<vmem>>) target(%dma_start3A_888 : memref<10000x128xf32, #tpu.memory_space<vmem_shared>>) offsets(%dma_start3A_885 : memref<80xi32, #tpu.memory_space<vmem>>) semaphore(%arg30 : memref<!tpu.dma_semaphore, #tpu.memory_space<semaphore_mem>>) {add = true}
      %add3A_889 = arith.constant 7 : i32
      %add3A_890 = arith.addi %add3A_857, %add3A_889 : i32
      %lt3A_891 = arith.constant 125 : i32
      %lt3A_892 = arith.cmpi slt, %add3A_890, %lt3A_891 : i32
      %convert_element_type3A_893 = arith.extui %lt3A_892 : i1 to i32
      %cond3A_894 = arith.constant 0 : i32
      %cond3A_895 = arith.cmpi ne, %convert_element_type3A_893, %cond3A_894 : i32
      scf.if %cond3A_895 {
        %add3A_1148 = arith.constant 7 : i32
        %add3A_1149 = arith.addi %add3A_857, %add3A_1148 : i32
        %mul3A_1150 = arith.constant 80 : i32
        %mul3A_1151 = arith.muli %add3A_1149, %mul3A_1150 : i32
        %add3A_1152 = arith.addi %mul3A_2, %mul3A_1151 : i32
        %dma_start3A_1153 = arith.constant 0 : i32
        %dma_start3A_1154 = arith.constant 0 : i32
        %dma_start3A_1155 = tpu.memref_slice %arg7[%dma_start3A_1153, %dma_start3A_1154] : memref<8x80xi32, #tpu.memory_space<vmem>> -> memref<1x80xi32, #tpu.memory_space<vmem>>
        %dma_start3A_1156 = tpu.memref_squeeze %dma_start3A_1155 : memref<1x80xi32, #tpu.memory_space<vmem>> -> memref<80xi32, #tpu.memory_space<vmem>>
        %dma_start3A_1157 = tpu.memref_slice %arg3[%add3A_1152] : memref<640000xi32, #tpu.memory_space<hbm>> -> memref<80xi32, #tpu.memory_space<hbm>>
        %dma_start3A_1158 = arith.constant 0 : i32
        %dma_start3A_1159 = tpu.memref_slice %arg7[%dma_start3A_1153, %dma_start3A_1158] : memref<8x80xi32, #tpu.memory_space<vmem>> -> memref<1x80xi32, #tpu.memory_space<vmem>>
        %dma_start3A_1160 = tpu.memref_squeeze %dma_start3A_1159 : memref<1x80xi32, #tpu.memory_space<vmem>> -> memref<80xi32, #tpu.memory_space<vmem>>
        %dma_start3A_1161 = tpu.memref_slice %arg3[%add3A_1152] : memref<640000xi32, #tpu.memory_space<hbm>> -> memref<80xi32, #tpu.memory_space<hbm>>
        tpu.enqueue_dma source(%dma_start3A_1161 : memref<80xi32, #tpu.memory_space<hbm>>) target(%dma_start3A_1160 : memref<80xi32, #tpu.memory_space<vmem>>) target_semaphore(%arg9 : memref<!tpu.dma_semaphore, #tpu.memory_space<semaphore_mem>>)
        %add3A_1162 = arith.constant 320000 : i32
        %add3A_1163 = arith.addi %add3A_1162, %add3A_1152 : i32
        %dma_start3A_1164 = arith.constant 0 : i32
        %dma_start3A_1165 = arith.constant 0 : i32
        %dma_start3A_1166 = tpu.memref_slice %arg8[%dma_start3A_1164, %dma_start3A_1165] : memref<8x80xi32, #tpu.memory_space<vmem>> -> memref<1x80xi32, #tpu.memory_space<vmem>>
        %dma_start3A_1167 = tpu.memref_squeeze %dma_start3A_1166 : memref<1x80xi32, #tpu.memory_space<vmem>> -> memref<80xi32, #tpu.memory_space<vmem>>
        %dma_start3A_1168 = tpu.memref_slice %arg3[%add3A_1163] : memref<640000xi32, #tpu.memory_space<hbm>> -> memref<80xi32, #tpu.memory_space<hbm>>
        %dma_start3A_1169 = arith.constant 0 : i32
        %dma_start3A_1170 = tpu.memref_slice %arg8[%dma_start3A_1164, %dma_start3A_1169] : memref<8x80xi32, #tpu.memory_space<vmem>> -> memref<1x80xi32, #tpu.memory_space<vmem>>
        %dma_start3A_1171 = tpu.memref_squeeze %dma_start3A_1170 : memref<1x80xi32, #tpu.memory_space<vmem>> -> memref<80xi32, #tpu.memory_space<vmem>>
        %dma_start3A_1172 = tpu.memref_slice %arg3[%add3A_1163] : memref<640000xi32, #tpu.memory_space<hbm>> -> memref<80xi32, #tpu.memory_space<hbm>>
        tpu.enqueue_dma source(%dma_start3A_1172 : memref<80xi32, #tpu.memory_space<hbm>>) target(%dma_start3A_1171 : memref<80xi32, #tpu.memory_space<vmem>>) target_semaphore(%arg17 : memref<!tpu.dma_semaphore, #tpu.memory_space<semaphore_mem>>)
      } else {
      }
      %mul3A_896 = arith.constant 8 : i32
      %mul3A_897 = arith.muli %scan3A_811, %mul3A_896 : i32
      %add3A_898 = arith.constant 2 : i32
      %add3A_899 = arith.addi %mul3A_897, %add3A_898 : i32
      %add3A_900 = arith.constant 3 : i32
      %add3A_901 = arith.addi %add3A_899, %add3A_900 : i32
      %lt3A_902 = arith.constant 125 : i32
      %lt3A_903 = arith.cmpi slt, %add3A_901, %lt3A_902 : i32
      %convert_element_type3A_904 = arith.extui %lt3A_903 : i1 to i32
      %cond3A_905 = arith.constant 0 : i32
      %cond3A_906 = arith.cmpi ne, %convert_element_type3A_904, %cond3A_905 : i32
      scf.if %cond3A_906 {
        %dma_wait3A_1148 = arith.constant 5 : i32
        %dma_wait3A_1149 = arith.constant 0 : i32
        %dma_wait3A_1150 = tpu.memref_slice %arg7[%dma_wait3A_1148, %dma_wait3A_1149] : memref<8x80xi32, #tpu.memory_space<vmem>> -> memref<1x80xi32, #tpu.memory_space<vmem>>
        %dma_wait3A_1151 = tpu.memref_squeeze %dma_wait3A_1150 : memref<1x80xi32, #tpu.memory_space<vmem>> -> memref<80xi32, #tpu.memory_space<vmem>>
        %dma_wait3A_1152 = arith.constant 0 : i32
        %dma_wait3A_1153 = tpu.memref_slice %arg3[%dma_wait3A_1152] : memref<640000xi32, #tpu.memory_space<hbm>> -> memref<80xi32, #tpu.memory_space<hbm>>
        %dma_wait3A_1154 = arith.constant 0 : i32
        %dma_wait3A_1155 = tpu.memref_slice %arg7[%dma_wait3A_1148, %dma_wait3A_1154] : memref<8x80xi32, #tpu.memory_space<vmem>> -> memref<1x80xi32, #tpu.memory_space<vmem>>
        %dma_wait3A_1156 = tpu.memref_squeeze %dma_wait3A_1155 : memref<1x80xi32, #tpu.memory_space<vmem>> -> memref<80xi32, #tpu.memory_space<vmem>>
        %dma_wait3A_1157 = arith.constant 0 : i32
        %dma_wait3A_1158 = tpu.memref_slice %arg3[%dma_wait3A_1157] : memref<640000xi32, #tpu.memory_space<hbm>> -> memref<80xi32, #tpu.memory_space<hbm>>
        tpu.wait_dma2 semaphore(%arg14 : memref<!tpu.dma_semaphore, #tpu.memory_space<semaphore_mem>>) src(%dma_wait3A_1158 : memref<80xi32, #tpu.memory_space<hbm>>) dst(%dma_wait3A_1156 : memref<80xi32, #tpu.memory_space<vmem>>)
        %dma_wait3A_1159 = arith.constant 5 : i32
        %dma_wait3A_1160 = arith.constant 0 : i32
        %dma_wait3A_1161 = tpu.memref_slice %arg8[%dma_wait3A_1159, %dma_wait3A_1160] : memref<8x80xi32, #tpu.memory_space<vmem>> -> memref<1x80xi32, #tpu.memory_space<vmem>>
        %dma_wait3A_1162 = tpu.memref_squeeze %dma_wait3A_1161 : memref<1x80xi32, #tpu.memory_space<vmem>> -> memref<80xi32, #tpu.memory_space<vmem>>
        %dma_wait3A_1163 = arith.constant 0 : i32
        %dma_wait3A_1164 = tpu.memref_slice %arg3[%dma_wait3A_1163] : memref<640000xi32, #tpu.memory_space<hbm>> -> memref<80xi32, #tpu.memory_space<hbm>>
        %dma_wait3A_1165 = arith.constant 0 : i32
        %dma_wait3A_1166 = tpu.memref_slice %arg8[%dma_wait3A_1159, %dma_wait3A_1165] : memref<8x80xi32, #tpu.memory_space<vmem>> -> memref<1x80xi32, #tpu.memory_space<vmem>>
        %dma_wait3A_1167 = tpu.memref_squeeze %dma_wait3A_1166 : memref<1x80xi32, #tpu.memory_space<vmem>> -> memref<80xi32, #tpu.memory_space<vmem>>
        %dma_wait3A_1168 = arith.constant 0 : i32
        %dma_wait3A_1169 = tpu.memref_slice %arg3[%dma_wait3A_1168] : memref<640000xi32, #tpu.memory_space<hbm>> -> memref<80xi32, #tpu.memory_space<hbm>>
        tpu.wait_dma2 semaphore(%arg22 : memref<!tpu.dma_semaphore, #tpu.memory_space<semaphore_mem>>) src(%dma_wait3A_1169 : memref<80xi32, #tpu.memory_space<hbm>>) dst(%dma_wait3A_1167 : memref<80xi32, #tpu.memory_space<vmem>>)
        %sub3A = arith.constant 1 : i32
        %sub3A_1170 = arith.subi %add3A_899, %sub3A : i32
        %ge3A = arith.constant 0 : i32
        %ge3A_1171 = arith.cmpi sge, %sub3A_1170, %ge3A : i32
        %convert_element_type3A_1172 = arith.extui %ge3A_1171 : i1 to i32
        %cond3A_1173 = arith.constant 0 : i32
        %cond3A_1174 = arith.cmpi ne, %convert_element_type3A_1172, %cond3A_1173 : i32
        scf.if %cond3A_1174 {
          %dma_wait3A_1187 = arith.constant 1 : i32
          %dma_wait3A_1188 = arith.constant 0 : i32
          %dma_wait3A_1189 = arith.constant 0 : i32
          %dma_wait3A_1190 = arith.constant 0 : i32
          %dma_wait3A_1191 = tpu.memref_slice %arg6[%dma_wait3A_1187, %dma_wait3A_1189, %dma_wait3A_1190] : memref<4x80x128xf32, #tpu.memory_space<vmem>> -> memref<1x80x128xf32, #tpu.memory_space<vmem>>
          %dma_wait3A_1192 = tpu.memref_squeeze %dma_wait3A_1191 : memref<1x80x128xf32, #tpu.memory_space<vmem>> -> memref<80x128xf32, #tpu.memory_space<vmem>>
          %dma_wait3A_1193 = arith.constant 0 : i32
          %dma_wait3A_1194 = tpu.memref_slice %arg8[%dma_wait3A_1188, %dma_wait3A_1193] : memref<8x80xi32, #tpu.memory_space<vmem>> -> memref<1x80xi32, #tpu.memory_space<vmem>>
          %dma_wait3A_1195 = tpu.memref_squeeze %dma_wait3A_1194 : memref<1x80xi32, #tpu.memory_space<vmem>> -> memref<80xi32, #tpu.memory_space<vmem>>
          %dma_wait3A_1196 = arith.constant 0 : i32
          %dma_wait3A_1197 = arith.constant 0 : i32
          %dma_wait3A_1198 = tpu.memref_slice %arg5[%dma_wait3A_1196, %dma_wait3A_1197] : memref<10000x128xf32, #tpu.memory_space<vmem_shared>> -> memref<10000x128xf32, #tpu.memory_space<vmem_shared>>
          tpu.wait_indirect_dma semaphore(%arg30 : memref<!tpu.dma_semaphore, #tpu.memory_space<semaphore_mem>>) src(%dma_wait3A_1192 : memref<80x128xf32, #tpu.memory_space<vmem>>) dst(%dma_wait3A_1198 : memref<10000x128xf32, #tpu.memory_space<vmem_shared>>)
        } else {
        }
        %dma_start3A_1175 = arith.constant 5 : i32
        %dma_start3A_1176 = arith.constant 1 : i32
        %dma_start3A_1177 = arith.constant 0 : i32
        %dma_start3A_1178 = arith.constant 0 : i32
        %dma_start3A_1179 = tpu.memref_slice %arg6[%dma_start3A_1176, %dma_start3A_1177, %dma_start3A_1178] : memref<4x80x128xf32, #tpu.memory_space<vmem>> -> memref<1x80x128xf32, #tpu.memory_space<vmem>>
        %dma_start3A_1180 = tpu.memref_squeeze %dma_start3A_1179 : memref<1x80x128xf32, #tpu.memory_space<vmem>> -> memref<80x128xf32, #tpu.memory_space<vmem>>
        %dma_start3A_1181 = arith.constant 0 : i32
        %dma_start3A_1182 = tpu.memref_slice %arg7[%dma_start3A_1175, %dma_start3A_1181] : memref<8x80xi32, #tpu.memory_space<vmem>> -> memref<1x80xi32, #tpu.memory_space<vmem>>
        %dma_start3A_1183 = tpu.memref_squeeze %dma_start3A_1182 : memref<1x80xi32, #tpu.memory_space<vmem>> -> memref<80xi32, #tpu.memory_space<vmem>>
        %dma_start3A_1184 = arith.constant 0 : i32
        %dma_start3A_1185 = arith.constant 0 : i32
        %dma_start3A_1186 = tpu.memref_slice %arg2[%dma_start3A_1184, %dma_start3A_1185] : memref<10000x128xf32, #tpu.memory_space<hbm>> -> memref<10000x128xf32, #tpu.memory_space<hbm>>
        tpu.enqueue_indirect_dma source(%dma_start3A_1186 : memref<10000x128xf32, #tpu.memory_space<hbm>>) target(%dma_start3A_1180 : memref<80x128xf32, #tpu.memory_space<vmem>>) offsets(%dma_start3A_1183 : memref<80xi32, #tpu.memory_space<vmem>>) semaphore(%arg26 : memref<!tpu.dma_semaphore, #tpu.memory_space<semaphore_mem>>)
      } else {
      }
      %dma_wait3A_907 = arith.constant 0 : i32
      %dma_wait3A_908 = arith.constant 2 : i32
      %dma_wait3A_909 = arith.constant 0 : i32
      %dma_wait3A_910 = arith.constant 0 : i32
      %dma_wait3A_911 = tpu.memref_slice %arg6[%dma_wait3A_908, %dma_wait3A_909, %dma_wait3A_910] : memref<4x80x128xf32, #tpu.memory_space<vmem>> -> memref<1x80x128xf32, #tpu.memory_space<vmem>>
      %dma_wait3A_912 = tpu.memref_squeeze %dma_wait3A_911 : memref<1x80x128xf32, #tpu.memory_space<vmem>> -> memref<80x128xf32, #tpu.memory_space<vmem>>
      %dma_wait3A_913 = arith.constant 0 : i32
      %dma_wait3A_914 = tpu.memref_slice %arg7[%dma_wait3A_907, %dma_wait3A_913] : memref<8x80xi32, #tpu.memory_space<vmem>> -> memref<1x80xi32, #tpu.memory_space<vmem>>
      %dma_wait3A_915 = tpu.memref_squeeze %dma_wait3A_914 : memref<1x80xi32, #tpu.memory_space<vmem>> -> memref<80xi32, #tpu.memory_space<vmem>>
      %dma_wait3A_916 = arith.constant 0 : i32
      %dma_wait3A_917 = arith.constant 0 : i32
      %dma_wait3A_918 = tpu.memref_slice %arg2[%dma_wait3A_916, %dma_wait3A_917] : memref<10000x128xf32, #tpu.memory_space<hbm>> -> memref<10000x128xf32, #tpu.memory_space<hbm>>
      tpu.wait_indirect_dma semaphore(%arg27 : memref<!tpu.dma_semaphore, #tpu.memory_space<semaphore_mem>>) src(%dma_wait3A_918 : memref<10000x128xf32, #tpu.memory_space<hbm>>) dst(%dma_wait3A_912 : memref<80x128xf32, #tpu.memory_space<vmem>>)
      %dma_start3A_919 = arith.constant 2 : i32
      %dma_start3A_920 = arith.constant 2 : i32
      %dma_start3A_921 = arith.constant 0 : i32
      %dma_start3A_922 = arith.constant 0 : i32
      %dma_start3A_923 = tpu.memref_slice %arg6[%dma_start3A_919, %dma_start3A_921, %dma_start3A_922] : memref<4x80x128xf32, #tpu.memory_space<vmem>> -> memref<1x80x128xf32, #tpu.memory_space<vmem>>
      %dma_start3A_924 = tpu.memref_squeeze %dma_start3A_923 : memref<1x80x128xf32, #tpu.memory_space<vmem>> -> memref<80x128xf32, #tpu.memory_space<vmem>>
      %dma_start3A_925 = arith.constant 0 : i32
      %dma_start3A_926 = tpu.memref_slice %arg8[%dma_start3A_920, %dma_start3A_925] : memref<8x80xi32, #tpu.memory_space<vmem>> -> memref<1x80xi32, #tpu.memory_space<vmem>>
      %dma_start3A_927 = tpu.memref_squeeze %dma_start3A_926 : memref<1x80xi32, #tpu.memory_space<vmem>> -> memref<80xi32, #tpu.memory_space<vmem>>
      %dma_start3A_928 = arith.constant 0 : i32
      %dma_start3A_929 = arith.constant 0 : i32
      %dma_start3A_930 = tpu.memref_slice %arg5[%dma_start3A_928, %dma_start3A_929] : memref<10000x128xf32, #tpu.memory_space<vmem_shared>> -> memref<10000x128xf32, #tpu.memory_space<vmem_shared>>
      tpu.enqueue_indirect_dma source(%dma_start3A_924 : memref<80x128xf32, #tpu.memory_space<vmem>>) target(%dma_start3A_930 : memref<10000x128xf32, #tpu.memory_space<vmem_shared>>) offsets(%dma_start3A_927 : memref<80xi32, #tpu.memory_space<vmem>>) semaphore(%arg31 : memref<!tpu.dma_semaphore, #tpu.memory_space<semaphore_mem>>) {add = true}
      %add3A_931 = arith.constant 7 : i32
      %add3A_932 = arith.addi %add3A_899, %add3A_931 : i32
      %lt3A_933 = arith.constant 125 : i32
      %lt3A_934 = arith.cmpi slt, %add3A_932, %lt3A_933 : i32
      %convert_element_type3A_935 = arith.extui %lt3A_934 : i1 to i32
      %cond3A_936 = arith.constant 0 : i32
      %cond3A_937 = arith.cmpi ne, %convert_element_type3A_935, %cond3A_936 : i32
      scf.if %cond3A_937 {
        %add3A_1148 = arith.constant 7 : i32
        %add3A_1149 = arith.addi %add3A_899, %add3A_1148 : i32
        %mul3A_1150 = arith.constant 80 : i32
        %mul3A_1151 = arith.muli %add3A_1149, %mul3A_1150 : i32
        %add3A_1152 = arith.addi %mul3A_2, %mul3A_1151 : i32
        %dma_start3A_1153 = arith.constant 1 : i32
        %dma_start3A_1154 = arith.constant 0 : i32
        %dma_start3A_1155 = tpu.memref_slice %arg7[%dma_start3A_1153, %dma_start3A_1154] : memref<8x80xi32, #tpu.memory_space<vmem>> -> memref<1x80xi32, #tpu.memory_space<vmem>>
        %dma_start3A_1156 = tpu.memref_squeeze %dma_start3A_1155 : memref<1x80xi32, #tpu.memory_space<vmem>> -> memref<80xi32, #tpu.memory_space<vmem>>
        %dma_start3A_1157 = tpu.memref_slice %arg3[%add3A_1152] : memref<640000xi32, #tpu.memory_space<hbm>> -> memref<80xi32, #tpu.memory_space<hbm>>
        %dma_start3A_1158 = arith.constant 0 : i32
        %dma_start3A_1159 = tpu.memref_slice %arg7[%dma_start3A_1153, %dma_start3A_1158] : memref<8x80xi32, #tpu.memory_space<vmem>> -> memref<1x80xi32, #tpu.memory_space<vmem>>
        %dma_start3A_1160 = tpu.memref_squeeze %dma_start3A_1159 : memref<1x80xi32, #tpu.memory_space<vmem>> -> memref<80xi32, #tpu.memory_space<vmem>>
        %dma_start3A_1161 = tpu.memref_slice %arg3[%add3A_1152] : memref<640000xi32, #tpu.memory_space<hbm>> -> memref<80xi32, #tpu.memory_space<hbm>>
        tpu.enqueue_dma source(%dma_start3A_1161 : memref<80xi32, #tpu.memory_space<hbm>>) target(%dma_start3A_1160 : memref<80xi32, #tpu.memory_space<vmem>>) target_semaphore(%arg10 : memref<!tpu.dma_semaphore, #tpu.memory_space<semaphore_mem>>)
        %add3A_1162 = arith.constant 320000 : i32
        %add3A_1163 = arith.addi %add3A_1162, %add3A_1152 : i32
        %dma_start3A_1164 = arith.constant 1 : i32
        %dma_start3A_1165 = arith.constant 0 : i32
        %dma_start3A_1166 = tpu.memref_slice %arg8[%dma_start3A_1164, %dma_start3A_1165] : memref<8x80xi32, #tpu.memory_space<vmem>> -> memref<1x80xi32, #tpu.memory_space<vmem>>
        %dma_start3A_1167 = tpu.memref_squeeze %dma_start3A_1166 : memref<1x80xi32, #tpu.memory_space<vmem>> -> memref<80xi32, #tpu.memory_space<vmem>>
        %dma_start3A_1168 = tpu.memref_slice %arg3[%add3A_1163] : memref<640000xi32, #tpu.memory_space<hbm>> -> memref<80xi32, #tpu.memory_space<hbm>>
        %dma_start3A_1169 = arith.constant 0 : i32
        %dma_start3A_1170 = tpu.memref_slice %arg8[%dma_start3A_1164, %dma_start3A_1169] : memref<8x80xi32, #tpu.memory_space<vmem>> -> memref<1x80xi32, #tpu.memory_space<vmem>>
        %dma_start3A_1171 = tpu.memref_squeeze %dma_start3A_1170 : memref<1x80xi32, #tpu.memory_space<vmem>> -> memref<80xi32, #tpu.memory_space<vmem>>
        %dma_start3A_1172 = tpu.memref_slice %arg3[%add3A_1163] : memref<640000xi32, #tpu.memory_space<hbm>> -> memref<80xi32, #tpu.memory_space<hbm>>
        tpu.enqueue_dma source(%dma_start3A_1172 : memref<80xi32, #tpu.memory_space<hbm>>) target(%dma_start3A_1171 : memref<80xi32, #tpu.memory_space<vmem>>) target_semaphore(%arg18 : memref<!tpu.dma_semaphore, #tpu.memory_space<semaphore_mem>>)
      } else {
      }
      %mul3A_938 = arith.constant 8 : i32
      %mul3A_939 = arith.muli %scan3A_811, %mul3A_938 : i32
      %add3A_940 = arith.constant 3 : i32
      %add3A_941 = arith.addi %mul3A_939, %add3A_940 : i32
      %add3A_942 = arith.constant 3 : i32
      %add3A_943 = arith.addi %add3A_941, %add3A_942 : i32
      %lt3A_944 = arith.constant 125 : i32
      %lt3A_945 = arith.cmpi slt, %add3A_943, %lt3A_944 : i32
      %convert_element_type3A_946 = arith.extui %lt3A_945 : i1 to i32
      %cond3A_947 = arith.constant 0 : i32
      %cond3A_948 = arith.cmpi ne, %convert_element_type3A_946, %cond3A_947 : i32
      scf.if %cond3A_948 {
        %dma_wait3A_1148 = arith.constant 6 : i32
        %dma_wait3A_1149 = arith.constant 0 : i32
        %dma_wait3A_1150 = tpu.memref_slice %arg7[%dma_wait3A_1148, %dma_wait3A_1149] : memref<8x80xi32, #tpu.memory_space<vmem>> -> memref<1x80xi32, #tpu.memory_space<vmem>>
        %dma_wait3A_1151 = tpu.memref_squeeze %dma_wait3A_1150 : memref<1x80xi32, #tpu.memory_space<vmem>> -> memref<80xi32, #tpu.memory_space<vmem>>
        %dma_wait3A_1152 = arith.constant 0 : i32
        %dma_wait3A_1153 = tpu.memref_slice %arg3[%dma_wait3A_1152] : memref<640000xi32, #tpu.memory_space<hbm>> -> memref<80xi32, #tpu.memory_space<hbm>>
        %dma_wait3A_1154 = arith.constant 0 : i32
        %dma_wait3A_1155 = tpu.memref_slice %arg7[%dma_wait3A_1148, %dma_wait3A_1154] : memref<8x80xi32, #tpu.memory_space<vmem>> -> memref<1x80xi32, #tpu.memory_space<vmem>>
        %dma_wait3A_1156 = tpu.memref_squeeze %dma_wait3A_1155 : memref<1x80xi32, #tpu.memory_space<vmem>> -> memref<80xi32, #tpu.memory_space<vmem>>
        %dma_wait3A_1157 = arith.constant 0 : i32
        %dma_wait3A_1158 = tpu.memref_slice %arg3[%dma_wait3A_1157] : memref<640000xi32, #tpu.memory_space<hbm>> -> memref<80xi32, #tpu.memory_space<hbm>>
        tpu.wait_dma2 semaphore(%arg15 : memref<!tpu.dma_semaphore, #tpu.memory_space<semaphore_mem>>) src(%dma_wait3A_1158 : memref<80xi32, #tpu.memory_space<hbm>>) dst(%dma_wait3A_1156 : memref<80xi32, #tpu.memory_space<vmem>>)
        %dma_wait3A_1159 = arith.constant 6 : i32
        %dma_wait3A_1160 = arith.constant 0 : i32
        %dma_wait3A_1161 = tpu.memref_slice %arg8[%dma_wait3A_1159, %dma_wait3A_1160] : memref<8x80xi32, #tpu.memory_space<vmem>> -> memref<1x80xi32, #tpu.memory_space<vmem>>
        %dma_wait3A_1162 = tpu.memref_squeeze %dma_wait3A_1161 : memref<1x80xi32, #tpu.memory_space<vmem>> -> memref<80xi32, #tpu.memory_space<vmem>>
        %dma_wait3A_1163 = arith.constant 0 : i32
        %dma_wait3A_1164 = tpu.memref_slice %arg3[%dma_wait3A_1163] : memref<640000xi32, #tpu.memory_space<hbm>> -> memref<80xi32, #tpu.memory_space<hbm>>
        %dma_wait3A_1165 = arith.constant 0 : i32
        %dma_wait3A_1166 = tpu.memref_slice %arg8[%dma_wait3A_1159, %dma_wait3A_1165] : memref<8x80xi32, #tpu.memory_space<vmem>> -> memref<1x80xi32, #tpu.memory_space<vmem>>
        %dma_wait3A_1167 = tpu.memref_squeeze %dma_wait3A_1166 : memref<1x80xi32, #tpu.memory_space<vmem>> -> memref<80xi32, #tpu.memory_space<vmem>>
        %dma_wait3A_1168 = arith.constant 0 : i32
        %dma_wait3A_1169 = tpu.memref_slice %arg3[%dma_wait3A_1168] : memref<640000xi32, #tpu.memory_space<hbm>> -> memref<80xi32, #tpu.memory_space<hbm>>
        tpu.wait_dma2 semaphore(%arg23 : memref<!tpu.dma_semaphore, #tpu.memory_space<semaphore_mem>>) src(%dma_wait3A_1169 : memref<80xi32, #tpu.memory_space<hbm>>) dst(%dma_wait3A_1167 : memref<80xi32, #tpu.memory_space<vmem>>)
        %sub3A = arith.constant 1 : i32
        %sub3A_1170 = arith.subi %add3A_941, %sub3A : i32
        %ge3A = arith.constant 0 : i32
        %ge3A_1171 = arith.cmpi sge, %sub3A_1170, %ge3A : i32
        %convert_element_type3A_1172 = arith.extui %ge3A_1171 : i1 to i32
        %cond3A_1173 = arith.constant 0 : i32
        %cond3A_1174 = arith.cmpi ne, %convert_element_type3A_1172, %cond3A_1173 : i32
        scf.if %cond3A_1174 {
          %dma_wait3A_1187 = arith.constant 2 : i32
          %dma_wait3A_1188 = arith.constant 0 : i32
          %dma_wait3A_1189 = arith.constant 0 : i32
          %dma_wait3A_1190 = arith.constant 0 : i32
          %dma_wait3A_1191 = tpu.memref_slice %arg6[%dma_wait3A_1187, %dma_wait3A_1189, %dma_wait3A_1190] : memref<4x80x128xf32, #tpu.memory_space<vmem>> -> memref<1x80x128xf32, #tpu.memory_space<vmem>>
          %dma_wait3A_1192 = tpu.memref_squeeze %dma_wait3A_1191 : memref<1x80x128xf32, #tpu.memory_space<vmem>> -> memref<80x128xf32, #tpu.memory_space<vmem>>
          %dma_wait3A_1193 = arith.constant 0 : i32
          %dma_wait3A_1194 = tpu.memref_slice %arg8[%dma_wait3A_1188, %dma_wait3A_1193] : memref<8x80xi32, #tpu.memory_space<vmem>> -> memref<1x80xi32, #tpu.memory_space<vmem>>
          %dma_wait3A_1195 = tpu.memref_squeeze %dma_wait3A_1194 : memref<1x80xi32, #tpu.memory_space<vmem>> -> memref<80xi32, #tpu.memory_space<vmem>>
          %dma_wait3A_1196 = arith.constant 0 : i32
          %dma_wait3A_1197 = arith.constant 0 : i32
          %dma_wait3A_1198 = tpu.memref_slice %arg5[%dma_wait3A_1196, %dma_wait3A_1197] : memref<10000x128xf32, #tpu.memory_space<vmem_shared>> -> memref<10000x128xf32, #tpu.memory_space<vmem_shared>>
          tpu.wait_indirect_dma semaphore(%arg31 : memref<!tpu.dma_semaphore, #tpu.memory_space<semaphore_mem>>) src(%dma_wait3A_1192 : memref<80x128xf32, #tpu.memory_space<vmem>>) dst(%dma_wait3A_1198 : memref<10000x128xf32, #tpu.memory_space<vmem_shared>>)
        } else {
        }
        %dma_start3A_1175 = arith.constant 6 : i32
        %dma_start3A_1176 = arith.constant 2 : i32
        %dma_start3A_1177 = arith.constant 0 : i32
        %dma_start3A_1178 = arith.constant 0 : i32
        %dma_start3A_1179 = tpu.memref_slice %arg6[%dma_start3A_1176, %dma_start3A_1177, %dma_start3A_1178] : memref<4x80x128xf32, #tpu.memory_space<vmem>> -> memref<1x80x128xf32, #tpu.memory_space<vmem>>
        %dma_start3A_1180 = tpu.memref_squeeze %dma_start3A_1179 : memref<1x80x128xf32, #tpu.memory_space<vmem>> -> memref<80x128xf32, #tpu.memory_space<vmem>>
        %dma_start3A_1181 = arith.constant 0 : i32
        %dma_start3A_1182 = tpu.memref_slice %arg7[%dma_start3A_1175, %dma_start3A_1181] : memref<8x80xi32, #tpu.memory_space<vmem>> -> memref<1x80xi32, #tpu.memory_space<vmem>>
        %dma_start3A_1183 = tpu.memref_squeeze %dma_start3A_1182 : memref<1x80xi32, #tpu.memory_space<vmem>> -> memref<80xi32, #tpu.memory_space<vmem>>
        %dma_start3A_1184 = arith.constant 0 : i32
        %dma_start3A_1185 = arith.constant 0 : i32
        %dma_start3A_1186 = tpu.memref_slice %arg2[%dma_start3A_1184, %dma_start3A_1185] : memref<10000x128xf32, #tpu.memory_space<hbm>> -> memref<10000x128xf32, #tpu.memory_space<hbm>>
        tpu.enqueue_indirect_dma source(%dma_start3A_1186 : memref<10000x128xf32, #tpu.memory_space<hbm>>) target(%dma_start3A_1180 : memref<80x128xf32, #tpu.memory_space<vmem>>) offsets(%dma_start3A_1183 : memref<80xi32, #tpu.memory_space<vmem>>) semaphore(%arg27 : memref<!tpu.dma_semaphore, #tpu.memory_space<semaphore_mem>>)
      } else {
      }
      %dma_wait3A_949 = arith.constant 0 : i32
      %dma_wait3A_950 = arith.constant 3 : i32
      %dma_wait3A_951 = arith.constant 0 : i32
      %dma_wait3A_952 = arith.constant 0 : i32
      %dma_wait3A_953 = tpu.memref_slice %arg6[%dma_wait3A_950, %dma_wait3A_951, %dma_wait3A_952] : memref<4x80x128xf32, #tpu.memory_space<vmem>> -> memref<1x80x128xf32, #tpu.memory_space<vmem>>
      %dma_wait3A_954 = tpu.memref_squeeze %dma_wait3A_953 : memref<1x80x128xf32, #tpu.memory_space<vmem>> -> memref<80x128xf32, #tpu.memory_space<vmem>>
      %dma_wait3A_955 = arith.constant 0 : i32
      %dma_wait3A_956 = tpu.memref_slice %arg7[%dma_wait3A_949, %dma_wait3A_955] : memref<8x80xi32, #tpu.memory_space<vmem>> -> memref<1x80xi32, #tpu.memory_space<vmem>>
      %dma_wait3A_957 = tpu.memref_squeeze %dma_wait3A_956 : memref<1x80xi32, #tpu.memory_space<vmem>> -> memref<80xi32, #tpu.memory_space<vmem>>
      %dma_wait3A_958 = arith.constant 0 : i32
      %dma_wait3A_959 = arith.constant 0 : i32
      %dma_wait3A_960 = tpu.memref_slice %arg2[%dma_wait3A_958, %dma_wait3A_959] : memref<10000x128xf32, #tpu.memory_space<hbm>> -> memref<10000x128xf32, #tpu.memory_space<hbm>>
      tpu.wait_indirect_dma semaphore(%arg28 : memref<!tpu.dma_semaphore, #tpu.memory_space<semaphore_mem>>) src(%dma_wait3A_960 : memref<10000x128xf32, #tpu.memory_space<hbm>>) dst(%dma_wait3A_954 : memref<80x128xf32, #tpu.memory_space<vmem>>)
      %dma_start3A_961 = arith.constant 3 : i32
      %dma_start3A_962 = arith.constant 3 : i32
      %dma_start3A_963 = arith.constant 0 : i32
      %dma_start3A_964 = arith.constant 0 : i32
      %dma_start3A_965 = tpu.memref_slice %arg6[%dma_start3A_961, %dma_start3A_963, %dma_start3A_964] : memref<4x80x128xf32, #tpu.memory_space<vmem>> -> memref<1x80x128xf32, #tpu.memory_space<vmem>>
      %dma_start3A_966 = tpu.memref_squeeze %dma_start3A_965 : memref<1x80x128xf32, #tpu.memory_space<vmem>> -> memref<80x128xf32, #tpu.memory_space<vmem>>
      %dma_start3A_967 = arith.constant 0 : i32
      %dma_start3A_968 = tpu.memref_slice %arg8[%dma_start3A_962, %dma_start3A_967] : memref<8x80xi32, #tpu.memory_space<vmem>> -> memref<1x80xi32, #tpu.memory_space<vmem>>
      %dma_start3A_969 = tpu.memref_squeeze %dma_start3A_968 : memref<1x80xi32, #tpu.memory_space<vmem>> -> memref<80xi32, #tpu.memory_space<vmem>>
      %dma_start3A_970 = arith.constant 0 : i32
      %dma_start3A_971 = arith.constant 0 : i32
      %dma_start3A_972 = tpu.memref_slice %arg5[%dma_start3A_970, %dma_start3A_971] : memref<10000x128xf32, #tpu.memory_space<vmem_shared>> -> memref<10000x128xf32, #tpu.memory_space<vmem_shared>>
      tpu.enqueue_indirect_dma source(%dma_start3A_966 : memref<80x128xf32, #tpu.memory_space<vmem>>) target(%dma_start3A_972 : memref<10000x128xf32, #tpu.memory_space<vmem_shared>>) offsets(%dma_start3A_969 : memref<80xi32, #tpu.memory_space<vmem>>) semaphore(%arg32 : memref<!tpu.dma_semaphore, #tpu.memory_space<semaphore_mem>>) {add = true}
      %add3A_973 = arith.constant 7 : i32
      %add3A_974 = arith.addi %add3A_941, %add3A_973 : i32
      %lt3A_975 = arith.constant 125 : i32
      %lt3A_976 = arith.cmpi slt, %add3A_974, %lt3A_975 : i32
      %convert_element_type3A_977 = arith.extui %lt3A_976 : i1 to i32
      %cond3A_978 = arith.constant 0 : i32
      %cond3A_979 = arith.cmpi ne, %convert_element_type3A_977, %cond3A_978 : i32
      scf.if %cond3A_979 {
        %add3A_1148 = arith.constant 7 : i32
        %add3A_1149 = arith.addi %add3A_941, %add3A_1148 : i32
        %mul3A_1150 = arith.constant 80 : i32
        %mul3A_1151 = arith.muli %add3A_1149, %mul3A_1150 : i32
        %add3A_1152 = arith.addi %mul3A_2, %mul3A_1151 : i32
        %dma_start3A_1153 = arith.constant 2 : i32
        %dma_start3A_1154 = arith.constant 0 : i32
        %dma_start3A_1155 = tpu.memref_slice %arg7[%dma_start3A_1153, %dma_start3A_1154] : memref<8x80xi32, #tpu.memory_space<vmem>> -> memref<1x80xi32, #tpu.memory_space<vmem>>
        %dma_start3A_1156 = tpu.memref_squeeze %dma_start3A_1155 : memref<1x80xi32, #tpu.memory_space<vmem>> -> memref<80xi32, #tpu.memory_space<vmem>>
        %dma_start3A_1157 = tpu.memref_slice %arg3[%add3A_1152] : memref<640000xi32, #tpu.memory_space<hbm>> -> memref<80xi32, #tpu.memory_space<hbm>>
        %dma_start3A_1158 = arith.constant 0 : i32
        %dma_start3A_1159 = tpu.memref_slice %arg7[%dma_start3A_1153, %dma_start3A_1158] : memref<8x80xi32, #tpu.memory_space<vmem>> -> memref<1x80xi32, #tpu.memory_space<vmem>>
        %dma_start3A_1160 = tpu.memref_squeeze %dma_start3A_1159 : memref<1x80xi32, #tpu.memory_space<vmem>> -> memref<80xi32, #tpu.memory_space<vmem>>
        %dma_start3A_1161 = tpu.memref_slice %arg3[%add3A_1152] : memref<640000xi32, #tpu.memory_space<hbm>> -> memref<80xi32, #tpu.memory_space<hbm>>
        tpu.enqueue_dma source(%dma_start3A_1161 : memref<80xi32, #tpu.memory_space<hbm>>) target(%dma_start3A_1160 : memref<80xi32, #tpu.memory_space<vmem>>) target_semaphore(%arg11 : memref<!tpu.dma_semaphore, #tpu.memory_space<semaphore_mem>>)
        %add3A_1162 = arith.constant 320000 : i32
        %add3A_1163 = arith.addi %add3A_1162, %add3A_1152 : i32
        %dma_start3A_1164 = arith.constant 2 : i32
        %dma_start3A_1165 = arith.constant 0 : i32
        %dma_start3A_1166 = tpu.memref_slice %arg8[%dma_start3A_1164, %dma_start3A_1165] : memref<8x80xi32, #tpu.memory_space<vmem>> -> memref<1x80xi32, #tpu.memory_space<vmem>>
        %dma_start3A_1167 = tpu.memref_squeeze %dma_start3A_1166 : memref<1x80xi32, #tpu.memory_space<vmem>> -> memref<80xi32, #tpu.memory_space<vmem>>
        %dma_start3A_1168 = tpu.memref_slice %arg3[%add3A_1163] : memref<640000xi32, #tpu.memory_space<hbm>> -> memref<80xi32, #tpu.memory_space<hbm>>
        %dma_start3A_1169 = arith.constant 0 : i32
        %dma_start3A_1170 = tpu.memref_slice %arg8[%dma_start3A_1164, %dma_start3A_1169] : memref<8x80xi32, #tpu.memory_space<vmem>> -> memref<1x80xi32, #tpu.memory_space<vmem>>
        %dma_start3A_1171 = tpu.memref_squeeze %dma_start3A_1170 : memref<1x80xi32, #tpu.memory_space<vmem>> -> memref<80xi32, #tpu.memory_space<vmem>>
        %dma_start3A_1172 = tpu.memref_slice %arg3[%add3A_1163] : memref<640000xi32, #tpu.memory_space<hbm>> -> memref<80xi32, #tpu.memory_space<hbm>>
        tpu.enqueue_dma source(%dma_start3A_1172 : memref<80xi32, #tpu.memory_space<hbm>>) target(%dma_start3A_1171 : memref<80xi32, #tpu.memory_space<vmem>>) target_semaphore(%arg19 : memref<!tpu.dma_semaphore, #tpu.memory_space<semaphore_mem>>)
      } else {
      }
      %mul3A_980 = arith.constant 8 : i32
      %mul3A_981 = arith.muli %scan3A_811, %mul3A_980 : i32
      %add3A_982 = arith.constant 4 : i32
      %add3A_983 = arith.addi %mul3A_981, %add3A_982 : i32
      %add3A_984 = arith.constant 3 : i32
      %add3A_985 = arith.addi %add3A_983, %add3A_984 : i32
      %lt3A_986 = arith.constant 125 : i32
      %lt3A_987 = arith.cmpi slt, %add3A_985, %lt3A_986 : i32
      %convert_element_type3A_988 = arith.extui %lt3A_987 : i1 to i32
      %cond3A_989 = arith.constant 0 : i32
      %cond3A_990 = arith.cmpi ne, %convert_element_type3A_988, %cond3A_989 : i32
      scf.if %cond3A_990 {
        %dma_wait3A_1148 = arith.constant 7 : i32
        %dma_wait3A_1149 = arith.constant 0 : i32
        %dma_wait3A_1150 = tpu.memref_slice %arg7[%dma_wait3A_1148, %dma_wait3A_1149] : memref<8x80xi32, #tpu.memory_space<vmem>> -> memref<1x80xi32, #tpu.memory_space<vmem>>
        %dma_wait3A_1151 = tpu.memref_squeeze %dma_wait3A_1150 : memref<1x80xi32, #tpu.memory_space<vmem>> -> memref<80xi32, #tpu.memory_space<vmem>>
        %dma_wait3A_1152 = arith.constant 0 : i32
        %dma_wait3A_1153 = tpu.memref_slice %arg3[%dma_wait3A_1152] : memref<640000xi32, #tpu.memory_space<hbm>> -> memref<80xi32, #tpu.memory_space<hbm>>
        %dma_wait3A_1154 = arith.constant 0 : i32
        %dma_wait3A_1155 = tpu.memref_slice %arg7[%dma_wait3A_1148, %dma_wait3A_1154] : memref<8x80xi32, #tpu.memory_space<vmem>> -> memref<1x80xi32, #tpu.memory_space<vmem>>
        %dma_wait3A_1156 = tpu.memref_squeeze %dma_wait3A_1155 : memref<1x80xi32, #tpu.memory_space<vmem>> -> memref<80xi32, #tpu.memory_space<vmem>>
        %dma_wait3A_1157 = arith.constant 0 : i32
        %dma_wait3A_1158 = tpu.memref_slice %arg3[%dma_wait3A_1157] : memref<640000xi32, #tpu.memory_space<hbm>> -> memref<80xi32, #tpu.memory_space<hbm>>
        tpu.wait_dma2 semaphore(%arg16 : memref<!tpu.dma_semaphore, #tpu.memory_space<semaphore_mem>>) src(%dma_wait3A_1158 : memref<80xi32, #tpu.memory_space<hbm>>) dst(%dma_wait3A_1156 : memref<80xi32, #tpu.memory_space<vmem>>)
        %dma_wait3A_1159 = arith.constant 7 : i32
        %dma_wait3A_1160 = arith.constant 0 : i32
        %dma_wait3A_1161 = tpu.memref_slice %arg8[%dma_wait3A_1159, %dma_wait3A_1160] : memref<8x80xi32, #tpu.memory_space<vmem>> -> memref<1x80xi32, #tpu.memory_space<vmem>>
        %dma_wait3A_1162 = tpu.memref_squeeze %dma_wait3A_1161 : memref<1x80xi32, #tpu.memory_space<vmem>> -> memref<80xi32, #tpu.memory_space<vmem>>
        %dma_wait3A_1163 = arith.constant 0 : i32
        %dma_wait3A_1164 = tpu.memref_slice %arg3[%dma_wait3A_1163] : memref<640000xi32, #tpu.memory_space<hbm>> -> memref<80xi32, #tpu.memory_space<hbm>>
        %dma_wait3A_1165 = arith.constant 0 : i32
        %dma_wait3A_1166 = tpu.memref_slice %arg8[%dma_wait3A_1159, %dma_wait3A_1165] : memref<8x80xi32, #tpu.memory_space<vmem>> -> memref<1x80xi32, #tpu.memory_space<vmem>>
        %dma_wait3A_1167 = tpu.memref_squeeze %dma_wait3A_1166 : memref<1x80xi32, #tpu.memory_space<vmem>> -> memref<80xi32, #tpu.memory_space<vmem>>
        %dma_wait3A_1168 = arith.constant 0 : i32
        %dma_wait3A_1169 = tpu.memref_slice %arg3[%dma_wait3A_1168] : memref<640000xi32, #tpu.memory_space<hbm>> -> memref<80xi32, #tpu.memory_space<hbm>>
        tpu.wait_dma2 semaphore(%arg24 : memref<!tpu.dma_semaphore, #tpu.memory_space<semaphore_mem>>) src(%dma_wait3A_1169 : memref<80xi32, #tpu.memory_space<hbm>>) dst(%dma_wait3A_1167 : memref<80xi32, #tpu.memory_space<vmem>>)
        %sub3A = arith.constant 1 : i32
        %sub3A_1170 = arith.subi %add3A_983, %sub3A : i32
        %ge3A = arith.constant 0 : i32
        %ge3A_1171 = arith.cmpi sge, %sub3A_1170, %ge3A : i32
        %convert_element_type3A_1172 = arith.extui %ge3A_1171 : i1 to i32
        %cond3A_1173 = arith.constant 0 : i32
        %cond3A_1174 = arith.cmpi ne, %convert_element_type3A_1172, %cond3A_1173 : i32
        scf.if %cond3A_1174 {
          %dma_wait3A_1187 = arith.constant 3 : i32
          %dma_wait3A_1188 = arith.constant 0 : i32
          %dma_wait3A_1189 = arith.constant 0 : i32
          %dma_wait3A_1190 = arith.constant 0 : i32
          %dma_wait3A_1191 = tpu.memref_slice %arg6[%dma_wait3A_1187, %dma_wait3A_1189, %dma_wait3A_1190] : memref<4x80x128xf32, #tpu.memory_space<vmem>> -> memref<1x80x128xf32, #tpu.memory_space<vmem>>
          %dma_wait3A_1192 = tpu.memref_squeeze %dma_wait3A_1191 : memref<1x80x128xf32, #tpu.memory_space<vmem>> -> memref<80x128xf32, #tpu.memory_space<vmem>>
          %dma_wait3A_1193 = arith.constant 0 : i32
          %dma_wait3A_1194 = tpu.memref_slice %arg8[%dma_wait3A_1188, %dma_wait3A_1193] : memref<8x80xi32, #tpu.memory_space<vmem>> -> memref<1x80xi32, #tpu.memory_space<vmem>>
          %dma_wait3A_1195 = tpu.memref_squeeze %dma_wait3A_1194 : memref<1x80xi32, #tpu.memory_space<vmem>> -> memref<80xi32, #tpu.memory_space<vmem>>
          %dma_wait3A_1196 = arith.constant 0 : i32
          %dma_wait3A_1197 = arith.constant 0 : i32
          %dma_wait3A_1198 = tpu.memref_slice %arg5[%dma_wait3A_1196, %dma_wait3A_1197] : memref<10000x128xf32, #tpu.memory_space<vmem_shared>> -> memref<10000x128xf32, #tpu.memory_space<vmem_shared>>
          tpu.wait_indirect_dma semaphore(%arg32 : memref<!tpu.dma_semaphore, #tpu.memory_space<semaphore_mem>>) src(%dma_wait3A_1192 : memref<80x128xf32, #tpu.memory_space<vmem>>) dst(%dma_wait3A_1198 : memref<10000x128xf32, #tpu.memory_space<vmem_shared>>)
        } else {
        }
        %dma_start3A_1175 = arith.constant 7 : i32
        %dma_start3A_1176 = arith.constant 3 : i32
        %dma_start3A_1177 = arith.constant 0 : i32
        %dma_start3A_1178 = arith.constant 0 : i32
        %dma_start3A_1179 = tpu.memref_slice %arg6[%dma_start3A_1176, %dma_start3A_1177, %dma_start3A_1178] : memref<4x80x128xf32, #tpu.memory_space<vmem>> -> memref<1x80x128xf32, #tpu.memory_space<vmem>>
        %dma_start3A_1180 = tpu.memref_squeeze %dma_start3A_1179 : memref<1x80x128xf32, #tpu.memory_space<vmem>> -> memref<80x128xf32, #tpu.memory_space<vmem>>
        %dma_start3A_1181 = arith.constant 0 : i32
        %dma_start3A_1182 = tpu.memref_slice %arg7[%dma_start3A_1175, %dma_start3A_1181] : memref<8x80xi32, #tpu.memory_space<vmem>> -> memref<1x80xi32, #tpu.memory_space<vmem>>
        %dma_start3A_1183 = tpu.memref_squeeze %dma_start3A_1182 : memref<1x80xi32, #tpu.memory_space<vmem>> -> memref<80xi32, #tpu.memory_space<vmem>>
        %dma_start3A_1184 = arith.constant 0 : i32
        %dma_start3A_1185 = arith.constant 0 : i32
        %dma_start3A_1186 = tpu.memref_slice %arg2[%dma_start3A_1184, %dma_start3A_1185] : memref<10000x128xf32, #tpu.memory_space<hbm>> -> memref<10000x128xf32, #tpu.memory_space<hbm>>
        tpu.enqueue_indirect_dma source(%dma_start3A_1186 : memref<10000x128xf32, #tpu.memory_space<hbm>>) target(%dma_start3A_1180 : memref<80x128xf32, #tpu.memory_space<vmem>>) offsets(%dma_start3A_1183 : memref<80xi32, #tpu.memory_space<vmem>>) semaphore(%arg28 : memref<!tpu.dma_semaphore, #tpu.memory_space<semaphore_mem>>)
      } else {
      }
      %dma_wait3A_991 = arith.constant 0 : i32
      %dma_wait3A_992 = arith.constant 0 : i32
      %dma_wait3A_993 = arith.constant 0 : i32
      %dma_wait3A_994 = arith.constant 0 : i32
      %dma_wait3A_995 = tpu.memref_slice %arg6[%dma_wait3A_992, %dma_wait3A_993, %dma_wait3A_994] : memref<4x80x128xf32, #tpu.memory_space<vmem>> -> memref<1x80x128xf32, #tpu.memory_space<vmem>>
      %dma_wait3A_996 = tpu.memref_squeeze %dma_wait3A_995 : memref<1x80x128xf32, #tpu.memory_space<vmem>> -> memref<80x128xf32, #tpu.memory_space<vmem>>
      %dma_wait3A_997 = arith.constant 0 : i32
      %dma_wait3A_998 = tpu.memref_slice %arg7[%dma_wait3A_991, %dma_wait3A_997] : memref<8x80xi32, #tpu.memory_space<vmem>> -> memref<1x80xi32, #tpu.memory_space<vmem>>
      %dma_wait3A_999 = tpu.memref_squeeze %dma_wait3A_998 : memref<1x80xi32, #tpu.memory_space<vmem>> -> memref<80xi32, #tpu.memory_space<vmem>>
      %dma_wait3A_1000 = arith.constant 0 : i32
      %dma_wait3A_1001 = arith.constant 0 : i32
      %dma_wait3A_1002 = tpu.memref_slice %arg2[%dma_wait3A_1000, %dma_wait3A_1001] : memref<10000x128xf32, #tpu.memory_space<hbm>> -> memref<10000x128xf32, #tpu.memory_space<hbm>>
      tpu.wait_indirect_dma semaphore(%arg25 : memref<!tpu.dma_semaphore, #tpu.memory_space<semaphore_mem>>) src(%dma_wait3A_1002 : memref<10000x128xf32, #tpu.memory_space<hbm>>) dst(%dma_wait3A_996 : memref<80x128xf32, #tpu.memory_space<vmem>>)
      %dma_start3A_1003 = arith.constant 0 : i32
      %dma_start3A_1004 = arith.constant 4 : i32
      %dma_start3A_1005 = arith.constant 0 : i32
      %dma_start3A_1006 = arith.constant 0 : i32
      %dma_start3A_1007 = tpu.memref_slice %arg6[%dma_start3A_1003, %dma_start3A_1005, %dma_start3A_1006] : memref<4x80x128xf32, #tpu.memory_space<vmem>> -> memref<1x80x128xf32, #tpu.memory_space<vmem>>
      %dma_start3A_1008 = tpu.memref_squeeze %dma_start3A_1007 : memref<1x80x128xf32, #tpu.memory_space<vmem>> -> memref<80x128xf32, #tpu.memory_space<vmem>>
      %dma_start3A_1009 = arith.constant 0 : i32
      %dma_start3A_1010 = tpu.memref_slice %arg8[%dma_start3A_1004, %dma_start3A_1009] : memref<8x80xi32, #tpu.memory_space<vmem>> -> memref<1x80xi32, #tpu.memory_space<vmem>>
      %dma_start3A_1011 = tpu.memref_squeeze %dma_start3A_1010 : memref<1x80xi32, #tpu.memory_space<vmem>> -> memref<80xi32, #tpu.memory_space<vmem>>
      %dma_start3A_1012 = arith.constant 0 : i32
      %dma_start3A_1013 = arith.constant 0 : i32
      %dma_start3A_1014 = tpu.memref_slice %arg5[%dma_start3A_1012, %dma_start3A_1013] : memref<10000x128xf32, #tpu.memory_space<vmem_shared>> -> memref<10000x128xf32, #tpu.memory_space<vmem_shared>>
      tpu.enqueue_indirect_dma source(%dma_start3A_1008 : memref<80x128xf32, #tpu.memory_space<vmem>>) target(%dma_start3A_1014 : memref<10000x128xf32, #tpu.memory_space<vmem_shared>>) offsets(%dma_start3A_1011 : memref<80xi32, #tpu.memory_space<vmem>>) semaphore(%arg29 : memref<!tpu.dma_semaphore, #tpu.memory_space<semaphore_mem>>) {add = true}
      %add3A_1015 = arith.constant 7 : i32
      %add3A_1016 = arith.addi %add3A_983, %add3A_1015 : i32
      %lt3A_1017 = arith.constant 125 : i32
      %lt3A_1018 = arith.cmpi slt, %add3A_1016, %lt3A_1017 : i32
      %convert_element_type3A_1019 = arith.extui %lt3A_1018 : i1 to i32
      %cond3A_1020 = arith.constant 0 : i32
      %cond3A_1021 = arith.cmpi ne, %convert_element_type3A_1019, %cond3A_1020 : i32
      scf.if %cond3A_1021 {
        %add3A_1148 = arith.constant 7 : i32
        %add3A_1149 = arith.addi %add3A_983, %add3A_1148 : i32
        %mul3A_1150 = arith.constant 80 : i32
        %mul3A_1151 = arith.muli %add3A_1149, %mul3A_1150 : i32
        %add3A_1152 = arith.addi %mul3A_2, %mul3A_1151 : i32
        %dma_start3A_1153 = arith.constant 3 : i32
        %dma_start3A_1154 = arith.constant 0 : i32
        %dma_start3A_1155 = tpu.memref_slice %arg7[%dma_start3A_1153, %dma_start3A_1154] : memref<8x80xi32, #tpu.memory_space<vmem>> -> memref<1x80xi32, #tpu.memory_space<vmem>>
        %dma_start3A_1156 = tpu.memref_squeeze %dma_start3A_1155 : memref<1x80xi32, #tpu.memory_space<vmem>> -> memref<80xi32, #tpu.memory_space<vmem>>
        %dma_start3A_1157 = tpu.memref_slice %arg3[%add3A_1152] : memref<640000xi32, #tpu.memory_space<hbm>> -> memref<80xi32, #tpu.memory_space<hbm>>
        %dma_start3A_1158 = arith.constant 0 : i32
        %dma_start3A_1159 = tpu.memref_slice %arg7[%dma_start3A_1153, %dma_start3A_1158] : memref<8x80xi32, #tpu.memory_space<vmem>> -> memref<1x80xi32, #tpu.memory_space<vmem>>
        %dma_start3A_1160 = tpu.memref_squeeze %dma_start3A_1159 : memref<1x80xi32, #tpu.memory_space<vmem>> -> memref<80xi32, #tpu.memory_space<vmem>>
        %dma_start3A_1161 = tpu.memref_slice %arg3[%add3A_1152] : memref<640000xi32, #tpu.memory_space<hbm>> -> memref<80xi32, #tpu.memory_space<hbm>>
        tpu.enqueue_dma source(%dma_start3A_1161 : memref<80xi32, #tpu.memory_space<hbm>>) target(%dma_start3A_1160 : memref<80xi32, #tpu.memory_space<vmem>>) target_semaphore(%arg12 : memref<!tpu.dma_semaphore, #tpu.memory_space<semaphore_mem>>)
        %add3A_1162 = arith.constant 320000 : i32
        %add3A_1163 = arith.addi %add3A_1162, %add3A_1152 : i32
        %dma_start3A_1164 = arith.constant 3 : i32
        %dma_start3A_1165 = arith.constant 0 : i32
        %dma_start3A_1166 = tpu.memref_slice %arg8[%dma_start3A_1164, %dma_start3A_1165] : memref<8x80xi32, #tpu.memory_space<vmem>> -> memref<1x80xi32, #tpu.memory_space<vmem>>
        %dma_start3A_1167 = tpu.memref_squeeze %dma_start3A_1166 : memref<1x80xi32, #tpu.memory_space<vmem>> -> memref<80xi32, #tpu.memory_space<vmem>>
        %dma_start3A_1168 = tpu.memref_slice %arg3[%add3A_1163] : memref<640000xi32, #tpu.memory_space<hbm>> -> memref<80xi32, #tpu.memory_space<hbm>>
        %dma_start3A_1169 = arith.constant 0 : i32
        %dma_start3A_1170 = tpu.memref_slice %arg8[%dma_start3A_1164, %dma_start3A_1169] : memref<8x80xi32, #tpu.memory_space<vmem>> -> memref<1x80xi32, #tpu.memory_space<vmem>>
        %dma_start3A_1171 = tpu.memref_squeeze %dma_start3A_1170 : memref<1x80xi32, #tpu.memory_space<vmem>> -> memref<80xi32, #tpu.memory_space<vmem>>
        %dma_start3A_1172 = tpu.memref_slice %arg3[%add3A_1163] : memref<640000xi32, #tpu.memory_space<hbm>> -> memref<80xi32, #tpu.memory_space<hbm>>
        tpu.enqueue_dma source(%dma_start3A_1172 : memref<80xi32, #tpu.memory_space<hbm>>) target(%dma_start3A_1171 : memref<80xi32, #tpu.memory_space<vmem>>) target_semaphore(%arg20 : memref<!tpu.dma_semaphore, #tpu.memory_space<semaphore_mem>>)
      } else {
      }
      %mul3A_1022 = arith.constant 8 : i32
      %mul3A_1023 = arith.muli %scan3A_811, %mul3A_1022 : i32
      %add3A_1024 = arith.constant 5 : i32
      %add3A_1025 = arith.addi %mul3A_1023, %add3A_1024 : i32
      %add3A_1026 = arith.constant 3 : i32
      %add3A_1027 = arith.addi %add3A_1025, %add3A_1026 : i32
      %lt3A_1028 = arith.constant 125 : i32
      %lt3A_1029 = arith.cmpi slt, %add3A_1027, %lt3A_1028 : i32
      %convert_element_type3A_1030 = arith.extui %lt3A_1029 : i1 to i32
      %cond3A_1031 = arith.constant 0 : i32
      %cond3A_1032 = arith.cmpi ne, %convert_element_type3A_1030, %cond3A_1031 : i32
      scf.if %cond3A_1032 {
        %dma_wait3A_1148 = arith.constant 0 : i32
        %dma_wait3A_1149 = arith.constant 0 : i32
        %dma_wait3A_1150 = tpu.memref_slice %arg7[%dma_wait3A_1148, %dma_wait3A_1149] : memref<8x80xi32, #tpu.memory_space<vmem>> -> memref<1x80xi32, #tpu.memory_space<vmem>>
        %dma_wait3A_1151 = tpu.memref_squeeze %dma_wait3A_1150 : memref<1x80xi32, #tpu.memory_space<vmem>> -> memref<80xi32, #tpu.memory_space<vmem>>
        %dma_wait3A_1152 = arith.constant 0 : i32
        %dma_wait3A_1153 = tpu.memref_slice %arg3[%dma_wait3A_1152] : memref<640000xi32, #tpu.memory_space<hbm>> -> memref<80xi32, #tpu.memory_space<hbm>>
        %dma_wait3A_1154 = arith.constant 0 : i32
        %dma_wait3A_1155 = tpu.memref_slice %arg7[%dma_wait3A_1148, %dma_wait3A_1154] : memref<8x80xi32, #tpu.memory_space<vmem>> -> memref<1x80xi32, #tpu.memory_space<vmem>>
        %dma_wait3A_1156 = tpu.memref_squeeze %dma_wait3A_1155 : memref<1x80xi32, #tpu.memory_space<vmem>> -> memref<80xi32, #tpu.memory_space<vmem>>
        %dma_wait3A_1157 = arith.constant 0 : i32
        %dma_wait3A_1158 = tpu.memref_slice %arg3[%dma_wait3A_1157] : memref<640000xi32, #tpu.memory_space<hbm>> -> memref<80xi32, #tpu.memory_space<hbm>>
        tpu.wait_dma2 semaphore(%arg9 : memref<!tpu.dma_semaphore, #tpu.memory_space<semaphore_mem>>) src(%dma_wait3A_1158 : memref<80xi32, #tpu.memory_space<hbm>>) dst(%dma_wait3A_1156 : memref<80xi32, #tpu.memory_space<vmem>>)
        %dma_wait3A_1159 = arith.constant 0 : i32
        %dma_wait3A_1160 = arith.constant 0 : i32
        %dma_wait3A_1161 = tpu.memref_slice %arg8[%dma_wait3A_1159, %dma_wait3A_1160] : memref<8x80xi32, #tpu.memory_space<vmem>> -> memref<1x80xi32, #tpu.memory_space<vmem>>
        %dma_wait3A_1162 = tpu.memref_squeeze %dma_wait3A_1161 : memref<1x80xi32, #tpu.memory_space<vmem>> -> memref<80xi32, #tpu.memory_space<vmem>>
        %dma_wait3A_1163 = arith.constant 0 : i32
        %dma_wait3A_1164 = tpu.memref_slice %arg3[%dma_wait3A_1163] : memref<640000xi32, #tpu.memory_space<hbm>> -> memref<80xi32, #tpu.memory_space<hbm>>
        %dma_wait3A_1165 = arith.constant 0 : i32
        %dma_wait3A_1166 = tpu.memref_slice %arg8[%dma_wait3A_1159, %dma_wait3A_1165] : memref<8x80xi32, #tpu.memory_space<vmem>> -> memref<1x80xi32, #tpu.memory_space<vmem>>
        %dma_wait3A_1167 = tpu.memref_squeeze %dma_wait3A_1166 : memref<1x80xi32, #tpu.memory_space<vmem>> -> memref<80xi32, #tpu.memory_space<vmem>>
        %dma_wait3A_1168 = arith.constant 0 : i32
        %dma_wait3A_1169 = tpu.memref_slice %arg3[%dma_wait3A_1168] : memref<640000xi32, #tpu.memory_space<hbm>> -> memref<80xi32, #tpu.memory_space<hbm>>
        tpu.wait_dma2 semaphore(%arg17 : memref<!tpu.dma_semaphore, #tpu.memory_space<semaphore_mem>>) src(%dma_wait3A_1169 : memref<80xi32, #tpu.memory_space<hbm>>) dst(%dma_wait3A_1167 : memref<80xi32, #tpu.memory_space<vmem>>)
        %sub3A = arith.constant 1 : i32
        %sub3A_1170 = arith.subi %add3A_1025, %sub3A : i32
        %ge3A = arith.constant 0 : i32
        %ge3A_1171 = arith.cmpi sge, %sub3A_1170, %ge3A : i32
        %convert_element_type3A_1172 = arith.extui %ge3A_1171 : i1 to i32
        %cond3A_1173 = arith.constant 0 : i32
        %cond3A_1174 = arith.cmpi ne, %convert_element_type3A_1172, %cond3A_1173 : i32
        scf.if %cond3A_1174 {
          %dma_wait3A_1187 = arith.constant 0 : i32
          %dma_wait3A_1188 = arith.constant 0 : i32
          %dma_wait3A_1189 = arith.constant 0 : i32
          %dma_wait3A_1190 = arith.constant 0 : i32
          %dma_wait3A_1191 = tpu.memref_slice %arg6[%dma_wait3A_1187, %dma_wait3A_1189, %dma_wait3A_1190] : memref<4x80x128xf32, #tpu.memory_space<vmem>> -> memref<1x80x128xf32, #tpu.memory_space<vmem>>
          %dma_wait3A_1192 = tpu.memref_squeeze %dma_wait3A_1191 : memref<1x80x128xf32, #tpu.memory_space<vmem>> -> memref<80x128xf32, #tpu.memory_space<vmem>>
          %dma_wait3A_1193 = arith.constant 0 : i32
          %dma_wait3A_1194 = tpu.memref_slice %arg8[%dma_wait3A_1188, %dma_wait3A_1193] : memref<8x80xi32, #tpu.memory_space<vmem>> -> memref<1x80xi32, #tpu.memory_space<vmem>>
          %dma_wait3A_1195 = tpu.memref_squeeze %dma_wait3A_1194 : memref<1x80xi32, #tpu.memory_space<vmem>> -> memref<80xi32, #tpu.memory_space<vmem>>
          %dma_wait3A_1196 = arith.constant 0 : i32
          %dma_wait3A_1197 = arith.constant 0 : i32
          %dma_wait3A_1198 = tpu.memref_slice %arg5[%dma_wait3A_1196, %dma_wait3A_1197] : memref<10000x128xf32, #tpu.memory_space<vmem_shared>> -> memref<10000x128xf32, #tpu.memory_space<vmem_shared>>
          tpu.wait_indirect_dma semaphore(%arg29 : memref<!tpu.dma_semaphore, #tpu.memory_space<semaphore_mem>>) src(%dma_wait3A_1192 : memref<80x128xf32, #tpu.memory_space<vmem>>) dst(%dma_wait3A_1198 : memref<10000x128xf32, #tpu.memory_space<vmem_shared>>)
        } else {
        }
        %dma_start3A_1175 = arith.constant 0 : i32
        %dma_start3A_1176 = arith.constant 0 : i32
        %dma_start3A_1177 = arith.constant 0 : i32
        %dma_start3A_1178 = arith.constant 0 : i32
        %dma_start3A_1179 = tpu.memref_slice %arg6[%dma_start3A_1176, %dma_start3A_1177, %dma_start3A_1178] : memref<4x80x128xf32, #tpu.memory_space<vmem>> -> memref<1x80x128xf32, #tpu.memory_space<vmem>>
        %dma_start3A_1180 = tpu.memref_squeeze %dma_start3A_1179 : memref<1x80x128xf32, #tpu.memory_space<vmem>> -> memref<80x128xf32, #tpu.memory_space<vmem>>
        %dma_start3A_1181 = arith.constant 0 : i32
        %dma_start3A_1182 = tpu.memref_slice %arg7[%dma_start3A_1175, %dma_start3A_1181] : memref<8x80xi32, #tpu.memory_space<vmem>> -> memref<1x80xi32, #tpu.memory_space<vmem>>
        %dma_start3A_1183 = tpu.memref_squeeze %dma_start3A_1182 : memref<1x80xi32, #tpu.memory_space<vmem>> -> memref<80xi32, #tpu.memory_space<vmem>>
        %dma_start3A_1184 = arith.constant 0 : i32
        %dma_start3A_1185 = arith.constant 0 : i32
        %dma_start3A_1186 = tpu.memref_slice %arg2[%dma_start3A_1184, %dma_start3A_1185] : memref<10000x128xf32, #tpu.memory_space<hbm>> -> memref<10000x128xf32, #tpu.memory_space<hbm>>
        tpu.enqueue_indirect_dma source(%dma_start3A_1186 : memref<10000x128xf32, #tpu.memory_space<hbm>>) target(%dma_start3A_1180 : memref<80x128xf32, #tpu.memory_space<vmem>>) offsets(%dma_start3A_1183 : memref<80xi32, #tpu.memory_space<vmem>>) semaphore(%arg25 : memref<!tpu.dma_semaphore, #tpu.memory_space<semaphore_mem>>)
      } else {
      }
      %dma_wait3A_1033 = arith.constant 0 : i32
      %dma_wait3A_1034 = arith.constant 1 : i32
      %dma_wait3A_1035 = arith.constant 0 : i32
      %dma_wait3A_1036 = arith.constant 0 : i32
      %dma_wait3A_1037 = tpu.memref_slice %arg6[%dma_wait3A_1034, %dma_wait3A_1035, %dma_wait3A_1036] : memref<4x80x128xf32, #tpu.memory_space<vmem>> -> memref<1x80x128xf32, #tpu.memory_space<vmem>>
      %dma_wait3A_1038 = tpu.memref_squeeze %dma_wait3A_1037 : memref<1x80x128xf32, #tpu.memory_space<vmem>> -> memref<80x128xf32, #tpu.memory_space<vmem>>
      %dma_wait3A_1039 = arith.constant 0 : i32
      %dma_wait3A_1040 = tpu.memref_slice %arg7[%dma_wait3A_1033, %dma_wait3A_1039] : memref<8x80xi32, #tpu.memory_space<vmem>> -> memref<1x80xi32, #tpu.memory_space<vmem>>
      %dma_wait3A_1041 = tpu.memref_squeeze %dma_wait3A_1040 : memref<1x80xi32, #tpu.memory_space<vmem>> -> memref<80xi32, #tpu.memory_space<vmem>>
      %dma_wait3A_1042 = arith.constant 0 : i32
      %dma_wait3A_1043 = arith.constant 0 : i32
      %dma_wait3A_1044 = tpu.memref_slice %arg2[%dma_wait3A_1042, %dma_wait3A_1043] : memref<10000x128xf32, #tpu.memory_space<hbm>> -> memref<10000x128xf32, #tpu.memory_space<hbm>>
      tpu.wait_indirect_dma semaphore(%arg26 : memref<!tpu.dma_semaphore, #tpu.memory_space<semaphore_mem>>) src(%dma_wait3A_1044 : memref<10000x128xf32, #tpu.memory_space<hbm>>) dst(%dma_wait3A_1038 : memref<80x128xf32, #tpu.memory_space<vmem>>)
      %dma_start3A_1045 = arith.constant 1 : i32
      %dma_start3A_1046 = arith.constant 5 : i32
      %dma_start3A_1047 = arith.constant 0 : i32
      %dma_start3A_1048 = arith.constant 0 : i32
      %dma_start3A_1049 = tpu.memref_slice %arg6[%dma_start3A_1045, %dma_start3A_1047, %dma_start3A_1048] : memref<4x80x128xf32, #tpu.memory_space<vmem>> -> memref<1x80x128xf32, #tpu.memory_space<vmem>>
      %dma_start3A_1050 = tpu.memref_squeeze %dma_start3A_1049 : memref<1x80x128xf32, #tpu.memory_space<vmem>> -> memref<80x128xf32, #tpu.memory_space<vmem>>
      %dma_start3A_1051 = arith.constant 0 : i32
      %dma_start3A_1052 = tpu.memref_slice %arg8[%dma_start3A_1046, %dma_start3A_1051] : memref<8x80xi32, #tpu.memory_space<vmem>> -> memref<1x80xi32, #tpu.memory_space<vmem>>
      %dma_start3A_1053 = tpu.memref_squeeze %dma_start3A_1052 : memref<1x80xi32, #tpu.memory_space<vmem>> -> memref<80xi32, #tpu.memory_space<vmem>>
      %dma_start3A_1054 = arith.constant 0 : i32
      %dma_start3A_1055 = arith.constant 0 : i32
      %dma_start3A_1056 = tpu.memref_slice %arg5[%dma_start3A_1054, %dma_start3A_1055] : memref<10000x128xf32, #tpu.memory_space<vmem_shared>> -> memref<10000x128xf32, #tpu.memory_space<vmem_shared>>
      tpu.enqueue_indirect_dma source(%dma_start3A_1050 : memref<80x128xf32, #tpu.memory_space<vmem>>) target(%dma_start3A_1056 : memref<10000x128xf32, #tpu.memory_space<vmem_shared>>) offsets(%dma_start3A_1053 : memref<80xi32, #tpu.memory_space<vmem>>) semaphore(%arg30 : memref<!tpu.dma_semaphore, #tpu.memory_space<semaphore_mem>>) {add = true}
      %add3A_1057 = arith.constant 7 : i32
      %add3A_1058 = arith.addi %add3A_1025, %add3A_1057 : i32
      %lt3A_1059 = arith.constant 125 : i32
      %lt3A_1060 = arith.cmpi slt, %add3A_1058, %lt3A_1059 : i32
      %convert_element_type3A_1061 = arith.extui %lt3A_1060 : i1 to i32
      %cond3A_1062 = arith.constant 0 : i32
      %cond3A_1063 = arith.cmpi ne, %convert_element_type3A_1061, %cond3A_1062 : i32
      scf.if %cond3A_1063 {
        %add3A_1148 = arith.constant 7 : i32
        %add3A_1149 = arith.addi %add3A_1025, %add3A_1148 : i32
        %mul3A_1150 = arith.constant 80 : i32
        %mul3A_1151 = arith.muli %add3A_1149, %mul3A_1150 : i32
        %add3A_1152 = arith.addi %mul3A_2, %mul3A_1151 : i32
        %dma_start3A_1153 = arith.constant 4 : i32
        %dma_start3A_1154 = arith.constant 0 : i32
        %dma_start3A_1155 = tpu.memref_slice %arg7[%dma_start3A_1153, %dma_start3A_1154] : memref<8x80xi32, #tpu.memory_space<vmem>> -> memref<1x80xi32, #tpu.memory_space<vmem>>
        %dma_start3A_1156 = tpu.memref_squeeze %dma_start3A_1155 : memref<1x80xi32, #tpu.memory_space<vmem>> -> memref<80xi32, #tpu.memory_space<vmem>>
        %dma_start3A_1157 = tpu.memref_slice %arg3[%add3A_1152] : memref<640000xi32, #tpu.memory_space<hbm>> -> memref<80xi32, #tpu.memory_space<hbm>>
        %dma_start3A_1158 = arith.constant 0 : i32
        %dma_start3A_1159 = tpu.memref_slice %arg7[%dma_start3A_1153, %dma_start3A_1158] : memref<8x80xi32, #tpu.memory_space<vmem>> -> memref<1x80xi32, #tpu.memory_space<vmem>>
        %dma_start3A_1160 = tpu.memref_squeeze %dma_start3A_1159 : memref<1x80xi32, #tpu.memory_space<vmem>> -> memref<80xi32, #tpu.memory_space<vmem>>
        %dma_start3A_1161 = tpu.memref_slice %arg3[%add3A_1152] : memref<640000xi32, #tpu.memory_space<hbm>> -> memref<80xi32, #tpu.memory_space<hbm>>
        tpu.enqueue_dma source(%dma_start3A_1161 : memref<80xi32, #tpu.memory_space<hbm>>) target(%dma_start3A_1160 : memref<80xi32, #tpu.memory_space<vmem>>) target_semaphore(%arg13 : memref<!tpu.dma_semaphore, #tpu.memory_space<semaphore_mem>>)
        %add3A_1162 = arith.constant 320000 : i32
        %add3A_1163 = arith.addi %add3A_1162, %add3A_1152 : i32
        %dma_start3A_1164 = arith.constant 4 : i32
        %dma_start3A_1165 = arith.constant 0 : i32
        %dma_start3A_1166 = tpu.memref_slice %arg8[%dma_start3A_1164, %dma_start3A_1165] : memref<8x80xi32, #tpu.memory_space<vmem>> -> memref<1x80xi32, #tpu.memory_space<vmem>>
        %dma_start3A_1167 = tpu.memref_squeeze %dma_start3A_1166 : memref<1x80xi32, #tpu.memory_space<vmem>> -> memref<80xi32, #tpu.memory_space<vmem>>
        %dma_start3A_1168 = tpu.memref_slice %arg3[%add3A_1163] : memref<640000xi32, #tpu.memory_space<hbm>> -> memref<80xi32, #tpu.memory_space<hbm>>
        %dma_start3A_1169 = arith.constant 0 : i32
        %dma_start3A_1170 = tpu.memref_slice %arg8[%dma_start3A_1164, %dma_start3A_1169] : memref<8x80xi32, #tpu.memory_space<vmem>> -> memref<1x80xi32, #tpu.memory_space<vmem>>
        %dma_start3A_1171 = tpu.memref_squeeze %dma_start3A_1170 : memref<1x80xi32, #tpu.memory_space<vmem>> -> memref<80xi32, #tpu.memory_space<vmem>>
        %dma_start3A_1172 = tpu.memref_slice %arg3[%add3A_1163] : memref<640000xi32, #tpu.memory_space<hbm>> -> memref<80xi32, #tpu.memory_space<hbm>>
        tpu.enqueue_dma source(%dma_start3A_1172 : memref<80xi32, #tpu.memory_space<hbm>>) target(%dma_start3A_1171 : memref<80xi32, #tpu.memory_space<vmem>>) target_semaphore(%arg21 : memref<!tpu.dma_semaphore, #tpu.memory_space<semaphore_mem>>)
      } else {
      }
      %mul3A_1064 = arith.constant 8 : i32
      %mul3A_1065 = arith.muli %scan3A_811, %mul3A_1064 : i32
      %add3A_1066 = arith.constant 6 : i32
      %add3A_1067 = arith.addi %mul3A_1065, %add3A_1066 : i32
      %add3A_1068 = arith.constant 3 : i32
      %add3A_1069 = arith.addi %add3A_1067, %add3A_1068 : i32
      %lt3A_1070 = arith.constant 125 : i32
      %lt3A_1071 = arith.cmpi slt, %add3A_1069, %lt3A_1070 : i32
      %convert_element_type3A_1072 = arith.extui %lt3A_1071 : i1 to i32
      %cond3A_1073 = arith.constant 0 : i32
      %cond3A_1074 = arith.cmpi ne, %convert_element_type3A_1072, %cond3A_1073 : i32
      scf.if %cond3A_1074 {
        %dma_wait3A_1148 = arith.constant 1 : i32
        %dma_wait3A_1149 = arith.constant 0 : i32
        %dma_wait3A_1150 = tpu.memref_slice %arg7[%dma_wait3A_1148, %dma_wait3A_1149] : memref<8x80xi32, #tpu.memory_space<vmem>> -> memref<1x80xi32, #tpu.memory_space<vmem>>
        %dma_wait3A_1151 = tpu.memref_squeeze %dma_wait3A_1150 : memref<1x80xi32, #tpu.memory_space<vmem>> -> memref<80xi32, #tpu.memory_space<vmem>>
        %dma_wait3A_1152 = arith.constant 0 : i32
        %dma_wait3A_1153 = tpu.memref_slice %arg3[%dma_wait3A_1152] : memref<640000xi32, #tpu.memory_space<hbm>> -> memref<80xi32, #tpu.memory_space<hbm>>
        %dma_wait3A_1154 = arith.constant 0 : i32
        %dma_wait3A_1155 = tpu.memref_slice %arg7[%dma_wait3A_1148, %dma_wait3A_1154] : memref<8x80xi32, #tpu.memory_space<vmem>> -> memref<1x80xi32, #tpu.memory_space<vmem>>
        %dma_wait3A_1156 = tpu.memref_squeeze %dma_wait3A_1155 : memref<1x80xi32, #tpu.memory_space<vmem>> -> memref<80xi32, #tpu.memory_space<vmem>>
        %dma_wait3A_1157 = arith.constant 0 : i32
        %dma_wait3A_1158 = tpu.memref_slice %arg3[%dma_wait3A_1157] : memref<640000xi32, #tpu.memory_space<hbm>> -> memref<80xi32, #tpu.memory_space<hbm>>
        tpu.wait_dma2 semaphore(%arg10 : memref<!tpu.dma_semaphore, #tpu.memory_space<semaphore_mem>>) src(%dma_wait3A_1158 : memref<80xi32, #tpu.memory_space<hbm>>) dst(%dma_wait3A_1156 : memref<80xi32, #tpu.memory_space<vmem>>)
        %dma_wait3A_1159 = arith.constant 1 : i32
        %dma_wait3A_1160 = arith.constant 0 : i32
        %dma_wait3A_1161 = tpu.memref_slice %arg8[%dma_wait3A_1159, %dma_wait3A_1160] : memref<8x80xi32, #tpu.memory_space<vmem>> -> memref<1x80xi32, #tpu.memory_space<vmem>>
        %dma_wait3A_1162 = tpu.memref_squeeze %dma_wait3A_1161 : memref<1x80xi32, #tpu.memory_space<vmem>> -> memref<80xi32, #tpu.memory_space<vmem>>
        %dma_wait3A_1163 = arith.constant 0 : i32
        %dma_wait3A_1164 = tpu.memref_slice %arg3[%dma_wait3A_1163] : memref<640000xi32, #tpu.memory_space<hbm>> -> memref<80xi32, #tpu.memory_space<hbm>>
        %dma_wait3A_1165 = arith.constant 0 : i32
        %dma_wait3A_1166 = tpu.memref_slice %arg8[%dma_wait3A_1159, %dma_wait3A_1165] : memref<8x80xi32, #tpu.memory_space<vmem>> -> memref<1x80xi32, #tpu.memory_space<vmem>>
        %dma_wait3A_1167 = tpu.memref_squeeze %dma_wait3A_1166 : memref<1x80xi32, #tpu.memory_space<vmem>> -> memref<80xi32, #tpu.memory_space<vmem>>
        %dma_wait3A_1168 = arith.constant 0 : i32
        %dma_wait3A_1169 = tpu.memref_slice %arg3[%dma_wait3A_1168] : memref<640000xi32, #tpu.memory_space<hbm>> -> memref<80xi32, #tpu.memory_space<hbm>>
        tpu.wait_dma2 semaphore(%arg18 : memref<!tpu.dma_semaphore, #tpu.memory_space<semaphore_mem>>) src(%dma_wait3A_1169 : memref<80xi32, #tpu.memory_space<hbm>>) dst(%dma_wait3A_1167 : memref<80xi32, #tpu.memory_space<vmem>>)
        %sub3A = arith.constant 1 : i32
        %sub3A_1170 = arith.subi %add3A_1067, %sub3A : i32
        %ge3A = arith.constant 0 : i32
        %ge3A_1171 = arith.cmpi sge, %sub3A_1170, %ge3A : i32
        %convert_element_type3A_1172 = arith.extui %ge3A_1171 : i1 to i32
        %cond3A_1173 = arith.constant 0 : i32
        %cond3A_1174 = arith.cmpi ne, %convert_element_type3A_1172, %cond3A_1173 : i32
        scf.if %cond3A_1174 {
          %dma_wait3A_1187 = arith.constant 1 : i32
          %dma_wait3A_1188 = arith.constant 0 : i32
          %dma_wait3A_1189 = arith.constant 0 : i32
          %dma_wait3A_1190 = arith.constant 0 : i32
          %dma_wait3A_1191 = tpu.memref_slice %arg6[%dma_wait3A_1187, %dma_wait3A_1189, %dma_wait3A_1190] : memref<4x80x128xf32, #tpu.memory_space<vmem>> -> memref<1x80x128xf32, #tpu.memory_space<vmem>>
          %dma_wait3A_1192 = tpu.memref_squeeze %dma_wait3A_1191 : memref<1x80x128xf32, #tpu.memory_space<vmem>> -> memref<80x128xf32, #tpu.memory_space<vmem>>
          %dma_wait3A_1193 = arith.constant 0 : i32
          %dma_wait3A_1194 = tpu.memref_slice %arg8[%dma_wait3A_1188, %dma_wait3A_1193] : memref<8x80xi32, #tpu.memory_space<vmem>> -> memref<1x80xi32, #tpu.memory_space<vmem>>
          %dma_wait3A_1195 = tpu.memref_squeeze %dma_wait3A_1194 : memref<1x80xi32, #tpu.memory_space<vmem>> -> memref<80xi32, #tpu.memory_space<vmem>>
          %dma_wait3A_1196 = arith.constant 0 : i32
          %dma_wait3A_1197 = arith.constant 0 : i32
          %dma_wait3A_1198 = tpu.memref_slice %arg5[%dma_wait3A_1196, %dma_wait3A_1197] : memref<10000x128xf32, #tpu.memory_space<vmem_shared>> -> memref<10000x128xf32, #tpu.memory_space<vmem_shared>>
          tpu.wait_indirect_dma semaphore(%arg30 : memref<!tpu.dma_semaphore, #tpu.memory_space<semaphore_mem>>) src(%dma_wait3A_1192 : memref<80x128xf32, #tpu.memory_space<vmem>>) dst(%dma_wait3A_1198 : memref<10000x128xf32, #tpu.memory_space<vmem_shared>>)
        } else {
        }
        %dma_start3A_1175 = arith.constant 1 : i32
        %dma_start3A_1176 = arith.constant 1 : i32
        %dma_start3A_1177 = arith.constant 0 : i32
        %dma_start3A_1178 = arith.constant 0 : i32
        %dma_start3A_1179 = tpu.memref_slice %arg6[%dma_start3A_1176, %dma_start3A_1177, %dma_start3A_1178] : memref<4x80x128xf32, #tpu.memory_space<vmem>> -> memref<1x80x128xf32, #tpu.memory_space<vmem>>
        %dma_start3A_1180 = tpu.memref_squeeze %dma_start3A_1179 : memref<1x80x128xf32, #tpu.memory_space<vmem>> -> memref<80x128xf32, #tpu.memory_space<vmem>>
        %dma_start3A_1181 = arith.constant 0 : i32
        %dma_start3A_1182 = tpu.memref_slice %arg7[%dma_start3A_1175, %dma_start3A_1181] : memref<8x80xi32, #tpu.memory_space<vmem>> -> memref<1x80xi32, #tpu.memory_space<vmem>>
        %dma_start3A_1183 = tpu.memref_squeeze %dma_start3A_1182 : memref<1x80xi32, #tpu.memory_space<vmem>> -> memref<80xi32, #tpu.memory_space<vmem>>
        %dma_start3A_1184 = arith.constant 0 : i32
        %dma_start3A_1185 = arith.constant 0 : i32
        %dma_start3A_1186 = tpu.memref_slice %arg2[%dma_start3A_1184, %dma_start3A_1185] : memref<10000x128xf32, #tpu.memory_space<hbm>> -> memref<10000x128xf32, #tpu.memory_space<hbm>>
        tpu.enqueue_indirect_dma source(%dma_start3A_1186 : memref<10000x128xf32, #tpu.memory_space<hbm>>) target(%dma_start3A_1180 : memref<80x128xf32, #tpu.memory_space<vmem>>) offsets(%dma_start3A_1183 : memref<80xi32, #tpu.memory_space<vmem>>) semaphore(%arg26 : memref<!tpu.dma_semaphore, #tpu.memory_space<semaphore_mem>>)
      } else {
      }
      %dma_wait3A_1075 = arith.constant 0 : i32
      %dma_wait3A_1076 = arith.constant 2 : i32
      %dma_wait3A_1077 = arith.constant 0 : i32
      %dma_wait3A_1078 = arith.constant 0 : i32
      %dma_wait3A_1079 = tpu.memref_slice %arg6[%dma_wait3A_1076, %dma_wait3A_1077, %dma_wait3A_1078] : memref<4x80x128xf32, #tpu.memory_space<vmem>> -> memref<1x80x128xf32, #tpu.memory_space<vmem>>
      %dma_wait3A_1080 = tpu.memref_squeeze %dma_wait3A_1079 : memref<1x80x128xf32, #tpu.memory_space<vmem>> -> memref<80x128xf32, #tpu.memory_space<vmem>>
      %dma_wait3A_1081 = arith.constant 0 : i32
      %dma_wait3A_1082 = tpu.memref_slice %arg7[%dma_wait3A_1075, %dma_wait3A_1081] : memref<8x80xi32, #tpu.memory_space<vmem>> -> memref<1x80xi32, #tpu.memory_space<vmem>>
      %dma_wait3A_1083 = tpu.memref_squeeze %dma_wait3A_1082 : memref<1x80xi32, #tpu.memory_space<vmem>> -> memref<80xi32, #tpu.memory_space<vmem>>
      %dma_wait3A_1084 = arith.constant 0 : i32
      %dma_wait3A_1085 = arith.constant 0 : i32
      %dma_wait3A_1086 = tpu.memref_slice %arg2[%dma_wait3A_1084, %dma_wait3A_1085] : memref<10000x128xf32, #tpu.memory_space<hbm>> -> memref<10000x128xf32, #tpu.memory_space<hbm>>
      tpu.wait_indirect_dma semaphore(%arg27 : memref<!tpu.dma_semaphore, #tpu.memory_space<semaphore_mem>>) src(%dma_wait3A_1086 : memref<10000x128xf32, #tpu.memory_space<hbm>>) dst(%dma_wait3A_1080 : memref<80x128xf32, #tpu.memory_space<vmem>>)
      %dma_start3A_1087 = arith.constant 2 : i32
      %dma_start3A_1088 = arith.constant 6 : i32
      %dma_start3A_1089 = arith.constant 0 : i32
      %dma_start3A_1090 = arith.constant 0 : i32
      %dma_start3A_1091 = tpu.memref_slice %arg6[%dma_start3A_1087, %dma_start3A_1089, %dma_start3A_1090] : memref<4x80x128xf32, #tpu.memory_space<vmem>> -> memref<1x80x128xf32, #tpu.memory_space<vmem>>
      %dma_start3A_1092 = tpu.memref_squeeze %dma_start3A_1091 : memref<1x80x128xf32, #tpu.memory_space<vmem>> -> memref<80x128xf32, #tpu.memory_space<vmem>>
      %dma_start3A_1093 = arith.constant 0 : i32
      %dma_start3A_1094 = tpu.memref_slice %arg8[%dma_start3A_1088, %dma_start3A_1093] : memref<8x80xi32, #tpu.memory_space<vmem>> -> memref<1x80xi32, #tpu.memory_space<vmem>>
      %dma_start3A_1095 = tpu.memref_squeeze %dma_start3A_1094 : memref<1x80xi32, #tpu.memory_space<vmem>> -> memref<80xi32, #tpu.memory_space<vmem>>
      %dma_start3A_1096 = arith.constant 0 : i32
      %dma_start3A_1097 = arith.constant 0 : i32
      %dma_start3A_1098 = tpu.memref_slice %arg5[%dma_start3A_1096, %dma_start3A_1097] : memref<10000x128xf32, #tpu.memory_space<vmem_shared>> -> memref<10000x128xf32, #tpu.memory_space<vmem_shared>>
      tpu.enqueue_indirect_dma source(%dma_start3A_1092 : memref<80x128xf32, #tpu.memory_space<vmem>>) target(%dma_start3A_1098 : memref<10000x128xf32, #tpu.memory_space<vmem_shared>>) offsets(%dma_start3A_1095 : memref<80xi32, #tpu.memory_space<vmem>>) semaphore(%arg31 : memref<!tpu.dma_semaphore, #tpu.memory_space<semaphore_mem>>) {add = true}
      %add3A_1099 = arith.constant 7 : i32
      %add3A_1100 = arith.addi %add3A_1067, %add3A_1099 : i32
      %lt3A_1101 = arith.constant 125 : i32
      %lt3A_1102 = arith.cmpi slt, %add3A_1100, %lt3A_1101 : i32
      %convert_element_type3A_1103 = arith.extui %lt3A_1102 : i1 to i32
      %cond3A_1104 = arith.constant 0 : i32
      %cond3A_1105 = arith.cmpi ne, %convert_element_type3A_1103, %cond3A_1104 : i32
      scf.if %cond3A_1105 {
        %add3A_1148 = arith.constant 7 : i32
        %add3A_1149 = arith.addi %add3A_1067, %add3A_1148 : i32
        %mul3A_1150 = arith.constant 80 : i32
        %mul3A_1151 = arith.muli %add3A_1149, %mul3A_1150 : i32
        %add3A_1152 = arith.addi %mul3A_2, %mul3A_1151 : i32
        %dma_start3A_1153 = arith.constant 5 : i32
        %dma_start3A_1154 = arith.constant 0 : i32
        %dma_start3A_1155 = tpu.memref_slice %arg7[%dma_start3A_1153, %dma_start3A_1154] : memref<8x80xi32, #tpu.memory_space<vmem>> -> memref<1x80xi32, #tpu.memory_space<vmem>>
        %dma_start3A_1156 = tpu.memref_squeeze %dma_start3A_1155 : memref<1x80xi32, #tpu.memory_space<vmem>> -> memref<80xi32, #tpu.memory_space<vmem>>
        %dma_start3A_1157 = tpu.memref_slice %arg3[%add3A_1152] : memref<640000xi32, #tpu.memory_space<hbm>> -> memref<80xi32, #tpu.memory_space<hbm>>
        %dma_start3A_1158 = arith.constant 0 : i32
        %dma_start3A_1159 = tpu.memref_slice %arg7[%dma_start3A_1153, %dma_start3A_1158] : memref<8x80xi32, #tpu.memory_space<vmem>> -> memref<1x80xi32, #tpu.memory_space<vmem>>
        %dma_start3A_1160 = tpu.memref_squeeze %dma_start3A_1159 : memref<1x80xi32, #tpu.memory_space<vmem>> -> memref<80xi32, #tpu.memory_space<vmem>>
        %dma_start3A_1161 = tpu.memref_slice %arg3[%add3A_1152] : memref<640000xi32, #tpu.memory_space<hbm>> -> memref<80xi32, #tpu.memory_space<hbm>>
        tpu.enqueue_dma source(%dma_start3A_1161 : memref<80xi32, #tpu.memory_space<hbm>>) target(%dma_start3A_1160 : memref<80xi32, #tpu.memory_space<vmem>>) target_semaphore(%arg14 : memref<!tpu.dma_semaphore, #tpu.memory_space<semaphore_mem>>)
        %add3A_1162 = arith.constant 320000 : i32
        %add3A_1163 = arith.addi %add3A_1162, %add3A_1152 : i32
        %dma_start3A_1164 = arith.constant 5 : i32
        %dma_start3A_1165 = arith.constant 0 : i32
        %dma_start3A_1166 = tpu.memref_slice %arg8[%dma_start3A_1164, %dma_start3A_1165] : memref<8x80xi32, #tpu.memory_space<vmem>> -> memref<1x80xi32, #tpu.memory_space<vmem>>
        %dma_start3A_1167 = tpu.memref_squeeze %dma_start3A_1166 : memref<1x80xi32, #tpu.memory_space<vmem>> -> memref<80xi32, #tpu.memory_space<vmem>>
        %dma_start3A_1168 = tpu.memref_slice %arg3[%add3A_1163] : memref<640000xi32, #tpu.memory_space<hbm>> -> memref<80xi32, #tpu.memory_space<hbm>>
        %dma_start3A_1169 = arith.constant 0 : i32
        %dma_start3A_1170 = tpu.memref_slice %arg8[%dma_start3A_1164, %dma_start3A_1169] : memref<8x80xi32, #tpu.memory_space<vmem>> -> memref<1x80xi32, #tpu.memory_space<vmem>>
        %dma_start3A_1171 = tpu.memref_squeeze %dma_start3A_1170 : memref<1x80xi32, #tpu.memory_space<vmem>> -> memref<80xi32, #tpu.memory_space<vmem>>
        %dma_start3A_1172 = tpu.memref_slice %arg3[%add3A_1163] : memref<640000xi32, #tpu.memory_space<hbm>> -> memref<80xi32, #tpu.memory_space<hbm>>
        tpu.enqueue_dma source(%dma_start3A_1172 : memref<80xi32, #tpu.memory_space<hbm>>) target(%dma_start3A_1171 : memref<80xi32, #tpu.memory_space<vmem>>) target_semaphore(%arg22 : memref<!tpu.dma_semaphore, #tpu.memory_space<semaphore_mem>>)
      } else {
      }
      %mul3A_1106 = arith.constant 8 : i32
      %mul3A_1107 = arith.muli %scan3A_811, %mul3A_1106 : i32
      %add3A_1108 = arith.constant 7 : i32
      %add3A_1109 = arith.addi %mul3A_1107, %add3A_1108 : i32
      %add3A_1110 = arith.constant 3 : i32
      %add3A_1111 = arith.addi %add3A_1109, %add3A_1110 : i32
      %lt3A_1112 = arith.constant 125 : i32
      %lt3A_1113 = arith.cmpi slt, %add3A_1111, %lt3A_1112 : i32
      %convert_element_type3A_1114 = arith.extui %lt3A_1113 : i1 to i32
      %cond3A_1115 = arith.constant 0 : i32
      %cond3A_1116 = arith.cmpi ne, %convert_element_type3A_1114, %cond3A_1115 : i32
      scf.if %cond3A_1116 {
        %dma_wait3A_1148 = arith.constant 2 : i32
        %dma_wait3A_1149 = arith.constant 0 : i32
        %dma_wait3A_1150 = tpu.memref_slice %arg7[%dma_wait3A_1148, %dma_wait3A_1149] : memref<8x80xi32, #tpu.memory_space<vmem>> -> memref<1x80xi32, #tpu.memory_space<vmem>>
        %dma_wait3A_1151 = tpu.memref_squeeze %dma_wait3A_1150 : memref<1x80xi32, #tpu.memory_space<vmem>> -> memref<80xi32, #tpu.memory_space<vmem>>
        %dma_wait3A_1152 = arith.constant 0 : i32
        %dma_wait3A_1153 = tpu.memref_slice %arg3[%dma_wait3A_1152] : memref<640000xi32, #tpu.memory_space<hbm>> -> memref<80xi32, #tpu.memory_space<hbm>>
        %dma_wait3A_1154 = arith.constant 0 : i32
        %dma_wait3A_1155 = tpu.memref_slice %arg7[%dma_wait3A_1148, %dma_wait3A_1154] : memref<8x80xi32, #tpu.memory_space<vmem>> -> memref<1x80xi32, #tpu.memory_space<vmem>>
        %dma_wait3A_1156 = tpu.memref_squeeze %dma_wait3A_1155 : memref<1x80xi32, #tpu.memory_space<vmem>> -> memref<80xi32, #tpu.memory_space<vmem>>
        %dma_wait3A_1157 = arith.constant 0 : i32
        %dma_wait3A_1158 = tpu.memref_slice %arg3[%dma_wait3A_1157] : memref<640000xi32, #tpu.memory_space<hbm>> -> memref<80xi32, #tpu.memory_space<hbm>>
        tpu.wait_dma2 semaphore(%arg11 : memref<!tpu.dma_semaphore, #tpu.memory_space<semaphore_mem>>) src(%dma_wait3A_1158 : memref<80xi32, #tpu.memory_space<hbm>>) dst(%dma_wait3A_1156 : memref<80xi32, #tpu.memory_space<vmem>>)
        %dma_wait3A_1159 = arith.constant 2 : i32
        %dma_wait3A_1160 = arith.constant 0 : i32
        %dma_wait3A_1161 = tpu.memref_slice %arg8[%dma_wait3A_1159, %dma_wait3A_1160] : memref<8x80xi32, #tpu.memory_space<vmem>> -> memref<1x80xi32, #tpu.memory_space<vmem>>
        %dma_wait3A_1162 = tpu.memref_squeeze %dma_wait3A_1161 : memref<1x80xi32, #tpu.memory_space<vmem>> -> memref<80xi32, #tpu.memory_space<vmem>>
        %dma_wait3A_1163 = arith.constant 0 : i32
        %dma_wait3A_1164 = tpu.memref_slice %arg3[%dma_wait3A_1163] : memref<640000xi32, #tpu.memory_space<hbm>> -> memref<80xi32, #tpu.memory_space<hbm>>
        %dma_wait3A_1165 = arith.constant 0 : i32
        %dma_wait3A_1166 = tpu.memref_slice %arg8[%dma_wait3A_1159, %dma_wait3A_1165] : memref<8x80xi32, #tpu.memory_space<vmem>> -> memref<1x80xi32, #tpu.memory_space<vmem>>
        %dma_wait3A_1167 = tpu.memref_squeeze %dma_wait3A_1166 : memref<1x80xi32, #tpu.memory_space<vmem>> -> memref<80xi32, #tpu.memory_space<vmem>>
        %dma_wait3A_1168 = arith.constant 0 : i32
        %dma_wait3A_1169 = tpu.memref_slice %arg3[%dma_wait3A_1168] : memref<640000xi32, #tpu.memory_space<hbm>> -> memref<80xi32, #tpu.memory_space<hbm>>
        tpu.wait_dma2 semaphore(%arg19 : memref<!tpu.dma_semaphore, #tpu.memory_space<semaphore_mem>>) src(%dma_wait3A_1169 : memref<80xi32, #tpu.memory_space<hbm>>) dst(%dma_wait3A_1167 : memref<80xi32, #tpu.memory_space<vmem>>)
        %sub3A = arith.constant 1 : i32
        %sub3A_1170 = arith.subi %add3A_1109, %sub3A : i32
        %ge3A = arith.constant 0 : i32
        %ge3A_1171 = arith.cmpi sge, %sub3A_1170, %ge3A : i32
        %convert_element_type3A_1172 = arith.extui %ge3A_1171 : i1 to i32
        %cond3A_1173 = arith.constant 0 : i32
        %cond3A_1174 = arith.cmpi ne, %convert_element_type3A_1172, %cond3A_1173 : i32
        scf.if %cond3A_1174 {
          %dma_wait3A_1187 = arith.constant 2 : i32
          %dma_wait3A_1188 = arith.constant 0 : i32
          %dma_wait3A_1189 = arith.constant 0 : i32
          %dma_wait3A_1190 = arith.constant 0 : i32
          %dma_wait3A_1191 = tpu.memref_slice %arg6[%dma_wait3A_1187, %dma_wait3A_1189, %dma_wait3A_1190] : memref<4x80x128xf32, #tpu.memory_space<vmem>> -> memref<1x80x128xf32, #tpu.memory_space<vmem>>
          %dma_wait3A_1192 = tpu.memref_squeeze %dma_wait3A_1191 : memref<1x80x128xf32, #tpu.memory_space<vmem>> -> memref<80x128xf32, #tpu.memory_space<vmem>>
          %dma_wait3A_1193 = arith.constant 0 : i32
          %dma_wait3A_1194 = tpu.memref_slice %arg8[%dma_wait3A_1188, %dma_wait3A_1193] : memref<8x80xi32, #tpu.memory_space<vmem>> -> memref<1x80xi32, #tpu.memory_space<vmem>>
          %dma_wait3A_1195 = tpu.memref_squeeze %dma_wait3A_1194 : memref<1x80xi32, #tpu.memory_space<vmem>> -> memref<80xi32, #tpu.memory_space<vmem>>
          %dma_wait3A_1196 = arith.constant 0 : i32
          %dma_wait3A_1197 = arith.constant 0 : i32
          %dma_wait3A_1198 = tpu.memref_slice %arg5[%dma_wait3A_1196, %dma_wait3A_1197] : memref<10000x128xf32, #tpu.memory_space<vmem_shared>> -> memref<10000x128xf32, #tpu.memory_space<vmem_shared>>
          tpu.wait_indirect_dma semaphore(%arg31 : memref<!tpu.dma_semaphore, #tpu.memory_space<semaphore_mem>>) src(%dma_wait3A_1192 : memref<80x128xf32, #tpu.memory_space<vmem>>) dst(%dma_wait3A_1198 : memref<10000x128xf32, #tpu.memory_space<vmem_shared>>)
        } else {
        }
        %dma_start3A_1175 = arith.constant 2 : i32
        %dma_start3A_1176 = arith.constant 2 : i32
        %dma_start3A_1177 = arith.constant 0 : i32
        %dma_start3A_1178 = arith.constant 0 : i32
        %dma_start3A_1179 = tpu.memref_slice %arg6[%dma_start3A_1176, %dma_start3A_1177, %dma_start3A_1178] : memref<4x80x128xf32, #tpu.memory_space<vmem>> -> memref<1x80x128xf32, #tpu.memory_space<vmem>>
        %dma_start3A_1180 = tpu.memref_squeeze %dma_start3A_1179 : memref<1x80x128xf32, #tpu.memory_space<vmem>> -> memref<80x128xf32, #tpu.memory_space<vmem>>
        %dma_start3A_1181 = arith.constant 0 : i32
        %dma_start3A_1182 = tpu.memref_slice %arg7[%dma_start3A_1175, %dma_start3A_1181] : memref<8x80xi32, #tpu.memory_space<vmem>> -> memref<1x80xi32, #tpu.memory_space<vmem>>
        %dma_start3A_1183 = tpu.memref_squeeze %dma_start3A_1182 : memref<1x80xi32, #tpu.memory_space<vmem>> -> memref<80xi32, #tpu.memory_space<vmem>>
        %dma_start3A_1184 = arith.constant 0 : i32
        %dma_start3A_1185 = arith.constant 0 : i32
        %dma_start3A_1186 = tpu.memref_slice %arg2[%dma_start3A_1184, %dma_start3A_1185] : memref<10000x128xf32, #tpu.memory_space<hbm>> -> memref<10000x128xf32, #tpu.memory_space<hbm>>
        tpu.enqueue_indirect_dma source(%dma_start3A_1186 : memref<10000x128xf32, #tpu.memory_space<hbm>>) target(%dma_start3A_1180 : memref<80x128xf32, #tpu.memory_space<vmem>>) offsets(%dma_start3A_1183 : memref<80xi32, #tpu.memory_space<vmem>>) semaphore(%arg27 : memref<!tpu.dma_semaphore, #tpu.memory_space<semaphore_mem>>)
      } else {
      }
      %dma_wait3A_1117 = arith.constant 0 : i32
      %dma_wait3A_1118 = arith.constant 3 : i32
      %dma_wait3A_1119 = arith.constant 0 : i32
      %dma_wait3A_1120 = arith.constant 0 : i32
      %dma_wait3A_1121 = tpu.memref_slice %arg6[%dma_wait3A_1118, %dma_wait3A_1119, %dma_wait3A_1120] : memref<4x80x128xf32, #tpu.memory_space<vmem>> -> memref<1x80x128xf32, #tpu.memory_space<vmem>>
      %dma_wait3A_1122 = tpu.memref_squeeze %dma_wait3A_1121 : memref<1x80x128xf32, #tpu.memory_space<vmem>> -> memref<80x128xf32, #tpu.memory_space<vmem>>
      %dma_wait3A_1123 = arith.constant 0 : i32
      %dma_wait3A_1124 = tpu.memref_slice %arg7[%dma_wait3A_1117, %dma_wait3A_1123] : memref<8x80xi32, #tpu.memory_space<vmem>> -> memref<1x80xi32, #tpu.memory_space<vmem>>
      %dma_wait3A_1125 = tpu.memref_squeeze %dma_wait3A_1124 : memref<1x80xi32, #tpu.memory_space<vmem>> -> memref<80xi32, #tpu.memory_space<vmem>>
      %dma_wait3A_1126 = arith.constant 0 : i32
      %dma_wait3A_1127 = arith.constant 0 : i32
      %dma_wait3A_1128 = tpu.memref_slice %arg2[%dma_wait3A_1126, %dma_wait3A_1127] : memref<10000x128xf32, #tpu.memory_space<hbm>> -> memref<10000x128xf32, #tpu.memory_space<hbm>>
      tpu.wait_indirect_dma semaphore(%arg28 : memref<!tpu.dma_semaphore, #tpu.memory_space<semaphore_mem>>) src(%dma_wait3A_1128 : memref<10000x128xf32, #tpu.memory_space<hbm>>) dst(%dma_wait3A_1122 : memref<80x128xf32, #tpu.memory_space<vmem>>)
      %dma_start3A_1129 = arith.constant 3 : i32
      %dma_start3A_1130 = arith.constant 7 : i32
      %dma_start3A_1131 = arith.constant 0 : i32
      %dma_start3A_1132 = arith.constant 0 : i32
      %dma_start3A_1133 = tpu.memref_slice %arg6[%dma_start3A_1129, %dma_start3A_1131, %dma_start3A_1132] : memref<4x80x128xf32, #tpu.memory_space<vmem>> -> memref<1x80x128xf32, #tpu.memory_space<vmem>>
      %dma_start3A_1134 = tpu.memref_squeeze %dma_start3A_1133 : memref<1x80x128xf32, #tpu.memory_space<vmem>> -> memref<80x128xf32, #tpu.memory_space<vmem>>
      %dma_start3A_1135 = arith.constant 0 : i32
      %dma_start3A_1136 = tpu.memref_slice %arg8[%dma_start3A_1130, %dma_start3A_1135] : memref<8x80xi32, #tpu.memory_space<vmem>> -> memref<1x80xi32, #tpu.memory_space<vmem>>
      %dma_start3A_1137 = tpu.memref_squeeze %dma_start3A_1136 : memref<1x80xi32, #tpu.memory_space<vmem>> -> memref<80xi32, #tpu.memory_space<vmem>>
      %dma_start3A_1138 = arith.constant 0 : i32
      %dma_start3A_1139 = arith.constant 0 : i32
      %dma_start3A_1140 = tpu.memref_slice %arg5[%dma_start3A_1138, %dma_start3A_1139] : memref<10000x128xf32, #tpu.memory_space<vmem_shared>> -> memref<10000x128xf32, #tpu.memory_space<vmem_shared>>
      tpu.enqueue_indirect_dma source(%dma_start3A_1134 : memref<80x128xf32, #tpu.memory_space<vmem>>) target(%dma_start3A_1140 : memref<10000x128xf32, #tpu.memory_space<vmem_shared>>) offsets(%dma_start3A_1137 : memref<80xi32, #tpu.memory_space<vmem>>) semaphore(%arg32 : memref<!tpu.dma_semaphore, #tpu.memory_space<semaphore_mem>>) {add = true}
      %add3A_1141 = arith.constant 7 : i32
      %add3A_1142 = arith.addi %add3A_1109, %add3A_1141 : i32
      %lt3A_1143 = arith.constant 125 : i32
      %lt3A_1144 = arith.cmpi slt, %add3A_1142, %lt3A_1143 : i32
      %convert_element_type3A_1145 = arith.extui %lt3A_1144 : i1 to i32
      %cond3A_1146 = arith.constant 0 : i32
      %cond3A_1147 = arith.cmpi ne, %convert_element_type3A_1145, %cond3A_1146 : i32
      scf.if %cond3A_1147 {
        %add3A_1148 = arith.constant 7 : i32
        %add3A_1149 = arith.addi %add3A_1109, %add3A_1148 : i32
        %mul3A_1150 = arith.constant 80 : i32
        %mul3A_1151 = arith.muli %add3A_1149, %mul3A_1150 : i32
        %add3A_1152 = arith.addi %mul3A_2, %mul3A_1151 : i32
        %dma_start3A_1153 = arith.constant 6 : i32
        %dma_start3A_1154 = arith.constant 0 : i32
        %dma_start3A_1155 = tpu.memref_slice %arg7[%dma_start3A_1153, %dma_start3A_1154] : memref<8x80xi32, #tpu.memory_space<vmem>> -> memref<1x80xi32, #tpu.memory_space<vmem>>
        %dma_start3A_1156 = tpu.memref_squeeze %dma_start3A_1155 : memref<1x80xi32, #tpu.memory_space<vmem>> -> memref<80xi32, #tpu.memory_space<vmem>>
        %dma_start3A_1157 = tpu.memref_slice %arg3[%add3A_1152] : memref<640000xi32, #tpu.memory_space<hbm>> -> memref<80xi32, #tpu.memory_space<hbm>>
        %dma_start3A_1158 = arith.constant 0 : i32
        %dma_start3A_1159 = tpu.memref_slice %arg7[%dma_start3A_1153, %dma_start3A_1158] : memref<8x80xi32, #tpu.memory_space<vmem>> -> memref<1x80xi32, #tpu.memory_space<vmem>>
        %dma_start3A_1160 = tpu.memref_squeeze %dma_start3A_1159 : memref<1x80xi32, #tpu.memory_space<vmem>> -> memref<80xi32, #tpu.memory_space<vmem>>
        %dma_start3A_1161 = tpu.memref_slice %arg3[%add3A_1152] : memref<640000xi32, #tpu.memory_space<hbm>> -> memref<80xi32, #tpu.memory_space<hbm>>
        tpu.enqueue_dma source(%dma_start3A_1161 : memref<80xi32, #tpu.memory_space<hbm>>) target(%dma_start3A_1160 : memref<80xi32, #tpu.memory_space<vmem>>) target_semaphore(%arg15 : memref<!tpu.dma_semaphore, #tpu.memory_space<semaphore_mem>>)
        %add3A_1162 = arith.constant 320000 : i32
        %add3A_1163 = arith.addi %add3A_1162, %add3A_1152 : i32
        %dma_start3A_1164 = arith.constant 6 : i32
        %dma_start3A_1165 = arith.constant 0 : i32
        %dma_start3A_1166 = tpu.memref_slice %arg8[%dma_start3A_1164, %dma_start3A_1165] : memref<8x80xi32, #tpu.memory_space<vmem>> -> memref<1x80xi32, #tpu.memory_space<vmem>>
        %dma_start3A_1167 = tpu.memref_squeeze %dma_start3A_1166 : memref<1x80xi32, #tpu.memory_space<vmem>> -> memref<80xi32, #tpu.memory_space<vmem>>
        %dma_start3A_1168 = tpu.memref_slice %arg3[%add3A_1163] : memref<640000xi32, #tpu.memory_space<hbm>> -> memref<80xi32, #tpu.memory_space<hbm>>
        %dma_start3A_1169 = arith.constant 0 : i32
        %dma_start3A_1170 = tpu.memref_slice %arg8[%dma_start3A_1164, %dma_start3A_1169] : memref<8x80xi32, #tpu.memory_space<vmem>> -> memref<1x80xi32, #tpu.memory_space<vmem>>
        %dma_start3A_1171 = tpu.memref_squeeze %dma_start3A_1170 : memref<1x80xi32, #tpu.memory_space<vmem>> -> memref<80xi32, #tpu.memory_space<vmem>>
        %dma_start3A_1172 = tpu.memref_slice %arg3[%add3A_1163] : memref<640000xi32, #tpu.memory_space<hbm>> -> memref<80xi32, #tpu.memory_space<hbm>>
        tpu.enqueue_dma source(%dma_start3A_1172 : memref<80xi32, #tpu.memory_space<hbm>>) target(%dma_start3A_1171 : memref<80xi32, #tpu.memory_space<vmem>>) target_semaphore(%arg23 : memref<!tpu.dma_semaphore, #tpu.memory_space<semaphore_mem>>)
      } else {
      }
    }
    %scan3A_543 = arith.constant 15 : i32
    %add3A_544 = arith.constant 120 : i32
    %add3A_545 = arith.constant 3 : i32
    %add3A_546 = arith.addi %add3A_544, %add3A_545 : i32
    %lt3A = arith.constant 125 : i32
    %lt3A_547 = arith.cmpi slt, %add3A_546, %lt3A : i32
    %convert_element_type3A_548 = arith.extui %lt3A_547 : i1 to i32
    %cond3A_549 = arith.constant 120 : i32
    %cond3A_550 = arith.constant 0 : i32
    %cond3A_551 = arith.cmpi ne, %convert_element_type3A_548, %cond3A_550 : i32
    scf.if %cond3A_551 {
      %dma_wait3A_811 = arith.constant 3 : i32
      %dma_wait3A_812 = arith.constant 0 : i32
      %dma_wait3A_813 = tpu.memref_slice %arg7[%dma_wait3A_811, %dma_wait3A_812] : memref<8x80xi32, #tpu.memory_space<vmem>> -> memref<1x80xi32, #tpu.memory_space<vmem>>
      %dma_wait3A_814 = tpu.memref_squeeze %dma_wait3A_813 : memref<1x80xi32, #tpu.memory_space<vmem>> -> memref<80xi32, #tpu.memory_space<vmem>>
      %dma_wait3A_815 = arith.constant 0 : i32
      %dma_wait3A_816 = tpu.memref_slice %arg3[%dma_wait3A_815] : memref<640000xi32, #tpu.memory_space<hbm>> -> memref<80xi32, #tpu.memory_space<hbm>>
      %dma_wait3A_817 = arith.constant 0 : i32
      %dma_wait3A_818 = tpu.memref_slice %arg7[%dma_wait3A_811, %dma_wait3A_817] : memref<8x80xi32, #tpu.memory_space<vmem>> -> memref<1x80xi32, #tpu.memory_space<vmem>>
      %dma_wait3A_819 = tpu.memref_squeeze %dma_wait3A_818 : memref<1x80xi32, #tpu.memory_space<vmem>> -> memref<80xi32, #tpu.memory_space<vmem>>
      %dma_wait3A_820 = arith.constant 0 : i32
      %dma_wait3A_821 = tpu.memref_slice %arg3[%dma_wait3A_820] : memref<640000xi32, #tpu.memory_space<hbm>> -> memref<80xi32, #tpu.memory_space<hbm>>
      tpu.wait_dma2 semaphore(%arg12 : memref<!tpu.dma_semaphore, #tpu.memory_space<semaphore_mem>>) src(%dma_wait3A_821 : memref<80xi32, #tpu.memory_space<hbm>>) dst(%dma_wait3A_819 : memref<80xi32, #tpu.memory_space<vmem>>)
      %dma_wait3A_822 = arith.constant 3 : i32
      %dma_wait3A_823 = arith.constant 0 : i32
      %dma_wait3A_824 = tpu.memref_slice %arg8[%dma_wait3A_822, %dma_wait3A_823] : memref<8x80xi32, #tpu.memory_space<vmem>> -> memref<1x80xi32, #tpu.memory_space<vmem>>
      %dma_wait3A_825 = tpu.memref_squeeze %dma_wait3A_824 : memref<1x80xi32, #tpu.memory_space<vmem>> -> memref<80xi32, #tpu.memory_space<vmem>>
      %dma_wait3A_826 = arith.constant 0 : i32
      %dma_wait3A_827 = tpu.memref_slice %arg3[%dma_wait3A_826] : memref<640000xi32, #tpu.memory_space<hbm>> -> memref<80xi32, #tpu.memory_space<hbm>>
      %dma_wait3A_828 = arith.constant 0 : i32
      %dma_wait3A_829 = tpu.memref_slice %arg8[%dma_wait3A_822, %dma_wait3A_828] : memref<8x80xi32, #tpu.memory_space<vmem>> -> memref<1x80xi32, #tpu.memory_space<vmem>>
      %dma_wait3A_830 = tpu.memref_squeeze %dma_wait3A_829 : memref<1x80xi32, #tpu.memory_space<vmem>> -> memref<80xi32, #tpu.memory_space<vmem>>
      %dma_wait3A_831 = arith.constant 0 : i32
      %dma_wait3A_832 = tpu.memref_slice %arg3[%dma_wait3A_831] : memref<640000xi32, #tpu.memory_space<hbm>> -> memref<80xi32, #tpu.memory_space<hbm>>
      tpu.wait_dma2 semaphore(%arg20 : memref<!tpu.dma_semaphore, #tpu.memory_space<semaphore_mem>>) src(%dma_wait3A_832 : memref<80xi32, #tpu.memory_space<hbm>>) dst(%dma_wait3A_830 : memref<80xi32, #tpu.memory_space<vmem>>)
      %sub3A = arith.constant 1 : i32
      %sub3A_833 = arith.subi %cond3A_549, %sub3A : i32
      %ge3A = arith.constant 0 : i32
      %ge3A_834 = arith.cmpi sge, %sub3A_833, %ge3A : i32
      %convert_element_type3A_835 = arith.extui %ge3A_834 : i1 to i32
      %cond3A_836 = arith.constant 0 : i32
      %cond3A_837 = arith.cmpi ne, %convert_element_type3A_835, %cond3A_836 : i32
      scf.if %cond3A_837 {
        %dma_wait3A_850 = arith.constant 3 : i32
        %dma_wait3A_851 = arith.constant 0 : i32
        %dma_wait3A_852 = arith.constant 0 : i32
        %dma_wait3A_853 = arith.constant 0 : i32
        %dma_wait3A_854 = tpu.memref_slice %arg6[%dma_wait3A_850, %dma_wait3A_852, %dma_wait3A_853] : memref<4x80x128xf32, #tpu.memory_space<vmem>> -> memref<1x80x128xf32, #tpu.memory_space<vmem>>
        %dma_wait3A_855 = tpu.memref_squeeze %dma_wait3A_854 : memref<1x80x128xf32, #tpu.memory_space<vmem>> -> memref<80x128xf32, #tpu.memory_space<vmem>>
        %dma_wait3A_856 = arith.constant 0 : i32
        %dma_wait3A_857 = tpu.memref_slice %arg8[%dma_wait3A_851, %dma_wait3A_856] : memref<8x80xi32, #tpu.memory_space<vmem>> -> memref<1x80xi32, #tpu.memory_space<vmem>>
        %dma_wait3A_858 = tpu.memref_squeeze %dma_wait3A_857 : memref<1x80xi32, #tpu.memory_space<vmem>> -> memref<80xi32, #tpu.memory_space<vmem>>
        %dma_wait3A_859 = arith.constant 0 : i32
        %dma_wait3A_860 = arith.constant 0 : i32
        %dma_wait3A_861 = tpu.memref_slice %arg5[%dma_wait3A_859, %dma_wait3A_860] : memref<10000x128xf32, #tpu.memory_space<vmem_shared>> -> memref<10000x128xf32, #tpu.memory_space<vmem_shared>>
        tpu.wait_indirect_dma semaphore(%arg32 : memref<!tpu.dma_semaphore, #tpu.memory_space<semaphore_mem>>) src(%dma_wait3A_855 : memref<80x128xf32, #tpu.memory_space<vmem>>) dst(%dma_wait3A_861 : memref<10000x128xf32, #tpu.memory_space<vmem_shared>>)
      } else {
      }
      %dma_start3A_838 = arith.constant 3 : i32
      %dma_start3A_839 = arith.constant 3 : i32
      %dma_start3A_840 = arith.constant 0 : i32
      %dma_start3A_841 = arith.constant 0 : i32
      %dma_start3A_842 = tpu.memref_slice %arg6[%dma_start3A_839, %dma_start3A_840, %dma_start3A_841] : memref<4x80x128xf32, #tpu.memory_space<vmem>> -> memref<1x80x128xf32, #tpu.memory_space<vmem>>
      %dma_start3A_843 = tpu.memref_squeeze %dma_start3A_842 : memref<1x80x128xf32, #tpu.memory_space<vmem>> -> memref<80x128xf32, #tpu.memory_space<vmem>>
      %dma_start3A_844 = arith.constant 0 : i32
      %dma_start3A_845 = tpu.memref_slice %arg7[%dma_start3A_838, %dma_start3A_844] : memref<8x80xi32, #tpu.memory_space<vmem>> -> memref<1x80xi32, #tpu.memory_space<vmem>>
      %dma_start3A_846 = tpu.memref_squeeze %dma_start3A_845 : memref<1x80xi32, #tpu.memory_space<vmem>> -> memref<80xi32, #tpu.memory_space<vmem>>
      %dma_start3A_847 = arith.constant 0 : i32
      %dma_start3A_848 = arith.constant 0 : i32
      %dma_start3A_849 = tpu.memref_slice %arg2[%dma_start3A_847, %dma_start3A_848] : memref<10000x128xf32, #tpu.memory_space<hbm>> -> memref<10000x128xf32, #tpu.memory_space<hbm>>
      tpu.enqueue_indirect_dma source(%dma_start3A_849 : memref<10000x128xf32, #tpu.memory_space<hbm>>) target(%dma_start3A_843 : memref<80x128xf32, #tpu.memory_space<vmem>>) offsets(%dma_start3A_846 : memref<80xi32, #tpu.memory_space<vmem>>) semaphore(%arg28 : memref<!tpu.dma_semaphore, #tpu.memory_space<semaphore_mem>>)
    } else {
    }
    %dma_wait3A_552 = arith.constant 0 : i32
    %dma_wait3A_553 = arith.constant 0 : i32
    %dma_wait3A_554 = arith.constant 0 : i32
    %dma_wait3A_555 = arith.constant 0 : i32
    %dma_wait3A_556 = tpu.memref_slice %arg6[%dma_wait3A_553, %dma_wait3A_554, %dma_wait3A_555] : memref<4x80x128xf32, #tpu.memory_space<vmem>> -> memref<1x80x128xf32, #tpu.memory_space<vmem>>
    %dma_wait3A_557 = tpu.memref_squeeze %dma_wait3A_556 : memref<1x80x128xf32, #tpu.memory_space<vmem>> -> memref<80x128xf32, #tpu.memory_space<vmem>>
    %dma_wait3A_558 = arith.constant 0 : i32
    %dma_wait3A_559 = tpu.memref_slice %arg7[%dma_wait3A_552, %dma_wait3A_558] : memref<8x80xi32, #tpu.memory_space<vmem>> -> memref<1x80xi32, #tpu.memory_space<vmem>>
    %dma_wait3A_560 = tpu.memref_squeeze %dma_wait3A_559 : memref<1x80xi32, #tpu.memory_space<vmem>> -> memref<80xi32, #tpu.memory_space<vmem>>
    %dma_wait3A_561 = arith.constant 0 : i32
    %dma_wait3A_562 = arith.constant 0 : i32
    %dma_wait3A_563 = tpu.memref_slice %arg2[%dma_wait3A_561, %dma_wait3A_562] : memref<10000x128xf32, #tpu.memory_space<hbm>> -> memref<10000x128xf32, #tpu.memory_space<hbm>>
    tpu.wait_indirect_dma semaphore(%arg25 : memref<!tpu.dma_semaphore, #tpu.memory_space<semaphore_mem>>) src(%dma_wait3A_563 : memref<10000x128xf32, #tpu.memory_space<hbm>>) dst(%dma_wait3A_557 : memref<80x128xf32, #tpu.memory_space<vmem>>)
    %dma_start3A_564 = arith.constant 0 : i32
    %dma_start3A_565 = arith.constant 0 : i32
    %dma_start3A_566 = arith.constant 0 : i32
    %dma_start3A_567 = arith.constant 0 : i32
    %dma_start3A_568 = tpu.memref_slice %arg6[%dma_start3A_564, %dma_start3A_566, %dma_start3A_567] : memref<4x80x128xf32, #tpu.memory_space<vmem>> -> memref<1x80x128xf32, #tpu.memory_space<vmem>>
    %dma_start3A_569 = tpu.memref_squeeze %dma_start3A_568 : memref<1x80x128xf32, #tpu.memory_space<vmem>> -> memref<80x128xf32, #tpu.memory_space<vmem>>
    %dma_start3A_570 = arith.constant 0 : i32
    %dma_start3A_571 = tpu.memref_slice %arg8[%dma_start3A_565, %dma_start3A_570] : memref<8x80xi32, #tpu.memory_space<vmem>> -> memref<1x80xi32, #tpu.memory_space<vmem>>
    %dma_start3A_572 = tpu.memref_squeeze %dma_start3A_571 : memref<1x80xi32, #tpu.memory_space<vmem>> -> memref<80xi32, #tpu.memory_space<vmem>>
    %dma_start3A_573 = arith.constant 0 : i32
    %dma_start3A_574 = arith.constant 0 : i32
    %dma_start3A_575 = tpu.memref_slice %arg5[%dma_start3A_573, %dma_start3A_574] : memref<10000x128xf32, #tpu.memory_space<vmem_shared>> -> memref<10000x128xf32, #tpu.memory_space<vmem_shared>>
    tpu.enqueue_indirect_dma source(%dma_start3A_569 : memref<80x128xf32, #tpu.memory_space<vmem>>) target(%dma_start3A_575 : memref<10000x128xf32, #tpu.memory_space<vmem_shared>>) offsets(%dma_start3A_572 : memref<80xi32, #tpu.memory_space<vmem>>) semaphore(%arg29 : memref<!tpu.dma_semaphore, #tpu.memory_space<semaphore_mem>>) {add = true}
    %add3A_576 = arith.constant 120 : i32
    %add3A_577 = arith.constant 7 : i32
    %add3A_578 = arith.addi %add3A_576, %add3A_577 : i32
    %lt3A_579 = arith.constant 125 : i32
    %lt3A_580 = arith.cmpi slt, %add3A_578, %lt3A_579 : i32
    %convert_element_type3A_581 = arith.extui %lt3A_580 : i1 to i32
    %cond3A_582 = arith.constant 120 : i32
    %cond3A_583 = arith.constant 0 : i32
    %cond3A_584 = arith.cmpi ne, %convert_element_type3A_581, %cond3A_583 : i32
    scf.if %cond3A_584 {
      %add3A_811 = arith.constant 7 : i32
      %add3A_812 = arith.addi %cond3A_582, %add3A_811 : i32
      %mul3A_813 = arith.constant 80 : i32
      %mul3A_814 = arith.muli %add3A_812, %mul3A_813 : i32
      %add3A_815 = arith.addi %mul3A_2, %mul3A_814 : i32
      %dma_start3A_816 = arith.constant 7 : i32
      %dma_start3A_817 = arith.constant 0 : i32
      %dma_start3A_818 = tpu.memref_slice %arg7[%dma_start3A_816, %dma_start3A_817] : memref<8x80xi32, #tpu.memory_space<vmem>> -> memref<1x80xi32, #tpu.memory_space<vmem>>
      %dma_start3A_819 = tpu.memref_squeeze %dma_start3A_818 : memref<1x80xi32, #tpu.memory_space<vmem>> -> memref<80xi32, #tpu.memory_space<vmem>>
      %dma_start3A_820 = tpu.memref_slice %arg3[%add3A_815] : memref<640000xi32, #tpu.memory_space<hbm>> -> memref<80xi32, #tpu.memory_space<hbm>>
      %dma_start3A_821 = arith.constant 0 : i32
      %dma_start3A_822 = tpu.memref_slice %arg7[%dma_start3A_816, %dma_start3A_821] : memref<8x80xi32, #tpu.memory_space<vmem>> -> memref<1x80xi32, #tpu.memory_space<vmem>>
      %dma_start3A_823 = tpu.memref_squeeze %dma_start3A_822 : memref<1x80xi32, #tpu.memory_space<vmem>> -> memref<80xi32, #tpu.memory_space<vmem>>
      %dma_start3A_824 = tpu.memref_slice %arg3[%add3A_815] : memref<640000xi32, #tpu.memory_space<hbm>> -> memref<80xi32, #tpu.memory_space<hbm>>
      tpu.enqueue_dma source(%dma_start3A_824 : memref<80xi32, #tpu.memory_space<hbm>>) target(%dma_start3A_823 : memref<80xi32, #tpu.memory_space<vmem>>) target_semaphore(%arg16 : memref<!tpu.dma_semaphore, #tpu.memory_space<semaphore_mem>>)
      %add3A_825 = arith.constant 320000 : i32
      %add3A_826 = arith.addi %add3A_825, %add3A_815 : i32
      %dma_start3A_827 = arith.constant 7 : i32
      %dma_start3A_828 = arith.constant 0 : i32
      %dma_start3A_829 = tpu.memref_slice %arg8[%dma_start3A_827, %dma_start3A_828] : memref<8x80xi32, #tpu.memory_space<vmem>> -> memref<1x80xi32, #tpu.memory_space<vmem>>
      %dma_start3A_830 = tpu.memref_squeeze %dma_start3A_829 : memref<1x80xi32, #tpu.memory_space<vmem>> -> memref<80xi32, #tpu.memory_space<vmem>>
      %dma_start3A_831 = tpu.memref_slice %arg3[%add3A_826] : memref<640000xi32, #tpu.memory_space<hbm>> -> memref<80xi32, #tpu.memory_space<hbm>>
      %dma_start3A_832 = arith.constant 0 : i32
      %dma_start3A_833 = tpu.memref_slice %arg8[%dma_start3A_827, %dma_start3A_832] : memref<8x80xi32, #tpu.memory_space<vmem>> -> memref<1x80xi32, #tpu.memory_space<vmem>>
      %dma_start3A_834 = tpu.memref_squeeze %dma_start3A_833 : memref<1x80xi32, #tpu.memory_space<vmem>> -> memref<80xi32, #tpu.memory_space<vmem>>
      %dma_start3A_835 = tpu.memref_slice %arg3[%add3A_826] : memref<640000xi32, #tpu.memory_space<hbm>> -> memref<80xi32, #tpu.memory_space<hbm>>
      tpu.enqueue_dma source(%dma_start3A_835 : memref<80xi32, #tpu.memory_space<hbm>>) target(%dma_start3A_834 : memref<80xi32, #tpu.memory_space<vmem>>) target_semaphore(%arg24 : memref<!tpu.dma_semaphore, #tpu.memory_space<semaphore_mem>>)
    } else {
    }
    %add3A_585 = arith.constant 121 : i32
    %add3A_586 = arith.constant 3 : i32
    %add3A_587 = arith.addi %add3A_585, %add3A_586 : i32
    %lt3A_588 = arith.constant 125 : i32
    %lt3A_589 = arith.cmpi slt, %add3A_587, %lt3A_588 : i32
    %convert_element_type3A_590 = arith.extui %lt3A_589 : i1 to i32
    %cond3A_591 = arith.constant 121 : i32
    %cond3A_592 = arith.constant 0 : i32
    %cond3A_593 = arith.cmpi ne, %convert_element_type3A_590, %cond3A_592 : i32
    scf.if %cond3A_593 {
      %dma_wait3A_811 = arith.constant 4 : i32
      %dma_wait3A_812 = arith.constant 0 : i32
      %dma_wait3A_813 = tpu.memref_slice %arg7[%dma_wait3A_811, %dma_wait3A_812] : memref<8x80xi32, #tpu.memory_space<vmem>> -> memref<1x80xi32, #tpu.memory_space<vmem>>
      %dma_wait3A_814 = tpu.memref_squeeze %dma_wait3A_813 : memref<1x80xi32, #tpu.memory_space<vmem>> -> memref<80xi32, #tpu.memory_space<vmem>>
      %dma_wait3A_815 = arith.constant 0 : i32
      %dma_wait3A_816 = tpu.memref_slice %arg3[%dma_wait3A_815] : memref<640000xi32, #tpu.memory_space<hbm>> -> memref<80xi32, #tpu.memory_space<hbm>>
      %dma_wait3A_817 = arith.constant 0 : i32
      %dma_wait3A_818 = tpu.memref_slice %arg7[%dma_wait3A_811, %dma_wait3A_817] : memref<8x80xi32, #tpu.memory_space<vmem>> -> memref<1x80xi32, #tpu.memory_space<vmem>>
      %dma_wait3A_819 = tpu.memref_squeeze %dma_wait3A_818 : memref<1x80xi32, #tpu.memory_space<vmem>> -> memref<80xi32, #tpu.memory_space<vmem>>
      %dma_wait3A_820 = arith.constant 0 : i32
      %dma_wait3A_821 = tpu.memref_slice %arg3[%dma_wait3A_820] : memref<640000xi32, #tpu.memory_space<hbm>> -> memref<80xi32, #tpu.memory_space<hbm>>
      tpu.wait_dma2 semaphore(%arg13 : memref<!tpu.dma_semaphore, #tpu.memory_space<semaphore_mem>>) src(%dma_wait3A_821 : memref<80xi32, #tpu.memory_space<hbm>>) dst(%dma_wait3A_819 : memref<80xi32, #tpu.memory_space<vmem>>)
      %dma_wait3A_822 = arith.constant 4 : i32
      %dma_wait3A_823 = arith.constant 0 : i32
      %dma_wait3A_824 = tpu.memref_slice %arg8[%dma_wait3A_822, %dma_wait3A_823] : memref<8x80xi32, #tpu.memory_space<vmem>> -> memref<1x80xi32, #tpu.memory_space<vmem>>
      %dma_wait3A_825 = tpu.memref_squeeze %dma_wait3A_824 : memref<1x80xi32, #tpu.memory_space<vmem>> -> memref<80xi32, #tpu.memory_space<vmem>>
      %dma_wait3A_826 = arith.constant 0 : i32
      %dma_wait3A_827 = tpu.memref_slice %arg3[%dma_wait3A_826] : memref<640000xi32, #tpu.memory_space<hbm>> -> memref<80xi32, #tpu.memory_space<hbm>>
      %dma_wait3A_828 = arith.constant 0 : i32
      %dma_wait3A_829 = tpu.memref_slice %arg8[%dma_wait3A_822, %dma_wait3A_828] : memref<8x80xi32, #tpu.memory_space<vmem>> -> memref<1x80xi32, #tpu.memory_space<vmem>>
      %dma_wait3A_830 = tpu.memref_squeeze %dma_wait3A_829 : memref<1x80xi32, #tpu.memory_space<vmem>> -> memref<80xi32, #tpu.memory_space<vmem>>
      %dma_wait3A_831 = arith.constant 0 : i32
      %dma_wait3A_832 = tpu.memref_slice %arg3[%dma_wait3A_831] : memref<640000xi32, #tpu.memory_space<hbm>> -> memref<80xi32, #tpu.memory_space<hbm>>
      tpu.wait_dma2 semaphore(%arg21 : memref<!tpu.dma_semaphore, #tpu.memory_space<semaphore_mem>>) src(%dma_wait3A_832 : memref<80xi32, #tpu.memory_space<hbm>>) dst(%dma_wait3A_830 : memref<80xi32, #tpu.memory_space<vmem>>)
      %sub3A = arith.constant 1 : i32
      %sub3A_833 = arith.subi %cond3A_591, %sub3A : i32
      %ge3A = arith.constant 0 : i32
      %ge3A_834 = arith.cmpi sge, %sub3A_833, %ge3A : i32
      %convert_element_type3A_835 = arith.extui %ge3A_834 : i1 to i32
      %cond3A_836 = arith.constant 0 : i32
      %cond3A_837 = arith.cmpi ne, %convert_element_type3A_835, %cond3A_836 : i32
      scf.if %cond3A_837 {
        %dma_wait3A_850 = arith.constant 0 : i32
        %dma_wait3A_851 = arith.constant 0 : i32
        %dma_wait3A_852 = arith.constant 0 : i32
        %dma_wait3A_853 = arith.constant 0 : i32
        %dma_wait3A_854 = tpu.memref_slice %arg6[%dma_wait3A_850, %dma_wait3A_852, %dma_wait3A_853] : memref<4x80x128xf32, #tpu.memory_space<vmem>> -> memref<1x80x128xf32, #tpu.memory_space<vmem>>
        %dma_wait3A_855 = tpu.memref_squeeze %dma_wait3A_854 : memref<1x80x128xf32, #tpu.memory_space<vmem>> -> memref<80x128xf32, #tpu.memory_space<vmem>>
        %dma_wait3A_856 = arith.constant 0 : i32
        %dma_wait3A_857 = tpu.memref_slice %arg8[%dma_wait3A_851, %dma_wait3A_856] : memref<8x80xi32, #tpu.memory_space<vmem>> -> memref<1x80xi32, #tpu.memory_space<vmem>>
        %dma_wait3A_858 = tpu.memref_squeeze %dma_wait3A_857 : memref<1x80xi32, #tpu.memory_space<vmem>> -> memref<80xi32, #tpu.memory_space<vmem>>
        %dma_wait3A_859 = arith.constant 0 : i32
        %dma_wait3A_860 = arith.constant 0 : i32
        %dma_wait3A_861 = tpu.memref_slice %arg5[%dma_wait3A_859, %dma_wait3A_860] : memref<10000x128xf32, #tpu.memory_space<vmem_shared>> -> memref<10000x128xf32, #tpu.memory_space<vmem_shared>>
        tpu.wait_indirect_dma semaphore(%arg29 : memref<!tpu.dma_semaphore, #tpu.memory_space<semaphore_mem>>) src(%dma_wait3A_855 : memref<80x128xf32, #tpu.memory_space<vmem>>) dst(%dma_wait3A_861 : memref<10000x128xf32, #tpu.memory_space<vmem_shared>>)
      } else {
      }
      %dma_start3A_838 = arith.constant 4 : i32
      %dma_start3A_839 = arith.constant 0 : i32
      %dma_start3A_840 = arith.constant 0 : i32
      %dma_start3A_841 = arith.constant 0 : i32
      %dma_start3A_842 = tpu.memref_slice %arg6[%dma_start3A_839, %dma_start3A_840, %dma_start3A_841] : memref<4x80x128xf32, #tpu.memory_space<vmem>> -> memref<1x80x128xf32, #tpu.memory_space<vmem>>
      %dma_start3A_843 = tpu.memref_squeeze %dma_start3A_842 : memref<1x80x128xf32, #tpu.memory_space<vmem>> -> memref<80x128xf32, #tpu.memory_space<vmem>>
      %dma_start3A_844 = arith.constant 0 : i32
      %dma_start3A_845 = tpu.memref_slice %arg7[%dma_start3A_838, %dma_start3A_844] : memref<8x80xi32, #tpu.memory_space<vmem>> -> memref<1x80xi32, #tpu.memory_space<vmem>>
      %dma_start3A_846 = tpu.memref_squeeze %dma_start3A_845 : memref<1x80xi32, #tpu.memory_space<vmem>> -> memref<80xi32, #tpu.memory_space<vmem>>
      %dma_start3A_847 = arith.constant 0 : i32
      %dma_start3A_848 = arith.constant 0 : i32
      %dma_start3A_849 = tpu.memref_slice %arg2[%dma_start3A_847, %dma_start3A_848] : memref<10000x128xf32, #tpu.memory_space<hbm>> -> memref<10000x128xf32, #tpu.memory_space<hbm>>
      tpu.enqueue_indirect_dma source(%dma_start3A_849 : memref<10000x128xf32, #tpu.memory_space<hbm>>) target(%dma_start3A_843 : memref<80x128xf32, #tpu.memory_space<vmem>>) offsets(%dma_start3A_846 : memref<80xi32, #tpu.memory_space<vmem>>) semaphore(%arg25 : memref<!tpu.dma_semaphore, #tpu.memory_space<semaphore_mem>>)
    } else {
    }
    %dma_wait3A_594 = arith.constant 0 : i32
    %dma_wait3A_595 = arith.constant 1 : i32
    %dma_wait3A_596 = arith.constant 0 : i32
    %dma_wait3A_597 = arith.constant 0 : i32
    %dma_wait3A_598 = tpu.memref_slice %arg6[%dma_wait3A_595, %dma_wait3A_596, %dma_wait3A_597] : memref<4x80x128xf32, #tpu.memory_space<vmem>> -> memref<1x80x128xf32, #tpu.memory_space<vmem>>
    %dma_wait3A_599 = tpu.memref_squeeze %dma_wait3A_598 : memref<1x80x128xf32, #tpu.memory_space<vmem>> -> memref<80x128xf32, #tpu.memory_space<vmem>>
    %dma_wait3A_600 = arith.constant 0 : i32
    %dma_wait3A_601 = tpu.memref_slice %arg7[%dma_wait3A_594, %dma_wait3A_600] : memref<8x80xi32, #tpu.memory_space<vmem>> -> memref<1x80xi32, #tpu.memory_space<vmem>>
    %dma_wait3A_602 = tpu.memref_squeeze %dma_wait3A_601 : memref<1x80xi32, #tpu.memory_space<vmem>> -> memref<80xi32, #tpu.memory_space<vmem>>
    %dma_wait3A_603 = arith.constant 0 : i32
    %dma_wait3A_604 = arith.constant 0 : i32
    %dma_wait3A_605 = tpu.memref_slice %arg2[%dma_wait3A_603, %dma_wait3A_604] : memref<10000x128xf32, #tpu.memory_space<hbm>> -> memref<10000x128xf32, #tpu.memory_space<hbm>>
    tpu.wait_indirect_dma semaphore(%arg26 : memref<!tpu.dma_semaphore, #tpu.memory_space<semaphore_mem>>) src(%dma_wait3A_605 : memref<10000x128xf32, #tpu.memory_space<hbm>>) dst(%dma_wait3A_599 : memref<80x128xf32, #tpu.memory_space<vmem>>)
    %dma_start3A_606 = arith.constant 1 : i32
    %dma_start3A_607 = arith.constant 1 : i32
    %dma_start3A_608 = arith.constant 0 : i32
    %dma_start3A_609 = arith.constant 0 : i32
    %dma_start3A_610 = tpu.memref_slice %arg6[%dma_start3A_606, %dma_start3A_608, %dma_start3A_609] : memref<4x80x128xf32, #tpu.memory_space<vmem>> -> memref<1x80x128xf32, #tpu.memory_space<vmem>>
    %dma_start3A_611 = tpu.memref_squeeze %dma_start3A_610 : memref<1x80x128xf32, #tpu.memory_space<vmem>> -> memref<80x128xf32, #tpu.memory_space<vmem>>
    %dma_start3A_612 = arith.constant 0 : i32
    %dma_start3A_613 = tpu.memref_slice %arg8[%dma_start3A_607, %dma_start3A_612] : memref<8x80xi32, #tpu.memory_space<vmem>> -> memref<1x80xi32, #tpu.memory_space<vmem>>
    %dma_start3A_614 = tpu.memref_squeeze %dma_start3A_613 : memref<1x80xi32, #tpu.memory_space<vmem>> -> memref<80xi32, #tpu.memory_space<vmem>>
    %dma_start3A_615 = arith.constant 0 : i32
    %dma_start3A_616 = arith.constant 0 : i32
    %dma_start3A_617 = tpu.memref_slice %arg5[%dma_start3A_615, %dma_start3A_616] : memref<10000x128xf32, #tpu.memory_space<vmem_shared>> -> memref<10000x128xf32, #tpu.memory_space<vmem_shared>>
    tpu.enqueue_indirect_dma source(%dma_start3A_611 : memref<80x128xf32, #tpu.memory_space<vmem>>) target(%dma_start3A_617 : memref<10000x128xf32, #tpu.memory_space<vmem_shared>>) offsets(%dma_start3A_614 : memref<80xi32, #tpu.memory_space<vmem>>) semaphore(%arg30 : memref<!tpu.dma_semaphore, #tpu.memory_space<semaphore_mem>>) {add = true}
    %add3A_618 = arith.constant 121 : i32
    %add3A_619 = arith.constant 7 : i32
    %add3A_620 = arith.addi %add3A_618, %add3A_619 : i32
    %lt3A_621 = arith.constant 125 : i32
    %lt3A_622 = arith.cmpi slt, %add3A_620, %lt3A_621 : i32
    %convert_element_type3A_623 = arith.extui %lt3A_622 : i1 to i32
    %cond3A_624 = arith.constant 121 : i32
    %cond3A_625 = arith.constant 0 : i32
    %cond3A_626 = arith.cmpi ne, %convert_element_type3A_623, %cond3A_625 : i32
    scf.if %cond3A_626 {
      %add3A_811 = arith.constant 7 : i32
      %add3A_812 = arith.addi %cond3A_624, %add3A_811 : i32
      %mul3A_813 = arith.constant 80 : i32
      %mul3A_814 = arith.muli %add3A_812, %mul3A_813 : i32
      %add3A_815 = arith.addi %mul3A_2, %mul3A_814 : i32
      %dma_start3A_816 = arith.constant 0 : i32
      %dma_start3A_817 = arith.constant 0 : i32
      %dma_start3A_818 = tpu.memref_slice %arg7[%dma_start3A_816, %dma_start3A_817] : memref<8x80xi32, #tpu.memory_space<vmem>> -> memref<1x80xi32, #tpu.memory_space<vmem>>
      %dma_start3A_819 = tpu.memref_squeeze %dma_start3A_818 : memref<1x80xi32, #tpu.memory_space<vmem>> -> memref<80xi32, #tpu.memory_space<vmem>>
      %dma_start3A_820 = tpu.memref_slice %arg3[%add3A_815] : memref<640000xi32, #tpu.memory_space<hbm>> -> memref<80xi32, #tpu.memory_space<hbm>>
      %dma_start3A_821 = arith.constant 0 : i32
      %dma_start3A_822 = tpu.memref_slice %arg7[%dma_start3A_816, %dma_start3A_821] : memref<8x80xi32, #tpu.memory_space<vmem>> -> memref<1x80xi32, #tpu.memory_space<vmem>>
      %dma_start3A_823 = tpu.memref_squeeze %dma_start3A_822 : memref<1x80xi32, #tpu.memory_space<vmem>> -> memref<80xi32, #tpu.memory_space<vmem>>
      %dma_start3A_824 = tpu.memref_slice %arg3[%add3A_815] : memref<640000xi32, #tpu.memory_space<hbm>> -> memref<80xi32, #tpu.memory_space<hbm>>
      tpu.enqueue_dma source(%dma_start3A_824 : memref<80xi32, #tpu.memory_space<hbm>>) target(%dma_start3A_823 : memref<80xi32, #tpu.memory_space<vmem>>) target_semaphore(%arg9 : memref<!tpu.dma_semaphore, #tpu.memory_space<semaphore_mem>>)
      %add3A_825 = arith.constant 320000 : i32
      %add3A_826 = arith.addi %add3A_825, %add3A_815 : i32
      %dma_start3A_827 = arith.constant 0 : i32
      %dma_start3A_828 = arith.constant 0 : i32
      %dma_start3A_829 = tpu.memref_slice %arg8[%dma_start3A_827, %dma_start3A_828] : memref<8x80xi32, #tpu.memory_space<vmem>> -> memref<1x80xi32, #tpu.memory_space<vmem>>
      %dma_start3A_830 = tpu.memref_squeeze %dma_start3A_829 : memref<1x80xi32, #tpu.memory_space<vmem>> -> memref<80xi32, #tpu.memory_space<vmem>>
      %dma_start3A_831 = tpu.memref_slice %arg3[%add3A_826] : memref<640000xi32, #tpu.memory_space<hbm>> -> memref<80xi32, #tpu.memory_space<hbm>>
      %dma_start3A_832 = arith.constant 0 : i32
      %dma_start3A_833 = tpu.memref_slice %arg8[%dma_start3A_827, %dma_start3A_832] : memref<8x80xi32, #tpu.memory_space<vmem>> -> memref<1x80xi32, #tpu.memory_space<vmem>>
      %dma_start3A_834 = tpu.memref_squeeze %dma_start3A_833 : memref<1x80xi32, #tpu.memory_space<vmem>> -> memref<80xi32, #tpu.memory_space<vmem>>
      %dma_start3A_835 = tpu.memref_slice %arg3[%add3A_826] : memref<640000xi32, #tpu.memory_space<hbm>> -> memref<80xi32, #tpu.memory_space<hbm>>
      tpu.enqueue_dma source(%dma_start3A_835 : memref<80xi32, #tpu.memory_space<hbm>>) target(%dma_start3A_834 : memref<80xi32, #tpu.memory_space<vmem>>) target_semaphore(%arg17 : memref<!tpu.dma_semaphore, #tpu.memory_space<semaphore_mem>>)
    } else {
    }
    %add3A_627 = arith.constant 122 : i32
    %add3A_628 = arith.constant 3 : i32
    %add3A_629 = arith.addi %add3A_627, %add3A_628 : i32
    %lt3A_630 = arith.constant 125 : i32
    %lt3A_631 = arith.cmpi slt, %add3A_629, %lt3A_630 : i32
    %convert_element_type3A_632 = arith.extui %lt3A_631 : i1 to i32
    %cond3A_633 = arith.constant 122 : i32
    %cond3A_634 = arith.constant 0 : i32
    %cond3A_635 = arith.cmpi ne, %convert_element_type3A_632, %cond3A_634 : i32
    scf.if %cond3A_635 {
      %dma_wait3A_811 = arith.constant 5 : i32
      %dma_wait3A_812 = arith.constant 0 : i32
      %dma_wait3A_813 = tpu.memref_slice %arg7[%dma_wait3A_811, %dma_wait3A_812] : memref<8x80xi32, #tpu.memory_space<vmem>> -> memref<1x80xi32, #tpu.memory_space<vmem>>
      %dma_wait3A_814 = tpu.memref_squeeze %dma_wait3A_813 : memref<1x80xi32, #tpu.memory_space<vmem>> -> memref<80xi32, #tpu.memory_space<vmem>>
      %dma_wait3A_815 = arith.constant 0 : i32
      %dma_wait3A_816 = tpu.memref_slice %arg3[%dma_wait3A_815] : memref<640000xi32, #tpu.memory_space<hbm>> -> memref<80xi32, #tpu.memory_space<hbm>>
      %dma_wait3A_817 = arith.constant 0 : i32
      %dma_wait3A_818 = tpu.memref_slice %arg7[%dma_wait3A_811, %dma_wait3A_817] : memref<8x80xi32, #tpu.memory_space<vmem>> -> memref<1x80xi32, #tpu.memory_space<vmem>>
      %dma_wait3A_819 = tpu.memref_squeeze %dma_wait3A_818 : memref<1x80xi32, #tpu.memory_space<vmem>> -> memref<80xi32, #tpu.memory_space<vmem>>
      %dma_wait3A_820 = arith.constant 0 : i32
      %dma_wait3A_821 = tpu.memref_slice %arg3[%dma_wait3A_820] : memref<640000xi32, #tpu.memory_space<hbm>> -> memref<80xi32, #tpu.memory_space<hbm>>
      tpu.wait_dma2 semaphore(%arg14 : memref<!tpu.dma_semaphore, #tpu.memory_space<semaphore_mem>>) src(%dma_wait3A_821 : memref<80xi32, #tpu.memory_space<hbm>>) dst(%dma_wait3A_819 : memref<80xi32, #tpu.memory_space<vmem>>)
      %dma_wait3A_822 = arith.constant 5 : i32
      %dma_wait3A_823 = arith.constant 0 : i32
      %dma_wait3A_824 = tpu.memref_slice %arg8[%dma_wait3A_822, %dma_wait3A_823] : memref<8x80xi32, #tpu.memory_space<vmem>> -> memref<1x80xi32, #tpu.memory_space<vmem>>
      %dma_wait3A_825 = tpu.memref_squeeze %dma_wait3A_824 : memref<1x80xi32, #tpu.memory_space<vmem>> -> memref<80xi32, #tpu.memory_space<vmem>>
      %dma_wait3A_826 = arith.constant 0 : i32
      %dma_wait3A_827 = tpu.memref_slice %arg3[%dma_wait3A_826] : memref<640000xi32, #tpu.memory_space<hbm>> -> memref<80xi32, #tpu.memory_space<hbm>>
      %dma_wait3A_828 = arith.constant 0 : i32
      %dma_wait3A_829 = tpu.memref_slice %arg8[%dma_wait3A_822, %dma_wait3A_828] : memref<8x80xi32, #tpu.memory_space<vmem>> -> memref<1x80xi32, #tpu.memory_space<vmem>>
      %dma_wait3A_830 = tpu.memref_squeeze %dma_wait3A_829 : memref<1x80xi32, #tpu.memory_space<vmem>> -> memref<80xi32, #tpu.memory_space<vmem>>
      %dma_wait3A_831 = arith.constant 0 : i32
      %dma_wait3A_832 = tpu.memref_slice %arg3[%dma_wait3A_831] : memref<640000xi32, #tpu.memory_space<hbm>> -> memref<80xi32, #tpu.memory_space<hbm>>
      tpu.wait_dma2 semaphore(%arg22 : memref<!tpu.dma_semaphore, #tpu.memory_space<semaphore_mem>>) src(%dma_wait3A_832 : memref<80xi32, #tpu.memory_space<hbm>>) dst(%dma_wait3A_830 : memref<80xi32, #tpu.memory_space<vmem>>)
      %sub3A = arith.constant 1 : i32
      %sub3A_833 = arith.subi %cond3A_633, %sub3A : i32
      %ge3A = arith.constant 0 : i32
      %ge3A_834 = arith.cmpi sge, %sub3A_833, %ge3A : i32
      %convert_element_type3A_835 = arith.extui %ge3A_834 : i1 to i32
      %cond3A_836 = arith.constant 0 : i32
      %cond3A_837 = arith.cmpi ne, %convert_element_type3A_835, %cond3A_836 : i32
      scf.if %cond3A_837 {
        %dma_wait3A_850 = arith.constant 1 : i32
        %dma_wait3A_851 = arith.constant 0 : i32
        %dma_wait3A_852 = arith.constant 0 : i32
        %dma_wait3A_853 = arith.constant 0 : i32
        %dma_wait3A_854 = tpu.memref_slice %arg6[%dma_wait3A_850, %dma_wait3A_852, %dma_wait3A_853] : memref<4x80x128xf32, #tpu.memory_space<vmem>> -> memref<1x80x128xf32, #tpu.memory_space<vmem>>
        %dma_wait3A_855 = tpu.memref_squeeze %dma_wait3A_854 : memref<1x80x128xf32, #tpu.memory_space<vmem>> -> memref<80x128xf32, #tpu.memory_space<vmem>>
        %dma_wait3A_856 = arith.constant 0 : i32
        %dma_wait3A_857 = tpu.memref_slice %arg8[%dma_wait3A_851, %dma_wait3A_856] : memref<8x80xi32, #tpu.memory_space<vmem>> -> memref<1x80xi32, #tpu.memory_space<vmem>>
        %dma_wait3A_858 = tpu.memref_squeeze %dma_wait3A_857 : memref<1x80xi32, #tpu.memory_space<vmem>> -> memref<80xi32, #tpu.memory_space<vmem>>
        %dma_wait3A_859 = arith.constant 0 : i32
        %dma_wait3A_860 = arith.constant 0 : i32
        %dma_wait3A_861 = tpu.memref_slice %arg5[%dma_wait3A_859, %dma_wait3A_860] : memref<10000x128xf32, #tpu.memory_space<vmem_shared>> -> memref<10000x128xf32, #tpu.memory_space<vmem_shared>>
        tpu.wait_indirect_dma semaphore(%arg30 : memref<!tpu.dma_semaphore, #tpu.memory_space<semaphore_mem>>) src(%dma_wait3A_855 : memref<80x128xf32, #tpu.memory_space<vmem>>) dst(%dma_wait3A_861 : memref<10000x128xf32, #tpu.memory_space<vmem_shared>>)
      } else {
      }
      %dma_start3A_838 = arith.constant 5 : i32
      %dma_start3A_839 = arith.constant 1 : i32
      %dma_start3A_840 = arith.constant 0 : i32
      %dma_start3A_841 = arith.constant 0 : i32
      %dma_start3A_842 = tpu.memref_slice %arg6[%dma_start3A_839, %dma_start3A_840, %dma_start3A_841] : memref<4x80x128xf32, #tpu.memory_space<vmem>> -> memref<1x80x128xf32, #tpu.memory_space<vmem>>
      %dma_start3A_843 = tpu.memref_squeeze %dma_start3A_842 : memref<1x80x128xf32, #tpu.memory_space<vmem>> -> memref<80x128xf32, #tpu.memory_space<vmem>>
      %dma_start3A_844 = arith.constant 0 : i32
      %dma_start3A_845 = tpu.memref_slice %arg7[%dma_start3A_838, %dma_start3A_844] : memref<8x80xi32, #tpu.memory_space<vmem>> -> memref<1x80xi32, #tpu.memory_space<vmem>>
      %dma_start3A_846 = tpu.memref_squeeze %dma_start3A_845 : memref<1x80xi32, #tpu.memory_space<vmem>> -> memref<80xi32, #tpu.memory_space<vmem>>
      %dma_start3A_847 = arith.constant 0 : i32
      %dma_start3A_848 = arith.constant 0 : i32
      %dma_start3A_849 = tpu.memref_slice %arg2[%dma_start3A_847, %dma_start3A_848] : memref<10000x128xf32, #tpu.memory_space<hbm>> -> memref<10000x128xf32, #tpu.memory_space<hbm>>
      tpu.enqueue_indirect_dma source(%dma_start3A_849 : memref<10000x128xf32, #tpu.memory_space<hbm>>) target(%dma_start3A_843 : memref<80x128xf32, #tpu.memory_space<vmem>>) offsets(%dma_start3A_846 : memref<80xi32, #tpu.memory_space<vmem>>) semaphore(%arg26 : memref<!tpu.dma_semaphore, #tpu.memory_space<semaphore_mem>>)
    } else {
    }
    %dma_wait3A_636 = arith.constant 0 : i32
    %dma_wait3A_637 = arith.constant 2 : i32
    %dma_wait3A_638 = arith.constant 0 : i32
    %dma_wait3A_639 = arith.constant 0 : i32
    %dma_wait3A_640 = tpu.memref_slice %arg6[%dma_wait3A_637, %dma_wait3A_638, %dma_wait3A_639] : memref<4x80x128xf32, #tpu.memory_space<vmem>> -> memref<1x80x128xf32, #tpu.memory_space<vmem>>
    %dma_wait3A_641 = tpu.memref_squeeze %dma_wait3A_640 : memref<1x80x128xf32, #tpu.memory_space<vmem>> -> memref<80x128xf32, #tpu.memory_space<vmem>>
    %dma_wait3A_642 = arith.constant 0 : i32
    %dma_wait3A_643 = tpu.memref_slice %arg7[%dma_wait3A_636, %dma_wait3A_642] : memref<8x80xi32, #tpu.memory_space<vmem>> -> memref<1x80xi32, #tpu.memory_space<vmem>>
    %dma_wait3A_644 = tpu.memref_squeeze %dma_wait3A_643 : memref<1x80xi32, #tpu.memory_space<vmem>> -> memref<80xi32, #tpu.memory_space<vmem>>
    %dma_wait3A_645 = arith.constant 0 : i32
    %dma_wait3A_646 = arith.constant 0 : i32
    %dma_wait3A_647 = tpu.memref_slice %arg2[%dma_wait3A_645, %dma_wait3A_646] : memref<10000x128xf32, #tpu.memory_space<hbm>> -> memref<10000x128xf32, #tpu.memory_space<hbm>>
    tpu.wait_indirect_dma semaphore(%arg27 : memref<!tpu.dma_semaphore, #tpu.memory_space<semaphore_mem>>) src(%dma_wait3A_647 : memref<10000x128xf32, #tpu.memory_space<hbm>>) dst(%dma_wait3A_641 : memref<80x128xf32, #tpu.memory_space<vmem>>)
    %dma_start3A_648 = arith.constant 2 : i32
    %dma_start3A_649 = arith.constant 2 : i32
    %dma_start3A_650 = arith.constant 0 : i32
    %dma_start3A_651 = arith.constant 0 : i32
    %dma_start3A_652 = tpu.memref_slice %arg6[%dma_start3A_648, %dma_start3A_650, %dma_start3A_651] : memref<4x80x128xf32, #tpu.memory_space<vmem>> -> memref<1x80x128xf32, #tpu.memory_space<vmem>>
    %dma_start3A_653 = tpu.memref_squeeze %dma_start3A_652 : memref<1x80x128xf32, #tpu.memory_space<vmem>> -> memref<80x128xf32, #tpu.memory_space<vmem>>
    %dma_start3A_654 = arith.constant 0 : i32
    %dma_start3A_655 = tpu.memref_slice %arg8[%dma_start3A_649, %dma_start3A_654] : memref<8x80xi32, #tpu.memory_space<vmem>> -> memref<1x80xi32, #tpu.memory_space<vmem>>
    %dma_start3A_656 = tpu.memref_squeeze %dma_start3A_655 : memref<1x80xi32, #tpu.memory_space<vmem>> -> memref<80xi32, #tpu.memory_space<vmem>>
    %dma_start3A_657 = arith.constant 0 : i32
    %dma_start3A_658 = arith.constant 0 : i32
    %dma_start3A_659 = tpu.memref_slice %arg5[%dma_start3A_657, %dma_start3A_658] : memref<10000x128xf32, #tpu.memory_space<vmem_shared>> -> memref<10000x128xf32, #tpu.memory_space<vmem_shared>>
    tpu.enqueue_indirect_dma source(%dma_start3A_653 : memref<80x128xf32, #tpu.memory_space<vmem>>) target(%dma_start3A_659 : memref<10000x128xf32, #tpu.memory_space<vmem_shared>>) offsets(%dma_start3A_656 : memref<80xi32, #tpu.memory_space<vmem>>) semaphore(%arg31 : memref<!tpu.dma_semaphore, #tpu.memory_space<semaphore_mem>>) {add = true}
    %add3A_660 = arith.constant 122 : i32
    %add3A_661 = arith.constant 7 : i32
    %add3A_662 = arith.addi %add3A_660, %add3A_661 : i32
    %lt3A_663 = arith.constant 125 : i32
    %lt3A_664 = arith.cmpi slt, %add3A_662, %lt3A_663 : i32
    %convert_element_type3A_665 = arith.extui %lt3A_664 : i1 to i32
    %cond3A_666 = arith.constant 122 : i32
    %cond3A_667 = arith.constant 0 : i32
    %cond3A_668 = arith.cmpi ne, %convert_element_type3A_665, %cond3A_667 : i32
    scf.if %cond3A_668 {
      %add3A_811 = arith.constant 7 : i32
      %add3A_812 = arith.addi %cond3A_666, %add3A_811 : i32
      %mul3A_813 = arith.constant 80 : i32
      %mul3A_814 = arith.muli %add3A_812, %mul3A_813 : i32
      %add3A_815 = arith.addi %mul3A_2, %mul3A_814 : i32
      %dma_start3A_816 = arith.constant 1 : i32
      %dma_start3A_817 = arith.constant 0 : i32
      %dma_start3A_818 = tpu.memref_slice %arg7[%dma_start3A_816, %dma_start3A_817] : memref<8x80xi32, #tpu.memory_space<vmem>> -> memref<1x80xi32, #tpu.memory_space<vmem>>
      %dma_start3A_819 = tpu.memref_squeeze %dma_start3A_818 : memref<1x80xi32, #tpu.memory_space<vmem>> -> memref<80xi32, #tpu.memory_space<vmem>>
      %dma_start3A_820 = tpu.memref_slice %arg3[%add3A_815] : memref<640000xi32, #tpu.memory_space<hbm>> -> memref<80xi32, #tpu.memory_space<hbm>>
      %dma_start3A_821 = arith.constant 0 : i32
      %dma_start3A_822 = tpu.memref_slice %arg7[%dma_start3A_816, %dma_start3A_821] : memref<8x80xi32, #tpu.memory_space<vmem>> -> memref<1x80xi32, #tpu.memory_space<vmem>>
      %dma_start3A_823 = tpu.memref_squeeze %dma_start3A_822 : memref<1x80xi32, #tpu.memory_space<vmem>> -> memref<80xi32, #tpu.memory_space<vmem>>
      %dma_start3A_824 = tpu.memref_slice %arg3[%add3A_815] : memref<640000xi32, #tpu.memory_space<hbm>> -> memref<80xi32, #tpu.memory_space<hbm>>
      tpu.enqueue_dma source(%dma_start3A_824 : memref<80xi32, #tpu.memory_space<hbm>>) target(%dma_start3A_823 : memref<80xi32, #tpu.memory_space<vmem>>) target_semaphore(%arg10 : memref<!tpu.dma_semaphore, #tpu.memory_space<semaphore_mem>>)
      %add3A_825 = arith.constant 320000 : i32
      %add3A_826 = arith.addi %add3A_825, %add3A_815 : i32
      %dma_start3A_827 = arith.constant 1 : i32
      %dma_start3A_828 = arith.constant 0 : i32
      %dma_start3A_829 = tpu.memref_slice %arg8[%dma_start3A_827, %dma_start3A_828] : memref<8x80xi32, #tpu.memory_space<vmem>> -> memref<1x80xi32, #tpu.memory_space<vmem>>
      %dma_start3A_830 = tpu.memref_squeeze %dma_start3A_829 : memref<1x80xi32, #tpu.memory_space<vmem>> -> memref<80xi32, #tpu.memory_space<vmem>>
      %dma_start3A_831 = tpu.memref_slice %arg3[%add3A_826] : memref<640000xi32, #tpu.memory_space<hbm>> -> memref<80xi32, #tpu.memory_space<hbm>>
      %dma_start3A_832 = arith.constant 0 : i32
      %dma_start3A_833 = tpu.memref_slice %arg8[%dma_start3A_827, %dma_start3A_832] : memref<8x80xi32, #tpu.memory_space<vmem>> -> memref<1x80xi32, #tpu.memory_space<vmem>>
      %dma_start3A_834 = tpu.memref_squeeze %dma_start3A_833 : memref<1x80xi32, #tpu.memory_space<vmem>> -> memref<80xi32, #tpu.memory_space<vmem>>
      %dma_start3A_835 = tpu.memref_slice %arg3[%add3A_826] : memref<640000xi32, #tpu.memory_space<hbm>> -> memref<80xi32, #tpu.memory_space<hbm>>
      tpu.enqueue_dma source(%dma_start3A_835 : memref<80xi32, #tpu.memory_space<hbm>>) target(%dma_start3A_834 : memref<80xi32, #tpu.memory_space<vmem>>) target_semaphore(%arg18 : memref<!tpu.dma_semaphore, #tpu.memory_space<semaphore_mem>>)
    } else {
    }
    %add3A_669 = arith.constant 123 : i32
    %add3A_670 = arith.constant 3 : i32
    %add3A_671 = arith.addi %add3A_669, %add3A_670 : i32
    %lt3A_672 = arith.constant 125 : i32
    %lt3A_673 = arith.cmpi slt, %add3A_671, %lt3A_672 : i32
    %convert_element_type3A_674 = arith.extui %lt3A_673 : i1 to i32
    %cond3A_675 = arith.constant 123 : i32
    %cond3A_676 = arith.constant 0 : i32
    %cond3A_677 = arith.cmpi ne, %convert_element_type3A_674, %cond3A_676 : i32
    scf.if %cond3A_677 {
      %dma_wait3A_811 = arith.constant 6 : i32
      %dma_wait3A_812 = arith.constant 0 : i32
      %dma_wait3A_813 = tpu.memref_slice %arg7[%dma_wait3A_811, %dma_wait3A_812] : memref<8x80xi32, #tpu.memory_space<vmem>> -> memref<1x80xi32, #tpu.memory_space<vmem>>
      %dma_wait3A_814 = tpu.memref_squeeze %dma_wait3A_813 : memref<1x80xi32, #tpu.memory_space<vmem>> -> memref<80xi32, #tpu.memory_space<vmem>>
      %dma_wait3A_815 = arith.constant 0 : i32
      %dma_wait3A_816 = tpu.memref_slice %arg3[%dma_wait3A_815] : memref<640000xi32, #tpu.memory_space<hbm>> -> memref<80xi32, #tpu.memory_space<hbm>>
      %dma_wait3A_817 = arith.constant 0 : i32
      %dma_wait3A_818 = tpu.memref_slice %arg7[%dma_wait3A_811, %dma_wait3A_817] : memref<8x80xi32, #tpu.memory_space<vmem>> -> memref<1x80xi32, #tpu.memory_space<vmem>>
      %dma_wait3A_819 = tpu.memref_squeeze %dma_wait3A_818 : memref<1x80xi32, #tpu.memory_space<vmem>> -> memref<80xi32, #tpu.memory_space<vmem>>
      %dma_wait3A_820 = arith.constant 0 : i32
      %dma_wait3A_821 = tpu.memref_slice %arg3[%dma_wait3A_820] : memref<640000xi32, #tpu.memory_space<hbm>> -> memref<80xi32, #tpu.memory_space<hbm>>
      tpu.wait_dma2 semaphore(%arg15 : memref<!tpu.dma_semaphore, #tpu.memory_space<semaphore_mem>>) src(%dma_wait3A_821 : memref<80xi32, #tpu.memory_space<hbm>>) dst(%dma_wait3A_819 : memref<80xi32, #tpu.memory_space<vmem>>)
      %dma_wait3A_822 = arith.constant 6 : i32
      %dma_wait3A_823 = arith.constant 0 : i32
      %dma_wait3A_824 = tpu.memref_slice %arg8[%dma_wait3A_822, %dma_wait3A_823] : memref<8x80xi32, #tpu.memory_space<vmem>> -> memref<1x80xi32, #tpu.memory_space<vmem>>
      %dma_wait3A_825 = tpu.memref_squeeze %dma_wait3A_824 : memref<1x80xi32, #tpu.memory_space<vmem>> -> memref<80xi32, #tpu.memory_space<vmem>>
      %dma_wait3A_826 = arith.constant 0 : i32
      %dma_wait3A_827 = tpu.memref_slice %arg3[%dma_wait3A_826] : memref<640000xi32, #tpu.memory_space<hbm>> -> memref<80xi32, #tpu.memory_space<hbm>>
      %dma_wait3A_828 = arith.constant 0 : i32
      %dma_wait3A_829 = tpu.memref_slice %arg8[%dma_wait3A_822, %dma_wait3A_828] : memref<8x80xi32, #tpu.memory_space<vmem>> -> memref<1x80xi32, #tpu.memory_space<vmem>>
      %dma_wait3A_830 = tpu.memref_squeeze %dma_wait3A_829 : memref<1x80xi32, #tpu.memory_space<vmem>> -> memref<80xi32, #tpu.memory_space<vmem>>
      %dma_wait3A_831 = arith.constant 0 : i32
      %dma_wait3A_832 = tpu.memref_slice %arg3[%dma_wait3A_831] : memref<640000xi32, #tpu.memory_space<hbm>> -> memref<80xi32, #tpu.memory_space<hbm>>
      tpu.wait_dma2 semaphore(%arg23 : memref<!tpu.dma_semaphore, #tpu.memory_space<semaphore_mem>>) src(%dma_wait3A_832 : memref<80xi32, #tpu.memory_space<hbm>>) dst(%dma_wait3A_830 : memref<80xi32, #tpu.memory_space<vmem>>)
      %sub3A = arith.constant 1 : i32
      %sub3A_833 = arith.subi %cond3A_675, %sub3A : i32
      %ge3A = arith.constant 0 : i32
      %ge3A_834 = arith.cmpi sge, %sub3A_833, %ge3A : i32
      %convert_element_type3A_835 = arith.extui %ge3A_834 : i1 to i32
      %cond3A_836 = arith.constant 0 : i32
      %cond3A_837 = arith.cmpi ne, %convert_element_type3A_835, %cond3A_836 : i32
      scf.if %cond3A_837 {
        %dma_wait3A_850 = arith.constant 2 : i32
        %dma_wait3A_851 = arith.constant 0 : i32
        %dma_wait3A_852 = arith.constant 0 : i32
        %dma_wait3A_853 = arith.constant 0 : i32
        %dma_wait3A_854 = tpu.memref_slice %arg6[%dma_wait3A_850, %dma_wait3A_852, %dma_wait3A_853] : memref<4x80x128xf32, #tpu.memory_space<vmem>> -> memref<1x80x128xf32, #tpu.memory_space<vmem>>
        %dma_wait3A_855 = tpu.memref_squeeze %dma_wait3A_854 : memref<1x80x128xf32, #tpu.memory_space<vmem>> -> memref<80x128xf32, #tpu.memory_space<vmem>>
        %dma_wait3A_856 = arith.constant 0 : i32
        %dma_wait3A_857 = tpu.memref_slice %arg8[%dma_wait3A_851, %dma_wait3A_856] : memref<8x80xi32, #tpu.memory_space<vmem>> -> memref<1x80xi32, #tpu.memory_space<vmem>>
        %dma_wait3A_858 = tpu.memref_squeeze %dma_wait3A_857 : memref<1x80xi32, #tpu.memory_space<vmem>> -> memref<80xi32, #tpu.memory_space<vmem>>
        %dma_wait3A_859 = arith.constant 0 : i32
        %dma_wait3A_860 = arith.constant 0 : i32
        %dma_wait3A_861 = tpu.memref_slice %arg5[%dma_wait3A_859, %dma_wait3A_860] : memref<10000x128xf32, #tpu.memory_space<vmem_shared>> -> memref<10000x128xf32, #tpu.memory_space<vmem_shared>>
        tpu.wait_indirect_dma semaphore(%arg31 : memref<!tpu.dma_semaphore, #tpu.memory_space<semaphore_mem>>) src(%dma_wait3A_855 : memref<80x128xf32, #tpu.memory_space<vmem>>) dst(%dma_wait3A_861 : memref<10000x128xf32, #tpu.memory_space<vmem_shared>>)
      } else {
      }
      %dma_start3A_838 = arith.constant 6 : i32
      %dma_start3A_839 = arith.constant 2 : i32
      %dma_start3A_840 = arith.constant 0 : i32
      %dma_start3A_841 = arith.constant 0 : i32
      %dma_start3A_842 = tpu.memref_slice %arg6[%dma_start3A_839, %dma_start3A_840, %dma_start3A_841] : memref<4x80x128xf32, #tpu.memory_space<vmem>> -> memref<1x80x128xf32, #tpu.memory_space<vmem>>
      %dma_start3A_843 = tpu.memref_squeeze %dma_start3A_842 : memref<1x80x128xf32, #tpu.memory_space<vmem>> -> memref<80x128xf32, #tpu.memory_space<vmem>>
      %dma_start3A_844 = arith.constant 0 : i32
      %dma_start3A_845 = tpu.memref_slice %arg7[%dma_start3A_838, %dma_start3A_844] : memref<8x80xi32, #tpu.memory_space<vmem>> -> memref<1x80xi32, #tpu.memory_space<vmem>>
      %dma_start3A_846 = tpu.memref_squeeze %dma_start3A_845 : memref<1x80xi32, #tpu.memory_space<vmem>> -> memref<80xi32, #tpu.memory_space<vmem>>
      %dma_start3A_847 = arith.constant 0 : i32
      %dma_start3A_848 = arith.constant 0 : i32
      %dma_start3A_849 = tpu.memref_slice %arg2[%dma_start3A_847, %dma_start3A_848] : memref<10000x128xf32, #tpu.memory_space<hbm>> -> memref<10000x128xf32, #tpu.memory_space<hbm>>
      tpu.enqueue_indirect_dma source(%dma_start3A_849 : memref<10000x128xf32, #tpu.memory_space<hbm>>) target(%dma_start3A_843 : memref<80x128xf32, #tpu.memory_space<vmem>>) offsets(%dma_start3A_846 : memref<80xi32, #tpu.memory_space<vmem>>) semaphore(%arg27 : memref<!tpu.dma_semaphore, #tpu.memory_space<semaphore_mem>>)
    } else {
    }
    %dma_wait3A_678 = arith.constant 0 : i32
    %dma_wait3A_679 = arith.constant 3 : i32
    %dma_wait3A_680 = arith.constant 0 : i32
    %dma_wait3A_681 = arith.constant 0 : i32
    %dma_wait3A_682 = tpu.memref_slice %arg6[%dma_wait3A_679, %dma_wait3A_680, %dma_wait3A_681] : memref<4x80x128xf32, #tpu.memory_space<vmem>> -> memref<1x80x128xf32, #tpu.memory_space<vmem>>
    %dma_wait3A_683 = tpu.memref_squeeze %dma_wait3A_682 : memref<1x80x128xf32, #tpu.memory_space<vmem>> -> memref<80x128xf32, #tpu.memory_space<vmem>>
    %dma_wait3A_684 = arith.constant 0 : i32
    %dma_wait3A_685 = tpu.memref_slice %arg7[%dma_wait3A_678, %dma_wait3A_684] : memref<8x80xi32, #tpu.memory_space<vmem>> -> memref<1x80xi32, #tpu.memory_space<vmem>>
    %dma_wait3A_686 = tpu.memref_squeeze %dma_wait3A_685 : memref<1x80xi32, #tpu.memory_space<vmem>> -> memref<80xi32, #tpu.memory_space<vmem>>
    %dma_wait3A_687 = arith.constant 0 : i32
    %dma_wait3A_688 = arith.constant 0 : i32
    %dma_wait3A_689 = tpu.memref_slice %arg2[%dma_wait3A_687, %dma_wait3A_688] : memref<10000x128xf32, #tpu.memory_space<hbm>> -> memref<10000x128xf32, #tpu.memory_space<hbm>>
    tpu.wait_indirect_dma semaphore(%arg28 : memref<!tpu.dma_semaphore, #tpu.memory_space<semaphore_mem>>) src(%dma_wait3A_689 : memref<10000x128xf32, #tpu.memory_space<hbm>>) dst(%dma_wait3A_683 : memref<80x128xf32, #tpu.memory_space<vmem>>)
    %dma_start3A_690 = arith.constant 3 : i32
    %dma_start3A_691 = arith.constant 3 : i32
    %dma_start3A_692 = arith.constant 0 : i32
    %dma_start3A_693 = arith.constant 0 : i32
    %dma_start3A_694 = tpu.memref_slice %arg6[%dma_start3A_690, %dma_start3A_692, %dma_start3A_693] : memref<4x80x128xf32, #tpu.memory_space<vmem>> -> memref<1x80x128xf32, #tpu.memory_space<vmem>>
    %dma_start3A_695 = tpu.memref_squeeze %dma_start3A_694 : memref<1x80x128xf32, #tpu.memory_space<vmem>> -> memref<80x128xf32, #tpu.memory_space<vmem>>
    %dma_start3A_696 = arith.constant 0 : i32
    %dma_start3A_697 = tpu.memref_slice %arg8[%dma_start3A_691, %dma_start3A_696] : memref<8x80xi32, #tpu.memory_space<vmem>> -> memref<1x80xi32, #tpu.memory_space<vmem>>
    %dma_start3A_698 = tpu.memref_squeeze %dma_start3A_697 : memref<1x80xi32, #tpu.memory_space<vmem>> -> memref<80xi32, #tpu.memory_space<vmem>>
    %dma_start3A_699 = arith.constant 0 : i32
    %dma_start3A_700 = arith.constant 0 : i32
    %dma_start3A_701 = tpu.memref_slice %arg5[%dma_start3A_699, %dma_start3A_700] : memref<10000x128xf32, #tpu.memory_space<vmem_shared>> -> memref<10000x128xf32, #tpu.memory_space<vmem_shared>>
    tpu.enqueue_indirect_dma source(%dma_start3A_695 : memref<80x128xf32, #tpu.memory_space<vmem>>) target(%dma_start3A_701 : memref<10000x128xf32, #tpu.memory_space<vmem_shared>>) offsets(%dma_start3A_698 : memref<80xi32, #tpu.memory_space<vmem>>) semaphore(%arg32 : memref<!tpu.dma_semaphore, #tpu.memory_space<semaphore_mem>>) {add = true}
    %add3A_702 = arith.constant 123 : i32
    %add3A_703 = arith.constant 7 : i32
    %add3A_704 = arith.addi %add3A_702, %add3A_703 : i32
    %lt3A_705 = arith.constant 125 : i32
    %lt3A_706 = arith.cmpi slt, %add3A_704, %lt3A_705 : i32
    %convert_element_type3A_707 = arith.extui %lt3A_706 : i1 to i32
    %cond3A_708 = arith.constant 123 : i32
    %cond3A_709 = arith.constant 0 : i32
    %cond3A_710 = arith.cmpi ne, %convert_element_type3A_707, %cond3A_709 : i32
    scf.if %cond3A_710 {
      %add3A_811 = arith.constant 7 : i32
      %add3A_812 = arith.addi %cond3A_708, %add3A_811 : i32
      %mul3A_813 = arith.constant 80 : i32
      %mul3A_814 = arith.muli %add3A_812, %mul3A_813 : i32
      %add3A_815 = arith.addi %mul3A_2, %mul3A_814 : i32
      %dma_start3A_816 = arith.constant 2 : i32
      %dma_start3A_817 = arith.constant 0 : i32
      %dma_start3A_818 = tpu.memref_slice %arg7[%dma_start3A_816, %dma_start3A_817] : memref<8x80xi32, #tpu.memory_space<vmem>> -> memref<1x80xi32, #tpu.memory_space<vmem>>
      %dma_start3A_819 = tpu.memref_squeeze %dma_start3A_818 : memref<1x80xi32, #tpu.memory_space<vmem>> -> memref<80xi32, #tpu.memory_space<vmem>>
      %dma_start3A_820 = tpu.memref_slice %arg3[%add3A_815] : memref<640000xi32, #tpu.memory_space<hbm>> -> memref<80xi32, #tpu.memory_space<hbm>>
      %dma_start3A_821 = arith.constant 0 : i32
      %dma_start3A_822 = tpu.memref_slice %arg7[%dma_start3A_816, %dma_start3A_821] : memref<8x80xi32, #tpu.memory_space<vmem>> -> memref<1x80xi32, #tpu.memory_space<vmem>>
      %dma_start3A_823 = tpu.memref_squeeze %dma_start3A_822 : memref<1x80xi32, #tpu.memory_space<vmem>> -> memref<80xi32, #tpu.memory_space<vmem>>
      %dma_start3A_824 = tpu.memref_slice %arg3[%add3A_815] : memref<640000xi32, #tpu.memory_space<hbm>> -> memref<80xi32, #tpu.memory_space<hbm>>
      tpu.enqueue_dma source(%dma_start3A_824 : memref<80xi32, #tpu.memory_space<hbm>>) target(%dma_start3A_823 : memref<80xi32, #tpu.memory_space<vmem>>) target_semaphore(%arg11 : memref<!tpu.dma_semaphore, #tpu.memory_space<semaphore_mem>>)
      %add3A_825 = arith.constant 320000 : i32
      %add3A_826 = arith.addi %add3A_825, %add3A_815 : i32
      %dma_start3A_827 = arith.constant 2 : i32
      %dma_start3A_828 = arith.constant 0 : i32
      %dma_start3A_829 = tpu.memref_slice %arg8[%dma_start3A_827, %dma_start3A_828] : memref<8x80xi32, #tpu.memory_space<vmem>> -> memref<1x80xi32, #tpu.memory_space<vmem>>
      %dma_start3A_830 = tpu.memref_squeeze %dma_start3A_829 : memref<1x80xi32, #tpu.memory_space<vmem>> -> memref<80xi32, #tpu.memory_space<vmem>>
      %dma_start3A_831 = tpu.memref_slice %arg3[%add3A_826] : memref<640000xi32, #tpu.memory_space<hbm>> -> memref<80xi32, #tpu.memory_space<hbm>>
      %dma_start3A_832 = arith.constant 0 : i32
      %dma_start3A_833 = tpu.memref_slice %arg8[%dma_start3A_827, %dma_start3A_832] : memref<8x80xi32, #tpu.memory_space<vmem>> -> memref<1x80xi32, #tpu.memory_space<vmem>>
      %dma_start3A_834 = tpu.memref_squeeze %dma_start3A_833 : memref<1x80xi32, #tpu.memory_space<vmem>> -> memref<80xi32, #tpu.memory_space<vmem>>
      %dma_start3A_835 = tpu.memref_slice %arg3[%add3A_826] : memref<640000xi32, #tpu.memory_space<hbm>> -> memref<80xi32, #tpu.memory_space<hbm>>
      tpu.enqueue_dma source(%dma_start3A_835 : memref<80xi32, #tpu.memory_space<hbm>>) target(%dma_start3A_834 : memref<80xi32, #tpu.memory_space<vmem>>) target_semaphore(%arg19 : memref<!tpu.dma_semaphore, #tpu.memory_space<semaphore_mem>>)
    } else {
    }
    %add3A_711 = arith.constant 124 : i32
    %add3A_712 = arith.constant 3 : i32
    %add3A_713 = arith.addi %add3A_711, %add3A_712 : i32
    %lt3A_714 = arith.constant 125 : i32
    %lt3A_715 = arith.cmpi slt, %add3A_713, %lt3A_714 : i32
    %convert_element_type3A_716 = arith.extui %lt3A_715 : i1 to i32
    %cond3A_717 = arith.constant 124 : i32
    %cond3A_718 = arith.constant 0 : i32
    %cond3A_719 = arith.cmpi ne, %convert_element_type3A_716, %cond3A_718 : i32
    scf.if %cond3A_719 {
      %dma_wait3A_811 = arith.constant 7 : i32
      %dma_wait3A_812 = arith.constant 0 : i32
      %dma_wait3A_813 = tpu.memref_slice %arg7[%dma_wait3A_811, %dma_wait3A_812] : memref<8x80xi32, #tpu.memory_space<vmem>> -> memref<1x80xi32, #tpu.memory_space<vmem>>
      %dma_wait3A_814 = tpu.memref_squeeze %dma_wait3A_813 : memref<1x80xi32, #tpu.memory_space<vmem>> -> memref<80xi32, #tpu.memory_space<vmem>>
      %dma_wait3A_815 = arith.constant 0 : i32
      %dma_wait3A_816 = tpu.memref_slice %arg3[%dma_wait3A_815] : memref<640000xi32, #tpu.memory_space<hbm>> -> memref<80xi32, #tpu.memory_space<hbm>>
      %dma_wait3A_817 = arith.constant 0 : i32
      %dma_wait3A_818 = tpu.memref_slice %arg7[%dma_wait3A_811, %dma_wait3A_817] : memref<8x80xi32, #tpu.memory_space<vmem>> -> memref<1x80xi32, #tpu.memory_space<vmem>>
      %dma_wait3A_819 = tpu.memref_squeeze %dma_wait3A_818 : memref<1x80xi32, #tpu.memory_space<vmem>> -> memref<80xi32, #tpu.memory_space<vmem>>
      %dma_wait3A_820 = arith.constant 0 : i32
      %dma_wait3A_821 = tpu.memref_slice %arg3[%dma_wait3A_820] : memref<640000xi32, #tpu.memory_space<hbm>> -> memref<80xi32, #tpu.memory_space<hbm>>
      tpu.wait_dma2 semaphore(%arg16 : memref<!tpu.dma_semaphore, #tpu.memory_space<semaphore_mem>>) src(%dma_wait3A_821 : memref<80xi32, #tpu.memory_space<hbm>>) dst(%dma_wait3A_819 : memref<80xi32, #tpu.memory_space<vmem>>)
      %dma_wait3A_822 = arith.constant 7 : i32
      %dma_wait3A_823 = arith.constant 0 : i32
      %dma_wait3A_824 = tpu.memref_slice %arg8[%dma_wait3A_822, %dma_wait3A_823] : memref<8x80xi32, #tpu.memory_space<vmem>> -> memref<1x80xi32, #tpu.memory_space<vmem>>
      %dma_wait3A_825 = tpu.memref_squeeze %dma_wait3A_824 : memref<1x80xi32, #tpu.memory_space<vmem>> -> memref<80xi32, #tpu.memory_space<vmem>>
      %dma_wait3A_826 = arith.constant 0 : i32
      %dma_wait3A_827 = tpu.memref_slice %arg3[%dma_wait3A_826] : memref<640000xi32, #tpu.memory_space<hbm>> -> memref<80xi32, #tpu.memory_space<hbm>>
      %dma_wait3A_828 = arith.constant 0 : i32
      %dma_wait3A_829 = tpu.memref_slice %arg8[%dma_wait3A_822, %dma_wait3A_828] : memref<8x80xi32, #tpu.memory_space<vmem>> -> memref<1x80xi32, #tpu.memory_space<vmem>>
      %dma_wait3A_830 = tpu.memref_squeeze %dma_wait3A_829 : memref<1x80xi32, #tpu.memory_space<vmem>> -> memref<80xi32, #tpu.memory_space<vmem>>
      %dma_wait3A_831 = arith.constant 0 : i32
      %dma_wait3A_832 = tpu.memref_slice %arg3[%dma_wait3A_831] : memref<640000xi32, #tpu.memory_space<hbm>> -> memref<80xi32, #tpu.memory_space<hbm>>
      tpu.wait_dma2 semaphore(%arg24 : memref<!tpu.dma_semaphore, #tpu.memory_space<semaphore_mem>>) src(%dma_wait3A_832 : memref<80xi32, #tpu.memory_space<hbm>>) dst(%dma_wait3A_830 : memref<80xi32, #tpu.memory_space<vmem>>)
      %sub3A = arith.constant 1 : i32
      %sub3A_833 = arith.subi %cond3A_717, %sub3A : i32
      %ge3A = arith.constant 0 : i32
      %ge3A_834 = arith.cmpi sge, %sub3A_833, %ge3A : i32
      %convert_element_type3A_835 = arith.extui %ge3A_834 : i1 to i32
      %cond3A_836 = arith.constant 0 : i32
      %cond3A_837 = arith.cmpi ne, %convert_element_type3A_835, %cond3A_836 : i32
      scf.if %cond3A_837 {
        %dma_wait3A_850 = arith.constant 3 : i32
        %dma_wait3A_851 = arith.constant 0 : i32
        %dma_wait3A_852 = arith.constant 0 : i32
        %dma_wait3A_853 = arith.constant 0 : i32
        %dma_wait3A_854 = tpu.memref_slice %arg6[%dma_wait3A_850, %dma_wait3A_852, %dma_wait3A_853] : memref<4x80x128xf32, #tpu.memory_space<vmem>> -> memref<1x80x128xf32, #tpu.memory_space<vmem>>
        %dma_wait3A_855 = tpu.memref_squeeze %dma_wait3A_854 : memref<1x80x128xf32, #tpu.memory_space<vmem>> -> memref<80x128xf32, #tpu.memory_space<vmem>>
        %dma_wait3A_856 = arith.constant 0 : i32
        %dma_wait3A_857 = tpu.memref_slice %arg8[%dma_wait3A_851, %dma_wait3A_856] : memref<8x80xi32, #tpu.memory_space<vmem>> -> memref<1x80xi32, #tpu.memory_space<vmem>>
        %dma_wait3A_858 = tpu.memref_squeeze %dma_wait3A_857 : memref<1x80xi32, #tpu.memory_space<vmem>> -> memref<80xi32, #tpu.memory_space<vmem>>
        %dma_wait3A_859 = arith.constant 0 : i32
        %dma_wait3A_860 = arith.constant 0 : i32
        %dma_wait3A_861 = tpu.memref_slice %arg5[%dma_wait3A_859, %dma_wait3A_860] : memref<10000x128xf32, #tpu.memory_space<vmem_shared>> -> memref<10000x128xf32, #tpu.memory_space<vmem_shared>>
        tpu.wait_indirect_dma semaphore(%arg32 : memref<!tpu.dma_semaphore, #tpu.memory_space<semaphore_mem>>) src(%dma_wait3A_855 : memref<80x128xf32, #tpu.memory_space<vmem>>) dst(%dma_wait3A_861 : memref<10000x128xf32, #tpu.memory_space<vmem_shared>>)
      } else {
      }
      %dma_start3A_838 = arith.constant 7 : i32
      %dma_start3A_839 = arith.constant 3 : i32
      %dma_start3A_840 = arith.constant 0 : i32
      %dma_start3A_841 = arith.constant 0 : i32
      %dma_start3A_842 = tpu.memref_slice %arg6[%dma_start3A_839, %dma_start3A_840, %dma_start3A_841] : memref<4x80x128xf32, #tpu.memory_space<vmem>> -> memref<1x80x128xf32, #tpu.memory_space<vmem>>
      %dma_start3A_843 = tpu.memref_squeeze %dma_start3A_842 : memref<1x80x128xf32, #tpu.memory_space<vmem>> -> memref<80x128xf32, #tpu.memory_space<vmem>>
      %dma_start3A_844 = arith.constant 0 : i32
      %dma_start3A_845 = tpu.memref_slice %arg7[%dma_start3A_838, %dma_start3A_844] : memref<8x80xi32, #tpu.memory_space<vmem>> -> memref<1x80xi32, #tpu.memory_space<vmem>>
      %dma_start3A_846 = tpu.memref_squeeze %dma_start3A_845 : memref<1x80xi32, #tpu.memory_space<vmem>> -> memref<80xi32, #tpu.memory_space<vmem>>
      %dma_start3A_847 = arith.constant 0 : i32
      %dma_start3A_848 = arith.constant 0 : i32
      %dma_start3A_849 = tpu.memref_slice %arg2[%dma_start3A_847, %dma_start3A_848] : memref<10000x128xf32, #tpu.memory_space<hbm>> -> memref<10000x128xf32, #tpu.memory_space<hbm>>
      tpu.enqueue_indirect_dma source(%dma_start3A_849 : memref<10000x128xf32, #tpu.memory_space<hbm>>) target(%dma_start3A_843 : memref<80x128xf32, #tpu.memory_space<vmem>>) offsets(%dma_start3A_846 : memref<80xi32, #tpu.memory_space<vmem>>) semaphore(%arg28 : memref<!tpu.dma_semaphore, #tpu.memory_space<semaphore_mem>>)
    } else {
    }
    %dma_wait3A_720 = arith.constant 0 : i32
    %dma_wait3A_721 = arith.constant 0 : i32
    %dma_wait3A_722 = arith.constant 0 : i32
    %dma_wait3A_723 = arith.constant 0 : i32
    %dma_wait3A_724 = tpu.memref_slice %arg6[%dma_wait3A_721, %dma_wait3A_722, %dma_wait3A_723] : memref<4x80x128xf32, #tpu.memory_space<vmem>> -> memref<1x80x128xf32, #tpu.memory_space<vmem>>
    %dma_wait3A_725 = tpu.memref_squeeze %dma_wait3A_724 : memref<1x80x128xf32, #tpu.memory_space<vmem>> -> memref<80x128xf32, #tpu.memory_space<vmem>>
    %dma_wait3A_726 = arith.constant 0 : i32
    %dma_wait3A_727 = tpu.memref_slice %arg7[%dma_wait3A_720, %dma_wait3A_726] : memref<8x80xi32, #tpu.memory_space<vmem>> -> memref<1x80xi32, #tpu.memory_space<vmem>>
    %dma_wait3A_728 = tpu.memref_squeeze %dma_wait3A_727 : memref<1x80xi32, #tpu.memory_space<vmem>> -> memref<80xi32, #tpu.memory_space<vmem>>
    %dma_wait3A_729 = arith.constant 0 : i32
    %dma_wait3A_730 = arith.constant 0 : i32
    %dma_wait3A_731 = tpu.memref_slice %arg2[%dma_wait3A_729, %dma_wait3A_730] : memref<10000x128xf32, #tpu.memory_space<hbm>> -> memref<10000x128xf32, #tpu.memory_space<hbm>>
    tpu.wait_indirect_dma semaphore(%arg25 : memref<!tpu.dma_semaphore, #tpu.memory_space<semaphore_mem>>) src(%dma_wait3A_731 : memref<10000x128xf32, #tpu.memory_space<hbm>>) dst(%dma_wait3A_725 : memref<80x128xf32, #tpu.memory_space<vmem>>)
    %dma_start3A_732 = arith.constant 0 : i32
    %dma_start3A_733 = arith.constant 4 : i32
    %dma_start3A_734 = arith.constant 0 : i32
    %dma_start3A_735 = arith.constant 0 : i32
    %dma_start3A_736 = tpu.memref_slice %arg6[%dma_start3A_732, %dma_start3A_734, %dma_start3A_735] : memref<4x80x128xf32, #tpu.memory_space<vmem>> -> memref<1x80x128xf32, #tpu.memory_space<vmem>>
    %dma_start3A_737 = tpu.memref_squeeze %dma_start3A_736 : memref<1x80x128xf32, #tpu.memory_space<vmem>> -> memref<80x128xf32, #tpu.memory_space<vmem>>
    %dma_start3A_738 = arith.constant 0 : i32
    %dma_start3A_739 = tpu.memref_slice %arg8[%dma_start3A_733, %dma_start3A_738] : memref<8x80xi32, #tpu.memory_space<vmem>> -> memref<1x80xi32, #tpu.memory_space<vmem>>
    %dma_start3A_740 = tpu.memref_squeeze %dma_start3A_739 : memref<1x80xi32, #tpu.memory_space<vmem>> -> memref<80xi32, #tpu.memory_space<vmem>>
    %dma_start3A_741 = arith.constant 0 : i32
    %dma_start3A_742 = arith.constant 0 : i32
    %dma_start3A_743 = tpu.memref_slice %arg5[%dma_start3A_741, %dma_start3A_742] : memref<10000x128xf32, #tpu.memory_space<vmem_shared>> -> memref<10000x128xf32, #tpu.memory_space<vmem_shared>>
    tpu.enqueue_indirect_dma source(%dma_start3A_737 : memref<80x128xf32, #tpu.memory_space<vmem>>) target(%dma_start3A_743 : memref<10000x128xf32, #tpu.memory_space<vmem_shared>>) offsets(%dma_start3A_740 : memref<80xi32, #tpu.memory_space<vmem>>) semaphore(%arg29 : memref<!tpu.dma_semaphore, #tpu.memory_space<semaphore_mem>>) {add = true}
    %add3A_744 = arith.constant 124 : i32
    %add3A_745 = arith.constant 7 : i32
    %add3A_746 = arith.addi %add3A_744, %add3A_745 : i32
    %lt3A_747 = arith.constant 125 : i32
    %lt3A_748 = arith.cmpi slt, %add3A_746, %lt3A_747 : i32
    %convert_element_type3A_749 = arith.extui %lt3A_748 : i1 to i32
    %cond3A_750 = arith.constant 124 : i32
    %cond3A_751 = arith.constant 0 : i32
    %cond3A_752 = arith.cmpi ne, %convert_element_type3A_749, %cond3A_751 : i32
    scf.if %cond3A_752 {
      %add3A_811 = arith.constant 7 : i32
      %add3A_812 = arith.addi %cond3A_750, %add3A_811 : i32
      %mul3A_813 = arith.constant 80 : i32
      %mul3A_814 = arith.muli %add3A_812, %mul3A_813 : i32
      %add3A_815 = arith.addi %mul3A_2, %mul3A_814 : i32
      %dma_start3A_816 = arith.constant 3 : i32
      %dma_start3A_817 = arith.constant 0 : i32
      %dma_start3A_818 = tpu.memref_slice %arg7[%dma_start3A_816, %dma_start3A_817] : memref<8x80xi32, #tpu.memory_space<vmem>> -> memref<1x80xi32, #tpu.memory_space<vmem>>
      %dma_start3A_819 = tpu.memref_squeeze %dma_start3A_818 : memref<1x80xi32, #tpu.memory_space<vmem>> -> memref<80xi32, #tpu.memory_space<vmem>>
      %dma_start3A_820 = tpu.memref_slice %arg3[%add3A_815] : memref<640000xi32, #tpu.memory_space<hbm>> -> memref<80xi32, #tpu.memory_space<hbm>>
      %dma_start3A_821 = arith.constant 0 : i32
      %dma_start3A_822 = tpu.memref_slice %arg7[%dma_start3A_816, %dma_start3A_821] : memref<8x80xi32, #tpu.memory_space<vmem>> -> memref<1x80xi32, #tpu.memory_space<vmem>>
      %dma_start3A_823 = tpu.memref_squeeze %dma_start3A_822 : memref<1x80xi32, #tpu.memory_space<vmem>> -> memref<80xi32, #tpu.memory_space<vmem>>
      %dma_start3A_824 = tpu.memref_slice %arg3[%add3A_815] : memref<640000xi32, #tpu.memory_space<hbm>> -> memref<80xi32, #tpu.memory_space<hbm>>
      tpu.enqueue_dma source(%dma_start3A_824 : memref<80xi32, #tpu.memory_space<hbm>>) target(%dma_start3A_823 : memref<80xi32, #tpu.memory_space<vmem>>) target_semaphore(%arg12 : memref<!tpu.dma_semaphore, #tpu.memory_space<semaphore_mem>>)
      %add3A_825 = arith.constant 320000 : i32
      %add3A_826 = arith.addi %add3A_825, %add3A_815 : i32
      %dma_start3A_827 = arith.constant 3 : i32
      %dma_start3A_828 = arith.constant 0 : i32
      %dma_start3A_829 = tpu.memref_slice %arg8[%dma_start3A_827, %dma_start3A_828] : memref<8x80xi32, #tpu.memory_space<vmem>> -> memref<1x80xi32, #tpu.memory_space<vmem>>
      %dma_start3A_830 = tpu.memref_squeeze %dma_start3A_829 : memref<1x80xi32, #tpu.memory_space<vmem>> -> memref<80xi32, #tpu.memory_space<vmem>>
      %dma_start3A_831 = tpu.memref_slice %arg3[%add3A_826] : memref<640000xi32, #tpu.memory_space<hbm>> -> memref<80xi32, #tpu.memory_space<hbm>>
      %dma_start3A_832 = arith.constant 0 : i32
      %dma_start3A_833 = tpu.memref_slice %arg8[%dma_start3A_827, %dma_start3A_832] : memref<8x80xi32, #tpu.memory_space<vmem>> -> memref<1x80xi32, #tpu.memory_space<vmem>>
      %dma_start3A_834 = tpu.memref_squeeze %dma_start3A_833 : memref<1x80xi32, #tpu.memory_space<vmem>> -> memref<80xi32, #tpu.memory_space<vmem>>
      %dma_start3A_835 = tpu.memref_slice %arg3[%add3A_826] : memref<640000xi32, #tpu.memory_space<hbm>> -> memref<80xi32, #tpu.memory_space<hbm>>
      tpu.enqueue_dma source(%dma_start3A_835 : memref<80xi32, #tpu.memory_space<hbm>>) target(%dma_start3A_834 : memref<80xi32, #tpu.memory_space<vmem>>) target_semaphore(%arg20 : memref<!tpu.dma_semaphore, #tpu.memory_space<semaphore_mem>>)
    } else {
    }
    %dma_wait3A_753 = arith.constant 0 : i32
    %dma_wait3A_754 = arith.constant 0 : i32
    %dma_wait3A_755 = arith.constant 0 : i32
    %dma_wait3A_756 = arith.constant 0 : i32
    %dma_wait3A_757 = tpu.memref_slice %arg6[%dma_wait3A_753, %dma_wait3A_755, %dma_wait3A_756] : memref<4x80x128xf32, #tpu.memory_space<vmem>> -> memref<1x80x128xf32, #tpu.memory_space<vmem>>
    %dma_wait3A_758 = tpu.memref_squeeze %dma_wait3A_757 : memref<1x80x128xf32, #tpu.memory_space<vmem>> -> memref<80x128xf32, #tpu.memory_space<vmem>>
    %dma_wait3A_759 = arith.constant 0 : i32
    %dma_wait3A_760 = tpu.memref_slice %arg8[%dma_wait3A_754, %dma_wait3A_759] : memref<8x80xi32, #tpu.memory_space<vmem>> -> memref<1x80xi32, #tpu.memory_space<vmem>>
    %dma_wait3A_761 = tpu.memref_squeeze %dma_wait3A_760 : memref<1x80xi32, #tpu.memory_space<vmem>> -> memref<80xi32, #tpu.memory_space<vmem>>
    %dma_wait3A_762 = arith.constant 0 : i32
    %dma_wait3A_763 = arith.constant 0 : i32
    %dma_wait3A_764 = tpu.memref_slice %arg5[%dma_wait3A_762, %dma_wait3A_763] : memref<10000x128xf32, #tpu.memory_space<vmem_shared>> -> memref<10000x128xf32, #tpu.memory_space<vmem_shared>>
    tpu.wait_indirect_dma semaphore(%arg29 : memref<!tpu.dma_semaphore, #tpu.memory_space<semaphore_mem>>) src(%dma_wait3A_758 : memref<80x128xf32, #tpu.memory_space<vmem>>) dst(%dma_wait3A_764 : memref<10000x128xf32, #tpu.memory_space<vmem_shared>>)
    %dma_wait3A_765 = arith.constant 1 : i32
    %dma_wait3A_766 = arith.constant 0 : i32
    %dma_wait3A_767 = arith.constant 0 : i32
    %dma_wait3A_768 = arith.constant 0 : i32
    %dma_wait3A_769 = tpu.memref_slice %arg6[%dma_wait3A_765, %dma_wait3A_767, %dma_wait3A_768] : memref<4x80x128xf32, #tpu.memory_space<vmem>> -> memref<1x80x128xf32, #tpu.memory_space<vmem>>
    %dma_wait3A_770 = tpu.memref_squeeze %dma_wait3A_769 : memref<1x80x128xf32, #tpu.memory_space<vmem>> -> memref<80x128xf32, #tpu.memory_space<vmem>>
    %dma_wait3A_771 = arith.constant 0 : i32
    %dma_wait3A_772 = tpu.memref_slice %arg8[%dma_wait3A_766, %dma_wait3A_771] : memref<8x80xi32, #tpu.memory_space<vmem>> -> memref<1x80xi32, #tpu.memory_space<vmem>>
    %dma_wait3A_773 = tpu.memref_squeeze %dma_wait3A_772 : memref<1x80xi32, #tpu.memory_space<vmem>> -> memref<80xi32, #tpu.memory_space<vmem>>
    %dma_wait3A_774 = arith.constant 0 : i32
    %dma_wait3A_775 = arith.constant 0 : i32
    %dma_wait3A_776 = tpu.memref_slice %arg5[%dma_wait3A_774, %dma_wait3A_775] : memref<10000x128xf32, #tpu.memory_space<vmem_shared>> -> memref<10000x128xf32, #tpu.memory_space<vmem_shared>>
    tpu.wait_indirect_dma semaphore(%arg30 : memref<!tpu.dma_semaphore, #tpu.memory_space<semaphore_mem>>) src(%dma_wait3A_770 : memref<80x128xf32, #tpu.memory_space<vmem>>) dst(%dma_wait3A_776 : memref<10000x128xf32, #tpu.memory_space<vmem_shared>>)
    %dma_wait3A_777 = arith.constant 2 : i32
    %dma_wait3A_778 = arith.constant 0 : i32
    %dma_wait3A_779 = arith.constant 0 : i32
    %dma_wait3A_780 = arith.constant 0 : i32
    %dma_wait3A_781 = tpu.memref_slice %arg6[%dma_wait3A_777, %dma_wait3A_779, %dma_wait3A_780] : memref<4x80x128xf32, #tpu.memory_space<vmem>> -> memref<1x80x128xf32, #tpu.memory_space<vmem>>
    %dma_wait3A_782 = tpu.memref_squeeze %dma_wait3A_781 : memref<1x80x128xf32, #tpu.memory_space<vmem>> -> memref<80x128xf32, #tpu.memory_space<vmem>>
    %dma_wait3A_783 = arith.constant 0 : i32
    %dma_wait3A_784 = tpu.memref_slice %arg8[%dma_wait3A_778, %dma_wait3A_783] : memref<8x80xi32, #tpu.memory_space<vmem>> -> memref<1x80xi32, #tpu.memory_space<vmem>>
    %dma_wait3A_785 = tpu.memref_squeeze %dma_wait3A_784 : memref<1x80xi32, #tpu.memory_space<vmem>> -> memref<80xi32, #tpu.memory_space<vmem>>
    %dma_wait3A_786 = arith.constant 0 : i32
    %dma_wait3A_787 = arith.constant 0 : i32
    %dma_wait3A_788 = tpu.memref_slice %arg5[%dma_wait3A_786, %dma_wait3A_787] : memref<10000x128xf32, #tpu.memory_space<vmem_shared>> -> memref<10000x128xf32, #tpu.memory_space<vmem_shared>>
    tpu.wait_indirect_dma semaphore(%arg31 : memref<!tpu.dma_semaphore, #tpu.memory_space<semaphore_mem>>) src(%dma_wait3A_782 : memref<80x128xf32, #tpu.memory_space<vmem>>) dst(%dma_wait3A_788 : memref<10000x128xf32, #tpu.memory_space<vmem_shared>>)
    %dma_wait3A_789 = arith.constant 3 : i32
    %dma_wait3A_790 = arith.constant 0 : i32
    %dma_wait3A_791 = arith.constant 0 : i32
    %dma_wait3A_792 = arith.constant 0 : i32
    %dma_wait3A_793 = tpu.memref_slice %arg6[%dma_wait3A_789, %dma_wait3A_791, %dma_wait3A_792] : memref<4x80x128xf32, #tpu.memory_space<vmem>> -> memref<1x80x128xf32, #tpu.memory_space<vmem>>
    %dma_wait3A_794 = tpu.memref_squeeze %dma_wait3A_793 : memref<1x80x128xf32, #tpu.memory_space<vmem>> -> memref<80x128xf32, #tpu.memory_space<vmem>>
    %dma_wait3A_795 = arith.constant 0 : i32
    %dma_wait3A_796 = tpu.memref_slice %arg8[%dma_wait3A_790, %dma_wait3A_795] : memref<8x80xi32, #tpu.memory_space<vmem>> -> memref<1x80xi32, #tpu.memory_space<vmem>>
    %dma_wait3A_797 = tpu.memref_squeeze %dma_wait3A_796 : memref<1x80xi32, #tpu.memory_space<vmem>> -> memref<80xi32, #tpu.memory_space<vmem>>
    %dma_wait3A_798 = arith.constant 0 : i32
    %dma_wait3A_799 = arith.constant 0 : i32
    %dma_wait3A_800 = tpu.memref_slice %arg5[%dma_wait3A_798, %dma_wait3A_799] : memref<10000x128xf32, #tpu.memory_space<vmem_shared>> -> memref<10000x128xf32, #tpu.memory_space<vmem_shared>>
    tpu.wait_indirect_dma semaphore(%arg32 : memref<!tpu.dma_semaphore, #tpu.memory_space<semaphore_mem>>) src(%dma_wait3A_794 : memref<80x128xf32, #tpu.memory_space<vmem>>) dst(%dma_wait3A_800 : memref<10000x128xf32, #tpu.memory_space<vmem_shared>>)
    %barrier3A_801 = arith.constant 0 : index
    tpu.barrier barrier_id(%barrier3A_801)
    %mul3A_802 = arith.constant 624 : i32
    %mul3A_803 = arith.muli %arg1, %mul3A_802 : i32
    %mul3A_804 = arith.constant 624 : i32
    %mul3A_805 = arith.muli %arg1, %mul3A_804 : i32
    "tpu.region"() ({
      %run_scoped3A = tpu.sem_alloc : memref<!tpu.dma_semaphore, #tpu.memory_space<semaphore_mem>>
      %dma_start3A_811 = arith.constant 0 : i32
      %dma_start3A_812 = tpu.memref_slice %arg4[%arg0, %mul3A_805, %dma_start3A_811] : memref<2x10000x128xf32, #tpu.memory_space<hbm>> -> memref<1x624x128xf32, #tpu.memory_space<hbm>>
      %dma_start3A_813 = tpu.memref_squeeze %dma_start3A_812 : memref<1x624x128xf32, #tpu.memory_space<hbm>> -> memref<624x128xf32, #tpu.memory_space<hbm>>
      %dma_start3A_814 = arith.constant 0 : i32
      %dma_start3A_815 = tpu.memref_slice %arg5[%mul3A_803, %dma_start3A_814] : memref<10000x128xf32, #tpu.memory_space<vmem_shared>> -> memref<624x128xf32, #tpu.memory_space<vmem_shared>>
      tpu.enqueue_dma source(%dma_start3A_815 : memref<624x128xf32, #tpu.memory_space<vmem_shared>>) target(%dma_start3A_813 : memref<624x128xf32, #tpu.memory_space<hbm>>) target_semaphore(%run_scoped3A : memref<!tpu.dma_semaphore, #tpu.memory_space<semaphore_mem>>)
      %dma_wait3A_816 = arith.constant 0 : i32
      %dma_wait3A_817 = tpu.memref_slice %arg4[%arg0, %mul3A_805, %dma_wait3A_816] : memref<2x10000x128xf32, #tpu.memory_space<hbm>> -> memref<1x624x128xf32, #tpu.memory_space<hbm>>
      %dma_wait3A_818 = tpu.memref_squeeze %dma_wait3A_817 : memref<1x624x128xf32, #tpu.memory_space<hbm>> -> memref<624x128xf32, #tpu.memory_space<hbm>>
      %dma_wait3A_819 = arith.constant 0 : i32
      %dma_wait3A_820 = tpu.memref_slice %arg5[%mul3A_803, %dma_wait3A_819] : memref<10000x128xf32, #tpu.memory_space<vmem_shared>> -> memref<624x128xf32, #tpu.memory_space<vmem_shared>>
      tpu.wait_dma2 semaphore(%run_scoped3A : memref<!tpu.dma_semaphore, #tpu.memory_space<semaphore_mem>>) src(%dma_wait3A_820 : memref<624x128xf32, #tpu.memory_space<vmem_shared>>) dst(%dma_wait3A_818 : memref<624x128xf32, #tpu.memory_space<hbm>>)
      tpu.yield
    }) : () -> ()
    %eq3A_806 = arith.constant 15 : i32
    %eq3A_807 = arith.cmpi eq, %arg1, %eq3A_806 : i32
    %convert_element_type3A_808 = arith.extui %eq3A_807 : i1 to i32
    %cond3A_809 = arith.constant 0 : i32
    %cond3A_810 = arith.cmpi ne, %convert_element_type3A_808, %cond3A_809 : i32
    scf.if %cond3A_810 {
      "tpu.region"() ({
        %run_scoped3A = tpu.sem_alloc : memref<!tpu.dma_semaphore, #tpu.memory_space<semaphore_mem>>
        %dma_start3A_811 = arith.constant 9984 : i32
        %dma_start3A_812 = arith.constant 0 : i32
        %dma_start3A_813 = tpu.memref_slice %arg4[%arg0, %dma_start3A_811, %dma_start3A_812] : memref<2x10000x128xf32, #tpu.memory_space<hbm>> -> memref<1x16x128xf32, #tpu.memory_space<hbm>>
        %dma_start3A_814 = tpu.memref_squeeze %dma_start3A_813 : memref<1x16x128xf32, #tpu.memory_space<hbm>> -> memref<16x128xf32, #tpu.memory_space<hbm>>
        %dma_start3A_815 = arith.constant 9984 : i32
        %dma_start3A_816 = arith.constant 0 : i32
        %dma_start3A_817 = tpu.memref_slice %arg5[%dma_start3A_815, %dma_start3A_816] : memref<10000x128xf32, #tpu.memory_space<vmem_shared>> -> memref<16x128xf32, #tpu.memory_space<vmem_shared>>
        tpu.enqueue_dma source(%dma_start3A_817 : memref<16x128xf32, #tpu.memory_space<vmem_shared>>) target(%dma_start3A_814 : memref<16x128xf32, #tpu.memory_space<hbm>>) target_semaphore(%run_scoped3A : memref<!tpu.dma_semaphore, #tpu.memory_space<semaphore_mem>>)
        %dma_wait3A_818 = arith.constant 9984 : i32
        %dma_wait3A_819 = arith.constant 0 : i32
        %dma_wait3A_820 = tpu.memref_slice %arg4[%arg0, %dma_wait3A_818, %dma_wait3A_819] : memref<2x10000x128xf32, #tpu.memory_space<hbm>> -> memref<1x16x128xf32, #tpu.memory_space<hbm>>
        %dma_wait3A_821 = tpu.memref_squeeze %dma_wait3A_820 : memref<1x16x128xf32, #tpu.memory_space<hbm>> -> memref<16x128xf32, #tpu.memory_space<hbm>>
        %dma_wait3A_822 = arith.constant 9984 : i32
        %dma_wait3A_823 = arith.constant 0 : i32
        %dma_wait3A_824 = tpu.memref_slice %arg5[%dma_wait3A_822, %dma_wait3A_823] : memref<10000x128xf32, #tpu.memory_space<vmem_shared>> -> memref<16x128xf32, #tpu.memory_space<vmem_shared>>
        tpu.wait_dma2 semaphore(%run_scoped3A : memref<!tpu.dma_semaphore, #tpu.memory_space<semaphore_mem>>) src(%dma_wait3A_824 : memref<16x128xf32, #tpu.memory_space<vmem_shared>>) dst(%dma_wait3A_821 : memref<16x128xf32, #tpu.memory_space<hbm>>)
        tpu.yield
      }) : () -> ()
    } else {
    }
    return
  }
}

module attributes {stable_mosaic.version = 14 : i64} {
  func.func @_tc_head_body(%arg0: memref<1x1xf32, #tpu.memory_space<smem>>, %arg1: memref<10000x128xf32, #tpu.memory_space<vmem>>, %arg2: memref<2x10000x128xf32, #tpu.memory_space<vmem>>, %arg3: memref<128x128xf32, #tpu.memory_space<vmem>>, %arg4: memref<1x128xf32, #tpu.memory_space<vmem>>, %arg5: memref<1x128xf32, #tpu.memory_space<vmem>>, %arg6: memref<1x128xf32, #tpu.memory_space<vmem>>, %arg7: memref<128x128xf32, #tpu.memory_space<vmem>>, %arg8: memref<1x128xf32, #tpu.memory_space<vmem>>, %arg9: memref<1x128xf32, #tpu.memory_space<vmem>>, %arg10: memref<1x128xf32, #tpu.memory_space<vmem>>, %arg11: memref<128x64xf32, #tpu.memory_space<vmem>>, %arg12: memref<1x64xf32, #tpu.memory_space<vmem>>, %arg13: memref<64x2xf32, #tpu.memory_space<vmem>>, %arg14: memref<1x2xf32, #tpu.memory_space<vmem>>, %arg15: memref<10000x2xf32, #tpu.memory_space<vmem>>) attributes {dimension_semantics = [], scalar_prefetch = 0 : i64, scratch_operands = 0 : i64, tpu.core_type = #tpu.core_type<tc>} {
    %get3A = arith.constant 0 : index
    %get3A_0 = arith.constant 0 : index
    %get3A_1 = memref.load %arg0[%get3A, %get3A_0] : memref<1x1xf32, #tpu.memory_space<smem>>
    %get3A_2 = arith.constant 0 : index
    %get3A_3 = arith.constant 0 : index
    %get3A_4 = vector.load %arg1[%get3A_2, %get3A_3] : memref<10000x128xf32, #tpu.memory_space<vmem>>, vector<10000x128xf32>
    %get3A_5 = arith.constant 0 : index
    %get3A_6 = arith.constant 0 : index
    %get3A_7 = arith.constant 0 : index
    %get3A_8 = vector.load %arg2[%get3A_5, %get3A_6, %get3A_7] : memref<2x10000x128xf32, #tpu.memory_space<vmem>>, vector<1x10000x128xf32>
    %get3A_9 = vector.shape_cast %get3A_8 : vector<1x10000x128xf32> to vector<10000x128xf32>
    %get3A_10 = arith.constant 1 : index
    %get3A_11 = arith.constant 0 : index
    %get3A_12 = arith.constant 0 : index
    %get3A_13 = vector.load %arg2[%get3A_10, %get3A_11, %get3A_12] : memref<2x10000x128xf32, #tpu.memory_space<vmem>>, vector<1x10000x128xf32>
    %get3A_14 = vector.shape_cast %get3A_13 : vector<1x10000x128xf32> to vector<10000x128xf32>
    %add3A = arith.addf %get3A_9, %get3A_14 : vector<10000x128xf32>
    %add3A_15 = arith.constant 1.000000e+00 : f32
    %add3A_16 = arith.addf %add3A_15, %get3A_1 : f32
    %mul3A = vector.broadcast %add3A_16 : f32 to vector<10000x128xf32>
    %mul3A_17 = arith.mulf %mul3A, %get3A_4 : vector<10000x128xf32>
    %add3A_18 = arith.addf %mul3A_17, %add3A : vector<10000x128xf32>
    %get3A_19 = arith.constant 0 : index
    %get3A_20 = arith.constant 0 : index
    %get3A_21 = vector.load %arg3[%get3A_19, %get3A_20] : memref<128x128xf32, #tpu.memory_space<vmem>>, vector<128x128xf32>
    %dot_general3A = arith.constant dense<0.000000e+00> : vector<10000x128xf32>
    %dot_general3A_22 = tpu.matmul %add3A_18, %get3A_21, %dot_general3A {dimension_numbers = #tpu.dot_dimension_numbers<[1], [0], [0], [1], [0, 0, 1, 1], [], []>, transpose_lhs_hint = false} : vector<10000x128xf32>, vector<128x128xf32>, vector<10000x128xf32> -> vector<10000x128xf32>
    %get3A_23 = arith.constant 0 : index
    %get3A_24 = arith.constant 0 : index
    %get3A_25 = vector.load %arg4[%get3A_23, %get3A_24] : memref<1x128xf32, #tpu.memory_space<vmem>>, vector<1x128xf32>
    %add3A_26 = vector.broadcast %get3A_25 : vector<1x128xf32> to vector<10000x128xf32>
    %add3A_27 = arith.addf %dot_general3A_22, %add3A_26 : vector<10000x128xf32>
    %reduce_sum3A = arith.constant dense<0.000000e+00> : vector<128xf32>
    %reduce_sum3A_28 = vector.multi_reduction <add>, %add3A_27, %reduce_sum3A [0] : vector<10000x128xf32> to vector<128xf32>
    %broadcast_in_dim3A = vector.shape_cast %reduce_sum3A_28 : vector<128xf32> to vector<1x128xf32>
    %div3A = arith.constant 1.000000e+04 : f32
    %div3A_29 = vector.broadcast %div3A : f32 to vector<1x128xf32>
    %div3A_30 = arith.divf %broadcast_in_dim3A, %div3A_29 : vector<1x128xf32>
    %mul3A_31 = arith.mulf %add3A_27, %add3A_27 : vector<10000x128xf32>
    %reduce_sum3A_32 = arith.constant dense<0.000000e+00> : vector<128xf32>
    %reduce_sum3A_33 = vector.multi_reduction <add>, %mul3A_31, %reduce_sum3A_32 [0] : vector<10000x128xf32> to vector<128xf32>
    %broadcast_in_dim3A_34 = vector.shape_cast %reduce_sum3A_33 : vector<128xf32> to vector<1x128xf32>
    %div3A_35 = arith.constant 1.000000e+04 : f32
    %div3A_36 = vector.broadcast %div3A_35 : f32 to vector<1x128xf32>
    %div3A_37 = arith.divf %broadcast_in_dim3A_34, %div3A_36 : vector<1x128xf32>
    %mul3A_38 = arith.mulf %div3A_30, %div3A_30 : vector<1x128xf32>
    %sub3A = arith.subf %div3A_37, %mul3A_38 : vector<1x128xf32>
    %get3A_39 = arith.constant 0 : index
    %get3A_40 = arith.constant 0 : index
    %get3A_41 = vector.load %arg5[%get3A_39, %get3A_40] : memref<1x128xf32, #tpu.memory_space<vmem>>, vector<1x128xf32>
    %sub3A_42 = vector.broadcast %div3A_30 : vector<1x128xf32> to vector<10000x128xf32>
    %sub3A_43 = arith.subf %add3A_27, %sub3A_42 : vector<10000x128xf32>
    %mul3A_44 = vector.broadcast %get3A_41 : vector<1x128xf32> to vector<10000x128xf32>
    %mul3A_45 = arith.mulf %mul3A_44, %sub3A_43 : vector<10000x128xf32>
    %add3A_46 = arith.constant 9.99999974E-6 : f32
    %add3A_47 = vector.broadcast %add3A_46 : f32 to vector<1x128xf32>
    %add3A_48 = arith.addf %sub3A, %add3A_47 : vector<1x128xf32>
    %rsqrt3A = math.rsqrt %add3A_48 : vector<1x128xf32>
    %mul3A_49 = vector.broadcast %rsqrt3A : vector<1x128xf32> to vector<10000x128xf32>
    %mul3A_50 = arith.mulf %mul3A_45, %mul3A_49 : vector<10000x128xf32>
    %get3A_51 = arith.constant 0 : index
    %get3A_52 = arith.constant 0 : index
    %get3A_53 = vector.load %arg6[%get3A_51, %get3A_52] : memref<1x128xf32, #tpu.memory_space<vmem>>, vector<1x128xf32>
    %add3A_54 = vector.broadcast %get3A_53 : vector<1x128xf32> to vector<10000x128xf32>
    %add3A_55 = arith.addf %mul3A_50, %add3A_54 : vector<10000x128xf32>
    %max3A = arith.constant 0.000000e+00 : f32
    %max3A_56 = vector.broadcast %max3A : f32 to vector<10000x128xf32>
    %max3A_57 = arith.maximumf %add3A_55, %max3A_56 : vector<10000x128xf32>
    %get3A_58 = arith.constant 0 : index
    %get3A_59 = arith.constant 0 : index
    %get3A_60 = vector.load %arg7[%get3A_58, %get3A_59] : memref<128x128xf32, #tpu.memory_space<vmem>>, vector<128x128xf32>
    %dot_general3A_61 = arith.constant dense<0.000000e+00> : vector<10000x128xf32>
    %dot_general3A_62 = tpu.matmul %max3A_57, %get3A_60, %dot_general3A_61 {dimension_numbers = #tpu.dot_dimension_numbers<[1], [0], [0], [1], [0, 0, 1, 1], [], []>, transpose_lhs_hint = false} : vector<10000x128xf32>, vector<128x128xf32>, vector<10000x128xf32> -> vector<10000x128xf32>
    %get3A_63 = arith.constant 0 : index
    %get3A_64 = arith.constant 0 : index
    %get3A_65 = vector.load %arg8[%get3A_63, %get3A_64] : memref<1x128xf32, #tpu.memory_space<vmem>>, vector<1x128xf32>
    %add3A_66 = vector.broadcast %get3A_65 : vector<1x128xf32> to vector<10000x128xf32>
    %add3A_67 = arith.addf %dot_general3A_62, %add3A_66 : vector<10000x128xf32>
    %gt3A = arith.constant 0.000000e+00 : f32
    %gt3A_68 = vector.broadcast %gt3A : f32 to vector<10000x128xf32>
    %gt3A_69 = arith.cmpf ogt, %add3A_67, %gt3A_68 : vector<10000x128xf32>
    %mul3A_70 = arith.constant 0.00999999977 : f32
    %mul3A_71 = vector.broadcast %mul3A_70 : f32 to vector<10000x128xf32>
    %mul3A_72 = arith.mulf %mul3A_71, %add3A_67 : vector<10000x128xf32>
    %select_n3A = arith.select %gt3A_69, %add3A_67, %mul3A_72 : vector<10000x128xi1>, vector<10000x128xf32>
    %reduce_sum3A_73 = arith.constant dense<0.000000e+00> : vector<128xf32>
    %reduce_sum3A_74 = vector.multi_reduction <add>, %select_n3A, %reduce_sum3A_73 [0] : vector<10000x128xf32> to vector<128xf32>
    %broadcast_in_dim3A_75 = vector.shape_cast %reduce_sum3A_74 : vector<128xf32> to vector<1x128xf32>
    %div3A_76 = arith.constant 1.000000e+04 : f32
    %div3A_77 = vector.broadcast %div3A_76 : f32 to vector<1x128xf32>
    %div3A_78 = arith.divf %broadcast_in_dim3A_75, %div3A_77 : vector<1x128xf32>
    %mul3A_79 = arith.mulf %select_n3A, %select_n3A : vector<10000x128xf32>
    %reduce_sum3A_80 = arith.constant dense<0.000000e+00> : vector<128xf32>
    %reduce_sum3A_81 = vector.multi_reduction <add>, %mul3A_79, %reduce_sum3A_80 [0] : vector<10000x128xf32> to vector<128xf32>
    %broadcast_in_dim3A_82 = vector.shape_cast %reduce_sum3A_81 : vector<128xf32> to vector<1x128xf32>
    %div3A_83 = arith.constant 1.000000e+04 : f32
    %div3A_84 = vector.broadcast %div3A_83 : f32 to vector<1x128xf32>
    %div3A_85 = arith.divf %broadcast_in_dim3A_82, %div3A_84 : vector<1x128xf32>
    %mul3A_86 = arith.mulf %div3A_78, %div3A_78 : vector<1x128xf32>
    %sub3A_87 = arith.subf %div3A_85, %mul3A_86 : vector<1x128xf32>
    %get3A_88 = arith.constant 0 : index
    %get3A_89 = arith.constant 0 : index
    %get3A_90 = vector.load %arg9[%get3A_88, %get3A_89] : memref<1x128xf32, #tpu.memory_space<vmem>>, vector<1x128xf32>
    %sub3A_91 = vector.broadcast %div3A_78 : vector<1x128xf32> to vector<10000x128xf32>
    %sub3A_92 = arith.subf %select_n3A, %sub3A_91 : vector<10000x128xf32>
    %mul3A_93 = vector.broadcast %get3A_90 : vector<1x128xf32> to vector<10000x128xf32>
    %mul3A_94 = arith.mulf %mul3A_93, %sub3A_92 : vector<10000x128xf32>
    %add3A_95 = arith.constant 9.99999974E-6 : f32
    %add3A_96 = vector.broadcast %add3A_95 : f32 to vector<1x128xf32>
    %add3A_97 = arith.addf %sub3A_87, %add3A_96 : vector<1x128xf32>
    %rsqrt3A_98 = math.rsqrt %add3A_97 : vector<1x128xf32>
    %mul3A_99 = vector.broadcast %rsqrt3A_98 : vector<1x128xf32> to vector<10000x128xf32>
    %mul3A_100 = arith.mulf %mul3A_94, %mul3A_99 : vector<10000x128xf32>
    %get3A_101 = arith.constant 0 : index
    %get3A_102 = arith.constant 0 : index
    %get3A_103 = vector.load %arg10[%get3A_101, %get3A_102] : memref<1x128xf32, #tpu.memory_space<vmem>>, vector<1x128xf32>
    %add3A_104 = vector.broadcast %get3A_103 : vector<1x128xf32> to vector<10000x128xf32>
    %add3A_105 = arith.addf %mul3A_100, %add3A_104 : vector<10000x128xf32>
    %gt3A_106 = arith.constant 0.000000e+00 : f32
    %gt3A_107 = vector.broadcast %gt3A_106 : f32 to vector<10000x128xf32>
    %gt3A_108 = arith.cmpf ogt, %add3A_105, %gt3A_107 : vector<10000x128xf32>
    %mul3A_109 = arith.constant 1.000000e-01 : f32
    %mul3A_110 = vector.broadcast %mul3A_109 : f32 to vector<10000x128xf32>
    %mul3A_111 = arith.mulf %mul3A_110, %add3A_105 : vector<10000x128xf32>
    %select_n3A_112 = arith.select %gt3A_108, %add3A_105, %mul3A_111 : vector<10000x128xi1>, vector<10000x128xf32>
    %mul3A_113 = arith.constant 0.00999999977 : f32
    %mul3A_114 = vector.broadcast %mul3A_113 : f32 to vector<10000x128xf32>
    %mul3A_115 = arith.mulf %mul3A_114, %select_n3A_112 : vector<10000x128xf32>
    %add3A_116 = arith.addf %get3A_4, %mul3A_115 : vector<10000x128xf32>
    %get3A_117 = arith.constant 0 : index
    %get3A_118 = arith.constant 0 : index
    %get3A_119 = vector.load %arg11[%get3A_117, %get3A_118] : memref<128x64xf32, #tpu.memory_space<vmem>>, vector<128x64xf32>
    %dot_general3A_120 = arith.constant dense<0.000000e+00> : vector<10000x64xf32>
    %dot_general3A_121 = tpu.matmul %add3A_116, %get3A_119, %dot_general3A_120 {dimension_numbers = #tpu.dot_dimension_numbers<[1], [0], [0], [1], [0, 0, 1, 1], [], []>, transpose_lhs_hint = false} : vector<10000x128xf32>, vector<128x64xf32>, vector<10000x64xf32> -> vector<10000x64xf32>
    %get3A_122 = arith.constant 0 : index
    %get3A_123 = arith.constant 0 : index
    %get3A_124 = vector.load %arg12[%get3A_122, %get3A_123] : memref<1x64xf32, #tpu.memory_space<vmem>>, vector<1x64xf32>
    %add3A_125 = vector.broadcast %get3A_124 : vector<1x64xf32> to vector<10000x64xf32>
    %add3A_126 = arith.addf %dot_general3A_121, %add3A_125 : vector<10000x64xf32>
    %gt3A_127 = arith.constant 0.000000e+00 : f32
    %gt3A_128 = vector.broadcast %gt3A_127 : f32 to vector<10000x64xf32>
    %gt3A_129 = arith.cmpf ogt, %add3A_126, %gt3A_128 : vector<10000x64xf32>
    %mul3A_130 = arith.constant 1.000000e-01 : f32
    %mul3A_131 = vector.broadcast %mul3A_130 : f32 to vector<10000x64xf32>
    %mul3A_132 = arith.mulf %mul3A_131, %add3A_126 : vector<10000x64xf32>
    %select_n3A_133 = arith.select %gt3A_129, %add3A_126, %mul3A_132 : vector<10000x64xi1>, vector<10000x64xf32>
    %get3A_134 = arith.constant 0 : index
    %get3A_135 = arith.constant 0 : index
    %get3A_136 = vector.load %arg13[%get3A_134, %get3A_135] : memref<64x2xf32, #tpu.memory_space<vmem>>, vector<64x2xf32>
    %dot_general3A_137 = arith.constant dense<0.000000e+00> : vector<10000x2xf32>
    %dot_general3A_138 = tpu.matmul %select_n3A_133, %get3A_136, %dot_general3A_137 {dimension_numbers = #tpu.dot_dimension_numbers<[1], [0], [0], [1], [0, 0, 1, 1], [], []>, transpose_lhs_hint = false} : vector<10000x64xf32>, vector<64x2xf32>, vector<10000x2xf32> -> vector<10000x2xf32>
    %get3A_139 = arith.constant 0 : index
    %get3A_140 = arith.constant 0 : index
    %get3A_141 = vector.load %arg14[%get3A_139, %get3A_140] : memref<1x2xf32, #tpu.memory_space<vmem>>, vector<1x2xf32>
    %add3A_142 = vector.broadcast %get3A_141 : vector<1x2xf32> to vector<10000x2xf32>
    %add3A_143 = arith.addf %dot_general3A_138, %add3A_142 : vector<10000x2xf32>
    %swap3A = arith.constant 0 : index
    %swap3A_144 = arith.constant 0 : index
    %swap3A_145 = vector.load %arg15[%swap3A, %swap3A_144] : memref<10000x2xf32, #tpu.memory_space<vmem>>, vector<10000x2xf32>
    tpu.vector_store %arg15[%swap3A, %swap3A_144], %add3A_143 {strides = array<i32>} : memref<10000x2xf32, #tpu.memory_space<vmem>>, vector<10000x2xf32>,
    return
  }
}

</mosaic_0001>

<sc_bundles>
// kernel: kernel.4.cloned.1.call-start
scs
__scs_entry_jumppad:
0x0: {  	(pc) =	sbr.rel $0x88, $3  }
0x1: {  	(tag) =	ssettag $0x0;
	lr =	simm.s32 $0x1  }
0x2: {  	[smem:$0x3F92] =	sst lr;
	_ =	strace $0xD0000000  }
0x3: {  	_ = 	snop  }
0x4: {  	_ = 	snop  }
0x5: {  	_ = 	snop  }
0x6: {  	_ = 	snop  }
0x7: {  	_ = 	snop  }
__scs_overlays_trampoline_lowered:
0x8: {  	[smem:$0x3FA1] =	sst s0  }
0x9: {  	[smem:$0x3FA2] =	sst s1  }
0xa: {  	[smem:$0x3FA3] =	sst s2  }
0xb: {  	[smem:$0x3FA4] =	sst s3  }
0xc: {  	[smem:$0x3FA5] =	sst s4  }
0xd: {  	[smem:$0x3FA6] =	sst s5  }
0xe: {  	[smem:$0x3FA7] =	sst s6  }
0xf: {  	[smem:$0x3FA8] =	sst s7  }
0x10: {  	[smem:$0x3FA9] =	sst s8  }
0x11: {  	[smem:$0x3FAA] =	sst s9;
	s0 =	simm.s32 @!p0 $0x0  }
0x12: {  	s1 =	sld [smem:$0x3F90];
	s0 =	simm.s32 @p0 $0x1  }
0x13: {  	[smem:$0x3FAB] =	sst s0;
	s0 =	simm.s32 @!p1 $0x0  }
0x14: {  	s2 =	sld [smem:$0x3F8F];
	s0 =	simm.s32 @p1 $0x1  }
0x15: {  	[smem:$0x3FAC] =	sst s0;
	s0 =	simm.s32 @!p2 $0x0  }
0x16: {  	s3 =	sld [smem:$0x3FDB];
	s0 =	simm.s32 @p2 $0x1  }
0x17: {  	s4 =	simm.s32 $0x1BF5;
	[smem:$0x3FAE] =	sst s0  }
0x18: {  	s0 =	sld [smem:$0x3F91];
	_ =	swait.ge [sflag:s4], $0x0  }
0x19: {  	s7 =	sld [smem:$0x3F92]  }
0x1a: {  	s8 =	sadd.s32 $0xFFFFE003, lr  }
0x1b: {  	s9 =	sadd.s32 $0xFFFFFEF7, lr;
	s5 =	simm.s32 $0xFFFFFFFF;
	p2 =	slt.u32 s8, $0xFFFFF086  }
0x1c: {  	p1 =	slt.u32 s9, $0xF7A;
	s5 =	simm.s32 @!p2 $0x0  }
0x1d: {  	s5 =	simm.s32 @p1 $0x1;
	p0 =	seq.s32 s7, s2  }
0x1e: {  	s7 =	smul.u32 @!p0 $0xF7A, s2;
	p2 =	seq.s32 @!p0 s5, $0x0  }
0x1f: {  	s9 =	smul.u32 $0xF7A, s1;
	s8 =	simm.s32 @!p0 $0x1BF5;
	p2 =	por !p2, p0  }
0x20: {  	[sflag:s8] =	ssyncset.s32 @!p0 $0xFFFFF086;
	s6 =	sadd.s32 @!p0 s3, s7;
	s7 =	simm.s32 @!p0 $0x108  }
0x21: {  	s3 =	sadd.s32 s3, s9;
	s6 =	sadd.s32 @!p0 $0x88, s6;
	s7 =	simm.s32 @p2 $0x1082  }
0x22: {  	[simem:s7], [sflag:s8] =	dma.local @!p0 [hbm:s6], $0xF7A  }
0x23: {  	s9 =	sor.u32 $0xD0000000, s2;
	s6 =	simm.s32 $0x108;
	_ =	swait.ge @!p0 [sflag:s8], $0x0  }
0x24: {  	s3 =	sadd.s32 $0x88, s3;
	s6 =	simm.s32 @!p1 $0x1082;
	[sflag:s4] =	ssyncset.s32 $0xFFFFF086  }
0x25: {  	[simem:s6], [sflag:s4] =	dma.local [hbm:s3], $0xF7A  }
0x26: {  	[smem:$0x3F92] =	sst s1;
	(tag) =	ssettag s2;
	_ =	strace s9  }
0x27: {  	s1 =	sld [smem:$0x3FA2]  }
0x28: {  	s2 =	sld [smem:$0x3FA3]  }
0x29: {  	s4 =	sld [smem:$0x3FA5]  }
0x2a: {  	p0 =	seq.s32 s5, $0x0;
	s5 =	sld [smem:$0x3FA6]  }
0x2b: {  	s6 =	sld [smem:$0x3FA7]  }
0x2c: {  	s7 =	sld [smem:$0x3FA8]  }
0x2d: {  	s3 =	simm.s32 $0x108;
	s8 =	sld [smem:$0x3FA9]  }
0x2e: {  	s3 =	simm.s32 @!p0 $0x1082;
	s9 =	sld [smem:$0x3FAA]  }
0x2f: {  	lr =	sadd.s32 s0, s3;
	s0 =	sld [smem:$0x3FA1]  }
0x30: {  	s3 =	sld [smem:$0x3FA4]  }
0x31: {  	[smem:$0x3FAD] =	sst s10  }
0x32: {  	s10 =	sld [smem:$0x3FAB];
	_ =	sdelay $0x3  }
0x33: {  	p0 =	seq.s32 s10, $0x1;
	s10 =	sld [smem:$0x3FAD];
	_ =	sdelay $0x3  }
0x34: {  	[smem:$0x3FAD] =	sst s10  }
0x35: {  	s10 =	sld [smem:$0x3FAC];
	_ =	sdelay $0x3  }
0x36: {  	p1 =	seq.s32 s10, $0x1;
	s10 =	sld [smem:$0x3FAD];
	_ =	sdelay $0x3  }
0x37: {  	[smem:$0x3FAD] =	sst s10  }
0x38: {  	s10 =	sld [smem:$0x3FAE]  }
0x39: {  	_ = 	snop;
	(pc) =	sbr.ind lr, $3  }
0x3a: {  	_ = 	snop  }
0x3b: {  	_ = 	snop  }
0x3c: {  	p2 =	seq.s32 s10, $0x1;
	s10 =	sld [smem:$0x3FAD]  }
0x3d: {  	_ =	shalt  }
0x3e: {  	_ =	shalt  }
0x3f: {  	_ =	shalt  }
0x40: {  	_ =	shalt  }
0x41: {  	_ =	shalt  }
0x42: {  	_ =	shalt  }
0x43: {  	_ =	shalt  }
0x44: {  	_ =	shalt  }
0x45: {  	_ =	shalt  }
0x46: {  	_ =	shalt  }
0x47: {  	_ =	shalt  }
0x48: {  	_ =	shalt  }
0x49: {  	_ =	shalt  }
0x4a: {  	_ =	shalt  }
0x4b: {  	_ =	shalt  }
0x4c: {  	_ =	shalt  }
0x4d: {  	_ =	shalt  }
0x4e: {  	_ =	shalt  }
0x4f: {  	_ =	shalt  }
0x50: {  	_ =	shalt  }
0x51: {  	_ =	shalt  }
0x52: {  	_ =	shalt  }
0x53: {  	_ =	shalt  }
0x54: {  	_ =	shalt  }
0x55: {  	_ =	shalt  }
0x56: {  	_ =	shalt  }
0x57: {  	_ =	shalt  }
0x58: {  	_ =	shalt  }
0x59: {  	_ =	shalt  }
0x5a: {  	_ =	shalt  }
0x5b: {  	_ =	shalt  }
0x5c: {  	_ =	shalt  }
0x5d: {  	_ =	shalt  }
0x5e: {  	_ =	shalt  }
0x5f: {  	_ =	shalt  }
0x60: {  	_ =	shalt  }
0x61: {  	_ =	shalt  }
0x62: {  	_ =	shalt  }
0x63: {  	_ =	shalt  }
0x64: {  	_ =	shalt  }
0x65: {  	_ =	shalt  }
0x66: {  	_ =	shalt  }
0x67: {  	_ =	shalt  }
0x68: {  	_ =	shalt  }
0x69: {  	_ =	shalt  }
0x6a: {  	_ =	shalt  }
0x6b: {  	_ =	shalt  }
0x6c: {  	_ =	shalt  }
0x6d: {  	_ =	shalt  }
0x6e: {  	_ =	shalt  }
0x6f: {  	_ =	shalt  }
0x70: {  	_ =	shalt  }
0x71: {  	_ =	shalt  }
0x72: {  	_ =	shalt  }
0x73: {  	_ =	shalt  }
0x74: {  	_ =	shalt  }
0x75: {  	_ =	shalt  }
0x76: {  	_ =	shalt  }
0x77: {  	_ =	shalt  }
0x78: {  	_ =	shalt  }
0x79: {  	_ =	shalt  }
0x7a: {  	_ =	shalt  }
0x7b: {  	_ =	shalt  }
0x7c: {  	_ =	shalt  }
0x7d: {  	_ =	shalt  }
0x7e: {  	_ =	shalt  }
0x7f: {  	_ =	shalt  }
0x80: {  	_ =	shalt  }
0x81: {  	_ =	shalt  }
0x82: {  	_ =	shalt  }
0x83: {  	_ =	shalt  }
0x84: {  	_ =	shalt  }
0x85: {  	_ =	shalt  }
0x86: {  	_ =	shalt  }
0x87: {  	_ =	shalt  }
.Lfunc_end0:
.L_simem_size_0:
called_computation_lowered:
.L_overlay_start_0:
0x88: {  	s2 =	sld [smem:$0x3FD9]  }
0x89: {  	s3 =	sld [smem:$0x3FFE];
	_ =	sdelay $0x1  }
0x8a: {  	s1 =	srdreg.scid  }
0x8b: {  	s0 =	sand.u32 $0x1, s1  }
0x8c: {  	s17 =	sshll.u32 s0, $0xA;
	s2 =	sadd.s32 s3, s2  }
0x8d: {  	s2 =	sadd.s32 s2, s17  }
0x8e: {  	[smem:$0x3FB9] =	sst s2  }
0x8f: {  	_ = 	snop  }
0x90: {  	s2 =	sld [smem:$0x3FC9];
	(tm) =	ssettm $0x1  }
0x91: {  	s18 =	sld [smem:$0x3FFB];
	_ =	sdelay $0x3  }
0x92: {  	_ =	strace s18  }
0x93: {  	s3 =	sld [smem:$0x3FFC];
	_ =	sdelay $0x3  }
0x94: {  	_ =	strace s3  }
0x95: {  	s3 =	sld [smem:$0x3FFD];
	_ =	sdelay $0x3  }
0x96: {  	_ =	strace s3  }
0x97: {  	_ =	strace $0x8FFFFFFF  }
0x98: {  	s19 =	sld [smem:$0x3FDB];
	_ =	sdelay $0x1  }
0x99: {  	s4 =	simm.s32 $_scs_section_size  }
0x9a: {  	s5 =	simm.s32 $_size__tile_overlayer_lowered;
	s6 =	simm.s32 $_tile_overlayer_lowered  }
0x9b: {  	s22 =	simm.s32 $0x1BFF;
	s21 =	sshll.u32 s6, $0x1;
	s3 =	sadd.s32 s4, s19  }
0x9c: {  	s7 =	simm.s32 $0x0;
	s20 =	sshll.u32 s5, $0x1;
	s5 =	sadd.s32 s21, s3  }
0x9d: {  	[timem:s7], [sflag:s22] =	dma.local [hbm:s5], s20  }
0x9e: {  	_ =	swait.ge [sflag:s22], s20  }
0x9f: {  	s4 =	ssub.s32 $0x0, s20;
	[sflag:s22] =	ssyncset.done $0x0  }
0xa0: {  	[sflag:s22] =	ssyncadd.s32 s4;
	_ =	sdelay $0x1  }
0xa1: {  	s23 =	simm.s32 $0x1B8B  }
0xa2: {  	_ =	swait.ge [sflag:s23], $0x1  }
0xa3: {  	[sflag:s23] =	ssyncset.done $0x0  }
0xa4: {  	s25 =	simm.s32 $0x1B8E;
	s24 =	sld [smem:$0x3FFE];
	[sflag:s23] =	ssyncadd.s32 $0xFFFFFFFF  }
0xa5: {  	s26 =	simm.s32 $execute0_lowered;
	[smem:$0x3FD2] =	sst s25  }
0xa6: {  	s5 =	sshll.u32 s26, $0x1;
	_ =	strace $0x80000046;
	[dreg:$0x1] =	wrdreg $0xFFFFFFFF  }
0xa7: {  	s28 =	simm.s32 $_size_execute0_lowered;
	s3 =	sadd.s32 s3, s5;
	[dreg:$0x0] =	wrdreg $0x0  }
0xa8: {  	s5 =	sshll.u32 s28, $0x1;
	[dreg:$0x2] =	wrdreg s3  }
0xa9: {  	[dreg:$0x3] =	wrdreg s5  }
0xaa: {  	[dreg:$0x4] =	wrdreg $0xC0  }
0xab: {  	_ =	task [dreg:s7], $0x5FFFF  }
0xac: {  	[dreg:$0x1] =	wrdreg $0xFFFFFFFF  }
0xad: {  	[dreg:$0x0] =	wrdreg $0x60  }
0xae: {  	[dreg:$0x2] =	wrdreg s2  }
0xaf: {  	[dreg:$0x3] =	wrdreg s24  }
0xb0: {  	[dreg:$0x4] =	wrdreg $0x0  }
0xb1: {  	[dreg:$0x5] =	wrdreg $0x9  }
0xb2: {  	_ =	task.clear_ibuf [dreg:s7], $0x6FFFF;
	_ =	strace $0x90000046  }
0xb3: {  	s29 =	simm.s32 $0x9;
	_ =	strace $0x80000048  }
0xb4: {  	_ =	swait.ge [sflag:s29], $0x1  }
0xb5: {  	[sflag:s29] =	ssyncadd.s32 $0xFFFFFFFF  }
0xb6: {  	_ =	strace $0x90000048  }
0xb7: {  	_ =	sfence  }
0xb8: {  	s30 =	sld [smem:$0x0];
	_ =	sdelay $0x2  }
0xb9: {  	s31 =	sshll.u32 s1, $0xD;
	s1 =	sshrl.u32 s1, $0x2  }
0xba: {  	s3 =	sand.u32 $0x4000, s31;
	s1 =	sadd.s32 s1, s30  }
0xbb: {  	s0 =	sor.u32 s3, s0;
	s1 =	sshll.u32 s1, $0x11  }
0xbc: {  	s0 =	sor.u32 s1, s0  }
0xbd: {  	s0 =	sadd.s32 $0x8F2B, s0  }
0xbe: {  	[sflag:s0] =	ssyncadd.remote.s32 $0x1  }
0xbf: {  	_ =	sfence.sel $0xFFFF  }
0xc0: {  	[dreg:$0x0] =	wrdreg $0xFFFFFFFF;
	(pc) =	sbr.abs _section_cstart, $3  }
0xc1: {  	[dreg:$0x1] =	wrdreg $0xFFFFFFFF  }
0xc2: {  	_ =	task.clear_ibuf [dreg:s7], $0x2FFFF;
	_ =	strace $0x9FFFFFFF  }
0xc3: {  	(tm) =	ssettm $0x7FFFFFFF  }
tec
execute0_lowered:
.L_overlay_start_1:
0x0: {  	(tag) =	ssettag $0x1  }
0x1: {  	s0 =	rddreg [dreg:$0x1]  }
0x2: {  	s1 =	rddreg [dreg:$0x2]  }
0x3: {  	s2 =	srdreg.scid;
	s10 =	stileid.u32;
	s4 =	simm.s32 $0x0  }
0x4: {  	s28 =	simm.s32 $0x1DA00;
	s29 =	simm.s32 $0x1DE00;
	s31 =	simm.s32 $0x1DB80  }
0x5: {  	s2 =	sand.u32 $0x1, s2;
	s5 =	sshll.u32 s10, $0x1;
	s7 =	smul.u32 $0x4E000, s10  }
0x6: {  	[smem:$0x7FF] =	sst s4;
	s11 =	sadd.s32 $0x2600, s0;
	s26 =	smul.u32 $0x13800, s10  }
0x7: {  	s0 =	sadd.s32 $0x16000, s0;
	s3 =	smul.u32 $0x4E20, s10;
	p0 =	sne.s32 s10, $0xF  }
0x8: {  	s5 =	sor.u32 s2, s5;
	_ =	strace $0x80000047;
	s9 =	smul.u32 $0x138800, s2  }
0x9: {  	s6 =	ssub.s32 $0x2, s2;
	s2 =	smul.u32 $0x2710, s2;
	[dreg:$0x4] =	wrdreg s11  }
0xa: {  	s5 =	smul.u32 $0x2710, s5;
	s8 =	sshrl.u32 s6, $0x1;
	s7 =	sshrl.u32 s7, $0x2  }
0xb: {  	s6 =	ssub.s32 s6, s8;
	s18 =	sadd.s32 s7, s1;
	s8 =	sadd.s32 s26, s9  }
0xc: {  	s9 =	sshrl.u32 s9, $0x3;
	s16 =	smax.u32 s6, $0x1;
	[dreg:$0x5] =	wrdreg s18  }
0xd: {  	s13 =	sshrl.u32 s8, $0x3;
	s10 =	sadd.s32 $0x11800, s18;
	[dreg:$0x9] =	wrdreg s16  }
0xe: {  	s14 =	sadd.s32 s0, s9;
	s0 =	sadd.s32 s0, s13;
	[smem:$0x7EF] =	sst s10  }
0xf: {  	s5 =	sshrl.u32 s5, $0x3;
	s15 =	sadd.s32 $0x27000, s14;
	[dreg:$0x7] =	wrdreg s0  }
0x10: {  	s12 =	sadd.s32 s11, s5;
	[dreg:$0x8] =	wrdreg s15;
	s0 =	sadd.s32 s2, s3  }
0x11: {  	[dreg:$0x6] =	wrdreg s12;
	s17 =	sadd.s32 $0x280, s0;
	s19 =	sadd.s32 $0x4E480, s0  }
0x12: {  	s20 =	sadd.s32 $0x2D0, s0;
	s21 =	sadd.s32 $0x4E4D0, s0;
	s3 =	sadd.s32 $0x370, s0  }
0x13: {  	s9 =	sadd.s32 $0x3C0, s0;
	s13 =	sadd.s32 $0x4E5C0, s0;
	[dreg:$0xa] =	wrdreg s17  }
0x14: {  	s2 =	sshrl.u32 s19, $0x3;
	s6 =	sshrl.u32 s3, $0x3;
	s3 =	sadd.s32 $0x2800, s18  }
0x15: {  	s14 =	sshrl.u32 s9, $0x3;
	s9 =	sadd.s32 $0xF000, s18;
	[dreg:$0x1a] =	wrdreg s3  }
0x16: {  	s15 =	sshrl.u32 s13, $0x3;
	s13 =	sadd.s32 $0x9C40, s12;
	[dreg:$0x1f] =	wrdreg s9  }
0x17: {  	s23 =	sshrl.u32 s21, $0x3;
	s2 =	sadd.s32 s2, s11;
	[smem:$0x7F1] =	sst s13  }
0x18: {  	s25 =	sadd.s32 $0x320, s0;
	s24 =	sadd.s32 s23, s11;
	[dreg:$0xb] =	wrdreg s2  }
0x19: {  	s26 =	sadd.s32 $0x4E520, s0;
	s7 =	sadd.s32 s6, s11;
	[dreg:$0xd] =	wrdreg s24  }
0x1a: {  	s8 =	sadd.s32 $0x4E570, s0;
	s16 =	sadd.s32 s15, s11;
	[dreg:$0x10] =	wrdreg s7  }
0x1b: {  	s22 =	sshrl.u32 s20, $0x3;
	s6 =	sadd.s32 $0x7800, s18;
	[dreg:$0x13] =	wrdreg s16  }
0x1c: {  	s19 =	sadd.s32 $0x4E610, s0;
	s15 =	sadd.s32 $0x9C4A, s12;
	[dreg:$0x1c] =	wrdreg s6  }
0x1d: {  	s21 =	sshrl.u32 s19, $0x3;
	s19 =	sadd.s32 $0x1E, s12;
	[smem:$0x7F3] =	sst s15  }
0x1e: {  	s5 =	sshrl.u32 s26, $0x3;
	s2 =	sadd.s32 s22, s11;
	[smem:$0x7F6] =	sst s19  }
0x1f: {  	s17 =	sadd.s32 $0x410, s0;
	s7 =	sadd.s32 $0xA000, s18;
	[dreg:$0xc] =	wrdreg s2  }
0x20: {  	s20 =	sadd.s32 $0x460, s0;
	s16 =	sadd.s32 $0x14, s12;
	[dreg:$0x1d] =	wrdreg s7  }
0x21: {  	s22 =	sshrl.u32 s20, $0x3;
	s20 =	sadd.s32 $0x9C5E, s12;
	[smem:$0x7F4] =	sst s16  }
0x22: {  	s24 =	sadd.s32 $0x4E660, s0;
	s23 =	sadd.s32 s22, s11;
	[smem:$0x7F7] =	sst s20  }
0x23: {  	s2 =	sshrl.u32 s25, $0x3;
	s22 =	sadd.s32 $0x9C68, s12;
	[dreg:$0x16] =	wrdreg s23  }
0x24: {  	s25 =	sadd.s32 $0x230, s0;
	s2 =	sadd.s32 s2, s11;
	[smem:$0x7F9] =	sst s22  }
0x25: {  	s0 =	sadd.s32 $0x4E430, s0;
	s23 =	sadd.s32 $0x32, s12;
	[dreg:$0xe] =	wrdreg s2  }
0x26: {  	s26 =	sshrl.u32 s25, $0x3;
	s25 =	sadd.s32 $0x3C, s12;
	[smem:$0x7FA] =	sst s23  }
0x27: {  	s0 =	sshrl.u32 s0, $0x3;
	s2 =	sadd.s32 s5, s11;
	[smem:$0x7FC] =	sst s25  }
0x28: {  	s30 =	simm.s32 $0x18880;
	s0 =	sadd.s32 s0, s11;
	[dreg:$0xf] =	wrdreg s2  }
0x29: {  	s10 =	simm.s32 $0x12;
	s5 =	sadd.s32 $0x5000, s18;
	[dreg:$0x19] =	wrdreg s0  }
0x2a: {  	s2 =	sshrl.u32 s8, $0x3;
	[dreg:$0x1b] =	wrdreg s5;
	s8 =	sadd.s32 $0xC800, s18  }
0x2b: {  	s9 =	simm.s32 $0x1DA80;
	s2 =	sadd.s32 s2, s11;
	[dreg:$0x1e] =	wrdreg s8  }
0x2c: {  	s19 =	simm.s32 $0x16080;
	[dreg:$0x11] =	wrdreg s2;
	s2 =	sadd.s32 s14, s11  }
0x2d: {  	s7 =	simm.s32 $0x15;
	s14 =	sadd.s32 $0xA, s12;
	[dreg:$0x12] =	wrdreg s2  }
0x2e: {  	s2 =	sshrl.u32 s17, $0x3;
	[smem:$0x7F2] =	sst s14;
	s17 =	sadd.s32 $0x9C54, s12  }
0x2f: {  	s25 =	simm.s32 $0x1DE80;
	s2 =	sadd.s32 s2, s11;
	[smem:$0x7F5] =	sst s17  }
0x30: {  	s0 =	simm.s32 $0x0;
	[dreg:$0x14] =	wrdreg s2;
	s2 =	sadd.s32 s21, s11  }
0x31: {  	s8 =	simm.s32 $0x1DD00;
	s21 =	sadd.s32 $0x28, s12;
	[dreg:$0x15] =	wrdreg s2  }
0x32: {  	s2 =	sshrl.u32 s24, $0x3;
	[smem:$0x7F8] =	sst s21;
	s24 =	sadd.s32 $0x9C72, s12  }
.Ltmp0:
0x33: {  	s2 =	sadd.s32 s2, s11;
	[smem:$0x7FB] =	sst s24;
	(pc) =	sbr.rel .LBB2_1-.Ltmp0, $4  }
0x34: {  	s14 =	simm.s32 $0x50;
	[dreg:$0x17] =	wrdreg s2;
	s2 =	sadd.s32 s26, s11  }
0x35: {  	s17 =	simm.s32 $0x1DC80;
	s11 =	sadd.s32 $0x138000, s1;
	[dreg:$0x18] =	wrdreg s2  }
0x36: {  	s21 =	simm.s32 $0x18880;
	s26 =	sadd.s32 $0x9C7C, s12;
	[smem:$0x7F0] =	sst s11  }
0x37: {  	v0 =	vimm.f32 $0.0e+00;
	s24 =	simm.s32 $0x1DD80;
	[smem:$0x7FD] =	sst s26;
	s11 =	simm.s32 $0x16  }
.LBB2_6:
0x38: {  	s12 =	simm.s32 $0x4  }
0x39: {  	_ =	swait.ge [sflag:s12], $0x50  }
0x3a: {  	[sflag:s12] =	ssyncset.done $0x0  }
0x3b: {  	s20 =	simm.s32 $0xC;
	[sflag:s12] =	ssyncadd.s32 $0xFFFFFFB0  }
0x3c: {  	_ =	swait.ge [sflag:s20], $0x50  }
0x3d: {  	[sflag:s20] =	ssyncset.done $0x0  }
0x3e: {  	s6 =	simm.s32 $0x18;
	[sflag:s20] =	ssyncadd.s32 $0xFFFFFFB0  }
0x3f: {  	_ =	swait.ge [sflag:s6], $0x2800  }
0x40: {  	[sflag:s6] =	ssyncset.done $0x0  }
0x41: {  	[sflag:s6] =	ssyncadd.s32 $0xFFFFD800  }
0x42: {  	s1 =	simm.s32 $0x1B080;
	s0 =	simm.s32 $0x11;
	s3 =	rddreg [dreg:$0x0]  }
0x43: {  	[tilespmem:s1], [sflag:$0x14] =	stream.indirect.gather [hbm4b:s3+s14], $0x80, s28, s14, $0xb8;
	[tilespmem:$0x1E080] =	vst v63  }
0x44: {  	_ =	swait.ge [sflag:s0], $0x2800  }
0x45: {  	[sflag:s0] =	ssyncset.done $0x0  }
0x46: {  	[sflag:s0] =	ssyncadd.s32 $0xFFFFD800  }
0x47: {  	s22 =	simm.s32 $0x13880;
	s15 =	simm.s32 $0x5;
	s13 =	rddreg [dreg:$0x2]  }
0x48: {  	[spmem:s13] =	stream.indirect.scatter.add.f32 [tilespmem:s22], [sflag:$0x15], $0x80, s17, s14, $0xb8;
	[tilespmem:$0x1E080] =	vst v63  }
0x49: {  	_ =	swait.ge [sflag:s15], $0x50  }
0x4a: {  	[sflag:s15] =	ssyncset.done $0x0  }
0x4b: {  	s23 =	simm.s32 $0xD;
	[sflag:s15] =	ssyncadd.s32 $0xFFFFFFB0  }
0x4c: {  	_ =	swait.ge [sflag:s23], $0x50  }
0x4d: {  	[sflag:s23] =	ssyncset.done $0x0  }
0x4e: {  	s5 =	simm.s32 $0x15;
	[sflag:s23] =	ssyncadd.s32 $0xFFFFFFB0  }
0x4f: {  	_ =	swait.ge [sflag:s5], $0x2800  }
0x50: {  	[sflag:s5] =	ssyncset.done $0x0  }
0x51: {  	s26 =	simm.s32 $0x12;
	[sflag:s5] =	ssyncadd.s32 $0xFFFFD800  }
0x52: {  	[tilespmem:s22], [sflag:$0x11] =	stream.indirect.gather [hbm4b:s3+s14], $0x80, s9, s14, $0xb8;
	[tilespmem:$0x1E080] =	vst v63  }
0x53: {  	_ =	swait.ge [sflag:s26], $0x2800  }
0x54: {  	[sflag:s26] =	ssyncset.done $0x0  }
0x55: {  	s2 =	simm.s32 $0x13;
	[sflag:s26] =	ssyncadd.s32 $0xFFFFD800  }
0x56: {  	[spmem:s13] =	stream.indirect.scatter.add.f32 [tilespmem:s19], [sflag:$0x16], $0x80, s8, s14, $0xb8;
	[tilespmem:$0x1E080] =	vst v63  }
0x57: {  	_ =	swait.ge [sflag:s2], $0x2800  }
0x58: {  	[sflag:s2] =	ssyncset.done $0x0  }
0x59: {  	[sflag:s2] =	ssyncadd.s32 $0xFFFFD800;
	s2 =	simm.s32 $0x14  }
0x5a: {  	[spmem:s13] =	stream.indirect.scatter.add.f32 [tilespmem:s21], [sflag:$0x17], $0x80, s24, s14, $0xb8;
	[tilespmem:$0x1E080] =	vst v63  }
0x5b: {  	_ =	swait.ge [sflag:s2], $0x2800  }
0x5c: {  	[sflag:s2] =	ssyncset.done $0x0  }
0x5d: {  	[sflag:s2] =	ssyncadd.s32 $0xFFFFD800  }
0x5e: {  	[spmem:s13] =	stream.indirect.scatter.add.f32 [tilespmem:s1], [sflag:$0x18], $0x80, s29, s14, $0xb8;
	[tilespmem:$0x1E080] =	vst v63  }
0x5f: {  	_ =	swait.ge [sflag:s0], $0x2800  }
0x60: {  	[sflag:s0] =	ssyncset.done $0x0  }
0x61: {  	[sflag:s0] =	ssyncadd.s32 $0xFFFFD800  }
0x62: {  	[spmem:s13] =	stream.indirect.scatter.add.f32 [tilespmem:s22], [sflag:$0x15], $0x80, s25, s14, $0xb8;
	[tilespmem:$0x1E080] =	vst v63  }
0x63: {  	_ =	swait.ge [sflag:s5], $0x2800  }
0x64: {  	[sflag:s5] =	ssyncset.done $0x0  }
0x65: {  	s15 =	simm.s32 $0x16;
	[sflag:s5] =	ssyncadd.s32 $0xFFFFD800  }
0x66: {  	_ =	swait.ge [sflag:s15], $0x2800  }
0x67: {  	[sflag:s15] =	ssyncset.done $0x0  }
0x68: {  	s16 =	simm.s32 $0x17;
	[sflag:s15] =	ssyncadd.s32 $0xFFFFD800  }
0x69: {  	_ =	swait.ge [sflag:s16], $0x2800  }
0x6a: {  	[sflag:s16] =	ssyncset.done $0x0  }
0x6b: {  	[sflag:s16] =	ssyncadd.s32 $0xFFFFD800  }
0x6c: {  	_ =	swait.ge [sflag:s6], $0x2800  }
0x6d: {  	[sflag:s6] =	ssyncset.done $0x0  }
0x6e: {  	[sflag:s6] =	ssyncadd.s32 $0xFFFFD800  }
0x6f: {  	s18 =	stileid.u32;
	[bflag:$0x0] =	sbarrier.arrive $0xFFFF  }
0x70: {  	s13 =	sshll.u32 s18, $0x6;
	s22 =	simm.s32 $0x1A;
	s18 =	rddreg [dreg:$0x5]  }
0x71: {  	s13 =	sor.u32 $0x1C1A, s13;
	s16 =	rddreg [dreg:$0x7];
	s20 =	sshrl.u32 s18, $0x3  }
0x72: {  	[hbm:s16], [sflag:s13] =	dma.local [spmem:s20], $0x2700  }
0x73: {  	_ =	swait.ge [sflag:s22], $0x2700  }
0x74: {  	s15 =	sld [smem:$0x7F0];
	_ =	sdelay $0x1  }
0x75: {  	[sflag:s22] =	ssyncset.done $0x0  }
0x76: {  	s16 =	rddreg [dreg:$0x8];
	[sflag:s22] =	ssyncadd.s32 $0xFFFFD900;
	s15 =	sshrl.u32 @!p0 s15, $0x3  }
0x77: {  	[hbm:s16], [sflag:s13] =	dma.local @!p0 [spmem:s15], $0x100  }
0x78: {  	s13 =	simm.s32 @!p0 $0x1A  }
0x79: {  	_ =	swait.ge @!p0 [sflag:s13], $0x100  }
0x7a: {  	s23 =	sld [smem:$0x7EE];
	_ =	sdelay $0x2  }
0x7b: {  	s26 =	rddreg [dreg:$0x9];
	s0 =	sadd.s32 $0x1, s23  }
0x7c: {  	p1 =	sne.s32 s0, s26  }
.Ltmp1:
0x7d: {  	_ = 	snop;
	(pc) =	sbr.rel @!p1 .LBB2_7-.Ltmp1, $3  }
0x7e: {  	_ =	sdelay $0x1  }
0x7f: {  	[sflag:s13] =	ssyncset.done @!p0 $0x0  }
0x80: {  	s31 =	simm.s32 $0x1DB80;
	[sflag:s13] =	ssyncadd.s32 @!p0 $0xFFFFFF00  }
.LBB2_1:
0x81: {  	s13 =	sand.u32 $0xFE00, s4  }
0x82: {  	[smem:$0x7EE] =	sst s0;
	s15 =	sand.u32 $0x70, s4;
	s16 =	sshrl.u32 s13, $0x2  }
0x83: {  	s13 =	simm.s32 $0x40;
	s16 =	sor.u32 s15, s16;
	s15 =	simm.s32 $0x0  }
.LBB2_2:
0x84: {  	p1 =	sne.s32 s13, $0x9FC0  }
0x85: {  	[tilespmem:s16+$0x13880] =	vst v0;
	s15 =	sadd.s32 $0x10, s15;
	s16 =	smov.u32 s13;
	s13 =	sadd.s32 $0x40, s13  }
.Ltmp2:
0x86: {  	(pc) =	sbr.rel @p1 .LBB2_2-.Ltmp2, $4  }
0x87: {  	_ = 	snop  }
0x88: {  	s16 =	sand.u32 $0xFE00, s16  }
0x89: {  	s23 =	sand.u32 $0x70, s15;
	s16 =	sshrl.u32 s16, $0x2  }
0x8a: {  	s16 =	sor.u32 s23, s16  }
0x8b: {  	[tilespmem:s16+$0x13880] =	vst v0;
	s16 =	simm.s32 $0x13880;
	s13 =	rddreg [dreg:$0x1a]  }
0x8c: {  	[spmem:s18] =	stream.linear.scatter [tilespmem:s16], [sflag:$0x19], $0x2800, $0x38;
	[tilespmem:$0x1E080] =	vst v63  }
0x8d: {  	s26 =	rddreg [dreg:$0x1b]  }
0x8e: {  	[spmem:s13] =	stream.linear.scatter [tilespmem:s16], [sflag:$0x19], $0x2800, $0x38;
	[tilespmem:$0x1E080] =	vst v63  }
0x8f: {  	s0 =	rddreg [dreg:$0x1c]  }
0x90: {  	[spmem:s26] =	stream.linear.scatter [tilespmem:s16], [sflag:$0x19], $0x2800, $0x38;
	[tilespmem:$0x1E080] =	vst v63  }
0x91: {  	s1 =	rddreg [dreg:$0x1d]  }
0x92: {  	[spmem:s0] =	stream.linear.scatter [tilespmem:s16], [sflag:$0x19], $0x2800, $0x38;
	[tilespmem:$0x1E080] =	vst v63  }
0x93: {  	s2 =	rddreg [dreg:$0x1e]  }
0x94: {  	[spmem:s1] =	stream.linear.scatter [tilespmem:s16], [sflag:$0x19], $0x2800, $0x38;
	[tilespmem:$0x1E080] =	vst v63  }
0x95: {  	s3 =	rddreg [dreg:$0x1f]  }
0x96: {  	[spmem:s2] =	stream.linear.scatter [tilespmem:s16], [sflag:$0x19], $0x2800, $0x38;
	[tilespmem:$0x1E080] =	vst v63  }
0x97: {  	s5 =	sld [smem:$0x7EF]  }
0x98: {  	[spmem:s3] =	stream.linear.scatter [tilespmem:s16], [sflag:$0x19], $0x2800, $0x38;
	[tilespmem:$0x1E080] =	vst v63  }
0x99: {  	s15 =	sld [smem:$0x7F0]  }
0x9a: {  	[spmem:s5] =	stream.linear.scatter [tilespmem:s16], [sflag:$0x19], $0x2000, $0x38;
	[tilespmem:$0x1E080] =	vst v63  }
0x9b: {  	s6 =	rddreg [dreg:$0x6];
	s13 =	simm.s32 @!p0 $0x13880  }
0x9c: {  	[spmem:s15] =	stream.linear.scatter @!p0 [tilespmem:s13], [sflag:$0x19], $0x800, $0x38;
	[tilespmem:$0x1E080] =	vst v63  }
0x9d: {  	s12 =	sld [smem:$0x7F1];
	s15 =	simm.s32 $0x1D880  }
0x9e: {  	[tilespmem:s15], [sflag:$0x1] =	stream.linear.gather [hbm4b:s6+s4], $0x50, $0x38;
	[tilespmem:$0x1E080] =	vst v63  }
0x9f: {  	s18 =	sld [smem:$0x7F2]  }
0xa0: {  	[tilespmem:s17], [sflag:$0x9] =	stream.linear.gather [hbm4b:s12+s4], $0x50, $0x38;
	[tilespmem:$0x1E080] =	vst v63  }
0xa1: {  	s20 =	sld [smem:$0x7F3];
	s2 =	simm.s32 $0x1D900  }
0xa2: {  	[tilespmem:s2], [sflag:$0x2] =	stream.linear.gather [hbm4b:s18+s4], $0x50, $0x38;
	[tilespmem:$0x1E080] =	vst v63  }
0xa3: {  	s22 =	sld [smem:$0x7F4]  }
0xa4: {  	[tilespmem:s8], [sflag:$0xA] =	stream.linear.gather [hbm4b:s20+s4], $0x50, $0x38;
	[tilespmem:$0x1E080] =	vst v63  }
0xa5: {  	s23 =	sld [smem:$0x7F5];
	s8 =	simm.s32 $0x1D980  }
0xa6: {  	[tilespmem:s8], [sflag:$0x3] =	stream.linear.gather [hbm4b:s22+s4], $0x50, $0x38;
	[tilespmem:$0x1E080] =	vst v63  }
0xa7: {  	s26 =	sld [smem:$0x7F6]  }
0xa8: {  	[tilespmem:s24], [sflag:$0xB] =	stream.linear.gather [hbm4b:s23+s4], $0x50, $0x38;
	[tilespmem:$0x1E080] =	vst v63  }
0xa9: {  	s0 =	sld [smem:$0x7F7]  }
0xaa: {  	[tilespmem:s28], [sflag:$0x4] =	stream.linear.gather [hbm4b:s26+s4], $0x50, $0x38;
	[tilespmem:$0x1E080] =	vst v63  }
0xab: {  	s1 =	sld [smem:$0x7F8]  }
0xac: {  	[tilespmem:s29], [sflag:$0xC] =	stream.linear.gather [hbm4b:s0+s4], $0x50, $0x38;
	[tilespmem:$0x1E080] =	vst v63  }
0xad: {  	s3 =	sld [smem:$0x7F9]  }
0xae: {  	[tilespmem:s9], [sflag:$0x5] =	stream.linear.gather [hbm4b:s1+s4], $0x50, $0x38;
	[tilespmem:$0x1E080] =	vst v63  }
0xaf: {  	s5 =	sld [smem:$0x7FA]  }
0xb0: {  	[tilespmem:s25], [sflag:$0xD] =	stream.linear.gather [hbm4b:s3+s4], $0x50, $0x38;
	[tilespmem:$0x1E080] =	vst v63  }
0xb1: {  	s6 =	simm.s32 $0x1DB00;
	s12 =	sld [smem:$0x7FB]  }
0xb2: {  	[tilespmem:s6], [sflag:$0x6] =	stream.linear.gather [hbm4b:s5+s4], $0x50, $0x38;
	[tilespmem:$0x1E080] =	vst v63  }
0xb3: {  	s17 =	simm.s32 $0x1DF00;
	s18 =	sld [smem:$0x7FC]  }
0xb4: {  	[tilespmem:s17], [sflag:$0xE] =	stream.linear.gather [hbm4b:s12+s4], $0x50, $0x38;
	[tilespmem:$0x1E080] =	vst v63  }
0xb5: {  	s20 =	sld [smem:$0x7FD]  }
0xb6: {  	[tilespmem:s31], [sflag:$0x7] =	stream.linear.gather [hbm4b:s18+s4], $0x50, $0x38;
	[tilespmem:$0x1E080] =	vst v63  }
0xb7: {  	s22 =	simm.s32 $0x19;
	s12 =	simm.s32 $0x1DF80  }
0xb8: {  	[tilespmem:s12], [sflag:$0xF] =	stream.linear.gather [hbm4b:s20+s4], $0x50, $0x38;
	[tilespmem:$0x1E080] =	vst v63  }
0xb9: {  	_ =	swait.ge [sflag:s22], $0x2800  }
0xba: {  	[sflag:s22] =	ssyncset.done $0x0  }
0xbb: {  	[sflag:s22] =	ssyncadd.s32 $0xFFFFD800  }
0xbc: {  	_ =	swait.ge [sflag:s22], $0x2800  }
0xbd: {  	[sflag:s22] =	ssyncset.done $0x0  }
0xbe: {  	[sflag:s22] =	ssyncadd.s32 $0xFFFFD800  }
0xbf: {  	_ =	swait.ge [sflag:s22], $0x2800  }
0xc0: {  	[sflag:s22] =	ssyncset.done $0x0  }
0xc1: {  	[sflag:s22] =	ssyncadd.s32 $0xFFFFD800  }
0xc2: {  	_ =	swait.ge [sflag:s22], $0x2800  }
0xc3: {  	[sflag:s22] =	ssyncset.done $0x0  }
0xc4: {  	[sflag:s22] =	ssyncadd.s32 $0xFFFFD800  }
0xc5: {  	_ =	swait.ge [sflag:s22], $0x2800  }
0xc6: {  	[sflag:s22] =	ssyncset.done $0x0  }
0xc7: {  	[sflag:s22] =	ssyncadd.s32 $0xFFFFD800  }
0xc8: {  	_ =	swait.ge [sflag:s22], $0x2800  }
0xc9: {  	[sflag:s22] =	ssyncset.done $0x0  }
0xca: {  	[sflag:s22] =	ssyncadd.s32 $0xFFFFD800  }
0xcb: {  	_ =	swait.ge [sflag:s22], $0x2800  }
0xcc: {  	[sflag:s22] =	ssyncset.done $0x0  }
0xcd: {  	[sflag:s22] =	ssyncadd.s32 $0xFFFFD800  }
0xce: {  	_ =	swait.ge [sflag:s22], $0x2000  }
0xcf: {  	[sflag:s22] =	ssyncset.done $0x0  }
0xd0: {  	s13 =	simm.s32 @!p0 $0x19;
	[sflag:s22] =	ssyncadd.s32 $0xFFFFE000  }
0xd1: {  	_ =	swait.ge @!p0 [sflag:s13], $0x800  }
0xd2: {  	[sflag:s13] =	ssyncset.done @!p0 $0x0  }
0xd3: {  	[sflag:s13] =	ssyncadd.s32 @!p0 $0xFFFFF800  }
0xd4: {  	s23 =	simm.s32 $0x1;
	[bflag:$0x0] =	sbarrier.arrive $0xFFFF  }
0xd5: {  	_ =	swait.ge [sflag:s23], $0x50  }
0xd6: {  	[sflag:s23] =	ssyncset.done $0x0  }
0xd7: {  	s24 =	simm.s32 $0x9;
	[sflag:s23] =	ssyncadd.s32 $0xFFFFFFB0  }
0xd8: {  	_ =	swait.ge [sflag:s24], $0x50  }
0xd9: {  	[sflag:s24] =	ssyncset.done $0x0  }
0xda: {  	[sflag:s24] =	ssyncadd.s32 $0xFFFFFFB0  }
0xdb: {  	s25 =	simm.s32 $0x2;
	s1 =	rddreg [dreg:$0x0]  }
0xdc: {  	[tilespmem:s16], [sflag:$0x11] =	stream.indirect.gather [hbm4b:s1+s14], $0x80, s15, s14, $0xb8;
	[tilespmem:$0x1E080] =	vst v63  }
0xdd: {  	_ =	swait.ge [sflag:s25], $0x50  }
0xde: {  	[sflag:s25] =	ssyncset.done $0x0  }
0xdf: {  	s26 =	simm.s32 $0xA;
	[sflag:s25] =	ssyncadd.s32 $0xFFFFFFB0  }
0xe0: {  	_ =	swait.ge [sflag:s26], $0x50  }
0xe1: {  	[sflag:s26] =	ssyncset.done $0x0  }
0xe2: {  	s28 =	simm.s32 $0x3;
	[sflag:s26] =	ssyncadd.s32 $0xFFFFFFB0  }
0xe3: {  	[tilespmem:s19], [sflag:$0x12] =	stream.indirect.gather [hbm4b:s1+s14], $0x80, s2, s14, $0xb8;
	[tilespmem:$0x1E080] =	vst v63  }
0xe4: {  	_ =	swait.ge [sflag:s28], $0x50  }
0xe5: {  	[sflag:s28] =	ssyncset.done $0x0  }
0xe6: {  	s29 =	simm.s32 $0xB;
	[sflag:s28] =	ssyncadd.s32 $0xFFFFFFB0  }
0xe7: {  	_ =	swait.ge [sflag:s29], $0x50  }
0xe8: {  	[sflag:s29] =	ssyncset.done $0x0  }
0xe9: {  	s13 =	simm.s32 $0x0;
	s15 =	rddreg [dreg:$0xa];
	[sflag:s29] =	ssyncadd.s32 $0xFFFFFFB0  }
0xea: {  	[tilespmem:s21], [sflag:$0x13] =	stream.indirect.gather [hbm4b:s1+s14], $0x80, s8, s14, $0xb8;
	[tilespmem:$0x1E080] =	vst v63  }
.LBB2_4:
0xeb: {  	s2 =	simm.s32 $0x4  }
0xec: {  	_ =	swait.ge [sflag:s2], $0x50  }
0xed: {  	[sflag:s2] =	ssyncset.done $0x0  }
0xee: {  	s8 =	simm.s32 $0xC;
	[sflag:s2] =	ssyncadd.s32 $0xFFFFFFB0  }
0xef: {  	_ =	swait.ge [sflag:s8], $0x50  }
0xf0: {  	p1 =	seq.s32 s13, $0x0;
	[sflag:s8] =	ssyncset.done $0x0  }
0xf1: {  	s16 =	simm.s32 @!p1 $0x18;
	[sflag:s8] =	ssyncadd.s32 $0xFFFFFFB0  }
0xf2: {  	_ =	swait.ge @!p1 [sflag:s16], $0x2800  }
0xf3: {  	[sflag:s16] =	ssyncset.done @!p1 $0x0  }
0xf4: {  	s29 =	simm.s32 $0x1DA00;
	[sflag:s16] =	ssyncadd.s32 @!p1 $0xFFFFD800  }
0xf5: {  	s1 =	simm.s32 $0x1B080;
	s0 =	simm.s32 $0x11;
	s3 =	rddreg [dreg:$0x0]  }
0xf6: {  	[tilespmem:s1], [sflag:$0x14] =	stream.indirect.gather [hbm4b:s3+s14], $0x80, s29, s14, $0xb8;
	[tilespmem:$0x1E080] =	vst v63  }
0xf7: {  	_ =	swait.ge [sflag:s0], $0x2800  }
0xf8: {  	[sflag:s0] =	ssyncset.done $0x0  }
0xf9: {  	s9 =	rddreg [dreg:$0x18];
	[sflag:s0] =	ssyncadd.s32 $0xFFFFD800  }
0xfa: {  	s23 =	simm.s32 $0x1DC80;
	s19 =	simm.s32 $0x13880;
	s22 =	rddreg [dreg:$0x2]  }
0xfb: {  	[spmem:s22] =	stream.indirect.scatter.add.f32 [tilespmem:s19], [sflag:$0x15], $0x80, s23, s14, $0xb8;
	[tilespmem:$0x1E080] =	vst v63  }
0xfc: {  	s26 =	simm.s32 $0x1DC00;
	s17 =	rddreg [dreg:$0x19];
	s16 =	sadd.s32 s13, s9  }
0xfd: {  	[tilespmem:s26], [sflag:$0x8] =	stream.linear.gather [hbm4b:s16+s4], $0x50, $0x38;
	[tilespmem:$0x1E080] =	vst v63  }
0xfe: {  	s18 =	simm.s32 $0x1E000;
	s20 =	simm.s32 $0x5;
	s16 =	sadd.s32 s13, s17  }
0xff: {  	[tilespmem:s18], [sflag:$0x10] =	stream.linear.gather [hbm4b:s16+s4], $0x50, $0x38;
	[tilespmem:$0x1E080] =	vst v63  }
0x100: {  	_ =	swait.ge [sflag:s20], $0x50  }
0x101: {  	[sflag:s20] =	ssyncset.done $0x0  }
0x102: {  	s21 =	simm.s32 $0xD;
	[sflag:s20] =	ssyncadd.s32 $0xFFFFFFB0  }
0x103: {  	_ =	swait.ge [sflag:s21], $0x50  }
0x104: {  	[sflag:s21] =	ssyncset.done $0x0  }
0x105: {  	[sflag:s21] =	ssyncadd.s32 $0xFFFFFFB0  }
0x106: {  	_ =	swait.ge [sflag:s7], $0x2800  }
0x107: {  	[sflag:s7] =	ssyncset.done $0x0  }
0x108: {  	s25 =	simm.s32 $0x1DA80;
	[sflag:s7] =	ssyncadd.s32 $0xFFFFD800  }
0x109: {  	[tilespmem:s19], [sflag:$0x11] =	stream.indirect.gather [hbm4b:s3+s14], $0x80, s25, s14, $0xb8;
	[tilespmem:$0x1E080] =	vst v63  }
0x10a: {  	_ =	swait.ge [sflag:s10], $0x2800  }
0x10b: {  	s24 =	sshrl.u32 s15, $0x3;
	s20 =	simm.s32 $0x1DD00;
	[sflag:s10] =	ssyncset.done $0x0  }
0x10c: {  	s21 =	simm.s32 $0x16080;
	s18 =	rddreg [dreg:$0x4];
	[sflag:s10] =	ssyncadd.s32 $0xFFFFD800  }
0x10d: {  	[spmem:s22] =	stream.indirect.scatter.add.f32 [tilespmem:s21], [sflag:$0x16], $0x80, s20, s14, $0xb8;
	[tilespmem:$0x1E080] =	vst v63  }
0x10e: {  	s2 =	rddreg [dreg:$0xb];
	s16 =	sadd.s32 s18, s24;
	s18 =	simm.s32 $0x1D880  }
0x10f: {  	[tilespmem:s18], [sflag:$0x1] =	stream.linear.gather [hbm4b:s16+s4], $0x50, $0x38;
	[tilespmem:$0x1E080] =	vst v63  }
0x110: {  	s8 =	simm.s32 $0x6;
	s16 =	sadd.s32 s13, s2  }
0x111: {  	[tilespmem:s23], [sflag:$0x9] =	stream.linear.gather [hbm4b:s16+s4], $0x50, $0x38;
	[tilespmem:$0x1E080] =	vst v63  }
0x112: {  	_ =	swait.ge [sflag:s8], $0x50  }
0x113: {  	[sflag:s8] =	ssyncset.done $0x0  }
0x114: {  	s5 =	simm.s32 $0xE;
	[sflag:s8] =	ssyncadd.s32 $0xFFFFFFB0  }
0x115: {  	_ =	swait.ge [sflag:s5], $0x50  }
0x116: {  	[sflag:s5] =	ssyncset.done $0x0  }
0x117: {  	[sflag:s5] =	ssyncadd.s32 $0xFFFFFFB0  }
0x118: {  	_ =	swait.ge [sflag:s11], $0x2800  }
0x119: {  	[sflag:s11] =	ssyncset.done $0x0  }
0x11a: {  	s6 =	simm.s32 $0x1DB00;
	s5 =	simm.s32 $0x13;
	[sflag:s11] =	ssyncadd.s32 $0xFFFFD800  }
0x11b: {  	[tilespmem:s21], [sflag:$0x12] =	stream.indirect.gather [hbm4b:s3+s14], $0x80, s6, s14, $0xb8;
	[tilespmem:$0x1E080] =	vst v63  }
0x11c: {  	_ =	swait.ge [sflag:s5], $0x2800  }
0x11d: {  	[sflag:s5] =	ssyncset.done $0x0  }
0x11e: {  	s28 =	simm.s32 $0x1DD80;
	s8 =	rddreg [dreg:$0xc];
	[sflag:s5] =	ssyncadd.s32 $0xFFFFD800  }
0x11f: {  	[spmem:s22] =	stream.indirect.scatter.add.f32 [tilespmem:s30], [sflag:$0x17], $0x80, s28, s14, $0xb8;
	[tilespmem:$0x1E080] =	vst v63  }
0x120: {  	s23 =	simm.s32 $0x1D900;
	s9 =	rddreg [dreg:$0xd];
	s16 =	sadd.s32 s13, s8  }
0x121: {  	[tilespmem:s23], [sflag:$0x2] =	stream.linear.gather [hbm4b:s16+s4], $0x50, $0x38;
	[tilespmem:$0x1E080] =	vst v63  }
0x122: {  	s16 =	sadd.s32 s13, s9;
	s9 =	simm.s32 $0x7  }
0x123: {  	[tilespmem:s20], [sflag:$0xA] =	stream.linear.gather [hbm4b:s16+s4], $0x50, $0x38;
	[tilespmem:$0x1E080] =	vst v63  }
0x124: {  	_ =	swait.ge [sflag:s9], $0x50  }
0x125: {  	[sflag:s9] =	ssyncset.done $0x0  }
0x126: {  	s16 =	simm.s32 $0xF;
	[sflag:s9] =	ssyncadd.s32 $0xFFFFFFB0  }
0x127: {  	_ =	swait.ge [sflag:s16], $0x50  }
0x128: {  	[sflag:s16] =	ssyncset.done $0x0  }
0x129: {  	s6 =	simm.s32 $0x17;
	[sflag:s16] =	ssyncadd.s32 $0xFFFFFFB0  }
0x12a: {  	_ =	swait.ge [sflag:s6], $0x2800  }
0x12b: {  	[sflag:s6] =	ssyncset.done $0x0  }
0x12c: {  	s2 =	simm.s32 $0x14;
	[sflag:s6] =	ssyncadd.s32 $0xFFFFD800  }
0x12d: {  	[tilespmem:s30], [sflag:$0x13] =	stream.indirect.gather [hbm4b:s3+s14], $0x80, s31, s14, $0xb8;
	[tilespmem:$0x1E080] =	vst v63  }
0x12e: {  	_ =	swait.ge [sflag:s2], $0x2800  }
0x12f: {  	[sflag:s2] =	ssyncset.done $0x0  }
0x130: {  	s9 =	simm.s32 $0x1DE00;
	s20 =	rddreg [dreg:$0xe];
	[sflag:s2] =	ssyncadd.s32 $0xFFFFD800  }
0x131: {  	[spmem:s22] =	stream.indirect.scatter.add.f32 [tilespmem:s1], [sflag:$0x18], $0x80, s9, s14, $0xb8;
	[tilespmem:$0x1E080] =	vst v63  }
0x132: {  	s24 =	rddreg [dreg:$0xf];
	s16 =	sadd.s32 s13, s20;
	s20 =	simm.s32 $0x1D980  }
0x133: {  	[tilespmem:s20], [sflag:$0x3] =	stream.linear.gather [hbm4b:s16+s4], $0x50, $0x38;
	[tilespmem:$0x1E080] =	vst v63  }
0x134: {  	s31 =	simm.s32 $0x8;
	s16 =	sadd.s32 s13, s24  }
0x135: {  	[tilespmem:s28], [sflag:$0xB] =	stream.linear.gather [hbm4b:s16+s4], $0x50, $0x38;
	[tilespmem:$0x1E080] =	vst v63  }
0x136: {  	_ =	swait.ge [sflag:s31], $0x50  }
0x137: {  	[sflag:s31] =	ssyncset.done $0x0  }
0x138: {  	[sflag:s31] =	ssyncadd.s32 $0xFFFFFFB0;
	s31 =	simm.s32 $0x10  }
0x139: {  	_ =	swait.ge [sflag:s31], $0x50  }
0x13a: {  	[sflag:s31] =	ssyncset.done $0x0  }
0x13b: {  	[sflag:s31] =	ssyncadd.s32 $0xFFFFFFB0;
	s31 =	simm.s32 $0x18  }
0x13c: {  	_ =	swait.ge [sflag:s31], $0x2800  }
0x13d: {  	[sflag:s31] =	ssyncset.done $0x0  }
0x13e: {  	[sflag:s31] =	ssyncadd.s32 $0xFFFFD800  }
0x13f: {  	[tilespmem:s1], [sflag:$0x14] =	stream.indirect.gather [hbm4b:s3+s14], $0x80, s26, s14, $0xb8;
	[tilespmem:$0x1E080] =	vst v63  }
0x140: {  	_ =	swait.ge [sflag:s0], $0x2800  }
0x141: {  	[sflag:s0] =	ssyncset.done $0x0  }
0x142: {  	s31 =	simm.s32 $0x1DE80;
	[sflag:s0] =	ssyncadd.s32 $0xFFFFD800;
	s0 =	rddreg [dreg:$0x10]  }
0x143: {  	[spmem:s22] =	stream.indirect.scatter.add.f32 [tilespmem:s19], [sflag:$0x15], $0x80, s31, s14, $0xb8;
	[tilespmem:$0x1E080] =	vst v63  }
0x144: {  	s16 =	sadd.s32 s13, s0;
	s0 =	rddreg [dreg:$0x11]  }
0x145: {  	[tilespmem:s29], [sflag:$0x4] =	stream.linear.gather [hbm4b:s16+s4], $0x50, $0x38;
	[tilespmem:$0x1E080] =	vst v63  }
0x146: {  	s16 =	sadd.s32 s13, s0;
	s0 =	simm.s32 $0x1  }
0x147: {  	[tilespmem:s9], [sflag:$0xC] =	stream.linear.gather [hbm4b:s16+s4], $0x50, $0x38;
	[tilespmem:$0x1E080] =	vst v63  }
0x148: {  	_ =	swait.ge [sflag:s0], $0x50  }
0x149: {  	[sflag:s0] =	ssyncset.done $0x0  }
0x14a: {  	s16 =	simm.s32 $0x9;
	[sflag:s0] =	ssyncadd.s32 $0xFFFFFFB0  }
0x14b: {  	_ =	swait.ge [sflag:s16], $0x50  }
0x14c: {  	[sflag:s16] =	ssyncset.done $0x0  }
0x14d: {  	[sflag:s16] =	ssyncadd.s32 $0xFFFFFFB0  }
0x14e: {  	_ =	swait.ge [sflag:s7], $0x2800  }
0x14f: {  	[sflag:s7] =	ssyncset.done $0x0  }
0x150: {  	[sflag:s7] =	ssyncadd.s32 $0xFFFFD800  }
0x151: {  	[tilespmem:s19], [sflag:$0x11] =	stream.indirect.gather [hbm4b:s3+s14], $0x80, s18, s14, $0xb8;
	[tilespmem:$0x1E080] =	vst v63  }
0x152: {  	_ =	swait.ge [sflag:s10], $0x2800  }
0x153: {  	[sflag:s10] =	ssyncset.done $0x0  }
0x154: {  	s18 =	simm.s32 $0x1DF00;
	s19 =	rddreg [dreg:$0x12];
	[sflag:s10] =	ssyncadd.s32 $0xFFFFD800  }
0x155: {  	[spmem:s22] =	stream.indirect.scatter.add.f32 [tilespmem:s21], [sflag:$0x16], $0x80, s18, s14, $0xb8;
	[tilespmem:$0x1E080] =	vst v63  }
0x156: {  	s0 =	rddreg [dreg:$0x13];
	s16 =	sadd.s32 s13, s19  }
0x157: {  	[tilespmem:s25], [sflag:$0x5] =	stream.linear.gather [hbm4b:s16+s4], $0x50, $0x38;
	[tilespmem:$0x1E080] =	vst v63  }
0x158: {  	s18 =	simm.s32 $0x2;
	s16 =	sadd.s32 s13, s0  }
0x159: {  	[tilespmem:s31], [sflag:$0xD] =	stream.linear.gather [hbm4b:s16+s4], $0x50, $0x38;
	[tilespmem:$0x1E080] =	vst v63  }
0x15a: {  	_ =	swait.ge [sflag:s18], $0x50  }
0x15b: {  	[sflag:s18] =	ssyncset.done $0x0  }
0x15c: {  	s19 =	simm.s32 $0xA;
	[sflag:s18] =	ssyncadd.s32 $0xFFFFFFB0  }
0x15d: {  	_ =	swait.ge [sflag:s19], $0x50  }
0x15e: {  	[sflag:s19] =	ssyncset.done $0x0  }
0x15f: {  	[sflag:s19] =	ssyncadd.s32 $0xFFFFFFB0  }
0x160: {  	_ =	swait.ge [sflag:s11], $0x2800  }
0x161: {  	[sflag:s11] =	ssyncset.done $0x0  }
0x162: {  	[sflag:s11] =	ssyncadd.s32 $0xFFFFD800  }
0x163: {  	[tilespmem:s21], [sflag:$0x12] =	stream.indirect.gather [hbm4b:s3+s14], $0x80, s23, s14, $0xb8;
	[tilespmem:$0x1E080] =	vst v63  }
0x164: {  	_ =	swait.ge [sflag:s5], $0x2800  }
0x165: {  	[sflag:s5] =	ssyncset.done $0x0  }
0x166: {  	p1 =	seq.s32 s13, $0x460;
	s16 =	rddreg [dreg:$0x14];
	[sflag:s5] =	ssyncadd.s32 $0xFFFFD800  }
0x167: {  	[spmem:s22] =	stream.indirect.scatter.add.f32 [tilespmem:s30], [sflag:$0x17], $0x80, s12, s14, $0xb8;
	[tilespmem:$0x1E080] =	vst v63  }
0x168: {  	s18 =	simm.s32 @!p1 $0x1DB00;
	s23 =	simm.s32 @!p1 $0x0;
	s16 =	sadd.s32 @!p1 s13, s16  }
0x169: {  	[tilespmem:s18], [sflag:$0x6] =	stream.linear.gather @!p1 [hbm4b:s16+s23], $0x50, $0x38;
	[tilespmem:$0x1E080] =	vst v63  }
0x16a: {  	s16 =	rddreg [dreg:$0x15]  }
0x16b: {  	s21 =	simm.s32 $0x3;
	s18 =	simm.s32 @!p1 $0x1DF00;
	s16 =	sadd.s32 @!p1 s13, s16  }
0x16c: {  	[tilespmem:s18], [sflag:$0xE] =	stream.linear.gather @!p1 [hbm4b:s16+s23], $0x50, $0x38;
	[tilespmem:$0x1E080] =	vst v63  }
0x16d: {  	_ =	swait.ge [sflag:s21], $0x50  }
0x16e: {  	[sflag:s21] =	ssyncset.done $0x0  }
0x16f: {  	s23 =	simm.s32 $0xB;
	[sflag:s21] =	ssyncadd.s32 $0xFFFFFFB0  }
0x170: {  	_ =	swait.ge [sflag:s23], $0x50  }
0x171: {  	[sflag:s23] =	ssyncset.done $0x0  }
0x172: {  	[sflag:s23] =	ssyncadd.s32 $0xFFFFFFB0  }
0x173: {  	_ =	swait.ge [sflag:s6], $0x2800  }
0x174: {  	s17 =	simm.s32 $0x1DC80;
	s8 =	simm.s32 $0x1DD00;
	[sflag:s6] =	ssyncset.done $0x0  }
0x175: {  	s24 =	simm.s32 $0x1DD80;
	s28 =	simm.s32 $0x1DA00;
	[sflag:s6] =	ssyncadd.s32 $0xFFFFD800  }
0x176: {  	[tilespmem:s30], [sflag:$0x13] =	stream.indirect.gather [hbm4b:s3+s14], $0x80, s20, s14, $0xb8;
	[tilespmem:$0x1E080] =	vst v63  }
.Ltmp3:
0x177: {  	s26 =	simm.s32 $0x1DB80;
	s29 =	simm.s32 $0x1DE00;
	(pc) =	sbr.rel @p1 .LBB2_6-.Ltmp3, $4  }
0x178: {  	s9 =	simm.s32 $0x1DA80;
	s25 =	simm.s32 $0x1DE80;
	_ =	swait.ge [sflag:s2], $0x2800  }
0x179: {  	s31 =	simm.s32 $0x1E000;
	s19 =	simm.s32 $0x16080;
	[sflag:s2] =	ssyncset.done $0x0  }
0x17a: {  	s12 =	simm.s32 $0x1DF80;
	s21 =	simm.s32 $0x18880;
	[sflag:s2] =	ssyncadd.s32 $0xFFFFD800  }
0x17b: {  	[spmem:s22] =	stream.indirect.scatter.add.f32 [tilespmem:s1], [sflag:$0x18], $0x80, s31, s14, $0xb8;
	[tilespmem:$0x1E080] =	vst v63  }
0x17c: {  	s16 =	rddreg [dreg:$0x16]  }
.Ltmp4:
0x17d: {  	s29 =	rddreg [dreg:$0x17];
	s16 =	sadd.s32 s13, s16;
	(pc) =	sbr.rel .LBB2_4-.Ltmp4, $4  }
0x17e: {  	[tilespmem:s26], [sflag:$0x7] =	stream.linear.gather [hbm4b:s16+s4], $0x50, $0x38;
	[tilespmem:$0x1E080] =	vst v63  }
0x17f: {  	s15 =	sadd.s32 $0x280, s15;
	s16 =	sadd.s32 s13, s29  }
0x180: {  	[tilespmem:s12], [sflag:$0xF] =	stream.linear.gather [hbm4b:s16+s4], $0x50, $0x38;
	[tilespmem:$0x1E080] =	vst v63  }
0x181: {  	s31 =	simm.s32 $0x1DB80;
	s13 =	sadd.s32 $0x50, s13;
	s12 =	simm.s32 $0x1DF80  }
.LBB2_7:
0x182: {  	_ =	sfence.sel $0x180000  }
0x183: {  	[bflag:$0x0] =	sbarrier.arrive $0xFFFF  }
0x184: {  	_ =	strace $0x90000047  }
0x185: {  	s0 =	stileid.u32;
	[bflag:$0x2] =	sbarrier.arrive $0xFFFF  }
0x186: {  	p0 =	sne.s32 s0, $0x0;
	s0 =	rddreg [dreg:$0x3]  }
0x187: {  	s0 =	sadd.s32 @!p0 $0x100000, s0  }
0x188: {  	[sflag:s0] =	ssyncadd.tile.s32 @!p0 $0x1;
	_ =	shalt  }
.Lfunc_end2:
_tile_overlayer_lowered:
.L_overlay_start_2:
0x189: {  	(tag) =	ssettag $0x2  }
0x18a: {  	s0 =	rddreg [dreg:$0x0];
	s2 =	stileid.u32  }
0x18b: {  	s1 =	rddreg [dreg:$0x1];
	p0 =	sne.s32 s2, $0x0  }
0x18c: {  	s3 =	rddreg [dreg:$0x2];
	[bflag:$0x3] =	sbarrier.arrive $0xFFFF;
	s2 =	simm.s32 @!p0 $0x1C1A  }
0x18d: {  	[timem:s3], [sflag:s2] =	dma.local @!p0 [hbm:s0], s1  }
0x18e: {  	s0 =	simm.s32 @!p0 $0x1A  }
0x18f: {  	_ =	swait.ge @!p0 [sflag:s0], s1  }
0x190: {  	s1 =	ssub.s32 @!p0 $0x0, s1;
	[sflag:s0] =	ssyncset.done @!p0 $0x0  }
0x191: {  	[sflag:s0] =	ssyncadd.s32 @!p0 s1  }
0x192: {  	[bflag:$0x3] =	sbarrier.arrive $0xFFFF  }
0x193: {  	_ =	shalt  }

</sc_bundles>
